<compile_context>
chip_gen: v7x
topology: tpu7x:2x2x1
jax: 0.10.2.dev20260603
libtpu: 0.0.44.dev20260713+nightly
codegen_flags: <defaults>
</compile_context>

<pallas_src>
import functools

import jax
import jax.numpy as jnp
from jax import lax
from jax.experimental import pallas as pl
from jax.experimental.pallas import tpu as pltpu
from jax.experimental.pallas import tpu_sc as plsc

N = 10000
NP = 10240
E = 320000
D = 128
NG = 16
NCLS = 3
NSUB = 16
RPT = NP // NSUB
EPT = E // NSUB
C = 80
NCH = EPT // C
NCHP = 256
NB = 16
NSLAB = NCHP // NB
R = 2048
GRID = NP // R

f32 = jnp.float32




def _deg_body(s3, d3, deg_in, deg_out, idx, ones, zbuf, deg_sp):
    cid = lax.axis_index("c")
    tid = lax.axis_index("s")
    base = tid * RPT

    for k in range(C // 16):
        ones[pl.ds(16 * k, 16)] = jnp.ones((16,), f32)
    for k in range(RPT // 16):
        zbuf[pl.ds(16 * k, 16)] = jnp.zeros((16,), f32)

    pltpu.sync_copy(zbuf, deg_sp.at[pl.ds(base, RPT)])
    plsc.subcore_barrier()

    def run(e3, out):
        pltpu.sync_copy(e3.at[tid], idx)

        def body(j, carry):
            pltpu.sync_copy(ones, deg_sp.at[idx.at[j]], add=True)
            return carry

        lax.fori_loop(0, NCH, body, 0)
        plsc.subcore_barrier()
        pltpu.sync_copy(deg_sp.at[pl.ds(base, RPT)], out.at[pl.ds(base, RPT)])

    @pl.when(cid == 0)
    def _():
        run(d3, deg_in)

    @pl.when(cid == 1)
    def _():
        run(s3, deg_out)


@functools.cache
def _deg_call():
    mesh = plsc.VectorSubcoreMesh(core_axis_name="c", subcore_axis_name="s")
    return pl.kernel(
        _deg_body,
        out_type=(jax.ShapeDtypeStruct((NP,), f32),
                  jax.ShapeDtypeStruct((NP,), f32)),
        mesh=mesh,
        scratch_types=[
            pltpu.VMEM((NCHP, C), jnp.int32),
            pltpu.VMEM((C,), f32),
            pltpu.VMEM((RPT,), f32),
            pltpu.VMEM_SHARED((NP,), f32),
        ],
    )


def _agg_body(xin, xout, s3, d3, out_in, out_out, gidx, sidx,
              rows0, rows1, acc, sem0, sem1):
    cid = lax.axis_index("c")
    tid = lax.axis_index("s")
    base = tid * RPT
    rows = (rows0, rows1)
    sems = (sem0, sem1)

    def run(x, g3, c3, out):
        pltpu.sync_copy(x.at[pl.ds(base, RPT)], acc.at[pl.ds(base, RPT)])
        plsc.subcore_barrier()

        def slab(si, carry):
            pltpu.sync_copy(g3.at[tid].at[pl.ds(si * NB, NB)], gidx)
            pltpu.sync_copy(c3.at[tid].at[pl.ds(si * NB, NB)], sidx)
            n = jnp.minimum(NB, NCH - si * NB)
            pltpu.async_copy(x.at[gidx.at[0]], rows[0], sems[0])

            def pair(p, c2):
                j0 = 2 * p
                j1 = j0 + 1
                cp1 = pltpu.async_copy(x.at[gidx.at[j1]], rows[1], sems[1])
                pltpu.make_async_copy(x.at[gidx.at[j0]], rows[0],
                                      sems[0]).wait()
                pltpu.sync_copy(rows[0], acc.at[sidx.at[j0]], add=True)

                @pl.when(j1 + 1 < n)
                def _():
                    pltpu.async_copy(x.at[gidx.at[j1 + 1]], rows[0], sems[0])

                cp1.wait()
                pltpu.sync_copy(rows[1], acc.at[sidx.at[j1]], add=True)
                return c2

            lax.fori_loop(0, n // 2, pair, 0)
            return carry

        lax.fori_loop(0, NSLAB, slab, 0)
        plsc.subcore_barrier()
        pltpu.sync_copy(acc.at[pl.ds(base, RPT)], out.at[pl.ds(base, RPT)])

    @pl.when(cid == 0)
    def _():
        run(xin, s3, d3, out_in)

    @pl.when(cid == 1)
    def _():
        run(xout, d3, s3, out_out)


@functools.cache
def _agg_call():
    mesh = plsc.VectorSubcoreMesh(core_axis_name="c", subcore_axis_name="s")
    return pl.kernel(
        _agg_body,
        out_type=(jax.ShapeDtypeStruct((NP, D), f32),
                  jax.ShapeDtypeStruct((NP, D), f32)),
        mesh=mesh,
        scratch_types=[
            pltpu.VMEM((NB, C), jnp.int32),
            pltpu.VMEM((NB, C), jnp.int32),
            pltpu.VMEM((C, D), f32),
            pltpu.VMEM((C, D), f32),
            pltpu.VMEM_SHARED((NP, D), f32),
            pltpu.SemaphoreType.DMA,
            pltpu.SemaphoreType.DMA,
        ],
    )



def _pre_body(x_ref, degi_ref, dego_ref, wi_ref, wo_ref, yin_ref, yout_ref):
    disi = lax.rsqrt(degi_ref[...] + 1.0)
    diso = lax.rsqrt(dego_ref[...] + 1.0)
    x = x_ref[...]
    yin_ref[...] = disi * jnp.dot(x, wi_ref[...], preferred_element_type=f32)
    yout_ref[...] = diso * jnp.dot(x, wo_ref[...], preferred_element_type=f32)


def _mid_body(si_ref, so_ref, degi_ref, dego_ref, bi_ref, bo_ref,
              wi_ref, wo_ref, yin_ref, yout_ref):
    disi = lax.rsqrt(degi_ref[...] + 1.0)
    diso = lax.rsqrt(dego_ref[...] + 1.0)
    beta = 0.5 * (bi_ref[...] + bo_ref[...])
    h = 0.5 * (disi * si_ref[...] + diso * so_ref[...]) + beta
    h = jnp.maximum(h, 0.0)
    yin_ref[...] = disi * jnp.dot(h, wi_ref[...], preferred_element_type=f32)
    yout_ref[...] = diso * jnp.dot(h, wo_ref[...], preferred_element_type=f32)


def _fin_body(si_ref, so_ref, degi_ref, dego_ref, bi_ref, bo_ref, batch_ref,
              wp1_ref, bp1_ref, wp2_ref, bp2_ref, out_ref, acc, cnt):
    i = pl.program_id(0)

    @pl.when(i == 0)
    def _():
        acc[...] = jnp.zeros_like(acc)
        cnt[...] = jnp.zeros_like(cnt)

    disi = lax.rsqrt(degi_ref[...] + 1.0)
    diso = lax.rsqrt(dego_ref[...] + 1.0)
    beta = 0.5 * (bi_ref[...] + bo_ref[...])
    h = 0.5 * (disi * si_ref[...] + diso * so_ref[...]) + beta

    onehot = (batch_ref[...] ==
              lax.broadcasted_iota(jnp.int32, (1, NG), 1)).astype(f32)
    dn = (((0,), (0,)), ((), ()))
    acc[...] += lax.dot_general(onehot, h, dn, preferred_element_type=f32)
    cnt[...] += lax.dot_general(onehot, jnp.ones_like(h), dn,
                                preferred_element_type=f32)

    @pl.when(i == GRID - 1)
    def _():
        pooled = acc[...] / jnp.maximum(cnt[...], 1.0)
        t = jnp.dot(pooled, wp1_ref[...], preferred_element_type=f32)
        t = jnp.maximum(t + bp1_ref[...], 0.0)
        out_ref[...] = jnp.dot(t, wp2_ref[...],
                               preferred_element_type=f32) + bp2_ref[...]


def _row_spec(last):
    return pl.BlockSpec((R, last), lambda i: (i, 0))


def _full_spec(a, b):
    return pl.BlockSpec((a, b), lambda i: (0, 0))


_pre_call = pl.pallas_call(
    _pre_body,
    grid=(GRID,),
    in_specs=[_row_spec(D), _row_spec(1), _row_spec(1),
              _full_spec(D, D), _full_spec(D, D)],
    out_specs=[_row_spec(D), _row_spec(D)],
    out_shape=[jax.ShapeDtypeStruct((NP, D), f32)] * 2,
)

_mid_call = pl.pallas_call(
    _mid_body,
    grid=(GRID,),
    in_specs=[_row_spec(D), _row_spec(D), _row_spec(1), _row_spec(1),
              _full_spec(1, D), _full_spec(1, D),
              _full_spec(D, D), _full_spec(D, D)],
    out_specs=[_row_spec(D), _row_spec(D)],
    out_shape=[jax.ShapeDtypeStruct((NP, D), f32)] * 2,
)

_fin_call = pl.pallas_call(
    _fin_body,
    grid=(GRID,),
    in_specs=[_row_spec(D), _row_spec(D), _row_spec(1), _row_spec(1),
              _full_spec(1, D), _full_spec(1, D), _row_spec(1),
              _full_spec(D, D), _full_spec(1, D),
              _full_spec(D, D), _full_spec(1, D)],
    out_specs=_full_spec(NG, D),
    out_shape=jax.ShapeDtypeStruct((NG, D), f32),
    scratch_shapes=[pltpu.VMEM((NG, D), f32), pltpu.VMEM((NG, D), f32)],
)


def kernel(x, edge_index, batch, W1_in, b1_in, W1_out, b1_out,
           W2_in, b2_in, W2_out, b2_out, W3_in, b3_in, W3_out, b3_out,
           Wp1, bp1, Wp2, bp2):
    xp = jnp.pad(x, ((0, NP - N), (0, 0)))
    s3 = jnp.pad(edge_index[0].reshape(NSUB, NCH, C),
                 ((0, 0), (0, NCHP - NCH), (0, 0)), constant_values=N)
    d3 = jnp.pad(edge_index[1].reshape(NSUB, NCH, C),
                 ((0, 0), (0, NCHP - NCH), (0, 0)), constant_values=N)
    batch2 = jnp.pad(batch, (0, NP - N), constant_values=NG).reshape(NP, 1)
    wp2p = jnp.pad(Wp2, ((0, 0), (0, D - NCLS)))
    bp2p = jnp.pad(bp2, (0, D - NCLS)).reshape(1, D)

    deg_in, deg_out = _deg_call()(s3, d3)
    agg = _agg_call()
    degi2 = deg_in.reshape(NP, 1)
    dego2 = deg_out.reshape(NP, 1)

    yin, yout = _pre_call(xp, degi2, dego2, W1_in, W1_out)
    si, so = agg(yin, yout, s3, d3)
    yin, yout = _mid_call(si, so, degi2, dego2,
                          b1_in.reshape(1, D), b1_out.reshape(1, D),
                          W2_in, W2_out)
    si, so = agg(yin, yout, s3, d3)
    yin, yout = _mid_call(si, so, degi2, dego2,
                          b2_in.reshape(1, D), b2_out.reshape(1, D),
                          W3_in, W3_out)
    si, so = agg(yin, yout, s3, d3)
    out = _fin_call(si, so, degi2, dego2,
                    b3_in.reshape(1, D), b3_out.reshape(1, D), batch2,
                    Wp1, bp1.reshape(1, D), wp2p, bp2p)
    return out[:, :NCLS]

# --- scband reference (transcript-rebuilt; emitter-appended) ---
"""Pipeline reference for scband-dir-gnn-model-27642409517071 (READ-ONLY COPY).

The authoritative reference and input builder live on the scoring server;
editing this copy changes nothing except your own understanding.
"""

import jax, jax.numpy as jnp
import numpy as np

N = 10000
E = 320000
D = 128
H1 = 128
H2 = 128
OUT = 128
NG = 16
NCLS = 3
ALPHA = 0.5


def _glorot(key, shape):
    lim = np.sqrt(6.0 / (shape[0] + shape[1]))
    return jax.random.uniform(key, shape, jnp.float32, -lim, lim)


def setup_inputs(seed: int = 0):
    key = jax.random.key(seed)
    ks = jax.random.split(key, 20)
    inp = {}
    inp["x"] = jax.random.normal(ks[0], (N, D), dtype=jnp.float32)
    inp["edge_index"] = jax.random.randint(ks[1], (2, E), 0, N, dtype=jnp.int32)
    inp["batch"] = jnp.sort(jax.random.randint(ks[2], (N,), 0, NG, dtype=jnp.int32))
    dims = [(D, H1), (H1, H2), (H2, OUT)]
    i = 3
    for li, (fi, fo) in enumerate(dims, start=1):
        inp[f"W{li}_in"] = _glorot(ks[i], (fi, fo)); i += 1
        inp[f"b{li}_in"] = jnp.zeros((fo,), jnp.float32)
        inp[f"W{li}_out"] = _glorot(ks[i], (fi, fo)); i += 1
        inp[f"b{li}_out"] = jnp.zeros((fo,), jnp.float32)
    inp["Wp1"] = _glorot(ks[i], (OUT, 128)); i += 1
    inp["bp1"] = jnp.zeros((128,), jnp.float32)
    inp["Wp2"] = _glorot(ks[i], (128, NCLS)); i += 1
    inp["bp2"] = jnp.zeros((NCLS,), jnp.float32)
    return inp


def _gcn(x, s, d, W, b):
    # GCNConv: add self loops, symmetric normalization, sum aggregation, bias
    n = x.shape[0]
    loop = jnp.arange(n, dtype=s.dtype)
    ss = jnp.concatenate([s, loop])
    dd = jnp.concatenate([d, loop])
    deg = jnp.zeros((n,), jnp.float32).at[dd].add(1.0)
    dis = jnp.where(deg > 0, jax.lax.rsqrt(jnp.maximum(deg, 1e-12)), 0.0)
    norm = dis[ss] * dis[dd]
    h = x @ W
    msg = h[ss] * norm[:, None]
    return jnp.zeros((n, W.shape[1]), jnp.float32).at[dd].add(msg) + b


def _dir_gcn(x, edge_index, Wi, bi, Wo, bo):
    # DirGNNConv(root_weight=False): conv_in on edge_index, conv_out on flipped edge_index
    s, d = edge_index[0], edge_index[1]
    x_in = _gcn(x, s, d, Wi, bi)
    x_out = _gcn(x, d, s, Wo, bo)
    return ALPHA * x_out + (1.0 - ALPHA) * x_in


def reference(x, edge_index, batch, W1_in, b1_in, W1_out, b1_out, W2_in, b2_in, W2_out, b2_out, W3_in, b3_in, W3_out, b3_out, Wp1, bp1, Wp2, bp2):
    h = _dir_gcn(x, edge_index, W1_in, b1_in, W1_out, b1_out)
    h = jax.nn.relu(h)
    h = _dir_gcn(h, edge_index, W2_in, b2_in, W2_out, b2_out)
    # dropout is identity in eval mode
    h = jax.nn.relu(h)
    h = _dir_gcn(h, edge_index, W3_in, b3_in, W3_out, b3_out)
    # global_mean_pool over graph segment ids
    sums = jax.ops.segment_sum(h, batch, num_segments=NG)
    cnt = jax.ops.segment_sum(jnp.ones((h.shape[0],), jnp.float32), batch, num_segments=NG)
    pooled = sums / jnp.maximum(cnt, 1.0)[:, None]
    out = pooled @ Wp1 + bp1
    out = jax.nn.relu(out)
    out = out @ Wp2 + bp2
    return out

if __name__ == "__main__":
    import jax
    _d = setup_inputs()
    print(jax.jit(kernel)(*tuple(_d.values())))

</pallas_src>

<mosaic_0001>
#map = affine_map<(d0, d1) -> (0, 0)>
#map1 = affine_map<(d0, d1) -> (0, 0, 0)>
module attributes {stable_mosaic.version = 14 : i64} {
  func.func @_agg_body(%arg0: i32, %arg1: i32, %arg2: memref<10240x128xf32, #tpu.memory_space<hbm>>, %arg3: memref<10240x128xf32, #tpu.memory_space<hbm>>, %arg4: memref<16x256x80xi32, #tpu.memory_space<hbm>>, %arg5: memref<16x256x80xi32, #tpu.memory_space<hbm>>, %arg6: memref<10240x128xf32, #tpu.memory_space<hbm>>, %arg7: memref<10240x128xf32, #tpu.memory_space<hbm>>, %arg8: memref<16x80xi32, #tpu.memory_space<vmem>>, %arg9: memref<16x80xi32, #tpu.memory_space<vmem>>, %arg10: memref<80x128xf32, #tpu.memory_space<vmem>>, %arg11: memref<80x128xf32, #tpu.memory_space<vmem>>, %arg12: memref<10240x128xf32, #tpu.memory_space<vmem_shared>>, %arg13: memref<!tpu.dma_semaphore, #tpu.memory_space<semaphore_mem>>, %arg14: memref<!tpu.dma_semaphore, #tpu.memory_space<semaphore_mem>>) attributes {dimension_semantics = [#tpu.dimension_semantics<core_parallel>, #tpu.dimension_semantics<subcore_parallel>], iteration_bounds = array<i64: 2, 16>, scalar_prefetch = 0 : i64, scratch_operands = 7 : i64, tpu.core_type = #tpu.core_type<sc_vector_subcore>, window_params = [{transform_indices = #map}, {transform_indices = #map}, {transform_indices = #map1}, {transform_indices = #map1}, {transform_indices = #map}, {transform_indices = #map}]} {
    %mul3A = arith.constant 640 : i32
    %mul3A_0 = arith.muli %arg1, %mul3A : i32
    %eq3A = arith.constant 0 : i32
    %eq3A_1 = arith.cmpi eq, %arg0, %eq3A : i32
    %convert_element_type3A = arith.extui %eq3A_1 : i1 to i32
    %cond3A = arith.constant 0 : i32
    %cond3A_2 = arith.cmpi ne, %convert_element_type3A, %cond3A : i32
    scf.if %cond3A_2 {
      "tpu.region"() ({
        %run_scoped3A = tpu.sem_alloc : memref<!tpu.dma_semaphore, #tpu.memory_space<semaphore_mem>>
        %dma_start3A = arith.constant 0 : i32
        %dma_start3A_14 = tpu.memref_slice %arg12[%mul3A_0, %dma_start3A] : memref<10240x128xf32, #tpu.memory_space<vmem_shared>> -> memref<640x128xf32, #tpu.memory_space<vmem_shared>>
        %dma_start3A_15 = arith.constant 0 : i32
        %dma_start3A_16 = tpu.memref_slice %arg2[%mul3A_0, %dma_start3A_15] : memref<10240x128xf32, #tpu.memory_space<hbm>> -> memref<640x128xf32, #tpu.memory_space<hbm>>
        tpu.enqueue_dma source(%dma_start3A_16 : memref<640x128xf32, #tpu.memory_space<hbm>>) target(%dma_start3A_14 : memref<640x128xf32, #tpu.memory_space<vmem_shared>>) target_semaphore(%run_scoped3A : memref<!tpu.dma_semaphore, #tpu.memory_space<semaphore_mem>>)
        %dma_wait3A = arith.constant 0 : i32
        %dma_wait3A_17 = tpu.memref_slice %arg12[%mul3A_0, %dma_wait3A] : memref<10240x128xf32, #tpu.memory_space<vmem_shared>> -> memref<640x128xf32, #tpu.memory_space<vmem_shared>>
        %dma_wait3A_18 = arith.constant 0 : i32
        %dma_wait3A_19 = tpu.memref_slice %arg2[%mul3A_0, %dma_wait3A_18] : memref<10240x128xf32, #tpu.memory_space<hbm>> -> memref<640x128xf32, #tpu.memory_space<hbm>>
        tpu.wait_dma2 semaphore(%run_scoped3A : memref<!tpu.dma_semaphore, #tpu.memory_space<semaphore_mem>>) src(%dma_wait3A_19 : memref<640x128xf32, #tpu.memory_space<hbm>>) dst(%dma_wait3A_17 : memref<640x128xf32, #tpu.memory_space<vmem_shared>>)
        tpu.yield
      }) : () -> ()
      %barrier3A = arith.constant 0 : index
      tpu.barrier barrier_id(%barrier3A)
      %scan3A = arith.constant 0 : i32
      %scan3A_8 = arith.constant 0 : i32
      %scan3A_9 = arith.constant 16 : i32
      %scan3A_10 = arith.addi %scan3A_8, %scan3A_9 : i32
      %scan3A_11 = arith.constant 1 : i32
      scf.for %scan3A_14 = %scan3A_8 to %scan3A_10 step %scan3A_11  : i32 {
        %mul3A_15 = arith.constant 16 : i32
        %mul3A_16 = arith.muli %scan3A_14, %mul3A_15 : i32
        "tpu.region"() ({
          %run_scoped3A = tpu.sem_alloc : memref<!tpu.dma_semaphore, #tpu.memory_space<semaphore_mem>>
          %dma_start3A_55 = arith.constant 0 : i32
          %dma_start3A_56 = arith.constant 0 : i32
          %dma_start3A_57 = tpu.memref_slice %arg4[%arg1, %dma_start3A_55, %dma_start3A_56] : memref<16x256x80xi32, #tpu.memory_space<hbm>> -> memref<1x256x80xi32, #tpu.memory_space<hbm>>
          %dma_start3A_58 = tpu.memref_squeeze %dma_start3A_57 : memref<1x256x80xi32, #tpu.memory_space<hbm>> -> memref<256x80xi32, #tpu.memory_space<hbm>>
          %dma_start3A_59 = arith.constant 0 : i32
          %dma_start3A_60 = tpu.memref_slice %dma_start3A_58[%mul3A_16, %dma_start3A_59] : memref<256x80xi32, #tpu.memory_space<hbm>> -> memref<16x80xi32, #tpu.memory_space<hbm>>
          %dma_start3A_61 = arith.constant 0 : i32
          %dma_start3A_62 = arith.constant 0 : i32
          %dma_start3A_63 = tpu.memref_slice %arg4[%arg1, %dma_start3A_61, %dma_start3A_62] : memref<16x256x80xi32, #tpu.memory_space<hbm>> -> memref<1x256x80xi32, #tpu.memory_space<hbm>>
          %dma_start3A_64 = tpu.memref_squeeze %dma_start3A_63 : memref<1x256x80xi32, #tpu.memory_space<hbm>> -> memref<256x80xi32, #tpu.memory_space<hbm>>
          %dma_start3A_65 = arith.constant 0 : i32
          %dma_start3A_66 = tpu.memref_slice %dma_start3A_64[%mul3A_16, %dma_start3A_65] : memref<256x80xi32, #tpu.memory_space<hbm>> -> memref<16x80xi32, #tpu.memory_space<hbm>>
          tpu.enqueue_dma source(%dma_start3A_66 : memref<16x80xi32, #tpu.memory_space<hbm>>) target(%arg8 : memref<16x80xi32, #tpu.memory_space<vmem>>) target_semaphore(%run_scoped3A : memref<!tpu.dma_semaphore, #tpu.memory_space<semaphore_mem>>)
          %dma_wait3A = arith.constant 0 : i32
          %dma_wait3A_67 = arith.constant 0 : i32
          %dma_wait3A_68 = tpu.memref_slice %arg4[%arg1, %dma_wait3A, %dma_wait3A_67] : memref<16x256x80xi32, #tpu.memory_space<hbm>> -> memref<1x256x80xi32, #tpu.memory_space<hbm>>
          %dma_wait3A_69 = tpu.memref_squeeze %dma_wait3A_68 : memref<1x256x80xi32, #tpu.memory_space<hbm>> -> memref<256x80xi32, #tpu.memory_space<hbm>>
          %dma_wait3A_70 = arith.constant 0 : i32
          %dma_wait3A_71 = tpu.memref_slice %dma_wait3A_69[%mul3A_16, %dma_wait3A_70] : memref<256x80xi32, #tpu.memory_space<hbm>> -> memref<16x80xi32, #tpu.memory_space<hbm>>
          %dma_wait3A_72 = arith.constant 0 : i32
          %dma_wait3A_73 = arith.constant 0 : i32
          %dma_wait3A_74 = tpu.memref_slice %arg4[%arg1, %dma_wait3A_72, %dma_wait3A_73] : memref<16x256x80xi32, #tpu.memory_space<hbm>> -> memref<1x256x80xi32, #tpu.memory_space<hbm>>
          %dma_wait3A_75 = tpu.memref_squeeze %dma_wait3A_74 : memref<1x256x80xi32, #tpu.memory_space<hbm>> -> memref<256x80xi32, #tpu.memory_space<hbm>>
          %dma_wait3A_76 = arith.constant 0 : i32
          %dma_wait3A_77 = tpu.memref_slice %dma_wait3A_75[%mul3A_16, %dma_wait3A_76] : memref<256x80xi32, #tpu.memory_space<hbm>> -> memref<16x80xi32, #tpu.memory_space<hbm>>
          tpu.wait_dma2 semaphore(%run_scoped3A : memref<!tpu.dma_semaphore, #tpu.memory_space<semaphore_mem>>) src(%dma_wait3A_77 : memref<16x80xi32, #tpu.memory_space<hbm>>) dst(%arg8 : memref<16x80xi32, #tpu.memory_space<vmem>>)
          tpu.yield
        }) : () -> ()
        %mul3A_17 = arith.constant 16 : i32
        %mul3A_18 = arith.muli %scan3A_14, %mul3A_17 : i32
        "tpu.region"() ({
          %run_scoped3A = tpu.sem_alloc : memref<!tpu.dma_semaphore, #tpu.memory_space<semaphore_mem>>
          %dma_start3A_55 = arith.constant 0 : i32
          %dma_start3A_56 = arith.constant 0 : i32
          %dma_start3A_57 = tpu.memref_slice %arg5[%arg1, %dma_start3A_55, %dma_start3A_56] : memref<16x256x80xi32, #tpu.memory_space<hbm>> -> memref<1x256x80xi32, #tpu.memory_space<hbm>>
          %dma_start3A_58 = tpu.memref_squeeze %dma_start3A_57 : memref<1x256x80xi32, #tpu.memory_space<hbm>> -> memref<256x80xi32, #tpu.memory_space<hbm>>
          %dma_start3A_59 = arith.constant 0 : i32
          %dma_start3A_60 = tpu.memref_slice %dma_start3A_58[%mul3A_18, %dma_start3A_59] : memref<256x80xi32, #tpu.memory_space<hbm>> -> memref<16x80xi32, #tpu.memory_space<hbm>>
          %dma_start3A_61 = arith.constant 0 : i32
          %dma_start3A_62 = arith.constant 0 : i32
          %dma_start3A_63 = tpu.memref_slice %arg5[%arg1, %dma_start3A_61, %dma_start3A_62] : memref<16x256x80xi32, #tpu.memory_space<hbm>> -> memref<1x256x80xi32, #tpu.memory_space<hbm>>
          %dma_start3A_64 = tpu.memref_squeeze %dma_start3A_63 : memref<1x256x80xi32, #tpu.memory_space<hbm>> -> memref<256x80xi32, #tpu.memory_space<hbm>>
          %dma_start3A_65 = arith.constant 0 : i32
          %dma_start3A_66 = tpu.memref_slice %dma_start3A_64[%mul3A_18, %dma_start3A_65] : memref<256x80xi32, #tpu.memory_space<hbm>> -> memref<16x80xi32, #tpu.memory_space<hbm>>
          tpu.enqueue_dma source(%dma_start3A_66 : memref<16x80xi32, #tpu.memory_space<hbm>>) target(%arg9 : memref<16x80xi32, #tpu.memory_space<vmem>>) target_semaphore(%run_scoped3A : memref<!tpu.dma_semaphore, #tpu.memory_space<semaphore_mem>>)
          %dma_wait3A = arith.constant 0 : i32
          %dma_wait3A_67 = arith.constant 0 : i32
          %dma_wait3A_68 = tpu.memref_slice %arg5[%arg1, %dma_wait3A, %dma_wait3A_67] : memref<16x256x80xi32, #tpu.memory_space<hbm>> -> memref<1x256x80xi32, #tpu.memory_space<hbm>>
          %dma_wait3A_69 = tpu.memref_squeeze %dma_wait3A_68 : memref<1x256x80xi32, #tpu.memory_space<hbm>> -> memref<256x80xi32, #tpu.memory_space<hbm>>
          %dma_wait3A_70 = arith.constant 0 : i32
          %dma_wait3A_71 = tpu.memref_slice %dma_wait3A_69[%mul3A_18, %dma_wait3A_70] : memref<256x80xi32, #tpu.memory_space<hbm>> -> memref<16x80xi32, #tpu.memory_space<hbm>>
          %dma_wait3A_72 = arith.constant 0 : i32
          %dma_wait3A_73 = arith.constant 0 : i32
          %dma_wait3A_74 = tpu.memref_slice %arg5[%arg1, %dma_wait3A_72, %dma_wait3A_73] : memref<16x256x80xi32, #tpu.memory_space<hbm>> -> memref<1x256x80xi32, #tpu.memory_space<hbm>>
          %dma_wait3A_75 = tpu.memref_squeeze %dma_wait3A_74 : memref<1x256x80xi32, #tpu.memory_space<hbm>> -> memref<256x80xi32, #tpu.memory_space<hbm>>
          %dma_wait3A_76 = arith.constant 0 : i32
          %dma_wait3A_77 = tpu.memref_slice %dma_wait3A_75[%mul3A_18, %dma_wait3A_76] : memref<256x80xi32, #tpu.memory_space<hbm>> -> memref<16x80xi32, #tpu.memory_space<hbm>>
          tpu.wait_dma2 semaphore(%run_scoped3A : memref<!tpu.dma_semaphore, #tpu.memory_space<semaphore_mem>>) src(%dma_wait3A_77 : memref<16x80xi32, #tpu.memory_space<hbm>>) dst(%arg9 : memref<16x80xi32, #tpu.memory_space<vmem>>)
          tpu.yield
        }) : () -> ()
        %mul3A_19 = arith.constant 16 : i32
        %mul3A_20 = arith.muli %scan3A_14, %mul3A_19 : i32
        %sub3A = arith.constant 250 : i32
        %sub3A_21 = arith.subi %sub3A, %mul3A_20 : i32
        %min3A = arith.constant 16 : i32
        %min3A_22 = arith.minsi %min3A, %sub3A_21 : i32
        %dma_start3A = arith.constant 0 : i32
        %dma_start3A_23 = arith.constant 0 : i32
        %dma_start3A_24 = tpu.memref_slice %arg8[%dma_start3A, %dma_start3A_23] : memref<16x80xi32, #tpu.memory_space<vmem>> -> memref<1x80xi32, #tpu.memory_space<vmem>>
        %dma_start3A_25 = tpu.memref_squeeze %dma_start3A_24 : memref<1x80xi32, #tpu.memory_space<vmem>> -> memref<80xi32, #tpu.memory_space<vmem>>
        %dma_start3A_26 = arith.constant 0 : i32
        %dma_start3A_27 = arith.constant 0 : i32
        %dma_start3A_28 = tpu.memref_slice %arg2[%dma_start3A_26, %dma_start3A_27] : memref<10240x128xf32, #tpu.memory_space<hbm>> -> memref<10240x128xf32, #tpu.memory_space<hbm>>
        tpu.enqueue_indirect_dma source(%dma_start3A_28 : memref<10240x128xf32, #tpu.memory_space<hbm>>) target(%arg10 : memref<80x128xf32, #tpu.memory_space<vmem>>) offsets(%dma_start3A_25 : memref<80xi32, #tpu.memory_space<vmem>>) semaphore(%arg13 : memref<!tpu.dma_semaphore, #tpu.memory_space<semaphore_mem>>)
        %jit3A = arith.constant 2 : i32
        %div3A = arith.divsi %min3A_22, %jit3A : i32
        %sign3A = arith.constant 0 : i32
        %sign3A_29 = arith.cmpi sgt, %min3A_22, %sign3A : i32
        %sign3A_30 = arith.extui %sign3A_29 : i1 to i32
        %sign3A_31 = arith.constant 0 : i32
        %sign3A_32 = arith.cmpi slt, %min3A_22, %sign3A_31 : i32
        %sign3A_33 = arith.extui %sign3A_32 : i1 to i32
        %sign3A_34 = arith.subi %sign3A_30, %sign3A_33 : i32
        %sign3A_35 = arith.constant 0 : i32
        %sign3A_36 = arith.cmpi sgt, %jit3A, %sign3A_35 : i32
        %sign3A_37 = arith.extui %sign3A_36 : i1 to i32
        %sign3A_38 = arith.constant 0 : i32
        %sign3A_39 = arith.cmpi slt, %jit3A, %sign3A_38 : i32
        %sign3A_40 = arith.extui %sign3A_39 : i1 to i32
        %sign3A_41 = arith.subi %sign3A_37, %sign3A_40 : i32
        %ne3A = arith.cmpi ne, %sign3A_34, %sign3A_41 : i32
        %rem3A = arith.remsi %min3A_22, %jit3A : i32
        %ne3A_42 = arith.constant 0 : i32
        %ne3A_43 = arith.cmpi ne, %rem3A, %ne3A_42 : i32
        %and3A = arith.andi %ne3A, %ne3A_43 : i1
        %sub3A_44 = arith.constant 1 : i32
        %sub3A_45 = arith.subi %div3A, %sub3A_44 : i32
        %select_n3A = arith.select %and3A, %sub3A_45, %div3A : i32
        %while3A = arith.constant 0 : i32
        %while3A_46 = arith.constant 0 : i32
        %while3A_47 = arith.subi %select_n3A, %while3A_46 : i32
        %while3A_48 = arith.addi %while3A_46, %while3A_47 : i32
        %while3A_49 = arith.constant 1 : i32
        %while3A_50 = arith.divsi %while3A_47, %while3A_49 : i32
        %while3A_51 = arith.muli %while3A_50, %while3A_49 : i32
        %while3A_52 = arith.addi %while3A_46, %while3A_51 : i32
        %while3A_53 = arith.constant 1 : i32
        scf.for %while3A_55 = %while3A_46 to %while3A_52 step %while3A_53  : i32 {
          %mul3A_56 = arith.constant 2 : i32
          %mul3A_57 = arith.muli %mul3A_56, %while3A_55 : i32
          %add3A = arith.constant 1 : i32
          %add3A_58 = arith.addi %mul3A_57, %add3A : i32
          %dma_start3A_59 = arith.constant 0 : i32
          %dma_start3A_60 = tpu.memref_slice %arg8[%add3A_58, %dma_start3A_59] : memref<16x80xi32, #tpu.memory_space<vmem>> -> memref<1x80xi32, #tpu.memory_space<vmem>>
          %dma_start3A_61 = tpu.memref_squeeze %dma_start3A_60 : memref<1x80xi32, #tpu.memory_space<vmem>> -> memref<80xi32, #tpu.memory_space<vmem>>
          %dma_start3A_62 = arith.constant 0 : i32
          %dma_start3A_63 = arith.constant 0 : i32
          %dma_start3A_64 = tpu.memref_slice %arg2[%dma_start3A_62, %dma_start3A_63] : memref<10240x128xf32, #tpu.memory_space<hbm>> -> memref<10240x128xf32, #tpu.memory_space<hbm>>
          tpu.enqueue_indirect_dma source(%dma_start3A_64 : memref<10240x128xf32, #tpu.memory_space<hbm>>) target(%arg11 : memref<80x128xf32, #tpu.memory_space<vmem>>) offsets(%dma_start3A_61 : memref<80xi32, #tpu.memory_space<vmem>>) semaphore(%arg14 : memref<!tpu.dma_semaphore, #tpu.memory_space<semaphore_mem>>)
          %dma_wait3A = arith.constant 0 : i32
          %dma_wait3A_65 = tpu.memref_slice %arg8[%mul3A_57, %dma_wait3A] : memref<16x80xi32, #tpu.memory_space<vmem>> -> memref<1x80xi32, #tpu.memory_space<vmem>>
          %dma_wait3A_66 = tpu.memref_squeeze %dma_wait3A_65 : memref<1x80xi32, #tpu.memory_space<vmem>> -> memref<80xi32, #tpu.memory_space<vmem>>
          %dma_wait3A_67 = arith.constant 0 : i32
          %dma_wait3A_68 = arith.constant 0 : i32
          %dma_wait3A_69 = tpu.memref_slice %arg2[%dma_wait3A_67, %dma_wait3A_68] : memref<10240x128xf32, #tpu.memory_space<hbm>> -> memref<10240x128xf32, #tpu.memory_space<hbm>>
          tpu.wait_indirect_dma semaphore(%arg13 : memref<!tpu.dma_semaphore, #tpu.memory_space<semaphore_mem>>) src(%dma_wait3A_69 : memref<10240x128xf32, #tpu.memory_space<hbm>>) dst(%arg10 : memref<80x128xf32, #tpu.memory_space<vmem>>)
          "tpu.region"() ({
            %run_scoped3A = tpu.sem_alloc : memref<!tpu.dma_semaphore, #tpu.memory_space<semaphore_mem>>
            %dma_start3A_81 = arith.constant 0 : i32
            %dma_start3A_82 = tpu.memref_slice %arg9[%mul3A_57, %dma_start3A_81] : memref<16x80xi32, #tpu.memory_space<vmem>> -> memref<1x80xi32, #tpu.memory_space<vmem>>
            %dma_start3A_83 = tpu.memref_squeeze %dma_start3A_82 : memref<1x80xi32, #tpu.memory_space<vmem>> -> memref<80xi32, #tpu.memory_space<vmem>>
            %dma_start3A_84 = arith.constant 0 : i32
            %dma_start3A_85 = arith.constant 0 : i32
            %dma_start3A_86 = tpu.memref_slice %arg12[%dma_start3A_84, %dma_start3A_85] : memref<10240x128xf32, #tpu.memory_space<vmem_shared>> -> memref<10240x128xf32, #tpu.memory_space<vmem_shared>>
            tpu.enqueue_indirect_dma source(%arg10 : memref<80x128xf32, #tpu.memory_space<vmem>>) target(%dma_start3A_86 : memref<10240x128xf32, #tpu.memory_space<vmem_shared>>) offsets(%dma_start3A_83 : memref<80xi32, #tpu.memory_space<vmem>>) semaphore(%run_scoped3A : memref<!tpu.dma_semaphore, #tpu.memory_space<semaphore_mem>>) {add = true}
            %dma_wait3A_87 = arith.constant 0 : i32
            %dma_wait3A_88 = tpu.memref_slice %arg9[%mul3A_57, %dma_wait3A_87] : memref<16x80xi32, #tpu.memory_space<vmem>> -> memref<1x80xi32, #tpu.memory_space<vmem>>
            %dma_wait3A_89 = tpu.memref_squeeze %dma_wait3A_88 : memref<1x80xi32, #tpu.memory_space<vmem>> -> memref<80xi32, #tpu.memory_space<vmem>>
            %dma_wait3A_90 = arith.constant 0 : i32
            %dma_wait3A_91 = arith.constant 0 : i32
            %dma_wait3A_92 = tpu.memref_slice %arg12[%dma_wait3A_90, %dma_wait3A_91] : memref<10240x128xf32, #tpu.memory_space<vmem_shared>> -> memref<10240x128xf32, #tpu.memory_space<vmem_shared>>
            tpu.wait_indirect_dma semaphore(%run_scoped3A : memref<!tpu.dma_semaphore, #tpu.memory_space<semaphore_mem>>) src(%arg10 : memref<80x128xf32, #tpu.memory_space<vmem>>) dst(%dma_wait3A_92 : memref<10240x128xf32, #tpu.memory_space<vmem_shared>>)
            tpu.yield
          }) : () -> ()
          %add3A_70 = arith.constant 1 : i32
          %add3A_71 = arith.addi %add3A_58, %add3A_70 : i32
          %lt3A = arith.cmpi slt, %add3A_71, %min3A_22 : i32
          %convert_element_type3A_72 = arith.extui %lt3A : i1 to i32
          %cond3A_73 = arith.constant 0 : i32
          %cond3A_74 = arith.cmpi ne, %convert_element_type3A_72, %cond3A_73 : i32
          scf.if %cond3A_74 {
            %add3A_81 = arith.constant 1 : i32
            %add3A_82 = arith.addi %add3A_58, %add3A_81 : i32
            %dma_start3A_83 = arith.constant 0 : i32
            %dma_start3A_84 = tpu.memref_slice %arg8[%add3A_82, %dma_start3A_83] : memref<16x80xi32, #tpu.memory_space<vmem>> -> memref<1x80xi32, #tpu.memory_space<vmem>>
            %dma_start3A_85 = tpu.memref_squeeze %dma_start3A_84 : memref<1x80xi32, #tpu.memory_space<vmem>> -> memref<80xi32, #tpu.memory_space<vmem>>
            %dma_start3A_86 = arith.constant 0 : i32
            %dma_start3A_87 = arith.constant 0 : i32
            %dma_start3A_88 = tpu.memref_slice %arg2[%dma_start3A_86, %dma_start3A_87] : memref<10240x128xf32, #tpu.memory_space<hbm>> -> memref<10240x128xf32, #tpu.memory_space<hbm>>
            tpu.enqueue_indirect_dma source(%dma_start3A_88 : memref<10240x128xf32, #tpu.memory_space<hbm>>) target(%arg10 : memref<80x128xf32, #tpu.memory_space<vmem>>) offsets(%dma_start3A_85 : memref<80xi32, #tpu.memory_space<vmem>>) semaphore(%arg13 : memref<!tpu.dma_semaphore, #tpu.memory_space<semaphore_mem>>)
          } else {
          }
          %dma_wait3A_75 = arith.constant 0 : i32
          %dma_wait3A_76 = tpu.memref_slice %arg8[%add3A_58, %dma_wait3A_75] : memref<16x80xi32, #tpu.memory_space<vmem>> -> memref<1x80xi32, #tpu.memory_space<vmem>>
          %dma_wait3A_77 = tpu.memref_squeeze %dma_wait3A_76 : memref<1x80xi32, #tpu.memory_space<vmem>> -> memref<80xi32, #tpu.memory_space<vmem>>
          %dma_wait3A_78 = arith.constant 0 : i32
          %dma_wait3A_79 = arith.constant 0 : i32
          %dma_wait3A_80 = tpu.memref_slice %arg2[%dma_wait3A_78, %dma_wait3A_79] : memref<10240x128xf32, #tpu.memory_space<hbm>> -> memref<10240x128xf32, #tpu.memory_space<hbm>>
          tpu.wait_indirect_dma semaphore(%arg14 : memref<!tpu.dma_semaphore, #tpu.memory_space<semaphore_mem>>) src(%dma_wait3A_80 : memref<10240x128xf32, #tpu.memory_space<hbm>>) dst(%arg11 : memref<80x128xf32, #tpu.memory_space<vmem>>)
          "tpu.region"() ({
            %run_scoped3A = tpu.sem_alloc : memref<!tpu.dma_semaphore, #tpu.memory_space<semaphore_mem>>
            %dma_start3A_81 = arith.constant 0 : i32
            %dma_start3A_82 = tpu.memref_slice %arg9[%add3A_58, %dma_start3A_81] : memref<16x80xi32, #tpu.memory_space<vmem>> -> memref<1x80xi32, #tpu.memory_space<vmem>>
            %dma_start3A_83 = tpu.memref_squeeze %dma_start3A_82 : memref<1x80xi32, #tpu.memory_space<vmem>> -> memref<80xi32, #tpu.memory_space<vmem>>
            %dma_start3A_84 = arith.constant 0 : i32
            %dma_start3A_85 = arith.constant 0 : i32
            %dma_start3A_86 = tpu.memref_slice %arg12[%dma_start3A_84, %dma_start3A_85] : memref<10240x128xf32, #tpu.memory_space<vmem_shared>> -> memref<10240x128xf32, #tpu.memory_space<vmem_shared>>
            tpu.enqueue_indirect_dma source(%arg11 : memref<80x128xf32, #tpu.memory_space<vmem>>) target(%dma_start3A_86 : memref<10240x128xf32, #tpu.memory_space<vmem_shared>>) offsets(%dma_start3A_83 : memref<80xi32, #tpu.memory_space<vmem>>) semaphore(%run_scoped3A : memref<!tpu.dma_semaphore, #tpu.memory_space<semaphore_mem>>) {add = true}
            %dma_wait3A_87 = arith.constant 0 : i32
            %dma_wait3A_88 = tpu.memref_slice %arg9[%add3A_58, %dma_wait3A_87] : memref<16x80xi32, #tpu.memory_space<vmem>> -> memref<1x80xi32, #tpu.memory_space<vmem>>
            %dma_wait3A_89 = tpu.memref_squeeze %dma_wait3A_88 : memref<1x80xi32, #tpu.memory_space<vmem>> -> memref<80xi32, #tpu.memory_space<vmem>>
            %dma_wait3A_90 = arith.constant 0 : i32
            %dma_wait3A_91 = arith.constant 0 : i32
            %dma_wait3A_92 = tpu.memref_slice %arg12[%dma_wait3A_90, %dma_wait3A_91] : memref<10240x128xf32, #tpu.memory_space<vmem_shared>> -> memref<10240x128xf32, #tpu.memory_space<vmem_shared>>
            tpu.wait_indirect_dma semaphore(%run_scoped3A : memref<!tpu.dma_semaphore, #tpu.memory_space<semaphore_mem>>) src(%arg11 : memref<80x128xf32, #tpu.memory_space<vmem>>) dst(%dma_wait3A_92 : memref<10240x128xf32, #tpu.memory_space<vmem_shared>>)
            tpu.yield
          }) : () -> ()
        }
        %while3A_54 = arith.constant 1 : i32
        scf.for %while3A_55 = %while3A_52 to %while3A_48 step %while3A_54  : i32 {
          %mul3A_56 = arith.constant 2 : i32
          %mul3A_57 = arith.muli %mul3A_56, %while3A_55 : i32
          %add3A = arith.constant 1 : i32
          %add3A_58 = arith.addi %mul3A_57, %add3A : i32
          %dma_start3A_59 = arith.constant 0 : i32
          %dma_start3A_60 = tpu.memref_slice %arg8[%add3A_58, %dma_start3A_59] : memref<16x80xi32, #tpu.memory_space<vmem>> -> memref<1x80xi32, #tpu.memory_space<vmem>>
          %dma_start3A_61 = tpu.memref_squeeze %dma_start3A_60 : memref<1x80xi32, #tpu.memory_space<vmem>> -> memref<80xi32, #tpu.memory_space<vmem>>
          %dma_start3A_62 = arith.constant 0 : i32
          %dma_start3A_63 = arith.constant 0 : i32
          %dma_start3A_64 = tpu.memref_slice %arg2[%dma_start3A_62, %dma_start3A_63] : memref<10240x128xf32, #tpu.memory_space<hbm>> -> memref<10240x128xf32, #tpu.memory_space<hbm>>
          tpu.enqueue_indirect_dma source(%dma_start3A_64 : memref<10240x128xf32, #tpu.memory_space<hbm>>) target(%arg11 : memref<80x128xf32, #tpu.memory_space<vmem>>) offsets(%dma_start3A_61 : memref<80xi32, #tpu.memory_space<vmem>>) semaphore(%arg14 : memref<!tpu.dma_semaphore, #tpu.memory_space<semaphore_mem>>)
          %dma_wait3A = arith.constant 0 : i32
          %dma_wait3A_65 = tpu.memref_slice %arg8[%mul3A_57, %dma_wait3A] : memref<16x80xi32, #tpu.memory_space<vmem>> -> memref<1x80xi32, #tpu.memory_space<vmem>>
          %dma_wait3A_66 = tpu.memref_squeeze %dma_wait3A_65 : memref<1x80xi32, #tpu.memory_space<vmem>> -> memref<80xi32, #tpu.memory_space<vmem>>
          %dma_wait3A_67 = arith.constant 0 : i32
          %dma_wait3A_68 = arith.constant 0 : i32
          %dma_wait3A_69 = tpu.memref_slice %arg2[%dma_wait3A_67, %dma_wait3A_68] : memref<10240x128xf32, #tpu.memory_space<hbm>> -> memref<10240x128xf32, #tpu.memory_space<hbm>>
          tpu.wait_indirect_dma semaphore(%arg13 : memref<!tpu.dma_semaphore, #tpu.memory_space<semaphore_mem>>) src(%dma_wait3A_69 : memref<10240x128xf32, #tpu.memory_space<hbm>>) dst(%arg10 : memref<80x128xf32, #tpu.memory_space<vmem>>)
          "tpu.region"() ({
            %run_scoped3A = tpu.sem_alloc : memref<!tpu.dma_semaphore, #tpu.memory_space<semaphore_mem>>
            %dma_start3A_81 = arith.constant 0 : i32
            %dma_start3A_82 = tpu.memref_slice %arg9[%mul3A_57, %dma_start3A_81] : memref<16x80xi32, #tpu.memory_space<vmem>> -> memref<1x80xi32, #tpu.memory_space<vmem>>
            %dma_start3A_83 = tpu.memref_squeeze %dma_start3A_82 : memref<1x80xi32, #tpu.memory_space<vmem>> -> memref<80xi32, #tpu.memory_space<vmem>>
            %dma_start3A_84 = arith.constant 0 : i32
            %dma_start3A_85 = arith.constant 0 : i32
            %dma_start3A_86 = tpu.memref_slice %arg12[%dma_start3A_84, %dma_start3A_85] : memref<10240x128xf32, #tpu.memory_space<vmem_shared>> -> memref<10240x128xf32, #tpu.memory_space<vmem_shared>>
            tpu.enqueue_indirect_dma source(%arg10 : memref<80x128xf32, #tpu.memory_space<vmem>>) target(%dma_start3A_86 : memref<10240x128xf32, #tpu.memory_space<vmem_shared>>) offsets(%dma_start3A_83 : memref<80xi32, #tpu.memory_space<vmem>>) semaphore(%run_scoped3A : memref<!tpu.dma_semaphore, #tpu.memory_space<semaphore_mem>>) {add = true}
            %dma_wait3A_87 = arith.constant 0 : i32
            %dma_wait3A_88 = tpu.memref_slice %arg9[%mul3A_57, %dma_wait3A_87] : memref<16x80xi32, #tpu.memory_space<vmem>> -> memref<1x80xi32, #tpu.memory_space<vmem>>
            %dma_wait3A_89 = tpu.memref_squeeze %dma_wait3A_88 : memref<1x80xi32, #tpu.memory_space<vmem>> -> memref<80xi32, #tpu.memory_space<vmem>>
            %dma_wait3A_90 = arith.constant 0 : i32
            %dma_wait3A_91 = arith.constant 0 : i32
            %dma_wait3A_92 = tpu.memref_slice %arg12[%dma_wait3A_90, %dma_wait3A_91] : memref<10240x128xf32, #tpu.memory_space<vmem_shared>> -> memref<10240x128xf32, #tpu.memory_space<vmem_shared>>
            tpu.wait_indirect_dma semaphore(%run_scoped3A : memref<!tpu.dma_semaphore, #tpu.memory_space<semaphore_mem>>) src(%arg10 : memref<80x128xf32, #tpu.memory_space<vmem>>) dst(%dma_wait3A_92 : memref<10240x128xf32, #tpu.memory_space<vmem_shared>>)
            tpu.yield
          }) : () -> ()
          %add3A_70 = arith.constant 1 : i32
          %add3A_71 = arith.addi %add3A_58, %add3A_70 : i32
          %lt3A = arith.cmpi slt, %add3A_71, %min3A_22 : i32
          %convert_element_type3A_72 = arith.extui %lt3A : i1 to i32
          %cond3A_73 = arith.constant 0 : i32
          %cond3A_74 = arith.cmpi ne, %convert_element_type3A_72, %cond3A_73 : i32
          scf.if %cond3A_74 {
            %add3A_81 = arith.constant 1 : i32
            %add3A_82 = arith.addi %add3A_58, %add3A_81 : i32
            %dma_start3A_83 = arith.constant 0 : i32
            %dma_start3A_84 = tpu.memref_slice %arg8[%add3A_82, %dma_start3A_83] : memref<16x80xi32, #tpu.memory_space<vmem>> -> memref<1x80xi32, #tpu.memory_space<vmem>>
            %dma_start3A_85 = tpu.memref_squeeze %dma_start3A_84 : memref<1x80xi32, #tpu.memory_space<vmem>> -> memref<80xi32, #tpu.memory_space<vmem>>
            %dma_start3A_86 = arith.constant 0 : i32
            %dma_start3A_87 = arith.constant 0 : i32
            %dma_start3A_88 = tpu.memref_slice %arg2[%dma_start3A_86, %dma_start3A_87] : memref<10240x128xf32, #tpu.memory_space<hbm>> -> memref<10240x128xf32, #tpu.memory_space<hbm>>
            tpu.enqueue_indirect_dma source(%dma_start3A_88 : memref<10240x128xf32, #tpu.memory_space<hbm>>) target(%arg10 : memref<80x128xf32, #tpu.memory_space<vmem>>) offsets(%dma_start3A_85 : memref<80xi32, #tpu.memory_space<vmem>>) semaphore(%arg13 : memref<!tpu.dma_semaphore, #tpu.memory_space<semaphore_mem>>)
          } else {
          }
          %dma_wait3A_75 = arith.constant 0 : i32
          %dma_wait3A_76 = tpu.memref_slice %arg8[%add3A_58, %dma_wait3A_75] : memref<16x80xi32, #tpu.memory_space<vmem>> -> memref<1x80xi32, #tpu.memory_space<vmem>>
          %dma_wait3A_77 = tpu.memref_squeeze %dma_wait3A_76 : memref<1x80xi32, #tpu.memory_space<vmem>> -> memref<80xi32, #tpu.memory_space<vmem>>
          %dma_wait3A_78 = arith.constant 0 : i32
          %dma_wait3A_79 = arith.constant 0 : i32
          %dma_wait3A_80 = tpu.memref_slice %arg2[%dma_wait3A_78, %dma_wait3A_79] : memref<10240x128xf32, #tpu.memory_space<hbm>> -> memref<10240x128xf32, #tpu.memory_space<hbm>>
          tpu.wait_indirect_dma semaphore(%arg14 : memref<!tpu.dma_semaphore, #tpu.memory_space<semaphore_mem>>) src(%dma_wait3A_80 : memref<10240x128xf32, #tpu.memory_space<hbm>>) dst(%arg11 : memref<80x128xf32, #tpu.memory_space<vmem>>)
          "tpu.region"() ({
            %run_scoped3A = tpu.sem_alloc : memref<!tpu.dma_semaphore, #tpu.memory_space<semaphore_mem>>
            %dma_start3A_81 = arith.constant 0 : i32
            %dma_start3A_82 = tpu.memref_slice %arg9[%add3A_58, %dma_start3A_81] : memref<16x80xi32, #tpu.memory_space<vmem>> -> memref<1x80xi32, #tpu.memory_space<vmem>>
            %dma_start3A_83 = tpu.memref_squeeze %dma_start3A_82 : memref<1x80xi32, #tpu.memory_space<vmem>> -> memref<80xi32, #tpu.memory_space<vmem>>
            %dma_start3A_84 = arith.constant 0 : i32
            %dma_start3A_85 = arith.constant 0 : i32
            %dma_start3A_86 = tpu.memref_slice %arg12[%dma_start3A_84, %dma_start3A_85] : memref<10240x128xf32, #tpu.memory_space<vmem_shared>> -> memref<10240x128xf32, #tpu.memory_space<vmem_shared>>
            tpu.enqueue_indirect_dma source(%arg11 : memref<80x128xf32, #tpu.memory_space<vmem>>) target(%dma_start3A_86 : memref<10240x128xf32, #tpu.memory_space<vmem_shared>>) offsets(%dma_start3A_83 : memref<80xi32, #tpu.memory_space<vmem>>) semaphore(%run_scoped3A : memref<!tpu.dma_semaphore, #tpu.memory_space<semaphore_mem>>) {add = true}
            %dma_wait3A_87 = arith.constant 0 : i32
            %dma_wait3A_88 = tpu.memref_slice %arg9[%add3A_58, %dma_wait3A_87] : memref<16x80xi32, #tpu.memory_space<vmem>> -> memref<1x80xi32, #tpu.memory_space<vmem>>
            %dma_wait3A_89 = tpu.memref_squeeze %dma_wait3A_88 : memref<1x80xi32, #tpu.memory_space<vmem>> -> memref<80xi32, #tpu.memory_space<vmem>>
            %dma_wait3A_90 = arith.constant 0 : i32
            %dma_wait3A_91 = arith.constant 0 : i32
            %dma_wait3A_92 = tpu.memref_slice %arg12[%dma_wait3A_90, %dma_wait3A_91] : memref<10240x128xf32, #tpu.memory_space<vmem_shared>> -> memref<10240x128xf32, #tpu.memory_space<vmem_shared>>
            tpu.wait_indirect_dma semaphore(%run_scoped3A : memref<!tpu.dma_semaphore, #tpu.memory_space<semaphore_mem>>) src(%arg11 : memref<80x128xf32, #tpu.memory_space<vmem>>) dst(%dma_wait3A_92 : memref<10240x128xf32, #tpu.memory_space<vmem_shared>>)
            tpu.yield
          }) : () -> ()
        }
      }
      %scan3A_12 = arith.constant 16 : i32
      %barrier3A_13 = arith.constant 0 : index
      tpu.barrier barrier_id(%barrier3A_13)
      "tpu.region"() ({
        %run_scoped3A = tpu.sem_alloc : memref<!tpu.dma_semaphore, #tpu.memory_space<semaphore_mem>>
        %dma_start3A = arith.constant 0 : i32
        %dma_start3A_14 = tpu.memref_slice %arg6[%mul3A_0, %dma_start3A] : memref<10240x128xf32, #tpu.memory_space<hbm>> -> memref<640x128xf32, #tpu.memory_space<hbm>>
        %dma_start3A_15 = arith.constant 0 : i32
        %dma_start3A_16 = tpu.memref_slice %arg12[%mul3A_0, %dma_start3A_15] : memref<10240x128xf32, #tpu.memory_space<vmem_shared>> -> memref<640x128xf32, #tpu.memory_space<vmem_shared>>
        tpu.enqueue_dma source(%dma_start3A_16 : memref<640x128xf32, #tpu.memory_space<vmem_shared>>) target(%dma_start3A_14 : memref<640x128xf32, #tpu.memory_space<hbm>>) target_semaphore(%run_scoped3A : memref<!tpu.dma_semaphore, #tpu.memory_space<semaphore_mem>>)
        %dma_wait3A = arith.constant 0 : i32
        %dma_wait3A_17 = tpu.memref_slice %arg6[%mul3A_0, %dma_wait3A] : memref<10240x128xf32, #tpu.memory_space<hbm>> -> memref<640x128xf32, #tpu.memory_space<hbm>>
        %dma_wait3A_18 = arith.constant 0 : i32
        %dma_wait3A_19 = tpu.memref_slice %arg12[%mul3A_0, %dma_wait3A_18] : memref<10240x128xf32, #tpu.memory_space<vmem_shared>> -> memref<640x128xf32, #tpu.memory_space<vmem_shared>>
        tpu.wait_dma2 semaphore(%run_scoped3A : memref<!tpu.dma_semaphore, #tpu.memory_space<semaphore_mem>>) src(%dma_wait3A_19 : memref<640x128xf32, #tpu.memory_space<vmem_shared>>) dst(%dma_wait3A_17 : memref<640x128xf32, #tpu.memory_space<hbm>>)
        tpu.yield
      }) : () -> ()
    } else {
    }
    %eq3A_3 = arith.constant 1 : i32
    %eq3A_4 = arith.cmpi eq, %arg0, %eq3A_3 : i32
    %convert_element_type3A_5 = arith.extui %eq3A_4 : i1 to i32
    %cond3A_6 = arith.constant 0 : i32
    %cond3A_7 = arith.cmpi ne, %convert_element_type3A_5, %cond3A_6 : i32
    scf.if %cond3A_7 {
      "tpu.region"() ({
        %run_scoped3A = tpu.sem_alloc : memref<!tpu.dma_semaphore, #tpu.memory_space<semaphore_mem>>
        %dma_start3A = arith.constant 0 : i32
        %dma_start3A_14 = tpu.memref_slice %arg12[%mul3A_0, %dma_start3A] : memref<10240x128xf32, #tpu.memory_space<vmem_shared>> -> memref<640x128xf32, #tpu.memory_space<vmem_shared>>
        %dma_start3A_15 = arith.constant 0 : i32
        %dma_start3A_16 = tpu.memref_slice %arg3[%mul3A_0, %dma_start3A_15] : memref<10240x128xf32, #tpu.memory_space<hbm>> -> memref<640x128xf32, #tpu.memory_space<hbm>>
        tpu.enqueue_dma source(%dma_start3A_16 : memref<640x128xf32, #tpu.memory_space<hbm>>) target(%dma_start3A_14 : memref<640x128xf32, #tpu.memory_space<vmem_shared>>) target_semaphore(%run_scoped3A : memref<!tpu.dma_semaphore, #tpu.memory_space<semaphore_mem>>)
        %dma_wait3A = arith.constant 0 : i32
        %dma_wait3A_17 = tpu.memref_slice %arg12[%mul3A_0, %dma_wait3A] : memref<10240x128xf32, #tpu.memory_space<vmem_shared>> -> memref<640x128xf32, #tpu.memory_space<vmem_shared>>
        %dma_wait3A_18 = arith.constant 0 : i32
        %dma_wait3A_19 = tpu.memref_slice %arg3[%mul3A_0, %dma_wait3A_18] : memref<10240x128xf32, #tpu.memory_space<hbm>> -> memref<640x128xf32, #tpu.memory_space<hbm>>
        tpu.wait_dma2 semaphore(%run_scoped3A : memref<!tpu.dma_semaphore, #tpu.memory_space<semaphore_mem>>) src(%dma_wait3A_19 : memref<640x128xf32, #tpu.memory_space<hbm>>) dst(%dma_wait3A_17 : memref<640x128xf32, #tpu.memory_space<vmem_shared>>)
        tpu.yield
      }) : () -> ()
      %barrier3A = arith.constant 0 : index
      tpu.barrier barrier_id(%barrier3A)
      %scan3A = arith.constant 0 : i32
      %scan3A_8 = arith.constant 0 : i32
      %scan3A_9 = arith.constant 16 : i32
      %scan3A_10 = arith.addi %scan3A_8, %scan3A_9 : i32
      %scan3A_11 = arith.constant 1 : i32
      scf.for %scan3A_14 = %scan3A_8 to %scan3A_10 step %scan3A_11  : i32 {
        %mul3A_15 = arith.constant 16 : i32
        %mul3A_16 = arith.muli %scan3A_14, %mul3A_15 : i32
        "tpu.region"() ({
          %run_scoped3A = tpu.sem_alloc : memref<!tpu.dma_semaphore, #tpu.memory_space<semaphore_mem>>
          %dma_start3A_55 = arith.constant 0 : i32
          %dma_start3A_56 = arith.constant 0 : i32
          %dma_start3A_57 = tpu.memref_slice %arg5[%arg1, %dma_start3A_55, %dma_start3A_56] : memref<16x256x80xi32, #tpu.memory_space<hbm>> -> memref<1x256x80xi32, #tpu.memory_space<hbm>>
          %dma_start3A_58 = tpu.memref_squeeze %dma_start3A_57 : memref<1x256x80xi32, #tpu.memory_space<hbm>> -> memref<256x80xi32, #tpu.memory_space<hbm>>
          %dma_start3A_59 = arith.constant 0 : i32
          %dma_start3A_60 = tpu.memref_slice %dma_start3A_58[%mul3A_16, %dma_start3A_59] : memref<256x80xi32, #tpu.memory_space<hbm>> -> memref<16x80xi32, #tpu.memory_space<hbm>>
          %dma_start3A_61 = arith.constant 0 : i32
          %dma_start3A_62 = arith.constant 0 : i32
          %dma_start3A_63 = tpu.memref_slice %arg5[%arg1, %dma_start3A_61, %dma_start3A_62] : memref<16x256x80xi32, #tpu.memory_space<hbm>> -> memref<1x256x80xi32, #tpu.memory_space<hbm>>
          %dma_start3A_64 = tpu.memref_squeeze %dma_start3A_63 : memref<1x256x80xi32, #tpu.memory_space<hbm>> -> memref<256x80xi32, #tpu.memory_space<hbm>>
          %dma_start3A_65 = arith.constant 0 : i32
          %dma_start3A_66 = tpu.memref_slice %dma_start3A_64[%mul3A_16, %dma_start3A_65] : memref<256x80xi32, #tpu.memory_space<hbm>> -> memref<16x80xi32, #tpu.memory_space<hbm>>
          tpu.enqueue_dma source(%dma_start3A_66 : memref<16x80xi32, #tpu.memory_space<hbm>>) target(%arg8 : memref<16x80xi32, #tpu.memory_space<vmem>>) target_semaphore(%run_scoped3A : memref<!tpu.dma_semaphore, #tpu.memory_space<semaphore_mem>>)
          %dma_wait3A = arith.constant 0 : i32
          %dma_wait3A_67 = arith.constant 0 : i32
          %dma_wait3A_68 = tpu.memref_slice %arg5[%arg1, %dma_wait3A, %dma_wait3A_67] : memref<16x256x80xi32, #tpu.memory_space<hbm>> -> memref<1x256x80xi32, #tpu.memory_space<hbm>>
          %dma_wait3A_69 = tpu.memref_squeeze %dma_wait3A_68 : memref<1x256x80xi32, #tpu.memory_space<hbm>> -> memref<256x80xi32, #tpu.memory_space<hbm>>
          %dma_wait3A_70 = arith.constant 0 : i32
          %dma_wait3A_71 = tpu.memref_slice %dma_wait3A_69[%mul3A_16, %dma_wait3A_70] : memref<256x80xi32, #tpu.memory_space<hbm>> -> memref<16x80xi32, #tpu.memory_space<hbm>>
          %dma_wait3A_72 = arith.constant 0 : i32
          %dma_wait3A_73 = arith.constant 0 : i32
          %dma_wait3A_74 = tpu.memref_slice %arg5[%arg1, %dma_wait3A_72, %dma_wait3A_73] : memref<16x256x80xi32, #tpu.memory_space<hbm>> -> memref<1x256x80xi32, #tpu.memory_space<hbm>>
          %dma_wait3A_75 = tpu.memref_squeeze %dma_wait3A_74 : memref<1x256x80xi32, #tpu.memory_space<hbm>> -> memref<256x80xi32, #tpu.memory_space<hbm>>
          %dma_wait3A_76 = arith.constant 0 : i32
          %dma_wait3A_77 = tpu.memref_slice %dma_wait3A_75[%mul3A_16, %dma_wait3A_76] : memref<256x80xi32, #tpu.memory_space<hbm>> -> memref<16x80xi32, #tpu.memory_space<hbm>>
          tpu.wait_dma2 semaphore(%run_scoped3A : memref<!tpu.dma_semaphore, #tpu.memory_space<semaphore_mem>>) src(%dma_wait3A_77 : memref<16x80xi32, #tpu.memory_space<hbm>>) dst(%arg8 : memref<16x80xi32, #tpu.memory_space<vmem>>)
          tpu.yield
        }) : () -> ()
        %mul3A_17 = arith.constant 16 : i32
        %mul3A_18 = arith.muli %scan3A_14, %mul3A_17 : i32
        "tpu.region"() ({
          %run_scoped3A = tpu.sem_alloc : memref<!tpu.dma_semaphore, #tpu.memory_space<semaphore_mem>>
          %dma_start3A_55 = arith.constant 0 : i32
          %dma_start3A_56 = arith.constant 0 : i32
          %dma_start3A_57 = tpu.memref_slice %arg4[%arg1, %dma_start3A_55, %dma_start3A_56] : memref<16x256x80xi32, #tpu.memory_space<hbm>> -> memref<1x256x80xi32, #tpu.memory_space<hbm>>
          %dma_start3A_58 = tpu.memref_squeeze %dma_start3A_57 : memref<1x256x80xi32, #tpu.memory_space<hbm>> -> memref<256x80xi32, #tpu.memory_space<hbm>>
          %dma_start3A_59 = arith.constant 0 : i32
          %dma_start3A_60 = tpu.memref_slice %dma_start3A_58[%mul3A_18, %dma_start3A_59] : memref<256x80xi32, #tpu.memory_space<hbm>> -> memref<16x80xi32, #tpu.memory_space<hbm>>
          %dma_start3A_61 = arith.constant 0 : i32
          %dma_start3A_62 = arith.constant 0 : i32
          %dma_start3A_63 = tpu.memref_slice %arg4[%arg1, %dma_start3A_61, %dma_start3A_62] : memref<16x256x80xi32, #tpu.memory_space<hbm>> -> memref<1x256x80xi32, #tpu.memory_space<hbm>>
          %dma_start3A_64 = tpu.memref_squeeze %dma_start3A_63 : memref<1x256x80xi32, #tpu.memory_space<hbm>> -> memref<256x80xi32, #tpu.memory_space<hbm>>
          %dma_start3A_65 = arith.constant 0 : i32
          %dma_start3A_66 = tpu.memref_slice %dma_start3A_64[%mul3A_18, %dma_start3A_65] : memref<256x80xi32, #tpu.memory_space<hbm>> -> memref<16x80xi32, #tpu.memory_space<hbm>>
          tpu.enqueue_dma source(%dma_start3A_66 : memref<16x80xi32, #tpu.memory_space<hbm>>) target(%arg9 : memref<16x80xi32, #tpu.memory_space<vmem>>) target_semaphore(%run_scoped3A : memref<!tpu.dma_semaphore, #tpu.memory_space<semaphore_mem>>)
          %dma_wait3A = arith.constant 0 : i32
          %dma_wait3A_67 = arith.constant 0 : i32
          %dma_wait3A_68 = tpu.memref_slice %arg4[%arg1, %dma_wait3A, %dma_wait3A_67] : memref<16x256x80xi32, #tpu.memory_space<hbm>> -> memref<1x256x80xi32, #tpu.memory_space<hbm>>
          %dma_wait3A_69 = tpu.memref_squeeze %dma_wait3A_68 : memref<1x256x80xi32, #tpu.memory_space<hbm>> -> memref<256x80xi32, #tpu.memory_space<hbm>>
          %dma_wait3A_70 = arith.constant 0 : i32
          %dma_wait3A_71 = tpu.memref_slice %dma_wait3A_69[%mul3A_18, %dma_wait3A_70] : memref<256x80xi32, #tpu.memory_space<hbm>> -> memref<16x80xi32, #tpu.memory_space<hbm>>
          %dma_wait3A_72 = arith.constant 0 : i32
          %dma_wait3A_73 = arith.constant 0 : i32
          %dma_wait3A_74 = tpu.memref_slice %arg4[%arg1, %dma_wait3A_72, %dma_wait3A_73] : memref<16x256x80xi32, #tpu.memory_space<hbm>> -> memref<1x256x80xi32, #tpu.memory_space<hbm>>
          %dma_wait3A_75 = tpu.memref_squeeze %dma_wait3A_74 : memref<1x256x80xi32, #tpu.memory_space<hbm>> -> memref<256x80xi32, #tpu.memory_space<hbm>>
          %dma_wait3A_76 = arith.constant 0 : i32
          %dma_wait3A_77 = tpu.memref_slice %dma_wait3A_75[%mul3A_18, %dma_wait3A_76] : memref<256x80xi32, #tpu.memory_space<hbm>> -> memref<16x80xi32, #tpu.memory_space<hbm>>
          tpu.wait_dma2 semaphore(%run_scoped3A : memref<!tpu.dma_semaphore, #tpu.memory_space<semaphore_mem>>) src(%dma_wait3A_77 : memref<16x80xi32, #tpu.memory_space<hbm>>) dst(%arg9 : memref<16x80xi32, #tpu.memory_space<vmem>>)
          tpu.yield
        }) : () -> ()
        %mul3A_19 = arith.constant 16 : i32
        %mul3A_20 = arith.muli %scan3A_14, %mul3A_19 : i32
        %sub3A = arith.constant 250 : i32
        %sub3A_21 = arith.subi %sub3A, %mul3A_20 : i32
        %min3A = arith.constant 16 : i32
        %min3A_22 = arith.minsi %min3A, %sub3A_21 : i32
        %dma_start3A = arith.constant 0 : i32
        %dma_start3A_23 = arith.constant 0 : i32
        %dma_start3A_24 = tpu.memref_slice %arg8[%dma_start3A, %dma_start3A_23] : memref<16x80xi32, #tpu.memory_space<vmem>> -> memref<1x80xi32, #tpu.memory_space<vmem>>
        %dma_start3A_25 = tpu.memref_squeeze %dma_start3A_24 : memref<1x80xi32, #tpu.memory_space<vmem>> -> memref<80xi32, #tpu.memory_space<vmem>>
        %dma_start3A_26 = arith.constant 0 : i32
        %dma_start3A_27 = arith.constant 0 : i32
        %dma_start3A_28 = tpu.memref_slice %arg3[%dma_start3A_26, %dma_start3A_27] : memref<10240x128xf32, #tpu.memory_space<hbm>> -> memref<10240x128xf32, #tpu.memory_space<hbm>>
        tpu.enqueue_indirect_dma source(%dma_start3A_28 : memref<10240x128xf32, #tpu.memory_space<hbm>>) target(%arg10 : memref<80x128xf32, #tpu.memory_space<vmem>>) offsets(%dma_start3A_25 : memref<80xi32, #tpu.memory_space<vmem>>) semaphore(%arg13 : memref<!tpu.dma_semaphore, #tpu.memory_space<semaphore_mem>>)
        %jit3A = arith.constant 2 : i32
        %div3A = arith.divsi %min3A_22, %jit3A : i32
        %sign3A = arith.constant 0 : i32
        %sign3A_29 = arith.cmpi sgt, %min3A_22, %sign3A : i32
        %sign3A_30 = arith.extui %sign3A_29 : i1 to i32
        %sign3A_31 = arith.constant 0 : i32
        %sign3A_32 = arith.cmpi slt, %min3A_22, %sign3A_31 : i32
        %sign3A_33 = arith.extui %sign3A_32 : i1 to i32
        %sign3A_34 = arith.subi %sign3A_30, %sign3A_33 : i32
        %sign3A_35 = arith.constant 0 : i32
        %sign3A_36 = arith.cmpi sgt, %jit3A, %sign3A_35 : i32
        %sign3A_37 = arith.extui %sign3A_36 : i1 to i32
        %sign3A_38 = arith.constant 0 : i32
        %sign3A_39 = arith.cmpi slt, %jit3A, %sign3A_38 : i32
        %sign3A_40 = arith.extui %sign3A_39 : i1 to i32
        %sign3A_41 = arith.subi %sign3A_37, %sign3A_40 : i32
        %ne3A = arith.cmpi ne, %sign3A_34, %sign3A_41 : i32
        %rem3A = arith.remsi %min3A_22, %jit3A : i32
        %ne3A_42 = arith.constant 0 : i32
        %ne3A_43 = arith.cmpi ne, %rem3A, %ne3A_42 : i32
        %and3A = arith.andi %ne3A, %ne3A_43 : i1
        %sub3A_44 = arith.constant 1 : i32
        %sub3A_45 = arith.subi %div3A, %sub3A_44 : i32
        %select_n3A = arith.select %and3A, %sub3A_45, %div3A : i32
        %while3A = arith.constant 0 : i32
        %while3A_46 = arith.constant 0 : i32
        %while3A_47 = arith.subi %select_n3A, %while3A_46 : i32
        %while3A_48 = arith.addi %while3A_46, %while3A_47 : i32
        %while3A_49 = arith.constant 1 : i32
        %while3A_50 = arith.divsi %while3A_47, %while3A_49 : i32
        %while3A_51 = arith.muli %while3A_50, %while3A_49 : i32
        %while3A_52 = arith.addi %while3A_46, %while3A_51 : i32
        %while3A_53 = arith.constant 1 : i32
        scf.for %while3A_55 = %while3A_46 to %while3A_52 step %while3A_53  : i32 {
          %mul3A_56 = arith.constant 2 : i32
          %mul3A_57 = arith.muli %mul3A_56, %while3A_55 : i32
          %add3A = arith.constant 1 : i32
          %add3A_58 = arith.addi %mul3A_57, %add3A : i32
          %dma_start3A_59 = arith.constant 0 : i32
          %dma_start3A_60 = tpu.memref_slice %arg8[%add3A_58, %dma_start3A_59] : memref<16x80xi32, #tpu.memory_space<vmem>> -> memref<1x80xi32, #tpu.memory_space<vmem>>
          %dma_start3A_61 = tpu.memref_squeeze %dma_start3A_60 : memref<1x80xi32, #tpu.memory_space<vmem>> -> memref<80xi32, #tpu.memory_space<vmem>>
          %dma_start3A_62 = arith.constant 0 : i32
          %dma_start3A_63 = arith.constant 0 : i32
          %dma_start3A_64 = tpu.memref_slice %arg3[%dma_start3A_62, %dma_start3A_63] : memref<10240x128xf32, #tpu.memory_space<hbm>> -> memref<10240x128xf32, #tpu.memory_space<hbm>>
          tpu.enqueue_indirect_dma source(%dma_start3A_64 : memref<10240x128xf32, #tpu.memory_space<hbm>>) target(%arg11 : memref<80x128xf32, #tpu.memory_space<vmem>>) offsets(%dma_start3A_61 : memref<80xi32, #tpu.memory_space<vmem>>) semaphore(%arg14 : memref<!tpu.dma_semaphore, #tpu.memory_space<semaphore_mem>>)
          %dma_wait3A = arith.constant 0 : i32
          %dma_wait3A_65 = tpu.memref_slice %arg8[%mul3A_57, %dma_wait3A] : memref<16x80xi32, #tpu.memory_space<vmem>> -> memref<1x80xi32, #tpu.memory_space<vmem>>
          %dma_wait3A_66 = tpu.memref_squeeze %dma_wait3A_65 : memref<1x80xi32, #tpu.memory_space<vmem>> -> memref<80xi32, #tpu.memory_space<vmem>>
          %dma_wait3A_67 = arith.constant 0 : i32
          %dma_wait3A_68 = arith.constant 0 : i32
          %dma_wait3A_69 = tpu.memref_slice %arg3[%dma_wait3A_67, %dma_wait3A_68] : memref<10240x128xf32, #tpu.memory_space<hbm>> -> memref<10240x128xf32, #tpu.memory_space<hbm>>
          tpu.wait_indirect_dma semaphore(%arg13 : memref<!tpu.dma_semaphore, #tpu.memory_space<semaphore_mem>>) src(%dma_wait3A_69 : memref<10240x128xf32, #tpu.memory_space<hbm>>) dst(%arg10 : memref<80x128xf32, #tpu.memory_space<vmem>>)
          "tpu.region"() ({
            %run_scoped3A = tpu.sem_alloc : memref<!tpu.dma_semaphore, #tpu.memory_space<semaphore_mem>>
            %dma_start3A_81 = arith.constant 0 : i32
            %dma_start3A_82 = tpu.memref_slice %arg9[%mul3A_57, %dma_start3A_81] : memref<16x80xi32, #tpu.memory_space<vmem>> -> memref<1x80xi32, #tpu.memory_space<vmem>>
            %dma_start3A_83 = tpu.memref_squeeze %dma_start3A_82 : memref<1x80xi32, #tpu.memory_space<vmem>> -> memref<80xi32, #tpu.memory_space<vmem>>
            %dma_start3A_84 = arith.constant 0 : i32
            %dma_start3A_85 = arith.constant 0 : i32
            %dma_start3A_86 = tpu.memref_slice %arg12[%dma_start3A_84, %dma_start3A_85] : memref<10240x128xf32, #tpu.memory_space<vmem_shared>> -> memref<10240x128xf32, #tpu.memory_space<vmem_shared>>
            tpu.enqueue_indirect_dma source(%arg10 : memref<80x128xf32, #tpu.memory_space<vmem>>) target(%dma_start3A_86 : memref<10240x128xf32, #tpu.memory_space<vmem_shared>>) offsets(%dma_start3A_83 : memref<80xi32, #tpu.memory_space<vmem>>) semaphore(%run_scoped3A : memref<!tpu.dma_semaphore, #tpu.memory_space<semaphore_mem>>) {add = true}
            %dma_wait3A_87 = arith.constant 0 : i32
            %dma_wait3A_88 = tpu.memref_slice %arg9[%mul3A_57, %dma_wait3A_87] : memref<16x80xi32, #tpu.memory_space<vmem>> -> memref<1x80xi32, #tpu.memory_space<vmem>>
            %dma_wait3A_89 = tpu.memref_squeeze %dma_wait3A_88 : memref<1x80xi32, #tpu.memory_space<vmem>> -> memref<80xi32, #tpu.memory_space<vmem>>
            %dma_wait3A_90 = arith.constant 0 : i32
            %dma_wait3A_91 = arith.constant 0 : i32
            %dma_wait3A_92 = tpu.memref_slice %arg12[%dma_wait3A_90, %dma_wait3A_91] : memref<10240x128xf32, #tpu.memory_space<vmem_shared>> -> memref<10240x128xf32, #tpu.memory_space<vmem_shared>>
            tpu.wait_indirect_dma semaphore(%run_scoped3A : memref<!tpu.dma_semaphore, #tpu.memory_space<semaphore_mem>>) src(%arg10 : memref<80x128xf32, #tpu.memory_space<vmem>>) dst(%dma_wait3A_92 : memref<10240x128xf32, #tpu.memory_space<vmem_shared>>)
            tpu.yield
          }) : () -> ()
          %add3A_70 = arith.constant 1 : i32
          %add3A_71 = arith.addi %add3A_58, %add3A_70 : i32
          %lt3A = arith.cmpi slt, %add3A_71, %min3A_22 : i32
          %convert_element_type3A_72 = arith.extui %lt3A : i1 to i32
          %cond3A_73 = arith.constant 0 : i32
          %cond3A_74 = arith.cmpi ne, %convert_element_type3A_72, %cond3A_73 : i32
          scf.if %cond3A_74 {
            %add3A_81 = arith.constant 1 : i32
            %add3A_82 = arith.addi %add3A_58, %add3A_81 : i32
            %dma_start3A_83 = arith.constant 0 : i32
            %dma_start3A_84 = tpu.memref_slice %arg8[%add3A_82, %dma_start3A_83] : memref<16x80xi32, #tpu.memory_space<vmem>> -> memref<1x80xi32, #tpu.memory_space<vmem>>
            %dma_start3A_85 = tpu.memref_squeeze %dma_start3A_84 : memref<1x80xi32, #tpu.memory_space<vmem>> -> memref<80xi32, #tpu.memory_space<vmem>>
            %dma_start3A_86 = arith.constant 0 : i32
            %dma_start3A_87 = arith.constant 0 : i32
            %dma_start3A_88 = tpu.memref_slice %arg3[%dma_start3A_86, %dma_start3A_87] : memref<10240x128xf32, #tpu.memory_space<hbm>> -> memref<10240x128xf32, #tpu.memory_space<hbm>>
            tpu.enqueue_indirect_dma source(%dma_start3A_88 : memref<10240x128xf32, #tpu.memory_space<hbm>>) target(%arg10 : memref<80x128xf32, #tpu.memory_space<vmem>>) offsets(%dma_start3A_85 : memref<80xi32, #tpu.memory_space<vmem>>) semaphore(%arg13 : memref<!tpu.dma_semaphore, #tpu.memory_space<semaphore_mem>>)
          } else {
          }
          %dma_wait3A_75 = arith.constant 0 : i32
          %dma_wait3A_76 = tpu.memref_slice %arg8[%add3A_58, %dma_wait3A_75] : memref<16x80xi32, #tpu.memory_space<vmem>> -> memref<1x80xi32, #tpu.memory_space<vmem>>
          %dma_wait3A_77 = tpu.memref_squeeze %dma_wait3A_76 : memref<1x80xi32, #tpu.memory_space<vmem>> -> memref<80xi32, #tpu.memory_space<vmem>>
          %dma_wait3A_78 = arith.constant 0 : i32
          %dma_wait3A_79 = arith.constant 0 : i32
          %dma_wait3A_80 = tpu.memref_slice %arg3[%dma_wait3A_78, %dma_wait3A_79] : memref<10240x128xf32, #tpu.memory_space<hbm>> -> memref<10240x128xf32, #tpu.memory_space<hbm>>
          tpu.wait_indirect_dma semaphore(%arg14 : memref<!tpu.dma_semaphore, #tpu.memory_space<semaphore_mem>>) src(%dma_wait3A_80 : memref<10240x128xf32, #tpu.memory_space<hbm>>) dst(%arg11 : memref<80x128xf32, #tpu.memory_space<vmem>>)
          "tpu.region"() ({
            %run_scoped3A = tpu.sem_alloc : memref<!tpu.dma_semaphore, #tpu.memory_space<semaphore_mem>>
            %dma_start3A_81 = arith.constant 0 : i32
            %dma_start3A_82 = tpu.memref_slice %arg9[%add3A_58, %dma_start3A_81] : memref<16x80xi32, #tpu.memory_space<vmem>> -> memref<1x80xi32, #tpu.memory_space<vmem>>
            %dma_start3A_83 = tpu.memref_squeeze %dma_start3A_82 : memref<1x80xi32, #tpu.memory_space<vmem>> -> memref<80xi32, #tpu.memory_space<vmem>>
            %dma_start3A_84 = arith.constant 0 : i32
            %dma_start3A_85 = arith.constant 0 : i32
            %dma_start3A_86 = tpu.memref_slice %arg12[%dma_start3A_84, %dma_start3A_85] : memref<10240x128xf32, #tpu.memory_space<vmem_shared>> -> memref<10240x128xf32, #tpu.memory_space<vmem_shared>>
            tpu.enqueue_indirect_dma source(%arg11 : memref<80x128xf32, #tpu.memory_space<vmem>>) target(%dma_start3A_86 : memref<10240x128xf32, #tpu.memory_space<vmem_shared>>) offsets(%dma_start3A_83 : memref<80xi32, #tpu.memory_space<vmem>>) semaphore(%run_scoped3A : memref<!tpu.dma_semaphore, #tpu.memory_space<semaphore_mem>>) {add = true}
            %dma_wait3A_87 = arith.constant 0 : i32
            %dma_wait3A_88 = tpu.memref_slice %arg9[%add3A_58, %dma_wait3A_87] : memref<16x80xi32, #tpu.memory_space<vmem>> -> memref<1x80xi32, #tpu.memory_space<vmem>>
            %dma_wait3A_89 = tpu.memref_squeeze %dma_wait3A_88 : memref<1x80xi32, #tpu.memory_space<vmem>> -> memref<80xi32, #tpu.memory_space<vmem>>
            %dma_wait3A_90 = arith.constant 0 : i32
            %dma_wait3A_91 = arith.constant 0 : i32
            %dma_wait3A_92 = tpu.memref_slice %arg12[%dma_wait3A_90, %dma_wait3A_91] : memref<10240x128xf32, #tpu.memory_space<vmem_shared>> -> memref<10240x128xf32, #tpu.memory_space<vmem_shared>>
            tpu.wait_indirect_dma semaphore(%run_scoped3A : memref<!tpu.dma_semaphore, #tpu.memory_space<semaphore_mem>>) src(%arg11 : memref<80x128xf32, #tpu.memory_space<vmem>>) dst(%dma_wait3A_92 : memref<10240x128xf32, #tpu.memory_space<vmem_shared>>)
            tpu.yield
          }) : () -> ()
        }
        %while3A_54 = arith.constant 1 : i32
        scf.for %while3A_55 = %while3A_52 to %while3A_48 step %while3A_54  : i32 {
          %mul3A_56 = arith.constant 2 : i32
          %mul3A_57 = arith.muli %mul3A_56, %while3A_55 : i32
          %add3A = arith.constant 1 : i32
          %add3A_58 = arith.addi %mul3A_57, %add3A : i32
          %dma_start3A_59 = arith.constant 0 : i32
          %dma_start3A_60 = tpu.memref_slice %arg8[%add3A_58, %dma_start3A_59] : memref<16x80xi32, #tpu.memory_space<vmem>> -> memref<1x80xi32, #tpu.memory_space<vmem>>
          %dma_start3A_61 = tpu.memref_squeeze %dma_start3A_60 : memref<1x80xi32, #tpu.memory_space<vmem>> -> memref<80xi32, #tpu.memory_space<vmem>>
          %dma_start3A_62 = arith.constant 0 : i32
          %dma_start3A_63 = arith.constant 0 : i32
          %dma_start3A_64 = tpu.memref_slice %arg3[%dma_start3A_62, %dma_start3A_63] : memref<10240x128xf32, #tpu.memory_space<hbm>> -> memref<10240x128xf32, #tpu.memory_space<hbm>>
          tpu.enqueue_indirect_dma source(%dma_start3A_64 : memref<10240x128xf32, #tpu.memory_space<hbm>>) target(%arg11 : memref<80x128xf32, #tpu.memory_space<vmem>>) offsets(%dma_start3A_61 : memref<80xi32, #tpu.memory_space<vmem>>) semaphore(%arg14 : memref<!tpu.dma_semaphore, #tpu.memory_space<semaphore_mem>>)
          %dma_wait3A = arith.constant 0 : i32
          %dma_wait3A_65 = tpu.memref_slice %arg8[%mul3A_57, %dma_wait3A] : memref<16x80xi32, #tpu.memory_space<vmem>> -> memref<1x80xi32, #tpu.memory_space<vmem>>
          %dma_wait3A_66 = tpu.memref_squeeze %dma_wait3A_65 : memref<1x80xi32, #tpu.memory_space<vmem>> -> memref<80xi32, #tpu.memory_space<vmem>>
          %dma_wait3A_67 = arith.constant 0 : i32
          %dma_wait3A_68 = arith.constant 0 : i32
          %dma_wait3A_69 = tpu.memref_slice %arg3[%dma_wait3A_67, %dma_wait3A_68] : memref<10240x128xf32, #tpu.memory_space<hbm>> -> memref<10240x128xf32, #tpu.memory_space<hbm>>
          tpu.wait_indirect_dma semaphore(%arg13 : memref<!tpu.dma_semaphore, #tpu.memory_space<semaphore_mem>>) src(%dma_wait3A_69 : memref<10240x128xf32, #tpu.memory_space<hbm>>) dst(%arg10 : memref<80x128xf32, #tpu.memory_space<vmem>>)
          "tpu.region"() ({
            %run_scoped3A = tpu.sem_alloc : memref<!tpu.dma_semaphore, #tpu.memory_space<semaphore_mem>>
            %dma_start3A_81 = arith.constant 0 : i32
            %dma_start3A_82 = tpu.memref_slice %arg9[%mul3A_57, %dma_start3A_81] : memref<16x80xi32, #tpu.memory_space<vmem>> -> memref<1x80xi32, #tpu.memory_space<vmem>>
            %dma_start3A_83 = tpu.memref_squeeze %dma_start3A_82 : memref<1x80xi32, #tpu.memory_space<vmem>> -> memref<80xi32, #tpu.memory_space<vmem>>
            %dma_start3A_84 = arith.constant 0 : i32
            %dma_start3A_85 = arith.constant 0 : i32
            %dma_start3A_86 = tpu.memref_slice %arg12[%dma_start3A_84, %dma_start3A_85] : memref<10240x128xf32, #tpu.memory_space<vmem_shared>> -> memref<10240x128xf32, #tpu.memory_space<vmem_shared>>
            tpu.enqueue_indirect_dma source(%arg10 : memref<80x128xf32, #tpu.memory_space<vmem>>) target(%dma_start3A_86 : memref<10240x128xf32, #tpu.memory_space<vmem_shared>>) offsets(%dma_start3A_83 : memref<80xi32, #tpu.memory_space<vmem>>) semaphore(%run_scoped3A : memref<!tpu.dma_semaphore, #tpu.memory_space<semaphore_mem>>) {add = true}
            %dma_wait3A_87 = arith.constant 0 : i32
            %dma_wait3A_88 = tpu.memref_slice %arg9[%mul3A_57, %dma_wait3A_87] : memref<16x80xi32, #tpu.memory_space<vmem>> -> memref<1x80xi32, #tpu.memory_space<vmem>>
            %dma_wait3A_89 = tpu.memref_squeeze %dma_wait3A_88 : memref<1x80xi32, #tpu.memory_space<vmem>> -> memref<80xi32, #tpu.memory_space<vmem>>
            %dma_wait3A_90 = arith.constant 0 : i32
            %dma_wait3A_91 = arith.constant 0 : i32
            %dma_wait3A_92 = tpu.memref_slice %arg12[%dma_wait3A_90, %dma_wait3A_91] : memref<10240x128xf32, #tpu.memory_space<vmem_shared>> -> memref<10240x128xf32, #tpu.memory_space<vmem_shared>>
            tpu.wait_indirect_dma semaphore(%run_scoped3A : memref<!tpu.dma_semaphore, #tpu.memory_space<semaphore_mem>>) src(%arg10 : memref<80x128xf32, #tpu.memory_space<vmem>>) dst(%dma_wait3A_92 : memref<10240x128xf32, #tpu.memory_space<vmem_shared>>)
            tpu.yield
          }) : () -> ()
          %add3A_70 = arith.constant 1 : i32
          %add3A_71 = arith.addi %add3A_58, %add3A_70 : i32
          %lt3A = arith.cmpi slt, %add3A_71, %min3A_22 : i32
          %convert_element_type3A_72 = arith.extui %lt3A : i1 to i32
          %cond3A_73 = arith.constant 0 : i32
          %cond3A_74 = arith.cmpi ne, %convert_element_type3A_72, %cond3A_73 : i32
          scf.if %cond3A_74 {
            %add3A_81 = arith.constant 1 : i32
            %add3A_82 = arith.addi %add3A_58, %add3A_81 : i32
            %dma_start3A_83 = arith.constant 0 : i32
            %dma_start3A_84 = tpu.memref_slice %arg8[%add3A_82, %dma_start3A_83] : memref<16x80xi32, #tpu.memory_space<vmem>> -> memref<1x80xi32, #tpu.memory_space<vmem>>
            %dma_start3A_85 = tpu.memref_squeeze %dma_start3A_84 : memref<1x80xi32, #tpu.memory_space<vmem>> -> memref<80xi32, #tpu.memory_space<vmem>>
            %dma_start3A_86 = arith.constant 0 : i32
            %dma_start3A_87 = arith.constant 0 : i32
            %dma_start3A_88 = tpu.memref_slice %arg3[%dma_start3A_86, %dma_start3A_87] : memref<10240x128xf32, #tpu.memory_space<hbm>> -> memref<10240x128xf32, #tpu.memory_space<hbm>>
            tpu.enqueue_indirect_dma source(%dma_start3A_88 : memref<10240x128xf32, #tpu.memory_space<hbm>>) target(%arg10 : memref<80x128xf32, #tpu.memory_space<vmem>>) offsets(%dma_start3A_85 : memref<80xi32, #tpu.memory_space<vmem>>) semaphore(%arg13 : memref<!tpu.dma_semaphore, #tpu.memory_space<semaphore_mem>>)
          } else {
          }
          %dma_wait3A_75 = arith.constant 0 : i32
          %dma_wait3A_76 = tpu.memref_slice %arg8[%add3A_58, %dma_wait3A_75] : memref<16x80xi32, #tpu.memory_space<vmem>> -> memref<1x80xi32, #tpu.memory_space<vmem>>
          %dma_wait3A_77 = tpu.memref_squeeze %dma_wait3A_76 : memref<1x80xi32, #tpu.memory_space<vmem>> -> memref<80xi32, #tpu.memory_space<vmem>>
          %dma_wait3A_78 = arith.constant 0 : i32
          %dma_wait3A_79 = arith.constant 0 : i32
          %dma_wait3A_80 = tpu.memref_slice %arg3[%dma_wait3A_78, %dma_wait3A_79] : memref<10240x128xf32, #tpu.memory_space<hbm>> -> memref<10240x128xf32, #tpu.memory_space<hbm>>
          tpu.wait_indirect_dma semaphore(%arg14 : memref<!tpu.dma_semaphore, #tpu.memory_space<semaphore_mem>>) src(%dma_wait3A_80 : memref<10240x128xf32, #tpu.memory_space<hbm>>) dst(%arg11 : memref<80x128xf32, #tpu.memory_space<vmem>>)
          "tpu.region"() ({
            %run_scoped3A = tpu.sem_alloc : memref<!tpu.dma_semaphore, #tpu.memory_space<semaphore_mem>>
            %dma_start3A_81 = arith.constant 0 : i32
            %dma_start3A_82 = tpu.memref_slice %arg9[%add3A_58, %dma_start3A_81] : memref<16x80xi32, #tpu.memory_space<vmem>> -> memref<1x80xi32, #tpu.memory_space<vmem>>
            %dma_start3A_83 = tpu.memref_squeeze %dma_start3A_82 : memref<1x80xi32, #tpu.memory_space<vmem>> -> memref<80xi32, #tpu.memory_space<vmem>>
            %dma_start3A_84 = arith.constant 0 : i32
            %dma_start3A_85 = arith.constant 0 : i32
            %dma_start3A_86 = tpu.memref_slice %arg12[%dma_start3A_84, %dma_start3A_85] : memref<10240x128xf32, #tpu.memory_space<vmem_shared>> -> memref<10240x128xf32, #tpu.memory_space<vmem_shared>>
            tpu.enqueue_indirect_dma source(%arg11 : memref<80x128xf32, #tpu.memory_space<vmem>>) target(%dma_start3A_86 : memref<10240x128xf32, #tpu.memory_space<vmem_shared>>) offsets(%dma_start3A_83 : memref<80xi32, #tpu.memory_space<vmem>>) semaphore(%run_scoped3A : memref<!tpu.dma_semaphore, #tpu.memory_space<semaphore_mem>>) {add = true}
            %dma_wait3A_87 = arith.constant 0 : i32
            %dma_wait3A_88 = tpu.memref_slice %arg9[%add3A_58, %dma_wait3A_87] : memref<16x80xi32, #tpu.memory_space<vmem>> -> memref<1x80xi32, #tpu.memory_space<vmem>>
            %dma_wait3A_89 = tpu.memref_squeeze %dma_wait3A_88 : memref<1x80xi32, #tpu.memory_space<vmem>> -> memref<80xi32, #tpu.memory_space<vmem>>
            %dma_wait3A_90 = arith.constant 0 : i32
            %dma_wait3A_91 = arith.constant 0 : i32
            %dma_wait3A_92 = tpu.memref_slice %arg12[%dma_wait3A_90, %dma_wait3A_91] : memref<10240x128xf32, #tpu.memory_space<vmem_shared>> -> memref<10240x128xf32, #tpu.memory_space<vmem_shared>>
            tpu.wait_indirect_dma semaphore(%run_scoped3A : memref<!tpu.dma_semaphore, #tpu.memory_space<semaphore_mem>>) src(%arg11 : memref<80x128xf32, #tpu.memory_space<vmem>>) dst(%dma_wait3A_92 : memref<10240x128xf32, #tpu.memory_space<vmem_shared>>)
            tpu.yield
          }) : () -> ()
        }
      }
      %scan3A_12 = arith.constant 16 : i32
      %barrier3A_13 = arith.constant 0 : index
      tpu.barrier barrier_id(%barrier3A_13)
      "tpu.region"() ({
        %run_scoped3A = tpu.sem_alloc : memref<!tpu.dma_semaphore, #tpu.memory_space<semaphore_mem>>
        %dma_start3A = arith.constant 0 : i32
        %dma_start3A_14 = tpu.memref_slice %arg7[%mul3A_0, %dma_start3A] : memref<10240x128xf32, #tpu.memory_space<hbm>> -> memref<640x128xf32, #tpu.memory_space<hbm>>
        %dma_start3A_15 = arith.constant 0 : i32
        %dma_start3A_16 = tpu.memref_slice %arg12[%mul3A_0, %dma_start3A_15] : memref<10240x128xf32, #tpu.memory_space<vmem_shared>> -> memref<640x128xf32, #tpu.memory_space<vmem_shared>>
        tpu.enqueue_dma source(%dma_start3A_16 : memref<640x128xf32, #tpu.memory_space<vmem_shared>>) target(%dma_start3A_14 : memref<640x128xf32, #tpu.memory_space<hbm>>) target_semaphore(%run_scoped3A : memref<!tpu.dma_semaphore, #tpu.memory_space<semaphore_mem>>)
        %dma_wait3A = arith.constant 0 : i32
        %dma_wait3A_17 = tpu.memref_slice %arg7[%mul3A_0, %dma_wait3A] : memref<10240x128xf32, #tpu.memory_space<hbm>> -> memref<640x128xf32, #tpu.memory_space<hbm>>
        %dma_wait3A_18 = arith.constant 0 : i32
        %dma_wait3A_19 = tpu.memref_slice %arg12[%mul3A_0, %dma_wait3A_18] : memref<10240x128xf32, #tpu.memory_space<vmem_shared>> -> memref<640x128xf32, #tpu.memory_space<vmem_shared>>
        tpu.wait_dma2 semaphore(%run_scoped3A : memref<!tpu.dma_semaphore, #tpu.memory_space<semaphore_mem>>) src(%dma_wait3A_19 : memref<640x128xf32, #tpu.memory_space<vmem_shared>>) dst(%dma_wait3A_17 : memref<640x128xf32, #tpu.memory_space<hbm>>)
        tpu.yield
      }) : () -> ()
    } else {
    }
    return
  }
}

#map = affine_map<(d0, d1) -> (0, 0)>
#map1 = affine_map<(d0, d1) -> (0, 0, 0)>
module attributes {stable_mosaic.version = 14 : i64} {
  func.func @_agg_body(%arg0: i32, %arg1: i32, %arg2: memref<10240x128xf32, #tpu.memory_space<hbm>>, %arg3: memref<10240x128xf32, #tpu.memory_space<hbm>>, %arg4: memref<16x256x80xi32, #tpu.memory_space<hbm>>, %arg5: memref<16x256x80xi32, #tpu.memory_space<hbm>>, %arg6: memref<10240x128xf32, #tpu.memory_space<hbm>>, %arg7: memref<10240x128xf32, #tpu.memory_space<hbm>>, %arg8: memref<16x80xi32, #tpu.memory_space<vmem>>, %arg9: memref<16x80xi32, #tpu.memory_space<vmem>>, %arg10: memref<80x128xf32, #tpu.memory_space<vmem>>, %arg11: memref<80x128xf32, #tpu.memory_space<vmem>>, %arg12: memref<10240x128xf32, #tpu.memory_space<vmem_shared>>, %arg13: memref<!tpu.dma_semaphore, #tpu.memory_space<semaphore_mem>>, %arg14: memref<!tpu.dma_semaphore, #tpu.memory_space<semaphore_mem>>) attributes {dimension_semantics = [#tpu.dimension_semantics<core_parallel>, #tpu.dimension_semantics<subcore_parallel>], iteration_bounds = array<i64: 2, 16>, scalar_prefetch = 0 : i64, scratch_operands = 7 : i64, tpu.core_type = #tpu.core_type<sc_vector_subcore>, window_params = [{transform_indices = #map}, {transform_indices = #map}, {transform_indices = #map1}, {transform_indices = #map1}, {transform_indices = #map}, {transform_indices = #map}]} {
    %mul3A = arith.constant 640 : i32
    %mul3A_0 = arith.muli %arg1, %mul3A : i32
    %eq3A = arith.constant 0 : i32
    %eq3A_1 = arith.cmpi eq, %arg0, %eq3A : i32
    %convert_element_type3A = arith.extui %eq3A_1 : i1 to i32
    %cond3A = arith.constant 0 : i32
    %cond3A_2 = arith.cmpi ne, %convert_element_type3A, %cond3A : i32
    scf.if %cond3A_2 {
      "tpu.region"() ({
        %run_scoped3A = tpu.sem_alloc : memref<!tpu.dma_semaphore, #tpu.memory_space<semaphore_mem>>
        %dma_start3A = arith.constant 0 : i32
        %dma_start3A_14 = tpu.memref_slice %arg12[%mul3A_0, %dma_start3A] : memref<10240x128xf32, #tpu.memory_space<vmem_shared>> -> memref<640x128xf32, #tpu.memory_space<vmem_shared>>
        %dma_start3A_15 = arith.constant 0 : i32
        %dma_start3A_16 = tpu.memref_slice %arg2[%mul3A_0, %dma_start3A_15] : memref<10240x128xf32, #tpu.memory_space<hbm>> -> memref<640x128xf32, #tpu.memory_space<hbm>>
        tpu.enqueue_dma source(%dma_start3A_16 : memref<640x128xf32, #tpu.memory_space<hbm>>) target(%dma_start3A_14 : memref<640x128xf32, #tpu.memory_space<vmem_shared>>) target_semaphore(%run_scoped3A : memref<!tpu.dma_semaphore, #tpu.memory_space<semaphore_mem>>)
        %dma_wait3A = arith.constant 0 : i32
        %dma_wait3A_17 = tpu.memref_slice %arg12[%mul3A_0, %dma_wait3A] : memref<10240x128xf32, #tpu.memory_space<vmem_shared>> -> memref<640x128xf32, #tpu.memory_space<vmem_shared>>
        %dma_wait3A_18 = arith.constant 0 : i32
        %dma_wait3A_19 = tpu.memref_slice %arg2[%mul3A_0, %dma_wait3A_18] : memref<10240x128xf32, #tpu.memory_space<hbm>> -> memref<640x128xf32, #tpu.memory_space<hbm>>
        tpu.wait_dma2 semaphore(%run_scoped3A : memref<!tpu.dma_semaphore, #tpu.memory_space<semaphore_mem>>) src(%dma_wait3A_19 : memref<640x128xf32, #tpu.memory_space<hbm>>) dst(%dma_wait3A_17 : memref<640x128xf32, #tpu.memory_space<vmem_shared>>)
        tpu.yield
      }) : () -> ()
      %barrier3A = arith.constant 0 : index
      tpu.barrier barrier_id(%barrier3A)
      %scan3A = arith.constant 0 : i32
      %scan3A_8 = arith.constant 0 : i32
      %scan3A_9 = arith.constant 16 : i32
      %scan3A_10 = arith.addi %scan3A_8, %scan3A_9 : i32
      %scan3A_11 = arith.constant 1 : i32
      scf.for %scan3A_14 = %scan3A_8 to %scan3A_10 step %scan3A_11  : i32 {
        %mul3A_15 = arith.constant 16 : i32
        %mul3A_16 = arith.muli %scan3A_14, %mul3A_15 : i32
        "tpu.region"() ({
          %run_scoped3A = tpu.sem_alloc : memref<!tpu.dma_semaphore, #tpu.memory_space<semaphore_mem>>
          %dma_start3A_55 = arith.constant 0 : i32
          %dma_start3A_56 = arith.constant 0 : i32
          %dma_start3A_57 = tpu.memref_slice %arg4[%arg1, %dma_start3A_55, %dma_start3A_56] : memref<16x256x80xi32, #tpu.memory_space<hbm>> -> memref<1x256x80xi32, #tpu.memory_space<hbm>>
          %dma_start3A_58 = tpu.memref_squeeze %dma_start3A_57 : memref<1x256x80xi32, #tpu.memory_space<hbm>> -> memref<256x80xi32, #tpu.memory_space<hbm>>
          %dma_start3A_59 = arith.constant 0 : i32
          %dma_start3A_60 = tpu.memref_slice %dma_start3A_58[%mul3A_16, %dma_start3A_59] : memref<256x80xi32, #tpu.memory_space<hbm>> -> memref<16x80xi32, #tpu.memory_space<hbm>>
          %dma_start3A_61 = arith.constant 0 : i32
          %dma_start3A_62 = arith.constant 0 : i32
          %dma_start3A_63 = tpu.memref_slice %arg4[%arg1, %dma_start3A_61, %dma_start3A_62] : memref<16x256x80xi32, #tpu.memory_space<hbm>> -> memref<1x256x80xi32, #tpu.memory_space<hbm>>
          %dma_start3A_64 = tpu.memref_squeeze %dma_start3A_63 : memref<1x256x80xi32, #tpu.memory_space<hbm>> -> memref<256x80xi32, #tpu.memory_space<hbm>>
          %dma_start3A_65 = arith.constant 0 : i32
          %dma_start3A_66 = tpu.memref_slice %dma_start3A_64[%mul3A_16, %dma_start3A_65] : memref<256x80xi32, #tpu.memory_space<hbm>> -> memref<16x80xi32, #tpu.memory_space<hbm>>
          tpu.enqueue_dma source(%dma_start3A_66 : memref<16x80xi32, #tpu.memory_space<hbm>>) target(%arg8 : memref<16x80xi32, #tpu.memory_space<vmem>>) target_semaphore(%run_scoped3A : memref<!tpu.dma_semaphore, #tpu.memory_space<semaphore_mem>>)
          %dma_wait3A = arith.constant 0 : i32
          %dma_wait3A_67 = arith.constant 0 : i32
          %dma_wait3A_68 = tpu.memref_slice %arg4[%arg1, %dma_wait3A, %dma_wait3A_67] : memref<16x256x80xi32, #tpu.memory_space<hbm>> -> memref<1x256x80xi32, #tpu.memory_space<hbm>>
          %dma_wait3A_69 = tpu.memref_squeeze %dma_wait3A_68 : memref<1x256x80xi32, #tpu.memory_space<hbm>> -> memref<256x80xi32, #tpu.memory_space<hbm>>
          %dma_wait3A_70 = arith.constant 0 : i32
          %dma_wait3A_71 = tpu.memref_slice %dma_wait3A_69[%mul3A_16, %dma_wait3A_70] : memref<256x80xi32, #tpu.memory_space<hbm>> -> memref<16x80xi32, #tpu.memory_space<hbm>>
          %dma_wait3A_72 = arith.constant 0 : i32
          %dma_wait3A_73 = arith.constant 0 : i32
          %dma_wait3A_74 = tpu.memref_slice %arg4[%arg1, %dma_wait3A_72, %dma_wait3A_73] : memref<16x256x80xi32, #tpu.memory_space<hbm>> -> memref<1x256x80xi32, #tpu.memory_space<hbm>>
          %dma_wait3A_75 = tpu.memref_squeeze %dma_wait3A_74 : memref<1x256x80xi32, #tpu.memory_space<hbm>> -> memref<256x80xi32, #tpu.memory_space<hbm>>
          %dma_wait3A_76 = arith.constant 0 : i32
          %dma_wait3A_77 = tpu.memref_slice %dma_wait3A_75[%mul3A_16, %dma_wait3A_76] : memref<256x80xi32, #tpu.memory_space<hbm>> -> memref<16x80xi32, #tpu.memory_space<hbm>>
          tpu.wait_dma2 semaphore(%run_scoped3A : memref<!tpu.dma_semaphore, #tpu.memory_space<semaphore_mem>>) src(%dma_wait3A_77 : memref<16x80xi32, #tpu.memory_space<hbm>>) dst(%arg8 : memref<16x80xi32, #tpu.memory_space<vmem>>)
          tpu.yield
        }) : () -> ()
        %mul3A_17 = arith.constant 16 : i32
        %mul3A_18 = arith.muli %scan3A_14, %mul3A_17 : i32
        "tpu.region"() ({
          %run_scoped3A = tpu.sem_alloc : memref<!tpu.dma_semaphore, #tpu.memory_space<semaphore_mem>>
          %dma_start3A_55 = arith.constant 0 : i32
          %dma_start3A_56 = arith.constant 0 : i32
          %dma_start3A_57 = tpu.memref_slice %arg5[%arg1, %dma_start3A_55, %dma_start3A_56] : memref<16x256x80xi32, #tpu.memory_space<hbm>> -> memref<1x256x80xi32, #tpu.memory_space<hbm>>
          %dma_start3A_58 = tpu.memref_squeeze %dma_start3A_57 : memref<1x256x80xi32, #tpu.memory_space<hbm>> -> memref<256x80xi32, #tpu.memory_space<hbm>>
          %dma_start3A_59 = arith.constant 0 : i32
          %dma_start3A_60 = tpu.memref_slice %dma_start3A_58[%mul3A_18, %dma_start3A_59] : memref<256x80xi32, #tpu.memory_space<hbm>> -> memref<16x80xi32, #tpu.memory_space<hbm>>
          %dma_start3A_61 = arith.constant 0 : i32
          %dma_start3A_62 = arith.constant 0 : i32
          %dma_start3A_63 = tpu.memref_slice %arg5[%arg1, %dma_start3A_61, %dma_start3A_62] : memref<16x256x80xi32, #tpu.memory_space<hbm>> -> memref<1x256x80xi32, #tpu.memory_space<hbm>>
          %dma_start3A_64 = tpu.memref_squeeze %dma_start3A_63 : memref<1x256x80xi32, #tpu.memory_space<hbm>> -> memref<256x80xi32, #tpu.memory_space<hbm>>
          %dma_start3A_65 = arith.constant 0 : i32
          %dma_start3A_66 = tpu.memref_slice %dma_start3A_64[%mul3A_18, %dma_start3A_65] : memref<256x80xi32, #tpu.memory_space<hbm>> -> memref<16x80xi32, #tpu.memory_space<hbm>>
          tpu.enqueue_dma source(%dma_start3A_66 : memref<16x80xi32, #tpu.memory_space<hbm>>) target(%arg9 : memref<16x80xi32, #tpu.memory_space<vmem>>) target_semaphore(%run_scoped3A : memref<!tpu.dma_semaphore, #tpu.memory_space<semaphore_mem>>)
          %dma_wait3A = arith.constant 0 : i32
          %dma_wait3A_67 = arith.constant 0 : i32
          %dma_wait3A_68 = tpu.memref_slice %arg5[%arg1, %dma_wait3A, %dma_wait3A_67] : memref<16x256x80xi32, #tpu.memory_space<hbm>> -> memref<1x256x80xi32, #tpu.memory_space<hbm>>
          %dma_wait3A_69 = tpu.memref_squeeze %dma_wait3A_68 : memref<1x256x80xi32, #tpu.memory_space<hbm>> -> memref<256x80xi32, #tpu.memory_space<hbm>>
          %dma_wait3A_70 = arith.constant 0 : i32
          %dma_wait3A_71 = tpu.memref_slice %dma_wait3A_69[%mul3A_18, %dma_wait3A_70] : memref<256x80xi32, #tpu.memory_space<hbm>> -> memref<16x80xi32, #tpu.memory_space<hbm>>
          %dma_wait3A_72 = arith.constant 0 : i32
          %dma_wait3A_73 = arith.constant 0 : i32
          %dma_wait3A_74 = tpu.memref_slice %arg5[%arg1, %dma_wait3A_72, %dma_wait3A_73] : memref<16x256x80xi32, #tpu.memory_space<hbm>> -> memref<1x256x80xi32, #tpu.memory_space<hbm>>
          %dma_wait3A_75 = tpu.memref_squeeze %dma_wait3A_74 : memref<1x256x80xi32, #tpu.memory_space<hbm>> -> memref<256x80xi32, #tpu.memory_space<hbm>>
          %dma_wait3A_76 = arith.constant 0 : i32
          %dma_wait3A_77 = tpu.memref_slice %dma_wait3A_75[%mul3A_18, %dma_wait3A_76] : memref<256x80xi32, #tpu.memory_space<hbm>> -> memref<16x80xi32, #tpu.memory_space<hbm>>
          tpu.wait_dma2 semaphore(%run_scoped3A : memref<!tpu.dma_semaphore, #tpu.memory_space<semaphore_mem>>) src(%dma_wait3A_77 : memref<16x80xi32, #tpu.memory_space<hbm>>) dst(%arg9 : memref<16x80xi32, #tpu.memory_space<vmem>>)
          tpu.yield
        }) : () -> ()
        %mul3A_19 = arith.constant 16 : i32
        %mul3A_20 = arith.muli %scan3A_14, %mul3A_19 : i32
        %sub3A = arith.constant 250 : i32
        %sub3A_21 = arith.subi %sub3A, %mul3A_20 : i32
        %min3A = arith.constant 16 : i32
        %min3A_22 = arith.minsi %min3A, %sub3A_21 : i32
        %dma_start3A = arith.constant 0 : i32
        %dma_start3A_23 = arith.constant 0 : i32
        %dma_start3A_24 = tpu.memref_slice %arg8[%dma_start3A, %dma_start3A_23] : memref<16x80xi32, #tpu.memory_space<vmem>> -> memref<1x80xi32, #tpu.memory_space<vmem>>
        %dma_start3A_25 = tpu.memref_squeeze %dma_start3A_24 : memref<1x80xi32, #tpu.memory_space<vmem>> -> memref<80xi32, #tpu.memory_space<vmem>>
        %dma_start3A_26 = arith.constant 0 : i32
        %dma_start3A_27 = arith.constant 0 : i32
        %dma_start3A_28 = tpu.memref_slice %arg2[%dma_start3A_26, %dma_start3A_27] : memref<10240x128xf32, #tpu.memory_space<hbm>> -> memref<10240x128xf32, #tpu.memory_space<hbm>>
        tpu.enqueue_indirect_dma source(%dma_start3A_28 : memref<10240x128xf32, #tpu.memory_space<hbm>>) target(%arg10 : memref<80x128xf32, #tpu.memory_space<vmem>>) offsets(%dma_start3A_25 : memref<80xi32, #tpu.memory_space<vmem>>) semaphore(%arg13 : memref<!tpu.dma_semaphore, #tpu.memory_space<semaphore_mem>>)
        %jit3A = arith.constant 2 : i32
        %div3A = arith.divsi %min3A_22, %jit3A : i32
        %sign3A = arith.constant 0 : i32
        %sign3A_29 = arith.cmpi sgt, %min3A_22, %sign3A : i32
        %sign3A_30 = arith.extui %sign3A_29 : i1 to i32
        %sign3A_31 = arith.constant 0 : i32
        %sign3A_32 = arith.cmpi slt, %min3A_22, %sign3A_31 : i32
        %sign3A_33 = arith.extui %sign3A_32 : i1 to i32
        %sign3A_34 = arith.subi %sign3A_30, %sign3A_33 : i32
        %sign3A_35 = arith.constant 0 : i32
        %sign3A_36 = arith.cmpi sgt, %jit3A, %sign3A_35 : i32
        %sign3A_37 = arith.extui %sign3A_36 : i1 to i32
        %sign3A_38 = arith.constant 0 : i32
        %sign3A_39 = arith.cmpi slt, %jit3A, %sign3A_38 : i32
        %sign3A_40 = arith.extui %sign3A_39 : i1 to i32
        %sign3A_41 = arith.subi %sign3A_37, %sign3A_40 : i32
        %ne3A = arith.cmpi ne, %sign3A_34, %sign3A_41 : i32
        %rem3A = arith.remsi %min3A_22, %jit3A : i32
        %ne3A_42 = arith.constant 0 : i32
        %ne3A_43 = arith.cmpi ne, %rem3A, %ne3A_42 : i32
        %and3A = arith.andi %ne3A, %ne3A_43 : i1
        %sub3A_44 = arith.constant 1 : i32
        %sub3A_45 = arith.subi %div3A, %sub3A_44 : i32
        %select_n3A = arith.select %and3A, %sub3A_45, %div3A : i32
        %while3A = arith.constant 0 : i32
        %while3A_46 = arith.constant 0 : i32
        %while3A_47 = arith.subi %select_n3A, %while3A_46 : i32
        %while3A_48 = arith.addi %while3A_46, %while3A_47 : i32
        %while3A_49 = arith.constant 1 : i32
        %while3A_50 = arith.divsi %while3A_47, %while3A_49 : i32
        %while3A_51 = arith.muli %while3A_50, %while3A_49 : i32
        %while3A_52 = arith.addi %while3A_46, %while3A_51 : i32
        %while3A_53 = arith.constant 1 : i32
        scf.for %while3A_55 = %while3A_46 to %while3A_52 step %while3A_53  : i32 {
          %mul3A_56 = arith.constant 2 : i32
          %mul3A_57 = arith.muli %mul3A_56, %while3A_55 : i32
          %add3A = arith.constant 1 : i32
          %add3A_58 = arith.addi %mul3A_57, %add3A : i32
          %dma_start3A_59 = arith.constant 0 : i32
          %dma_start3A_60 = tpu.memref_slice %arg8[%add3A_58, %dma_start3A_59] : memref<16x80xi32, #tpu.memory_space<vmem>> -> memref<1x80xi32, #tpu.memory_space<vmem>>
          %dma_start3A_61 = tpu.memref_squeeze %dma_start3A_60 : memref<1x80xi32, #tpu.memory_space<vmem>> -> memref<80xi32, #tpu.memory_space<vmem>>
          %dma_start3A_62 = arith.constant 0 : i32
          %dma_start3A_63 = arith.constant 0 : i32
          %dma_start3A_64 = tpu.memref_slice %arg2[%dma_start3A_62, %dma_start3A_63] : memref<10240x128xf32, #tpu.memory_space<hbm>> -> memref<10240x128xf32, #tpu.memory_space<hbm>>
          tpu.enqueue_indirect_dma source(%dma_start3A_64 : memref<10240x128xf32, #tpu.memory_space<hbm>>) target(%arg11 : memref<80x128xf32, #tpu.memory_space<vmem>>) offsets(%dma_start3A_61 : memref<80xi32, #tpu.memory_space<vmem>>) semaphore(%arg14 : memref<!tpu.dma_semaphore, #tpu.memory_space<semaphore_mem>>)
          %dma_wait3A = arith.constant 0 : i32
          %dma_wait3A_65 = tpu.memref_slice %arg8[%mul3A_57, %dma_wait3A] : memref<16x80xi32, #tpu.memory_space<vmem>> -> memref<1x80xi32, #tpu.memory_space<vmem>>
          %dma_wait3A_66 = tpu.memref_squeeze %dma_wait3A_65 : memref<1x80xi32, #tpu.memory_space<vmem>> -> memref<80xi32, #tpu.memory_space<vmem>>
          %dma_wait3A_67 = arith.constant 0 : i32
          %dma_wait3A_68 = arith.constant 0 : i32
          %dma_wait3A_69 = tpu.memref_slice %arg2[%dma_wait3A_67, %dma_wait3A_68] : memref<10240x128xf32, #tpu.memory_space<hbm>> -> memref<10240x128xf32, #tpu.memory_space<hbm>>
          tpu.wait_indirect_dma semaphore(%arg13 : memref<!tpu.dma_semaphore, #tpu.memory_space<semaphore_mem>>) src(%dma_wait3A_69 : memref<10240x128xf32, #tpu.memory_space<hbm>>) dst(%arg10 : memref<80x128xf32, #tpu.memory_space<vmem>>)
          "tpu.region"() ({
            %run_scoped3A = tpu.sem_alloc : memref<!tpu.dma_semaphore, #tpu.memory_space<semaphore_mem>>
            %dma_start3A_81 = arith.constant 0 : i32
            %dma_start3A_82 = tpu.memref_slice %arg9[%mul3A_57, %dma_start3A_81] : memref<16x80xi32, #tpu.memory_space<vmem>> -> memref<1x80xi32, #tpu.memory_space<vmem>>
            %dma_start3A_83 = tpu.memref_squeeze %dma_start3A_82 : memref<1x80xi32, #tpu.memory_space<vmem>> -> memref<80xi32, #tpu.memory_space<vmem>>
            %dma_start3A_84 = arith.constant 0 : i32
            %dma_start3A_85 = arith.constant 0 : i32
            %dma_start3A_86 = tpu.memref_slice %arg12[%dma_start3A_84, %dma_start3A_85] : memref<10240x128xf32, #tpu.memory_space<vmem_shared>> -> memref<10240x128xf32, #tpu.memory_space<vmem_shared>>
            tpu.enqueue_indirect_dma source(%arg10 : memref<80x128xf32, #tpu.memory_space<vmem>>) target(%dma_start3A_86 : memref<10240x128xf32, #tpu.memory_space<vmem_shared>>) offsets(%dma_start3A_83 : memref<80xi32, #tpu.memory_space<vmem>>) semaphore(%run_scoped3A : memref<!tpu.dma_semaphore, #tpu.memory_space<semaphore_mem>>) {add = true}
            %dma_wait3A_87 = arith.constant 0 : i32
            %dma_wait3A_88 = tpu.memref_slice %arg9[%mul3A_57, %dma_wait3A_87] : memref<16x80xi32, #tpu.memory_space<vmem>> -> memref<1x80xi32, #tpu.memory_space<vmem>>
            %dma_wait3A_89 = tpu.memref_squeeze %dma_wait3A_88 : memref<1x80xi32, #tpu.memory_space<vmem>> -> memref<80xi32, #tpu.memory_space<vmem>>
            %dma_wait3A_90 = arith.constant 0 : i32
            %dma_wait3A_91 = arith.constant 0 : i32
            %dma_wait3A_92 = tpu.memref_slice %arg12[%dma_wait3A_90, %dma_wait3A_91] : memref<10240x128xf32, #tpu.memory_space<vmem_shared>> -> memref<10240x128xf32, #tpu.memory_space<vmem_shared>>
            tpu.wait_indirect_dma semaphore(%run_scoped3A : memref<!tpu.dma_semaphore, #tpu.memory_space<semaphore_mem>>) src(%arg10 : memref<80x128xf32, #tpu.memory_space<vmem>>) dst(%dma_wait3A_92 : memref<10240x128xf32, #tpu.memory_space<vmem_shared>>)
            tpu.yield
          }) : () -> ()
          %add3A_70 = arith.constant 1 : i32
          %add3A_71 = arith.addi %add3A_58, %add3A_70 : i32
          %lt3A = arith.cmpi slt, %add3A_71, %min3A_22 : i32
          %convert_element_type3A_72 = arith.extui %lt3A : i1 to i32
          %cond3A_73 = arith.constant 0 : i32
          %cond3A_74 = arith.cmpi ne, %convert_element_type3A_72, %cond3A_73 : i32
          scf.if %cond3A_74 {
            %add3A_81 = arith.constant 1 : i32
            %add3A_82 = arith.addi %add3A_58, %add3A_81 : i32
            %dma_start3A_83 = arith.constant 0 : i32
            %dma_start3A_84 = tpu.memref_slice %arg8[%add3A_82, %dma_start3A_83] : memref<16x80xi32, #tpu.memory_space<vmem>> -> memref<1x80xi32, #tpu.memory_space<vmem>>
            %dma_start3A_85 = tpu.memref_squeeze %dma_start3A_84 : memref<1x80xi32, #tpu.memory_space<vmem>> -> memref<80xi32, #tpu.memory_space<vmem>>
            %dma_start3A_86 = arith.constant 0 : i32
            %dma_start3A_87 = arith.constant 0 : i32
            %dma_start3A_88 = tpu.memref_slice %arg2[%dma_start3A_86, %dma_start3A_87] : memref<10240x128xf32, #tpu.memory_space<hbm>> -> memref<10240x128xf32, #tpu.memory_space<hbm>>
            tpu.enqueue_indirect_dma source(%dma_start3A_88 : memref<10240x128xf32, #tpu.memory_space<hbm>>) target(%arg10 : memref<80x128xf32, #tpu.memory_space<vmem>>) offsets(%dma_start3A_85 : memref<80xi32, #tpu.memory_space<vmem>>) semaphore(%arg13 : memref<!tpu.dma_semaphore, #tpu.memory_space<semaphore_mem>>)
          } else {
          }
          %dma_wait3A_75 = arith.constant 0 : i32
          %dma_wait3A_76 = tpu.memref_slice %arg8[%add3A_58, %dma_wait3A_75] : memref<16x80xi32, #tpu.memory_space<vmem>> -> memref<1x80xi32, #tpu.memory_space<vmem>>
          %dma_wait3A_77 = tpu.memref_squeeze %dma_wait3A_76 : memref<1x80xi32, #tpu.memory_space<vmem>> -> memref<80xi32, #tpu.memory_space<vmem>>
          %dma_wait3A_78 = arith.constant 0 : i32
          %dma_wait3A_79 = arith.constant 0 : i32
          %dma_wait3A_80 = tpu.memref_slice %arg2[%dma_wait3A_78, %dma_wait3A_79] : memref<10240x128xf32, #tpu.memory_space<hbm>> -> memref<10240x128xf32, #tpu.memory_space<hbm>>
          tpu.wait_indirect_dma semaphore(%arg14 : memref<!tpu.dma_semaphore, #tpu.memory_space<semaphore_mem>>) src(%dma_wait3A_80 : memref<10240x128xf32, #tpu.memory_space<hbm>>) dst(%arg11 : memref<80x128xf32, #tpu.memory_space<vmem>>)
          "tpu.region"() ({
            %run_scoped3A = tpu.sem_alloc : memref<!tpu.dma_semaphore, #tpu.memory_space<semaphore_mem>>
            %dma_start3A_81 = arith.constant 0 : i32
            %dma_start3A_82 = tpu.memref_slice %arg9[%add3A_58, %dma_start3A_81] : memref<16x80xi32, #tpu.memory_space<vmem>> -> memref<1x80xi32, #tpu.memory_space<vmem>>
            %dma_start3A_83 = tpu.memref_squeeze %dma_start3A_82 : memref<1x80xi32, #tpu.memory_space<vmem>> -> memref<80xi32, #tpu.memory_space<vmem>>
            %dma_start3A_84 = arith.constant 0 : i32
            %dma_start3A_85 = arith.constant 0 : i32
            %dma_start3A_86 = tpu.memref_slice %arg12[%dma_start3A_84, %dma_start3A_85] : memref<10240x128xf32, #tpu.memory_space<vmem_shared>> -> memref<10240x128xf32, #tpu.memory_space<vmem_shared>>
            tpu.enqueue_indirect_dma source(%arg11 : memref<80x128xf32, #tpu.memory_space<vmem>>) target(%dma_start3A_86 : memref<10240x128xf32, #tpu.memory_space<vmem_shared>>) offsets(%dma_start3A_83 : memref<80xi32, #tpu.memory_space<vmem>>) semaphore(%run_scoped3A : memref<!tpu.dma_semaphore, #tpu.memory_space<semaphore_mem>>) {add = true}
            %dma_wait3A_87 = arith.constant 0 : i32
            %dma_wait3A_88 = tpu.memref_slice %arg9[%add3A_58, %dma_wait3A_87] : memref<16x80xi32, #tpu.memory_space<vmem>> -> memref<1x80xi32, #tpu.memory_space<vmem>>
            %dma_wait3A_89 = tpu.memref_squeeze %dma_wait3A_88 : memref<1x80xi32, #tpu.memory_space<vmem>> -> memref<80xi32, #tpu.memory_space<vmem>>
            %dma_wait3A_90 = arith.constant 0 : i32
            %dma_wait3A_91 = arith.constant 0 : i32
            %dma_wait3A_92 = tpu.memref_slice %arg12[%dma_wait3A_90, %dma_wait3A_91] : memref<10240x128xf32, #tpu.memory_space<vmem_shared>> -> memref<10240x128xf32, #tpu.memory_space<vmem_shared>>
            tpu.wait_indirect_dma semaphore(%run_scoped3A : memref<!tpu.dma_semaphore, #tpu.memory_space<semaphore_mem>>) src(%arg11 : memref<80x128xf32, #tpu.memory_space<vmem>>) dst(%dma_wait3A_92 : memref<10240x128xf32, #tpu.memory_space<vmem_shared>>)
            tpu.yield
          }) : () -> ()
        }
        %while3A_54 = arith.constant 1 : i32
        scf.for %while3A_55 = %while3A_52 to %while3A_48 step %while3A_54  : i32 {
          %mul3A_56 = arith.constant 2 : i32
          %mul3A_57 = arith.muli %mul3A_56, %while3A_55 : i32
          %add3A = arith.constant 1 : i32
          %add3A_58 = arith.addi %mul3A_57, %add3A : i32
          %dma_start3A_59 = arith.constant 0 : i32
          %dma_start3A_60 = tpu.memref_slice %arg8[%add3A_58, %dma_start3A_59] : memref<16x80xi32, #tpu.memory_space<vmem>> -> memref<1x80xi32, #tpu.memory_space<vmem>>
          %dma_start3A_61 = tpu.memref_squeeze %dma_start3A_60 : memref<1x80xi32, #tpu.memory_space<vmem>> -> memref<80xi32, #tpu.memory_space<vmem>>
          %dma_start3A_62 = arith.constant 0 : i32
          %dma_start3A_63 = arith.constant 0 : i32
          %dma_start3A_64 = tpu.memref_slice %arg2[%dma_start3A_62, %dma_start3A_63] : memref<10240x128xf32, #tpu.memory_space<hbm>> -> memref<10240x128xf32, #tpu.memory_space<hbm>>
          tpu.enqueue_indirect_dma source(%dma_start3A_64 : memref<10240x128xf32, #tpu.memory_space<hbm>>) target(%arg11 : memref<80x128xf32, #tpu.memory_space<vmem>>) offsets(%dma_start3A_61 : memref<80xi32, #tpu.memory_space<vmem>>) semaphore(%arg14 : memref<!tpu.dma_semaphore, #tpu.memory_space<semaphore_mem>>)
          %dma_wait3A = arith.constant 0 : i32
          %dma_wait3A_65 = tpu.memref_slice %arg8[%mul3A_57, %dma_wait3A] : memref<16x80xi32, #tpu.memory_space<vmem>> -> memref<1x80xi32, #tpu.memory_space<vmem>>
          %dma_wait3A_66 = tpu.memref_squeeze %dma_wait3A_65 : memref<1x80xi32, #tpu.memory_space<vmem>> -> memref<80xi32, #tpu.memory_space<vmem>>
          %dma_wait3A_67 = arith.constant 0 : i32
          %dma_wait3A_68 = arith.constant 0 : i32
          %dma_wait3A_69 = tpu.memref_slice %arg2[%dma_wait3A_67, %dma_wait3A_68] : memref<10240x128xf32, #tpu.memory_space<hbm>> -> memref<10240x128xf32, #tpu.memory_space<hbm>>
          tpu.wait_indirect_dma semaphore(%arg13 : memref<!tpu.dma_semaphore, #tpu.memory_space<semaphore_mem>>) src(%dma_wait3A_69 : memref<10240x128xf32, #tpu.memory_space<hbm>>) dst(%arg10 : memref<80x128xf32, #tpu.memory_space<vmem>>)
          "tpu.region"() ({
            %run_scoped3A = tpu.sem_alloc : memref<!tpu.dma_semaphore, #tpu.memory_space<semaphore_mem>>
            %dma_start3A_81 = arith.constant 0 : i32
            %dma_start3A_82 = tpu.memref_slice %arg9[%mul3A_57, %dma_start3A_81] : memref<16x80xi32, #tpu.memory_space<vmem>> -> memref<1x80xi32, #tpu.memory_space<vmem>>
            %dma_start3A_83 = tpu.memref_squeeze %dma_start3A_82 : memref<1x80xi32, #tpu.memory_space<vmem>> -> memref<80xi32, #tpu.memory_space<vmem>>
            %dma_start3A_84 = arith.constant 0 : i32
            %dma_start3A_85 = arith.constant 0 : i32
            %dma_start3A_86 = tpu.memref_slice %arg12[%dma_start3A_84, %dma_start3A_85] : memref<10240x128xf32, #tpu.memory_space<vmem_shared>> -> memref<10240x128xf32, #tpu.memory_space<vmem_shared>>
            tpu.enqueue_indirect_dma source(%arg10 : memref<80x128xf32, #tpu.memory_space<vmem>>) target(%dma_start3A_86 : memref<10240x128xf32, #tpu.memory_space<vmem_shared>>) offsets(%dma_start3A_83 : memref<80xi32, #tpu.memory_space<vmem>>) semaphore(%run_scoped3A : memref<!tpu.dma_semaphore, #tpu.memory_space<semaphore_mem>>) {add = true}
            %dma_wait3A_87 = arith.constant 0 : i32
            %dma_wait3A_88 = tpu.memref_slice %arg9[%mul3A_57, %dma_wait3A_87] : memref<16x80xi32, #tpu.memory_space<vmem>> -> memref<1x80xi32, #tpu.memory_space<vmem>>
            %dma_wait3A_89 = tpu.memref_squeeze %dma_wait3A_88 : memref<1x80xi32, #tpu.memory_space<vmem>> -> memref<80xi32, #tpu.memory_space<vmem>>
            %dma_wait3A_90 = arith.constant 0 : i32
            %dma_wait3A_91 = arith.constant 0 : i32
            %dma_wait3A_92 = tpu.memref_slice %arg12[%dma_wait3A_90, %dma_wait3A_91] : memref<10240x128xf32, #tpu.memory_space<vmem_shared>> -> memref<10240x128xf32, #tpu.memory_space<vmem_shared>>
            tpu.wait_indirect_dma semaphore(%run_scoped3A : memref<!tpu.dma_semaphore, #tpu.memory_space<semaphore_mem>>) src(%arg10 : memref<80x128xf32, #tpu.memory_space<vmem>>) dst(%dma_wait3A_92 : memref<10240x128xf32, #tpu.memory_space<vmem_shared>>)
            tpu.yield
          }) : () -> ()
          %add3A_70 = arith.constant 1 : i32
          %add3A_71 = arith.addi %add3A_58, %add3A_70 : i32
          %lt3A = arith.cmpi slt, %add3A_71, %min3A_22 : i32
          %convert_element_type3A_72 = arith.extui %lt3A : i1 to i32
          %cond3A_73 = arith.constant 0 : i32
          %cond3A_74 = arith.cmpi ne, %convert_element_type3A_72, %cond3A_73 : i32
          scf.if %cond3A_74 {
            %add3A_81 = arith.constant 1 : i32
            %add3A_82 = arith.addi %add3A_58, %add3A_81 : i32
            %dma_start3A_83 = arith.constant 0 : i32
            %dma_start3A_84 = tpu.memref_slice %arg8[%add3A_82, %dma_start3A_83] : memref<16x80xi32, #tpu.memory_space<vmem>> -> memref<1x80xi32, #tpu.memory_space<vmem>>
            %dma_start3A_85 = tpu.memref_squeeze %dma_start3A_84 : memref<1x80xi32, #tpu.memory_space<vmem>> -> memref<80xi32, #tpu.memory_space<vmem>>
            %dma_start3A_86 = arith.constant 0 : i32
            %dma_start3A_87 = arith.constant 0 : i32
            %dma_start3A_88 = tpu.memref_slice %arg2[%dma_start3A_86, %dma_start3A_87] : memref<10240x128xf32, #tpu.memory_space<hbm>> -> memref<10240x128xf32, #tpu.memory_space<hbm>>
            tpu.enqueue_indirect_dma source(%dma_start3A_88 : memref<10240x128xf32, #tpu.memory_space<hbm>>) target(%arg10 : memref<80x128xf32, #tpu.memory_space<vmem>>) offsets(%dma_start3A_85 : memref<80xi32, #tpu.memory_space<vmem>>) semaphore(%arg13 : memref<!tpu.dma_semaphore, #tpu.memory_space<semaphore_mem>>)
          } else {
          }
          %dma_wait3A_75 = arith.constant 0 : i32
          %dma_wait3A_76 = tpu.memref_slice %arg8[%add3A_58, %dma_wait3A_75] : memref<16x80xi32, #tpu.memory_space<vmem>> -> memref<1x80xi32, #tpu.memory_space<vmem>>
          %dma_wait3A_77 = tpu.memref_squeeze %dma_wait3A_76 : memref<1x80xi32, #tpu.memory_space<vmem>> -> memref<80xi32, #tpu.memory_space<vmem>>
          %dma_wait3A_78 = arith.constant 0 : i32
          %dma_wait3A_79 = arith.constant 0 : i32
          %dma_wait3A_80 = tpu.memref_slice %arg2[%dma_wait3A_78, %dma_wait3A_79] : memref<10240x128xf32, #tpu.memory_space<hbm>> -> memref<10240x128xf32, #tpu.memory_space<hbm>>
          tpu.wait_indirect_dma semaphore(%arg14 : memref<!tpu.dma_semaphore, #tpu.memory_space<semaphore_mem>>) src(%dma_wait3A_80 : memref<10240x128xf32, #tpu.memory_space<hbm>>) dst(%arg11 : memref<80x128xf32, #tpu.memory_space<vmem>>)
          "tpu.region"() ({
            %run_scoped3A = tpu.sem_alloc : memref<!tpu.dma_semaphore, #tpu.memory_space<semaphore_mem>>
            %dma_start3A_81 = arith.constant 0 : i32
            %dma_start3A_82 = tpu.memref_slice %arg9[%add3A_58, %dma_start3A_81] : memref<16x80xi32, #tpu.memory_space<vmem>> -> memref<1x80xi32, #tpu.memory_space<vmem>>
            %dma_start3A_83 = tpu.memref_squeeze %dma_start3A_82 : memref<1x80xi32, #tpu.memory_space<vmem>> -> memref<80xi32, #tpu.memory_space<vmem>>
            %dma_start3A_84 = arith.constant 0 : i32
            %dma_start3A_85 = arith.constant 0 : i32
            %dma_start3A_86 = tpu.memref_slice %arg12[%dma_start3A_84, %dma_start3A_85] : memref<10240x128xf32, #tpu.memory_space<vmem_shared>> -> memref<10240x128xf32, #tpu.memory_space<vmem_shared>>
            tpu.enqueue_indirect_dma source(%arg11 : memref<80x128xf32, #tpu.memory_space<vmem>>) target(%dma_start3A_86 : memref<10240x128xf32, #tpu.memory_space<vmem_shared>>) offsets(%dma_start3A_83 : memref<80xi32, #tpu.memory_space<vmem>>) semaphore(%run_scoped3A : memref<!tpu.dma_semaphore, #tpu.memory_space<semaphore_mem>>) {add = true}
            %dma_wait3A_87 = arith.constant 0 : i32
            %dma_wait3A_88 = tpu.memref_slice %arg9[%add3A_58, %dma_wait3A_87] : memref<16x80xi32, #tpu.memory_space<vmem>> -> memref<1x80xi32, #tpu.memory_space<vmem>>
            %dma_wait3A_89 = tpu.memref_squeeze %dma_wait3A_88 : memref<1x80xi32, #tpu.memory_space<vmem>> -> memref<80xi32, #tpu.memory_space<vmem>>
            %dma_wait3A_90 = arith.constant 0 : i32
            %dma_wait3A_91 = arith.constant 0 : i32
            %dma_wait3A_92 = tpu.memref_slice %arg12[%dma_wait3A_90, %dma_wait3A_91] : memref<10240x128xf32, #tpu.memory_space<vmem_shared>> -> memref<10240x128xf32, #tpu.memory_space<vmem_shared>>
            tpu.wait_indirect_dma semaphore(%run_scoped3A : memref<!tpu.dma_semaphore, #tpu.memory_space<semaphore_mem>>) src(%arg11 : memref<80x128xf32, #tpu.memory_space<vmem>>) dst(%dma_wait3A_92 : memref<10240x128xf32, #tpu.memory_space<vmem_shared>>)
            tpu.yield
          }) : () -> ()
        }
      }
      %scan3A_12 = arith.constant 16 : i32
      %barrier3A_13 = arith.constant 0 : index
      tpu.barrier barrier_id(%barrier3A_13)
      "tpu.region"() ({
        %run_scoped3A = tpu.sem_alloc : memref<!tpu.dma_semaphore, #tpu.memory_space<semaphore_mem>>
        %dma_start3A = arith.constant 0 : i32
        %dma_start3A_14 = tpu.memref_slice %arg6[%mul3A_0, %dma_start3A] : memref<10240x128xf32, #tpu.memory_space<hbm>> -> memref<640x128xf32, #tpu.memory_space<hbm>>
        %dma_start3A_15 = arith.constant 0 : i32
        %dma_start3A_16 = tpu.memref_slice %arg12[%mul3A_0, %dma_start3A_15] : memref<10240x128xf32, #tpu.memory_space<vmem_shared>> -> memref<640x128xf32, #tpu.memory_space<vmem_shared>>
        tpu.enqueue_dma source(%dma_start3A_16 : memref<640x128xf32, #tpu.memory_space<vmem_shared>>) target(%dma_start3A_14 : memref<640x128xf32, #tpu.memory_space<hbm>>) target_semaphore(%run_scoped3A : memref<!tpu.dma_semaphore, #tpu.memory_space<semaphore_mem>>)
        %dma_wait3A = arith.constant 0 : i32
        %dma_wait3A_17 = tpu.memref_slice %arg6[%mul3A_0, %dma_wait3A] : memref<10240x128xf32, #tpu.memory_space<hbm>> -> memref<640x128xf32, #tpu.memory_space<hbm>>
        %dma_wait3A_18 = arith.constant 0 : i32
        %dma_wait3A_19 = tpu.memref_slice %arg12[%mul3A_0, %dma_wait3A_18] : memref<10240x128xf32, #tpu.memory_space<vmem_shared>> -> memref<640x128xf32, #tpu.memory_space<vmem_shared>>
        tpu.wait_dma2 semaphore(%run_scoped3A : memref<!tpu.dma_semaphore, #tpu.memory_space<semaphore_mem>>) src(%dma_wait3A_19 : memref<640x128xf32, #tpu.memory_space<vmem_shared>>) dst(%dma_wait3A_17 : memref<640x128xf32, #tpu.memory_space<hbm>>)
        tpu.yield
      }) : () -> ()
    } else {
    }
    %eq3A_3 = arith.constant 1 : i32
    %eq3A_4 = arith.cmpi eq, %arg0, %eq3A_3 : i32
    %convert_element_type3A_5 = arith.extui %eq3A_4 : i1 to i32
    %cond3A_6 = arith.constant 0 : i32
    %cond3A_7 = arith.cmpi ne, %convert_element_type3A_5, %cond3A_6 : i32
    scf.if %cond3A_7 {
      "tpu.region"() ({
        %run_scoped3A = tpu.sem_alloc : memref<!tpu.dma_semaphore, #tpu.memory_space<semaphore_mem>>
        %dma_start3A = arith.constant 0 : i32
        %dma_start3A_14 = tpu.memref_slice %arg12[%mul3A_0, %dma_start3A] : memref<10240x128xf32, #tpu.memory_space<vmem_shared>> -> memref<640x128xf32, #tpu.memory_space<vmem_shared>>
        %dma_start3A_15 = arith.constant 0 : i32
        %dma_start3A_16 = tpu.memref_slice %arg3[%mul3A_0, %dma_start3A_15] : memref<10240x128xf32, #tpu.memory_space<hbm>> -> memref<640x128xf32, #tpu.memory_space<hbm>>
        tpu.enqueue_dma source(%dma_start3A_16 : memref<640x128xf32, #tpu.memory_space<hbm>>) target(%dma_start3A_14 : memref<640x128xf32, #tpu.memory_space<vmem_shared>>) target_semaphore(%run_scoped3A : memref<!tpu.dma_semaphore, #tpu.memory_space<semaphore_mem>>)
        %dma_wait3A = arith.constant 0 : i32
        %dma_wait3A_17 = tpu.memref_slice %arg12[%mul3A_0, %dma_wait3A] : memref<10240x128xf32, #tpu.memory_space<vmem_shared>> -> memref<640x128xf32, #tpu.memory_space<vmem_shared>>
        %dma_wait3A_18 = arith.constant 0 : i32
        %dma_wait3A_19 = tpu.memref_slice %arg3[%mul3A_0, %dma_wait3A_18] : memref<10240x128xf32, #tpu.memory_space<hbm>> -> memref<640x128xf32, #tpu.memory_space<hbm>>
        tpu.wait_dma2 semaphore(%run_scoped3A : memref<!tpu.dma_semaphore, #tpu.memory_space<semaphore_mem>>) src(%dma_wait3A_19 : memref<640x128xf32, #tpu.memory_space<hbm>>) dst(%dma_wait3A_17 : memref<640x128xf32, #tpu.memory_space<vmem_shared>>)
        tpu.yield
      }) : () -> ()
      %barrier3A = arith.constant 0 : index
      tpu.barrier barrier_id(%barrier3A)
      %scan3A = arith.constant 0 : i32
      %scan3A_8 = arith.constant 0 : i32
      %scan3A_9 = arith.constant 16 : i32
      %scan3A_10 = arith.addi %scan3A_8, %scan3A_9 : i32
      %scan3A_11 = arith.constant 1 : i32
      scf.for %scan3A_14 = %scan3A_8 to %scan3A_10 step %scan3A_11  : i32 {
        %mul3A_15 = arith.constant 16 : i32
        %mul3A_16 = arith.muli %scan3A_14, %mul3A_15 : i32
        "tpu.region"() ({
          %run_scoped3A = tpu.sem_alloc : memref<!tpu.dma_semaphore, #tpu.memory_space<semaphore_mem>>
          %dma_start3A_55 = arith.constant 0 : i32
          %dma_start3A_56 = arith.constant 0 : i32
          %dma_start3A_57 = tpu.memref_slice %arg5[%arg1, %dma_start3A_55, %dma_start3A_56] : memref<16x256x80xi32, #tpu.memory_space<hbm>> -> memref<1x256x80xi32, #tpu.memory_space<hbm>>
          %dma_start3A_58 = tpu.memref_squeeze %dma_start3A_57 : memref<1x256x80xi32, #tpu.memory_space<hbm>> -> memref<256x80xi32, #tpu.memory_space<hbm>>
          %dma_start3A_59 = arith.constant 0 : i32
          %dma_start3A_60 = tpu.memref_slice %dma_start3A_58[%mul3A_16, %dma_start3A_59] : memref<256x80xi32, #tpu.memory_space<hbm>> -> memref<16x80xi32, #tpu.memory_space<hbm>>
          %dma_start3A_61 = arith.constant 0 : i32
          %dma_start3A_62 = arith.constant 0 : i32
          %dma_start3A_63 = tpu.memref_slice %arg5[%arg1, %dma_start3A_61, %dma_start3A_62] : memref<16x256x80xi32, #tpu.memory_space<hbm>> -> memref<1x256x80xi32, #tpu.memory_space<hbm>>
          %dma_start3A_64 = tpu.memref_squeeze %dma_start3A_63 : memref<1x256x80xi32, #tpu.memory_space<hbm>> -> memref<256x80xi32, #tpu.memory_space<hbm>>
          %dma_start3A_65 = arith.constant 0 : i32
          %dma_start3A_66 = tpu.memref_slice %dma_start3A_64[%mul3A_16, %dma_start3A_65] : memref<256x80xi32, #tpu.memory_space<hbm>> -> memref<16x80xi32, #tpu.memory_space<hbm>>
          tpu.enqueue_dma source(%dma_start3A_66 : memref<16x80xi32, #tpu.memory_space<hbm>>) target(%arg8 : memref<16x80xi32, #tpu.memory_space<vmem>>) target_semaphore(%run_scoped3A : memref<!tpu.dma_semaphore, #tpu.memory_space<semaphore_mem>>)
          %dma_wait3A = arith.constant 0 : i32
          %dma_wait3A_67 = arith.constant 0 : i32
          %dma_wait3A_68 = tpu.memref_slice %arg5[%arg1, %dma_wait3A, %dma_wait3A_67] : memref<16x256x80xi32, #tpu.memory_space<hbm>> -> memref<1x256x80xi32, #tpu.memory_space<hbm>>
          %dma_wait3A_69 = tpu.memref_squeeze %dma_wait3A_68 : memref<1x256x80xi32, #tpu.memory_space<hbm>> -> memref<256x80xi32, #tpu.memory_space<hbm>>
          %dma_wait3A_70 = arith.constant 0 : i32
          %dma_wait3A_71 = tpu.memref_slice %dma_wait3A_69[%mul3A_16, %dma_wait3A_70] : memref<256x80xi32, #tpu.memory_space<hbm>> -> memref<16x80xi32, #tpu.memory_space<hbm>>
          %dma_wait3A_72 = arith.constant 0 : i32
          %dma_wait3A_73 = arith.constant 0 : i32
          %dma_wait3A_74 = tpu.memref_slice %arg5[%arg1, %dma_wait3A_72, %dma_wait3A_73] : memref<16x256x80xi32, #tpu.memory_space<hbm>> -> memref<1x256x80xi32, #tpu.memory_space<hbm>>
          %dma_wait3A_75 = tpu.memref_squeeze %dma_wait3A_74 : memref<1x256x80xi32, #tpu.memory_space<hbm>> -> memref<256x80xi32, #tpu.memory_space<hbm>>
          %dma_wait3A_76 = arith.constant 0 : i32
          %dma_wait3A_77 = tpu.memref_slice %dma_wait3A_75[%mul3A_16, %dma_wait3A_76] : memref<256x80xi32, #tpu.memory_space<hbm>> -> memref<16x80xi32, #tpu.memory_space<hbm>>
          tpu.wait_dma2 semaphore(%run_scoped3A : memref<!tpu.dma_semaphore, #tpu.memory_space<semaphore_mem>>) src(%dma_wait3A_77 : memref<16x80xi32, #tpu.memory_space<hbm>>) dst(%arg8 : memref<16x80xi32, #tpu.memory_space<vmem>>)
          tpu.yield
        }) : () -> ()
        %mul3A_17 = arith.constant 16 : i32
        %mul3A_18 = arith.muli %scan3A_14, %mul3A_17 : i32
        "tpu.region"() ({
          %run_scoped3A = tpu.sem_alloc : memref<!tpu.dma_semaphore, #tpu.memory_space<semaphore_mem>>
          %dma_start3A_55 = arith.constant 0 : i32
          %dma_start3A_56 = arith.constant 0 : i32
          %dma_start3A_57 = tpu.memref_slice %arg4[%arg1, %dma_start3A_55, %dma_start3A_56] : memref<16x256x80xi32, #tpu.memory_space<hbm>> -> memref<1x256x80xi32, #tpu.memory_space<hbm>>
          %dma_start3A_58 = tpu.memref_squeeze %dma_start3A_57 : memref<1x256x80xi32, #tpu.memory_space<hbm>> -> memref<256x80xi32, #tpu.memory_space<hbm>>
          %dma_start3A_59 = arith.constant 0 : i32
          %dma_start3A_60 = tpu.memref_slice %dma_start3A_58[%mul3A_18, %dma_start3A_59] : memref<256x80xi32, #tpu.memory_space<hbm>> -> memref<16x80xi32, #tpu.memory_space<hbm>>
          %dma_start3A_61 = arith.constant 0 : i32
          %dma_start3A_62 = arith.constant 0 : i32
          %dma_start3A_63 = tpu.memref_slice %arg4[%arg1, %dma_start3A_61, %dma_start3A_62] : memref<16x256x80xi32, #tpu.memory_space<hbm>> -> memref<1x256x80xi32, #tpu.memory_space<hbm>>
          %dma_start3A_64 = tpu.memref_squeeze %dma_start3A_63 : memref<1x256x80xi32, #tpu.memory_space<hbm>> -> memref<256x80xi32, #tpu.memory_space<hbm>>
          %dma_start3A_65 = arith.constant 0 : i32
          %dma_start3A_66 = tpu.memref_slice %dma_start3A_64[%mul3A_18, %dma_start3A_65] : memref<256x80xi32, #tpu.memory_space<hbm>> -> memref<16x80xi32, #tpu.memory_space<hbm>>
          tpu.enqueue_dma source(%dma_start3A_66 : memref<16x80xi32, #tpu.memory_space<hbm>>) target(%arg9 : memref<16x80xi32, #tpu.memory_space<vmem>>) target_semaphore(%run_scoped3A : memref<!tpu.dma_semaphore, #tpu.memory_space<semaphore_mem>>)
          %dma_wait3A = arith.constant 0 : i32
          %dma_wait3A_67 = arith.constant 0 : i32
          %dma_wait3A_68 = tpu.memref_slice %arg4[%arg1, %dma_wait3A, %dma_wait3A_67] : memref<16x256x80xi32, #tpu.memory_space<hbm>> -> memref<1x256x80xi32, #tpu.memory_space<hbm>>
          %dma_wait3A_69 = tpu.memref_squeeze %dma_wait3A_68 : memref<1x256x80xi32, #tpu.memory_space<hbm>> -> memref<256x80xi32, #tpu.memory_space<hbm>>
          %dma_wait3A_70 = arith.constant 0 : i32
          %dma_wait3A_71 = tpu.memref_slice %dma_wait3A_69[%mul3A_18, %dma_wait3A_70] : memref<256x80xi32, #tpu.memory_space<hbm>> -> memref<16x80xi32, #tpu.memory_space<hbm>>
          %dma_wait3A_72 = arith.constant 0 : i32
          %dma_wait3A_73 = arith.constant 0 : i32
          %dma_wait3A_74 = tpu.memref_slice %arg4[%arg1, %dma_wait3A_72, %dma_wait3A_73] : memref<16x256x80xi32, #tpu.memory_space<hbm>> -> memref<1x256x80xi32, #tpu.memory_space<hbm>>
          %dma_wait3A_75 = tpu.memref_squeeze %dma_wait3A_74 : memref<1x256x80xi32, #tpu.memory_space<hbm>> -> memref<256x80xi32, #tpu.memory_space<hbm>>
          %dma_wait3A_76 = arith.constant 0 : i32
          %dma_wait3A_77 = tpu.memref_slice %dma_wait3A_75[%mul3A_18, %dma_wait3A_76] : memref<256x80xi32, #tpu.memory_space<hbm>> -> memref<16x80xi32, #tpu.memory_space<hbm>>
          tpu.wait_dma2 semaphore(%run_scoped3A : memref<!tpu.dma_semaphore, #tpu.memory_space<semaphore_mem>>) src(%dma_wait3A_77 : memref<16x80xi32, #tpu.memory_space<hbm>>) dst(%arg9 : memref<16x80xi32, #tpu.memory_space<vmem>>)
          tpu.yield
        }) : () -> ()
        %mul3A_19 = arith.constant 16 : i32
        %mul3A_20 = arith.muli %scan3A_14, %mul3A_19 : i32
        %sub3A = arith.constant 250 : i32
        %sub3A_21 = arith.subi %sub3A, %mul3A_20 : i32
        %min3A = arith.constant 16 : i32
        %min3A_22 = arith.minsi %min3A, %sub3A_21 : i32
        %dma_start3A = arith.constant 0 : i32
        %dma_start3A_23 = arith.constant 0 : i32
        %dma_start3A_24 = tpu.memref_slice %arg8[%dma_start3A, %dma_start3A_23] : memref<16x80xi32, #tpu.memory_space<vmem>> -> memref<1x80xi32, #tpu.memory_space<vmem>>
        %dma_start3A_25 = tpu.memref_squeeze %dma_start3A_24 : memref<1x80xi32, #tpu.memory_space<vmem>> -> memref<80xi32, #tpu.memory_space<vmem>>
        %dma_start3A_26 = arith.constant 0 : i32
        %dma_start3A_27 = arith.constant 0 : i32
        %dma_start3A_28 = tpu.memref_slice %arg3[%dma_start3A_26, %dma_start3A_27] : memref<10240x128xf32, #tpu.memory_space<hbm>> -> memref<10240x128xf32, #tpu.memory_space<hbm>>
        tpu.enqueue_indirect_dma source(%dma_start3A_28 : memref<10240x128xf32, #tpu.memory_space<hbm>>) target(%arg10 : memref<80x128xf32, #tpu.memory_space<vmem>>) offsets(%dma_start3A_25 : memref<80xi32, #tpu.memory_space<vmem>>) semaphore(%arg13 : memref<!tpu.dma_semaphore, #tpu.memory_space<semaphore_mem>>)
        %jit3A = arith.constant 2 : i32
        %div3A = arith.divsi %min3A_22, %jit3A : i32
        %sign3A = arith.constant 0 : i32
        %sign3A_29 = arith.cmpi sgt, %min3A_22, %sign3A : i32
        %sign3A_30 = arith.extui %sign3A_29 : i1 to i32
        %sign3A_31 = arith.constant 0 : i32
        %sign3A_32 = arith.cmpi slt, %min3A_22, %sign3A_31 : i32
        %sign3A_33 = arith.extui %sign3A_32 : i1 to i32
        %sign3A_34 = arith.subi %sign3A_30, %sign3A_33 : i32
        %sign3A_35 = arith.constant 0 : i32
        %sign3A_36 = arith.cmpi sgt, %jit3A, %sign3A_35 : i32
        %sign3A_37 = arith.extui %sign3A_36 : i1 to i32
        %sign3A_38 = arith.constant 0 : i32
        %sign3A_39 = arith.cmpi slt, %jit3A, %sign3A_38 : i32
        %sign3A_40 = arith.extui %sign3A_39 : i1 to i32
        %sign3A_41 = arith.subi %sign3A_37, %sign3A_40 : i32
        %ne3A = arith.cmpi ne, %sign3A_34, %sign3A_41 : i32
        %rem3A = arith.remsi %min3A_22, %jit3A : i32
        %ne3A_42 = arith.constant 0 : i32
        %ne3A_43 = arith.cmpi ne, %rem3A, %ne3A_42 : i32
        %and3A = arith.andi %ne3A, %ne3A_43 : i1
        %sub3A_44 = arith.constant 1 : i32
        %sub3A_45 = arith.subi %div3A, %sub3A_44 : i32
        %select_n3A = arith.select %and3A, %sub3A_45, %div3A : i32
        %while3A = arith.constant 0 : i32
        %while3A_46 = arith.constant 0 : i32
        %while3A_47 = arith.subi %select_n3A, %while3A_46 : i32
        %while3A_48 = arith.addi %while3A_46, %while3A_47 : i32
        %while3A_49 = arith.constant 1 : i32
        %while3A_50 = arith.divsi %while3A_47, %while3A_49 : i32
        %while3A_51 = arith.muli %while3A_50, %while3A_49 : i32
        %while3A_52 = arith.addi %while3A_46, %while3A_51 : i32
        %while3A_53 = arith.constant 1 : i32
        scf.for %while3A_55 = %while3A_46 to %while3A_52 step %while3A_53  : i32 {
          %mul3A_56 = arith.constant 2 : i32
          %mul3A_57 = arith.muli %mul3A_56, %while3A_55 : i32
          %add3A = arith.constant 1 : i32
          %add3A_58 = arith.addi %mul3A_57, %add3A : i32
          %dma_start3A_59 = arith.constant 0 : i32
          %dma_start3A_60 = tpu.memref_slice %arg8[%add3A_58, %dma_start3A_59] : memref<16x80xi32, #tpu.memory_space<vmem>> -> memref<1x80xi32, #tpu.memory_space<vmem>>
          %dma_start3A_61 = tpu.memref_squeeze %dma_start3A_60 : memref<1x80xi32, #tpu.memory_space<vmem>> -> memref<80xi32, #tpu.memory_space<vmem>>
          %dma_start3A_62 = arith.constant 0 : i32
          %dma_start3A_63 = arith.constant 0 : i32
          %dma_start3A_64 = tpu.memref_slice %arg3[%dma_start3A_62, %dma_start3A_63] : memref<10240x128xf32, #tpu.memory_space<hbm>> -> memref<10240x128xf32, #tpu.memory_space<hbm>>
          tpu.enqueue_indirect_dma source(%dma_start3A_64 : memref<10240x128xf32, #tpu.memory_space<hbm>>) target(%arg11 : memref<80x128xf32, #tpu.memory_space<vmem>>) offsets(%dma_start3A_61 : memref<80xi32, #tpu.memory_space<vmem>>) semaphore(%arg14 : memref<!tpu.dma_semaphore, #tpu.memory_space<semaphore_mem>>)
          %dma_wait3A = arith.constant 0 : i32
          %dma_wait3A_65 = tpu.memref_slice %arg8[%mul3A_57, %dma_wait3A] : memref<16x80xi32, #tpu.memory_space<vmem>> -> memref<1x80xi32, #tpu.memory_space<vmem>>
          %dma_wait3A_66 = tpu.memref_squeeze %dma_wait3A_65 : memref<1x80xi32, #tpu.memory_space<vmem>> -> memref<80xi32, #tpu.memory_space<vmem>>
          %dma_wait3A_67 = arith.constant 0 : i32
          %dma_wait3A_68 = arith.constant 0 : i32
          %dma_wait3A_69 = tpu.memref_slice %arg3[%dma_wait3A_67, %dma_wait3A_68] : memref<10240x128xf32, #tpu.memory_space<hbm>> -> memref<10240x128xf32, #tpu.memory_space<hbm>>
          tpu.wait_indirect_dma semaphore(%arg13 : memref<!tpu.dma_semaphore, #tpu.memory_space<semaphore_mem>>) src(%dma_wait3A_69 : memref<10240x128xf32, #tpu.memory_space<hbm>>) dst(%arg10 : memref<80x128xf32, #tpu.memory_space<vmem>>)
          "tpu.region"() ({
            %run_scoped3A = tpu.sem_alloc : memref<!tpu.dma_semaphore, #tpu.memory_space<semaphore_mem>>
            %dma_start3A_81 = arith.constant 0 : i32
            %dma_start3A_82 = tpu.memref_slice %arg9[%mul3A_57, %dma_start3A_81] : memref<16x80xi32, #tpu.memory_space<vmem>> -> memref<1x80xi32, #tpu.memory_space<vmem>>
            %dma_start3A_83 = tpu.memref_squeeze %dma_start3A_82 : memref<1x80xi32, #tpu.memory_space<vmem>> -> memref<80xi32, #tpu.memory_space<vmem>>
            %dma_start3A_84 = arith.constant 0 : i32
            %dma_start3A_85 = arith.constant 0 : i32
            %dma_start3A_86 = tpu.memref_slice %arg12[%dma_start3A_84, %dma_start3A_85] : memref<10240x128xf32, #tpu.memory_space<vmem_shared>> -> memref<10240x128xf32, #tpu.memory_space<vmem_shared>>
            tpu.enqueue_indirect_dma source(%arg10 : memref<80x128xf32, #tpu.memory_space<vmem>>) target(%dma_start3A_86 : memref<10240x128xf32, #tpu.memory_space<vmem_shared>>) offsets(%dma_start3A_83 : memref<80xi32, #tpu.memory_space<vmem>>) semaphore(%run_scoped3A : memref<!tpu.dma_semaphore, #tpu.memory_space<semaphore_mem>>) {add = true}
            %dma_wait3A_87 = arith.constant 0 : i32
            %dma_wait3A_88 = tpu.memref_slice %arg9[%mul3A_57, %dma_wait3A_87] : memref<16x80xi32, #tpu.memory_space<vmem>> -> memref<1x80xi32, #tpu.memory_space<vmem>>
            %dma_wait3A_89 = tpu.memref_squeeze %dma_wait3A_88 : memref<1x80xi32, #tpu.memory_space<vmem>> -> memref<80xi32, #tpu.memory_space<vmem>>
            %dma_wait3A_90 = arith.constant 0 : i32
            %dma_wait3A_91 = arith.constant 0 : i32
            %dma_wait3A_92 = tpu.memref_slice %arg12[%dma_wait3A_90, %dma_wait3A_91] : memref<10240x128xf32, #tpu.memory_space<vmem_shared>> -> memref<10240x128xf32, #tpu.memory_space<vmem_shared>>
            tpu.wait_indirect_dma semaphore(%run_scoped3A : memref<!tpu.dma_semaphore, #tpu.memory_space<semaphore_mem>>) src(%arg10 : memref<80x128xf32, #tpu.memory_space<vmem>>) dst(%dma_wait3A_92 : memref<10240x128xf32, #tpu.memory_space<vmem_shared>>)
            tpu.yield
          }) : () -> ()
          %add3A_70 = arith.constant 1 : i32
          %add3A_71 = arith.addi %add3A_58, %add3A_70 : i32
          %lt3A = arith.cmpi slt, %add3A_71, %min3A_22 : i32
          %convert_element_type3A_72 = arith.extui %lt3A : i1 to i32
          %cond3A_73 = arith.constant 0 : i32
          %cond3A_74 = arith.cmpi ne, %convert_element_type3A_72, %cond3A_73 : i32
          scf.if %cond3A_74 {
            %add3A_81 = arith.constant 1 : i32
            %add3A_82 = arith.addi %add3A_58, %add3A_81 : i32
            %dma_start3A_83 = arith.constant 0 : i32
            %dma_start3A_84 = tpu.memref_slice %arg8[%add3A_82, %dma_start3A_83] : memref<16x80xi32, #tpu.memory_space<vmem>> -> memref<1x80xi32, #tpu.memory_space<vmem>>
            %dma_start3A_85 = tpu.memref_squeeze %dma_start3A_84 : memref<1x80xi32, #tpu.memory_space<vmem>> -> memref<80xi32, #tpu.memory_space<vmem>>
            %dma_start3A_86 = arith.constant 0 : i32
            %dma_start3A_87 = arith.constant 0 : i32
            %dma_start3A_88 = tpu.memref_slice %arg3[%dma_start3A_86, %dma_start3A_87] : memref<10240x128xf32, #tpu.memory_space<hbm>> -> memref<10240x128xf32, #tpu.memory_space<hbm>>
            tpu.enqueue_indirect_dma source(%dma_start3A_88 : memref<10240x128xf32, #tpu.memory_space<hbm>>) target(%arg10 : memref<80x128xf32, #tpu.memory_space<vmem>>) offsets(%dma_start3A_85 : memref<80xi32, #tpu.memory_space<vmem>>) semaphore(%arg13 : memref<!tpu.dma_semaphore, #tpu.memory_space<semaphore_mem>>)
          } else {
          }
          %dma_wait3A_75 = arith.constant 0 : i32
          %dma_wait3A_76 = tpu.memref_slice %arg8[%add3A_58, %dma_wait3A_75] : memref<16x80xi32, #tpu.memory_space<vmem>> -> memref<1x80xi32, #tpu.memory_space<vmem>>
          %dma_wait3A_77 = tpu.memref_squeeze %dma_wait3A_76 : memref<1x80xi32, #tpu.memory_space<vmem>> -> memref<80xi32, #tpu.memory_space<vmem>>
          %dma_wait3A_78 = arith.constant 0 : i32
          %dma_wait3A_79 = arith.constant 0 : i32
          %dma_wait3A_80 = tpu.memref_slice %arg3[%dma_wait3A_78, %dma_wait3A_79] : memref<10240x128xf32, #tpu.memory_space<hbm>> -> memref<10240x128xf32, #tpu.memory_space<hbm>>
          tpu.wait_indirect_dma semaphore(%arg14 : memref<!tpu.dma_semaphore, #tpu.memory_space<semaphore_mem>>) src(%dma_wait3A_80 : memref<10240x128xf32, #tpu.memory_space<hbm>>) dst(%arg11 : memref<80x128xf32, #tpu.memory_space<vmem>>)
          "tpu.region"() ({
            %run_scoped3A = tpu.sem_alloc : memref<!tpu.dma_semaphore, #tpu.memory_space<semaphore_mem>>
            %dma_start3A_81 = arith.constant 0 : i32
            %dma_start3A_82 = tpu.memref_slice %arg9[%add3A_58, %dma_start3A_81] : memref<16x80xi32, #tpu.memory_space<vmem>> -> memref<1x80xi32, #tpu.memory_space<vmem>>
            %dma_start3A_83 = tpu.memref_squeeze %dma_start3A_82 : memref<1x80xi32, #tpu.memory_space<vmem>> -> memref<80xi32, #tpu.memory_space<vmem>>
            %dma_start3A_84 = arith.constant 0 : i32
            %dma_start3A_85 = arith.constant 0 : i32
            %dma_start3A_86 = tpu.memref_slice %arg12[%dma_start3A_84, %dma_start3A_85] : memref<10240x128xf32, #tpu.memory_space<vmem_shared>> -> memref<10240x128xf32, #tpu.memory_space<vmem_shared>>
            tpu.enqueue_indirect_dma source(%arg11 : memref<80x128xf32, #tpu.memory_space<vmem>>) target(%dma_start3A_86 : memref<10240x128xf32, #tpu.memory_space<vmem_shared>>) offsets(%dma_start3A_83 : memref<80xi32, #tpu.memory_space<vmem>>) semaphore(%run_scoped3A : memref<!tpu.dma_semaphore, #tpu.memory_space<semaphore_mem>>) {add = true}
            %dma_wait3A_87 = arith.constant 0 : i32
            %dma_wait3A_88 = tpu.memref_slice %arg9[%add3A_58, %dma_wait3A_87] : memref<16x80xi32, #tpu.memory_space<vmem>> -> memref<1x80xi32, #tpu.memory_space<vmem>>
            %dma_wait3A_89 = tpu.memref_squeeze %dma_wait3A_88 : memref<1x80xi32, #tpu.memory_space<vmem>> -> memref<80xi32, #tpu.memory_space<vmem>>
            %dma_wait3A_90 = arith.constant 0 : i32
            %dma_wait3A_91 = arith.constant 0 : i32
            %dma_wait3A_92 = tpu.memref_slice %arg12[%dma_wait3A_90, %dma_wait3A_91] : memref<10240x128xf32, #tpu.memory_space<vmem_shared>> -> memref<10240x128xf32, #tpu.memory_space<vmem_shared>>
            tpu.wait_indirect_dma semaphore(%run_scoped3A : memref<!tpu.dma_semaphore, #tpu.memory_space<semaphore_mem>>) src(%arg11 : memref<80x128xf32, #tpu.memory_space<vmem>>) dst(%dma_wait3A_92 : memref<10240x128xf32, #tpu.memory_space<vmem_shared>>)
            tpu.yield
          }) : () -> ()
        }
        %while3A_54 = arith.constant 1 : i32
        scf.for %while3A_55 = %while3A_52 to %while3A_48 step %while3A_54  : i32 {
          %mul3A_56 = arith.constant 2 : i32
          %mul3A_57 = arith.muli %mul3A_56, %while3A_55 : i32
          %add3A = arith.constant 1 : i32
          %add3A_58 = arith.addi %mul3A_57, %add3A : i32
          %dma_start3A_59 = arith.constant 0 : i32
          %dma_start3A_60 = tpu.memref_slice %arg8[%add3A_58, %dma_start3A_59] : memref<16x80xi32, #tpu.memory_space<vmem>> -> memref<1x80xi32, #tpu.memory_space<vmem>>
          %dma_start3A_61 = tpu.memref_squeeze %dma_start3A_60 : memref<1x80xi32, #tpu.memory_space<vmem>> -> memref<80xi32, #tpu.memory_space<vmem>>
          %dma_start3A_62 = arith.constant 0 : i32
          %dma_start3A_63 = arith.constant 0 : i32
          %dma_start3A_64 = tpu.memref_slice %arg3[%dma_start3A_62, %dma_start3A_63] : memref<10240x128xf32, #tpu.memory_space<hbm>> -> memref<10240x128xf32, #tpu.memory_space<hbm>>
          tpu.enqueue_indirect_dma source(%dma_start3A_64 : memref<10240x128xf32, #tpu.memory_space<hbm>>) target(%arg11 : memref<80x128xf32, #tpu.memory_space<vmem>>) offsets(%dma_start3A_61 : memref<80xi32, #tpu.memory_space<vmem>>) semaphore(%arg14 : memref<!tpu.dma_semaphore, #tpu.memory_space<semaphore_mem>>)
          %dma_wait3A = arith.constant 0 : i32
          %dma_wait3A_65 = tpu.memref_slice %arg8[%mul3A_57, %dma_wait3A] : memref<16x80xi32, #tpu.memory_space<vmem>> -> memref<1x80xi32, #tpu.memory_space<vmem>>
          %dma_wait3A_66 = tpu.memref_squeeze %dma_wait3A_65 : memref<1x80xi32, #tpu.memory_space<vmem>> -> memref<80xi32, #tpu.memory_space<vmem>>
          %dma_wait3A_67 = arith.constant 0 : i32
          %dma_wait3A_68 = arith.constant 0 : i32
          %dma_wait3A_69 = tpu.memref_slice %arg3[%dma_wait3A_67, %dma_wait3A_68] : memref<10240x128xf32, #tpu.memory_space<hbm>> -> memref<10240x128xf32, #tpu.memory_space<hbm>>
          tpu.wait_indirect_dma semaphore(%arg13 : memref<!tpu.dma_semaphore, #tpu.memory_space<semaphore_mem>>) src(%dma_wait3A_69 : memref<10240x128xf32, #tpu.memory_space<hbm>>) dst(%arg10 : memref<80x128xf32, #tpu.memory_space<vmem>>)
          "tpu.region"() ({
            %run_scoped3A = tpu.sem_alloc : memref<!tpu.dma_semaphore, #tpu.memory_space<semaphore_mem>>
            %dma_start3A_81 = arith.constant 0 : i32
            %dma_start3A_82 = tpu.memref_slice %arg9[%mul3A_57, %dma_start3A_81] : memref<16x80xi32, #tpu.memory_space<vmem>> -> memref<1x80xi32, #tpu.memory_space<vmem>>
            %dma_start3A_83 = tpu.memref_squeeze %dma_start3A_82 : memref<1x80xi32, #tpu.memory_space<vmem>> -> memref<80xi32, #tpu.memory_space<vmem>>
            %dma_start3A_84 = arith.constant 0 : i32
            %dma_start3A_85 = arith.constant 0 : i32
            %dma_start3A_86 = tpu.memref_slice %arg12[%dma_start3A_84, %dma_start3A_85] : memref<10240x128xf32, #tpu.memory_space<vmem_shared>> -> memref<10240x128xf32, #tpu.memory_space<vmem_shared>>
            tpu.enqueue_indirect_dma source(%arg10 : memref<80x128xf32, #tpu.memory_space<vmem>>) target(%dma_start3A_86 : memref<10240x128xf32, #tpu.memory_space<vmem_shared>>) offsets(%dma_start3A_83 : memref<80xi32, #tpu.memory_space<vmem>>) semaphore(%run_scoped3A : memref<!tpu.dma_semaphore, #tpu.memory_space<semaphore_mem>>) {add = true}
            %dma_wait3A_87 = arith.constant 0 : i32
            %dma_wait3A_88 = tpu.memref_slice %arg9[%mul3A_57, %dma_wait3A_87] : memref<16x80xi32, #tpu.memory_space<vmem>> -> memref<1x80xi32, #tpu.memory_space<vmem>>
            %dma_wait3A_89 = tpu.memref_squeeze %dma_wait3A_88 : memref<1x80xi32, #tpu.memory_space<vmem>> -> memref<80xi32, #tpu.memory_space<vmem>>
            %dma_wait3A_90 = arith.constant 0 : i32
            %dma_wait3A_91 = arith.constant 0 : i32
            %dma_wait3A_92 = tpu.memref_slice %arg12[%dma_wait3A_90, %dma_wait3A_91] : memref<10240x128xf32, #tpu.memory_space<vmem_shared>> -> memref<10240x128xf32, #tpu.memory_space<vmem_shared>>
            tpu.wait_indirect_dma semaphore(%run_scoped3A : memref<!tpu.dma_semaphore, #tpu.memory_space<semaphore_mem>>) src(%arg10 : memref<80x128xf32, #tpu.memory_space<vmem>>) dst(%dma_wait3A_92 : memref<10240x128xf32, #tpu.memory_space<vmem_shared>>)
            tpu.yield
          }) : () -> ()
          %add3A_70 = arith.constant 1 : i32
          %add3A_71 = arith.addi %add3A_58, %add3A_70 : i32
          %lt3A = arith.cmpi slt, %add3A_71, %min3A_22 : i32
          %convert_element_type3A_72 = arith.extui %lt3A : i1 to i32
          %cond3A_73 = arith.constant 0 : i32
          %cond3A_74 = arith.cmpi ne, %convert_element_type3A_72, %cond3A_73 : i32
          scf.if %cond3A_74 {
            %add3A_81 = arith.constant 1 : i32
            %add3A_82 = arith.addi %add3A_58, %add3A_81 : i32
            %dma_start3A_83 = arith.constant 0 : i32
            %dma_start3A_84 = tpu.memref_slice %arg8[%add3A_82, %dma_start3A_83] : memref<16x80xi32, #tpu.memory_space<vmem>> -> memref<1x80xi32, #tpu.memory_space<vmem>>
            %dma_start3A_85 = tpu.memref_squeeze %dma_start3A_84 : memref<1x80xi32, #tpu.memory_space<vmem>> -> memref<80xi32, #tpu.memory_space<vmem>>
            %dma_start3A_86 = arith.constant 0 : i32
            %dma_start3A_87 = arith.constant 0 : i32
            %dma_start3A_88 = tpu.memref_slice %arg3[%dma_start3A_86, %dma_start3A_87] : memref<10240x128xf32, #tpu.memory_space<hbm>> -> memref<10240x128xf32, #tpu.memory_space<hbm>>
            tpu.enqueue_indirect_dma source(%dma_start3A_88 : memref<10240x128xf32, #tpu.memory_space<hbm>>) target(%arg10 : memref<80x128xf32, #tpu.memory_space<vmem>>) offsets(%dma_start3A_85 : memref<80xi32, #tpu.memory_space<vmem>>) semaphore(%arg13 : memref<!tpu.dma_semaphore, #tpu.memory_space<semaphore_mem>>)
          } else {
          }
          %dma_wait3A_75 = arith.constant 0 : i32
          %dma_wait3A_76 = tpu.memref_slice %arg8[%add3A_58, %dma_wait3A_75] : memref<16x80xi32, #tpu.memory_space<vmem>> -> memref<1x80xi32, #tpu.memory_space<vmem>>
          %dma_wait3A_77 = tpu.memref_squeeze %dma_wait3A_76 : memref<1x80xi32, #tpu.memory_space<vmem>> -> memref<80xi32, #tpu.memory_space<vmem>>
          %dma_wait3A_78 = arith.constant 0 : i32
          %dma_wait3A_79 = arith.constant 0 : i32
          %dma_wait3A_80 = tpu.memref_slice %arg3[%dma_wait3A_78, %dma_wait3A_79] : memref<10240x128xf32, #tpu.memory_space<hbm>> -> memref<10240x128xf32, #tpu.memory_space<hbm>>
          tpu.wait_indirect_dma semaphore(%arg14 : memref<!tpu.dma_semaphore, #tpu.memory_space<semaphore_mem>>) src(%dma_wait3A_80 : memref<10240x128xf32, #tpu.memory_space<hbm>>) dst(%arg11 : memref<80x128xf32, #tpu.memory_space<vmem>>)
          "tpu.region"() ({
            %run_scoped3A = tpu.sem_alloc : memref<!tpu.dma_semaphore, #tpu.memory_space<semaphore_mem>>
            %dma_start3A_81 = arith.constant 0 : i32
            %dma_start3A_82 = tpu.memref_slice %arg9[%add3A_58, %dma_start3A_81] : memref<16x80xi32, #tpu.memory_space<vmem>> -> memref<1x80xi32, #tpu.memory_space<vmem>>
            %dma_start3A_83 = tpu.memref_squeeze %dma_start3A_82 : memref<1x80xi32, #tpu.memory_space<vmem>> -> memref<80xi32, #tpu.memory_space<vmem>>
            %dma_start3A_84 = arith.constant 0 : i32
            %dma_start3A_85 = arith.constant 0 : i32
            %dma_start3A_86 = tpu.memref_slice %arg12[%dma_start3A_84, %dma_start3A_85] : memref<10240x128xf32, #tpu.memory_space<vmem_shared>> -> memref<10240x128xf32, #tpu.memory_space<vmem_shared>>
            tpu.enqueue_indirect_dma source(%arg11 : memref<80x128xf32, #tpu.memory_space<vmem>>) target(%dma_start3A_86 : memref<10240x128xf32, #tpu.memory_space<vmem_shared>>) offsets(%dma_start3A_83 : memref<80xi32, #tpu.memory_space<vmem>>) semaphore(%run_scoped3A : memref<!tpu.dma_semaphore, #tpu.memory_space<semaphore_mem>>) {add = true}
            %dma_wait3A_87 = arith.constant 0 : i32
            %dma_wait3A_88 = tpu.memref_slice %arg9[%add3A_58, %dma_wait3A_87] : memref<16x80xi32, #tpu.memory_space<vmem>> -> memref<1x80xi32, #tpu.memory_space<vmem>>
            %dma_wait3A_89 = tpu.memref_squeeze %dma_wait3A_88 : memref<1x80xi32, #tpu.memory_space<vmem>> -> memref<80xi32, #tpu.memory_space<vmem>>
            %dma_wait3A_90 = arith.constant 0 : i32
            %dma_wait3A_91 = arith.constant 0 : i32
            %dma_wait3A_92 = tpu.memref_slice %arg12[%dma_wait3A_90, %dma_wait3A_91] : memref<10240x128xf32, #tpu.memory_space<vmem_shared>> -> memref<10240x128xf32, #tpu.memory_space<vmem_shared>>
            tpu.wait_indirect_dma semaphore(%run_scoped3A : memref<!tpu.dma_semaphore, #tpu.memory_space<semaphore_mem>>) src(%arg11 : memref<80x128xf32, #tpu.memory_space<vmem>>) dst(%dma_wait3A_92 : memref<10240x128xf32, #tpu.memory_space<vmem_shared>>)
            tpu.yield
          }) : () -> ()
        }
      }
      %scan3A_12 = arith.constant 16 : i32
      %barrier3A_13 = arith.constant 0 : index
      tpu.barrier barrier_id(%barrier3A_13)
      "tpu.region"() ({
        %run_scoped3A = tpu.sem_alloc : memref<!tpu.dma_semaphore, #tpu.memory_space<semaphore_mem>>
        %dma_start3A = arith.constant 0 : i32
        %dma_start3A_14 = tpu.memref_slice %arg7[%mul3A_0, %dma_start3A] : memref<10240x128xf32, #tpu.memory_space<hbm>> -> memref<640x128xf32, #tpu.memory_space<hbm>>
        %dma_start3A_15 = arith.constant 0 : i32
        %dma_start3A_16 = tpu.memref_slice %arg12[%mul3A_0, %dma_start3A_15] : memref<10240x128xf32, #tpu.memory_space<vmem_shared>> -> memref<640x128xf32, #tpu.memory_space<vmem_shared>>
        tpu.enqueue_dma source(%dma_start3A_16 : memref<640x128xf32, #tpu.memory_space<vmem_shared>>) target(%dma_start3A_14 : memref<640x128xf32, #tpu.memory_space<hbm>>) target_semaphore(%run_scoped3A : memref<!tpu.dma_semaphore, #tpu.memory_space<semaphore_mem>>)
        %dma_wait3A = arith.constant 0 : i32
        %dma_wait3A_17 = tpu.memref_slice %arg7[%mul3A_0, %dma_wait3A] : memref<10240x128xf32, #tpu.memory_space<hbm>> -> memref<640x128xf32, #tpu.memory_space<hbm>>
        %dma_wait3A_18 = arith.constant 0 : i32
        %dma_wait3A_19 = tpu.memref_slice %arg12[%mul3A_0, %dma_wait3A_18] : memref<10240x128xf32, #tpu.memory_space<vmem_shared>> -> memref<640x128xf32, #tpu.memory_space<vmem_shared>>
        tpu.wait_dma2 semaphore(%run_scoped3A : memref<!tpu.dma_semaphore, #tpu.memory_space<semaphore_mem>>) src(%dma_wait3A_19 : memref<640x128xf32, #tpu.memory_space<vmem_shared>>) dst(%dma_wait3A_17 : memref<640x128xf32, #tpu.memory_space<hbm>>)
        tpu.yield
      }) : () -> ()
    } else {
    }
    return
  }
}

#map = affine_map<(d0, d1) -> (0, 0, 0)>
#map1 = affine_map<(d0, d1) -> (0)>
module attributes {stable_mosaic.version = 14 : i64} {
  func.func @_deg_body(%arg0: i32, %arg1: i32, %arg2: memref<16x256x80xi32, #tpu.memory_space<hbm>>, %arg3: memref<16x256x80xi32, #tpu.memory_space<hbm>>, %arg4: memref<10240xf32, #tpu.memory_space<hbm>>, %arg5: memref<10240xf32, #tpu.memory_space<hbm>>, %arg6: memref<256x80xi32, #tpu.memory_space<vmem>>, %arg7: memref<80xf32, #tpu.memory_space<vmem>>, %arg8: memref<640xf32, #tpu.memory_space<vmem>>, %arg9: memref<10240xf32, #tpu.memory_space<vmem_shared>>) attributes {dimension_semantics = [#tpu.dimension_semantics<core_parallel>, #tpu.dimension_semantics<subcore_parallel>], iteration_bounds = array<i64: 2, 16>, scalar_prefetch = 0 : i64, scratch_operands = 4 : i64, tpu.core_type = #tpu.core_type<sc_vector_subcore>, window_params = [{transform_indices = #map}, {transform_indices = #map}, {transform_indices = #map1}, {transform_indices = #map1}]} {
    %mul3A = arith.constant 640 : i32
    %mul3A_0 = arith.muli %arg1, %mul3A : i32
    %broadcast_in_dim3A = arith.constant 1.000000e+00 : f32
    %broadcast_in_dim3A_1 = vector.broadcast %broadcast_in_dim3A : f32 to vector<16xf32>
    %swap3A = arith.constant 0 : index
    %swap3A_2 = tpu.vector_load %arg7[%swap3A] {strides = array<i32>} : memref<80xf32, #tpu.memory_space<vmem>>, vector<16xf32>,
    %swap3A_3 = vector.shape_cast %swap3A_2 : vector<16xf32> to vector<16xf32>
    %swap3A_4 = vector.shape_cast %broadcast_in_dim3A_1 : vector<16xf32> to vector<16xf32>
    tpu.vector_store %arg7[%swap3A], %swap3A_4 {strides = array<i32>} : memref<80xf32, #tpu.memory_space<vmem>>, vector<16xf32>,
    %broadcast_in_dim3A_5 = arith.constant 1.000000e+00 : f32
    %broadcast_in_dim3A_6 = vector.broadcast %broadcast_in_dim3A_5 : f32 to vector<16xf32>
    %swap3A_7 = arith.constant 16 : index
    %swap3A_8 = tpu.vector_load %arg7[%swap3A_7] {strides = array<i32>} : memref<80xf32, #tpu.memory_space<vmem>>, vector<16xf32>,
    %swap3A_9 = vector.shape_cast %swap3A_8 : vector<16xf32> to vector<16xf32>
    %swap3A_10 = vector.shape_cast %broadcast_in_dim3A_6 : vector<16xf32> to vector<16xf32>
    tpu.vector_store %arg7[%swap3A_7], %swap3A_10 {strides = array<i32>} : memref<80xf32, #tpu.memory_space<vmem>>, vector<16xf32>,
    %broadcast_in_dim3A_11 = arith.constant 1.000000e+00 : f32
    %broadcast_in_dim3A_12 = vector.broadcast %broadcast_in_dim3A_11 : f32 to vector<16xf32>
    %swap3A_13 = arith.constant 32 : index
    %swap3A_14 = tpu.vector_load %arg7[%swap3A_13] {strides = array<i32>} : memref<80xf32, #tpu.memory_space<vmem>>, vector<16xf32>,
    %swap3A_15 = vector.shape_cast %swap3A_14 : vector<16xf32> to vector<16xf32>
    %swap3A_16 = vector.shape_cast %broadcast_in_dim3A_12 : vector<16xf32> to vector<16xf32>
    tpu.vector_store %arg7[%swap3A_13], %swap3A_16 {strides = array<i32>} : memref<80xf32, #tpu.memory_space<vmem>>, vector<16xf32>,
    %broadcast_in_dim3A_17 = arith.constant 1.000000e+00 : f32
    %broadcast_in_dim3A_18 = vector.broadcast %broadcast_in_dim3A_17 : f32 to vector<16xf32>
    %swap3A_19 = arith.constant 48 : index
    %swap3A_20 = tpu.vector_load %arg7[%swap3A_19] {strides = array<i32>} : memref<80xf32, #tpu.memory_space<vmem>>, vector<16xf32>,
    %swap3A_21 = vector.shape_cast %swap3A_20 : vector<16xf32> to vector<16xf32>
    %swap3A_22 = vector.shape_cast %broadcast_in_dim3A_18 : vector<16xf32> to vector<16xf32>
    tpu.vector_store %arg7[%swap3A_19], %swap3A_22 {strides = array<i32>} : memref<80xf32, #tpu.memory_space<vmem>>, vector<16xf32>,
    %broadcast_in_dim3A_23 = arith.constant 1.000000e+00 : f32
    %broadcast_in_dim3A_24 = vector.broadcast %broadcast_in_dim3A_23 : f32 to vector<16xf32>
    %swap3A_25 = arith.constant 64 : index
    %swap3A_26 = tpu.vector_load %arg7[%swap3A_25] {strides = array<i32>} : memref<80xf32, #tpu.memory_space<vmem>>, vector<16xf32>,
    %swap3A_27 = vector.shape_cast %swap3A_26 : vector<16xf32> to vector<16xf32>
    %swap3A_28 = vector.shape_cast %broadcast_in_dim3A_24 : vector<16xf32> to vector<16xf32>
    tpu.vector_store %arg7[%swap3A_25], %swap3A_28 {strides = array<i32>} : memref<80xf32, #tpu.memory_space<vmem>>, vector<16xf32>,
    %broadcast_in_dim3A_29 = arith.constant 0.000000e+00 : f32
    %broadcast_in_dim3A_30 = vector.broadcast %broadcast_in_dim3A_29 : f32 to vector<16xf32>
    %swap3A_31 = arith.constant 0 : index
    %swap3A_32 = tpu.vector_load %arg8[%swap3A_31] {strides = array<i32>} : memref<640xf32, #tpu.memory_space<vmem>>, vector<16xf32>,
    %swap3A_33 = vector.shape_cast %swap3A_32 : vector<16xf32> to vector<16xf32>
    %swap3A_34 = vector.shape_cast %broadcast_in_dim3A_30 : vector<16xf32> to vector<16xf32>
    tpu.vector_store %arg8[%swap3A_31], %swap3A_34 {strides = array<i32>} : memref<640xf32, #tpu.memory_space<vmem>>, vector<16xf32>,
    %broadcast_in_dim3A_35 = arith.constant 0.000000e+00 : f32
    %broadcast_in_dim3A_36 = vector.broadcast %broadcast_in_dim3A_35 : f32 to vector<16xf32>
    %swap3A_37 = arith.constant 16 : index
    %swap3A_38 = tpu.vector_load %arg8[%swap3A_37] {strides = array<i32>} : memref<640xf32, #tpu.memory_space<vmem>>, vector<16xf32>,
    %swap3A_39 = vector.shape_cast %swap3A_38 : vector<16xf32> to vector<16xf32>
    %swap3A_40 = vector.shape_cast %broadcast_in_dim3A_36 : vector<16xf32> to vector<16xf32>
    tpu.vector_store %arg8[%swap3A_37], %swap3A_40 {strides = array<i32>} : memref<640xf32, #tpu.memory_space<vmem>>, vector<16xf32>,
    %broadcast_in_dim3A_41 = arith.constant 0.000000e+00 : f32
    %broadcast_in_dim3A_42 = vector.broadcast %broadcast_in_dim3A_41 : f32 to vector<16xf32>
    %swap3A_43 = arith.constant 32 : index
    %swap3A_44 = tpu.vector_load %arg8[%swap3A_43] {strides = array<i32>} : memref<640xf32, #tpu.memory_space<vmem>>, vector<16xf32>,
    %swap3A_45 = vector.shape_cast %swap3A_44 : vector<16xf32> to vector<16xf32>
    %swap3A_46 = vector.shape_cast %broadcast_in_dim3A_42 : vector<16xf32> to vector<16xf32>
    tpu.vector_store %arg8[%swap3A_43], %swap3A_46 {strides = array<i32>} : memref<640xf32, #tpu.memory_space<vmem>>, vector<16xf32>,
    %broadcast_in_dim3A_47 = arith.constant 0.000000e+00 : f32
    %broadcast_in_dim3A_48 = vector.broadcast %broadcast_in_dim3A_47 : f32 to vector<16xf32>
    %swap3A_49 = arith.constant 48 : index
    %swap3A_50 = tpu.vector_load %arg8[%swap3A_49] {strides = array<i32>} : memref<640xf32, #tpu.memory_space<vmem>>, vector<16xf32>,
    %swap3A_51 = vector.shape_cast %swap3A_50 : vector<16xf32> to vector<16xf32>
    %swap3A_52 = vector.shape_cast %broadcast_in_dim3A_48 : vector<16xf32> to vector<16xf32>
    tpu.vector_store %arg8[%swap3A_49], %swap3A_52 {strides = array<i32>} : memref<640xf32, #tpu.memory_space<vmem>>, vector<16xf32>,
    %broadcast_in_dim3A_53 = arith.constant 0.000000e+00 : f32
    %broadcast_in_dim3A_54 = vector.broadcast %broadcast_in_dim3A_53 : f32 to vector<16xf32>
    %swap3A_55 = arith.constant 64 : index
    %swap3A_56 = tpu.vector_load %arg8[%swap3A_55] {strides = array<i32>} : memref<640xf32, #tpu.memory_space<vmem>>, vector<16xf32>,
    %swap3A_57 = vector.shape_cast %swap3A_56 : vector<16xf32> to vector<16xf32>
    %swap3A_58 = vector.shape_cast %broadcast_in_dim3A_54 : vector<16xf32> to vector<16xf32>
    tpu.vector_store %arg8[%swap3A_55], %swap3A_58 {strides = array<i32>} : memref<640xf32, #tpu.memory_space<vmem>>, vector<16xf32>,
    %broadcast_in_dim3A_59 = arith.constant 0.000000e+00 : f32
    %broadcast_in_dim3A_60 = vector.broadcast %broadcast_in_dim3A_59 : f32 to vector<16xf32>
    %swap3A_61 = arith.constant 80 : index
    %swap3A_62 = tpu.vector_load %arg8[%swap3A_61] {strides = array<i32>} : memref<640xf32, #tpu.memory_space<vmem>>, vector<16xf32>,
    %swap3A_63 = vector.shape_cast %swap3A_62 : vector<16xf32> to vector<16xf32>
    %swap3A_64 = vector.shape_cast %broadcast_in_dim3A_60 : vector<16xf32> to vector<16xf32>
    tpu.vector_store %arg8[%swap3A_61], %swap3A_64 {strides = array<i32>} : memref<640xf32, #tpu.memory_space<vmem>>, vector<16xf32>,
    %broadcast_in_dim3A_65 = arith.constant 0.000000e+00 : f32
    %broadcast_in_dim3A_66 = vector.broadcast %broadcast_in_dim3A_65 : f32 to vector<16xf32>
    %swap3A_67 = arith.constant 96 : index
    %swap3A_68 = tpu.vector_load %arg8[%swap3A_67] {strides = array<i32>} : memref<640xf32, #tpu.memory_space<vmem>>, vector<16xf32>,
    %swap3A_69 = vector.shape_cast %swap3A_68 : vector<16xf32> to vector<16xf32>
    %swap3A_70 = vector.shape_cast %broadcast_in_dim3A_66 : vector<16xf32> to vector<16xf32>
    tpu.vector_store %arg8[%swap3A_67], %swap3A_70 {strides = array<i32>} : memref<640xf32, #tpu.memory_space<vmem>>, vector<16xf32>,
    %broadcast_in_dim3A_71 = arith.constant 0.000000e+00 : f32
    %broadcast_in_dim3A_72 = vector.broadcast %broadcast_in_dim3A_71 : f32 to vector<16xf32>
    %swap3A_73 = arith.constant 112 : index
    %swap3A_74 = tpu.vector_load %arg8[%swap3A_73] {strides = array<i32>} : memref<640xf32, #tpu.memory_space<vmem>>, vector<16xf32>,
    %swap3A_75 = vector.shape_cast %swap3A_74 : vector<16xf32> to vector<16xf32>
    %swap3A_76 = vector.shape_cast %broadcast_in_dim3A_72 : vector<16xf32> to vector<16xf32>
    tpu.vector_store %arg8[%swap3A_73], %swap3A_76 {strides = array<i32>} : memref<640xf32, #tpu.memory_space<vmem>>, vector<16xf32>,
    %broadcast_in_dim3A_77 = arith.constant 0.000000e+00 : f32
    %broadcast_in_dim3A_78 = vector.broadcast %broadcast_in_dim3A_77 : f32 to vector<16xf32>
    %swap3A_79 = arith.constant 128 : index
    %swap3A_80 = tpu.vector_load %arg8[%swap3A_79] {strides = array<i32>} : memref<640xf32, #tpu.memory_space<vmem>>, vector<16xf32>,
    %swap3A_81 = vector.shape_cast %swap3A_80 : vector<16xf32> to vector<16xf32>
    %swap3A_82 = vector.shape_cast %broadcast_in_dim3A_78 : vector<16xf32> to vector<16xf32>
    tpu.vector_store %arg8[%swap3A_79], %swap3A_82 {strides = array<i32>} : memref<640xf32, #tpu.memory_space<vmem>>, vector<16xf32>,
    %broadcast_in_dim3A_83 = arith.constant 0.000000e+00 : f32
    %broadcast_in_dim3A_84 = vector.broadcast %broadcast_in_dim3A_83 : f32 to vector<16xf32>
    %swap3A_85 = arith.constant 144 : index
    %swap3A_86 = tpu.vector_load %arg8[%swap3A_85] {strides = array<i32>} : memref<640xf32, #tpu.memory_space<vmem>>, vector<16xf32>,
    %swap3A_87 = vector.shape_cast %swap3A_86 : vector<16xf32> to vector<16xf32>
    %swap3A_88 = vector.shape_cast %broadcast_in_dim3A_84 : vector<16xf32> to vector<16xf32>
    tpu.vector_store %arg8[%swap3A_85], %swap3A_88 {strides = array<i32>} : memref<640xf32, #tpu.memory_space<vmem>>, vector<16xf32>,
    %broadcast_in_dim3A_89 = arith.constant 0.000000e+00 : f32
    %broadcast_in_dim3A_90 = vector.broadcast %broadcast_in_dim3A_89 : f32 to vector<16xf32>
    %swap3A_91 = arith.constant 160 : index
    %swap3A_92 = tpu.vector_load %arg8[%swap3A_91] {strides = array<i32>} : memref<640xf32, #tpu.memory_space<vmem>>, vector<16xf32>,
    %swap3A_93 = vector.shape_cast %swap3A_92 : vector<16xf32> to vector<16xf32>
    %swap3A_94 = vector.shape_cast %broadcast_in_dim3A_90 : vector<16xf32> to vector<16xf32>
    tpu.vector_store %arg8[%swap3A_91], %swap3A_94 {strides = array<i32>} : memref<640xf32, #tpu.memory_space<vmem>>, vector<16xf32>,
    %broadcast_in_dim3A_95 = arith.constant 0.000000e+00 : f32
    %broadcast_in_dim3A_96 = vector.broadcast %broadcast_in_dim3A_95 : f32 to vector<16xf32>
    %swap3A_97 = arith.constant 176 : index
    %swap3A_98 = tpu.vector_load %arg8[%swap3A_97] {strides = array<i32>} : memref<640xf32, #tpu.memory_space<vmem>>, vector<16xf32>,
    %swap3A_99 = vector.shape_cast %swap3A_98 : vector<16xf32> to vector<16xf32>
    %swap3A_100 = vector.shape_cast %broadcast_in_dim3A_96 : vector<16xf32> to vector<16xf32>
    tpu.vector_store %arg8[%swap3A_97], %swap3A_100 {strides = array<i32>} : memref<640xf32, #tpu.memory_space<vmem>>, vector<16xf32>,
    %broadcast_in_dim3A_101 = arith.constant 0.000000e+00 : f32
    %broadcast_in_dim3A_102 = vector.broadcast %broadcast_in_dim3A_101 : f32 to vector<16xf32>
    %swap3A_103 = arith.constant 192 : index
    %swap3A_104 = tpu.vector_load %arg8[%swap3A_103] {strides = array<i32>} : memref<640xf32, #tpu.memory_space<vmem>>, vector<16xf32>,
    %swap3A_105 = vector.shape_cast %swap3A_104 : vector<16xf32> to vector<16xf32>
    %swap3A_106 = vector.shape_cast %broadcast_in_dim3A_102 : vector<16xf32> to vector<16xf32>
    tpu.vector_store %arg8[%swap3A_103], %swap3A_106 {strides = array<i32>} : memref<640xf32, #tpu.memory_space<vmem>>, vector<16xf32>,
    %broadcast_in_dim3A_107 = arith.constant 0.000000e+00 : f32
    %broadcast_in_dim3A_108 = vector.broadcast %broadcast_in_dim3A_107 : f32 to vector<16xf32>
    %swap3A_109 = arith.constant 208 : index
    %swap3A_110 = tpu.vector_load %arg8[%swap3A_109] {strides = array<i32>} : memref<640xf32, #tpu.memory_space<vmem>>, vector<16xf32>,
    %swap3A_111 = vector.shape_cast %swap3A_110 : vector<16xf32> to vector<16xf32>
    %swap3A_112 = vector.shape_cast %broadcast_in_dim3A_108 : vector<16xf32> to vector<16xf32>
    tpu.vector_store %arg8[%swap3A_109], %swap3A_112 {strides = array<i32>} : memref<640xf32, #tpu.memory_space<vmem>>, vector<16xf32>,
    %broadcast_in_dim3A_113 = arith.constant 0.000000e+00 : f32
    %broadcast_in_dim3A_114 = vector.broadcast %broadcast_in_dim3A_113 : f32 to vector<16xf32>
    %swap3A_115 = arith.constant 224 : index
    %swap3A_116 = tpu.vector_load %arg8[%swap3A_115] {strides = array<i32>} : memref<640xf32, #tpu.memory_space<vmem>>, vector<16xf32>,
    %swap3A_117 = vector.shape_cast %swap3A_116 : vector<16xf32> to vector<16xf32>
    %swap3A_118 = vector.shape_cast %broadcast_in_dim3A_114 : vector<16xf32> to vector<16xf32>
    tpu.vector_store %arg8[%swap3A_115], %swap3A_118 {strides = array<i32>} : memref<640xf32, #tpu.memory_space<vmem>>, vector<16xf32>,
    %broadcast_in_dim3A_119 = arith.constant 0.000000e+00 : f32
    %broadcast_in_dim3A_120 = vector.broadcast %broadcast_in_dim3A_119 : f32 to vector<16xf32>
    %swap3A_121 = arith.constant 240 : index
    %swap3A_122 = tpu.vector_load %arg8[%swap3A_121] {strides = array<i32>} : memref<640xf32, #tpu.memory_space<vmem>>, vector<16xf32>,
    %swap3A_123 = vector.shape_cast %swap3A_122 : vector<16xf32> to vector<16xf32>
    %swap3A_124 = vector.shape_cast %broadcast_in_dim3A_120 : vector<16xf32> to vector<16xf32>
    tpu.vector_store %arg8[%swap3A_121], %swap3A_124 {strides = array<i32>} : memref<640xf32, #tpu.memory_space<vmem>>, vector<16xf32>,
    %broadcast_in_dim3A_125 = arith.constant 0.000000e+00 : f32
    %broadcast_in_dim3A_126 = vector.broadcast %broadcast_in_dim3A_125 : f32 to vector<16xf32>
    %swap3A_127 = arith.constant 256 : index
    %swap3A_128 = tpu.vector_load %arg8[%swap3A_127] {strides = array<i32>} : memref<640xf32, #tpu.memory_space<vmem>>, vector<16xf32>,
    %swap3A_129 = vector.shape_cast %swap3A_128 : vector<16xf32> to vector<16xf32>
    %swap3A_130 = vector.shape_cast %broadcast_in_dim3A_126 : vector<16xf32> to vector<16xf32>
    tpu.vector_store %arg8[%swap3A_127], %swap3A_130 {strides = array<i32>} : memref<640xf32, #tpu.memory_space<vmem>>, vector<16xf32>,
    %broadcast_in_dim3A_131 = arith.constant 0.000000e+00 : f32
    %broadcast_in_dim3A_132 = vector.broadcast %broadcast_in_dim3A_131 : f32 to vector<16xf32>
    %swap3A_133 = arith.constant 272 : index
    %swap3A_134 = tpu.vector_load %arg8[%swap3A_133] {strides = array<i32>} : memref<640xf32, #tpu.memory_space<vmem>>, vector<16xf32>,
    %swap3A_135 = vector.shape_cast %swap3A_134 : vector<16xf32> to vector<16xf32>
    %swap3A_136 = vector.shape_cast %broadcast_in_dim3A_132 : vector<16xf32> to vector<16xf32>
    tpu.vector_store %arg8[%swap3A_133], %swap3A_136 {strides = array<i32>} : memref<640xf32, #tpu.memory_space<vmem>>, vector<16xf32>,
    %broadcast_in_dim3A_137 = arith.constant 0.000000e+00 : f32
    %broadcast_in_dim3A_138 = vector.broadcast %broadcast_in_dim3A_137 : f32 to vector<16xf32>
    %swap3A_139 = arith.constant 288 : index
    %swap3A_140 = tpu.vector_load %arg8[%swap3A_139] {strides = array<i32>} : memref<640xf32, #tpu.memory_space<vmem>>, vector<16xf32>,
    %swap3A_141 = vector.shape_cast %swap3A_140 : vector<16xf32> to vector<16xf32>
    %swap3A_142 = vector.shape_cast %broadcast_in_dim3A_138 : vector<16xf32> to vector<16xf32>
    tpu.vector_store %arg8[%swap3A_139], %swap3A_142 {strides = array<i32>} : memref<640xf32, #tpu.memory_space<vmem>>, vector<16xf32>,
    %broadcast_in_dim3A_143 = arith.constant 0.000000e+00 : f32
    %broadcast_in_dim3A_144 = vector.broadcast %broadcast_in_dim3A_143 : f32 to vector<16xf32>
    %swap3A_145 = arith.constant 304 : index
    %swap3A_146 = tpu.vector_load %arg8[%swap3A_145] {strides = array<i32>} : memref<640xf32, #tpu.memory_space<vmem>>, vector<16xf32>,
    %swap3A_147 = vector.shape_cast %swap3A_146 : vector<16xf32> to vector<16xf32>
    %swap3A_148 = vector.shape_cast %broadcast_in_dim3A_144 : vector<16xf32> to vector<16xf32>
    tpu.vector_store %arg8[%swap3A_145], %swap3A_148 {strides = array<i32>} : memref<640xf32, #tpu.memory_space<vmem>>, vector<16xf32>,
    %broadcast_in_dim3A_149 = arith.constant 0.000000e+00 : f32
    %broadcast_in_dim3A_150 = vector.broadcast %broadcast_in_dim3A_149 : f32 to vector<16xf32>
    %swap3A_151 = arith.constant 320 : index
    %swap3A_152 = tpu.vector_load %arg8[%swap3A_151] {strides = array<i32>} : memref<640xf32, #tpu.memory_space<vmem>>, vector<16xf32>,
    %swap3A_153 = vector.shape_cast %swap3A_152 : vector<16xf32> to vector<16xf32>
    %swap3A_154 = vector.shape_cast %broadcast_in_dim3A_150 : vector<16xf32> to vector<16xf32>
    tpu.vector_store %arg8[%swap3A_151], %swap3A_154 {strides = array<i32>} : memref<640xf32, #tpu.memory_space<vmem>>, vector<16xf32>,
    %broadcast_in_dim3A_155 = arith.constant 0.000000e+00 : f32
    %broadcast_in_dim3A_156 = vector.broadcast %broadcast_in_dim3A_155 : f32 to vector<16xf32>
    %swap3A_157 = arith.constant 336 : index
    %swap3A_158 = tpu.vector_load %arg8[%swap3A_157] {strides = array<i32>} : memref<640xf32, #tpu.memory_space<vmem>>, vector<16xf32>,
    %swap3A_159 = vector.shape_cast %swap3A_158 : vector<16xf32> to vector<16xf32>
    %swap3A_160 = vector.shape_cast %broadcast_in_dim3A_156 : vector<16xf32> to vector<16xf32>
    tpu.vector_store %arg8[%swap3A_157], %swap3A_160 {strides = array<i32>} : memref<640xf32, #tpu.memory_space<vmem>>, vector<16xf32>,
    %broadcast_in_dim3A_161 = arith.constant 0.000000e+00 : f32
    %broadcast_in_dim3A_162 = vector.broadcast %broadcast_in_dim3A_161 : f32 to vector<16xf32>
    %swap3A_163 = arith.constant 352 : index
    %swap3A_164 = tpu.vector_load %arg8[%swap3A_163] {strides = array<i32>} : memref<640xf32, #tpu.memory_space<vmem>>, vector<16xf32>,
    %swap3A_165 = vector.shape_cast %swap3A_164 : vector<16xf32> to vector<16xf32>
    %swap3A_166 = vector.shape_cast %broadcast_in_dim3A_162 : vector<16xf32> to vector<16xf32>
    tpu.vector_store %arg8[%swap3A_163], %swap3A_166 {strides = array<i32>} : memref<640xf32, #tpu.memory_space<vmem>>, vector<16xf32>,
    %broadcast_in_dim3A_167 = arith.constant 0.000000e+00 : f32
    %broadcast_in_dim3A_168 = vector.broadcast %broadcast_in_dim3A_167 : f32 to vector<16xf32>
    %swap3A_169 = arith.constant 368 : index
    %swap3A_170 = tpu.vector_load %arg8[%swap3A_169] {strides = array<i32>} : memref<640xf32, #tpu.memory_space<vmem>>, vector<16xf32>,
    %swap3A_171 = vector.shape_cast %swap3A_170 : vector<16xf32> to vector<16xf32>
    %swap3A_172 = vector.shape_cast %broadcast_in_dim3A_168 : vector<16xf32> to vector<16xf32>
    tpu.vector_store %arg8[%swap3A_169], %swap3A_172 {strides = array<i32>} : memref<640xf32, #tpu.memory_space<vmem>>, vector<16xf32>,
    %broadcast_in_dim3A_173 = arith.constant 0.000000e+00 : f32
    %broadcast_in_dim3A_174 = vector.broadcast %broadcast_in_dim3A_173 : f32 to vector<16xf32>
    %swap3A_175 = arith.constant 384 : index
    %swap3A_176 = tpu.vector_load %arg8[%swap3A_175] {strides = array<i32>} : memref<640xf32, #tpu.memory_space<vmem>>, vector<16xf32>,
    %swap3A_177 = vector.shape_cast %swap3A_176 : vector<16xf32> to vector<16xf32>
    %swap3A_178 = vector.shape_cast %broadcast_in_dim3A_174 : vector<16xf32> to vector<16xf32>
    tpu.vector_store %arg8[%swap3A_175], %swap3A_178 {strides = array<i32>} : memref<640xf32, #tpu.memory_space<vmem>>, vector<16xf32>,
    %broadcast_in_dim3A_179 = arith.constant 0.000000e+00 : f32
    %broadcast_in_dim3A_180 = vector.broadcast %broadcast_in_dim3A_179 : f32 to vector<16xf32>
    %swap3A_181 = arith.constant 400 : index
    %swap3A_182 = tpu.vector_load %arg8[%swap3A_181] {strides = array<i32>} : memref<640xf32, #tpu.memory_space<vmem>>, vector<16xf32>,
    %swap3A_183 = vector.shape_cast %swap3A_182 : vector<16xf32> to vector<16xf32>
    %swap3A_184 = vector.shape_cast %broadcast_in_dim3A_180 : vector<16xf32> to vector<16xf32>
    tpu.vector_store %arg8[%swap3A_181], %swap3A_184 {strides = array<i32>} : memref<640xf32, #tpu.memory_space<vmem>>, vector<16xf32>,
    %broadcast_in_dim3A_185 = arith.constant 0.000000e+00 : f32
    %broadcast_in_dim3A_186 = vector.broadcast %broadcast_in_dim3A_185 : f32 to vector<16xf32>
    %swap3A_187 = arith.constant 416 : index
    %swap3A_188 = tpu.vector_load %arg8[%swap3A_187] {strides = array<i32>} : memref<640xf32, #tpu.memory_space<vmem>>, vector<16xf32>,
    %swap3A_189 = vector.shape_cast %swap3A_188 : vector<16xf32> to vector<16xf32>
    %swap3A_190 = vector.shape_cast %broadcast_in_dim3A_186 : vector<16xf32> to vector<16xf32>
    tpu.vector_store %arg8[%swap3A_187], %swap3A_190 {strides = array<i32>} : memref<640xf32, #tpu.memory_space<vmem>>, vector<16xf32>,
    %broadcast_in_dim3A_191 = arith.constant 0.000000e+00 : f32
    %broadcast_in_dim3A_192 = vector.broadcast %broadcast_in_dim3A_191 : f32 to vector<16xf32>
    %swap3A_193 = arith.constant 432 : index
    %swap3A_194 = tpu.vector_load %arg8[%swap3A_193] {strides = array<i32>} : memref<640xf32, #tpu.memory_space<vmem>>, vector<16xf32>,
    %swap3A_195 = vector.shape_cast %swap3A_194 : vector<16xf32> to vector<16xf32>
    %swap3A_196 = vector.shape_cast %broadcast_in_dim3A_192 : vector<16xf32> to vector<16xf32>
    tpu.vector_store %arg8[%swap3A_193], %swap3A_196 {strides = array<i32>} : memref<640xf32, #tpu.memory_space<vmem>>, vector<16xf32>,
    %broadcast_in_dim3A_197 = arith.constant 0.000000e+00 : f32
    %broadcast_in_dim3A_198 = vector.broadcast %broadcast_in_dim3A_197 : f32 to vector<16xf32>
    %swap3A_199 = arith.constant 448 : index
    %swap3A_200 = tpu.vector_load %arg8[%swap3A_199] {strides = array<i32>} : memref<640xf32, #tpu.memory_space<vmem>>, vector<16xf32>,
    %swap3A_201 = vector.shape_cast %swap3A_200 : vector<16xf32> to vector<16xf32>
    %swap3A_202 = vector.shape_cast %broadcast_in_dim3A_198 : vector<16xf32> to vector<16xf32>
    tpu.vector_store %arg8[%swap3A_199], %swap3A_202 {strides = array<i32>} : memref<640xf32, #tpu.memory_space<vmem>>, vector<16xf32>,
    %broadcast_in_dim3A_203 = arith.constant 0.000000e+00 : f32
    %broadcast_in_dim3A_204 = vector.broadcast %broadcast_in_dim3A_203 : f32 to vector<16xf32>
    %swap3A_205 = arith.constant 464 : index
    %swap3A_206 = tpu.vector_load %arg8[%swap3A_205] {strides = array<i32>} : memref<640xf32, #tpu.memory_space<vmem>>, vector<16xf32>,
    %swap3A_207 = vector.shape_cast %swap3A_206 : vector<16xf32> to vector<16xf32>
    %swap3A_208 = vector.shape_cast %broadcast_in_dim3A_204 : vector<16xf32> to vector<16xf32>
    tpu.vector_store %arg8[%swap3A_205], %swap3A_208 {strides = array<i32>} : memref<640xf32, #tpu.memory_space<vmem>>, vector<16xf32>,
    %broadcast_in_dim3A_209 = arith.constant 0.000000e+00 : f32
    %broadcast_in_dim3A_210 = vector.broadcast %broadcast_in_dim3A_209 : f32 to vector<16xf32>
    %swap3A_211 = arith.constant 480 : index
    %swap3A_212 = tpu.vector_load %arg8[%swap3A_211] {strides = array<i32>} : memref<640xf32, #tpu.memory_space<vmem>>, vector<16xf32>,
    %swap3A_213 = vector.shape_cast %swap3A_212 : vector<16xf32> to vector<16xf32>
    %swap3A_214 = vector.shape_cast %broadcast_in_dim3A_210 : vector<16xf32> to vector<16xf32>
    tpu.vector_store %arg8[%swap3A_211], %swap3A_214 {strides = array<i32>} : memref<640xf32, #tpu.memory_space<vmem>>, vector<16xf32>,
    %broadcast_in_dim3A_215 = arith.constant 0.000000e+00 : f32
    %broadcast_in_dim3A_216 = vector.broadcast %broadcast_in_dim3A_215 : f32 to vector<16xf32>
    %swap3A_217 = arith.constant 496 : index
    %swap3A_218 = tpu.vector_load %arg8[%swap3A_217] {strides = array<i32>} : memref<640xf32, #tpu.memory_space<vmem>>, vector<16xf32>,
    %swap3A_219 = vector.shape_cast %swap3A_218 : vector<16xf32> to vector<16xf32>
    %swap3A_220 = vector.shape_cast %broadcast_in_dim3A_216 : vector<16xf32> to vector<16xf32>
    tpu.vector_store %arg8[%swap3A_217], %swap3A_220 {strides = array<i32>} : memref<640xf32, #tpu.memory_space<vmem>>, vector<16xf32>,
    %broadcast_in_dim3A_221 = arith.constant 0.000000e+00 : f32
    %broadcast_in_dim3A_222 = vector.broadcast %broadcast_in_dim3A_221 : f32 to vector<16xf32>
    %swap3A_223 = arith.constant 512 : index
    %swap3A_224 = tpu.vector_load %arg8[%swap3A_223] {strides = array<i32>} : memref<640xf32, #tpu.memory_space<vmem>>, vector<16xf32>,
    %swap3A_225 = vector.shape_cast %swap3A_224 : vector<16xf32> to vector<16xf32>
    %swap3A_226 = vector.shape_cast %broadcast_in_dim3A_222 : vector<16xf32> to vector<16xf32>
    tpu.vector_store %arg8[%swap3A_223], %swap3A_226 {strides = array<i32>} : memref<640xf32, #tpu.memory_space<vmem>>, vector<16xf32>,
    %broadcast_in_dim3A_227 = arith.constant 0.000000e+00 : f32
    %broadcast_in_dim3A_228 = vector.broadcast %broadcast_in_dim3A_227 : f32 to vector<16xf32>
    %swap3A_229 = arith.constant 528 : index
    %swap3A_230 = tpu.vector_load %arg8[%swap3A_229] {strides = array<i32>} : memref<640xf32, #tpu.memory_space<vmem>>, vector<16xf32>,
    %swap3A_231 = vector.shape_cast %swap3A_230 : vector<16xf32> to vector<16xf32>
    %swap3A_232 = vector.shape_cast %broadcast_in_dim3A_228 : vector<16xf32> to vector<16xf32>
    tpu.vector_store %arg8[%swap3A_229], %swap3A_232 {strides = array<i32>} : memref<640xf32, #tpu.memory_space<vmem>>, vector<16xf32>,
    %broadcast_in_dim3A_233 = arith.constant 0.000000e+00 : f32
    %broadcast_in_dim3A_234 = vector.broadcast %broadcast_in_dim3A_233 : f32 to vector<16xf32>
    %swap3A_235 = arith.constant 544 : index
    %swap3A_236 = tpu.vector_load %arg8[%swap3A_235] {strides = array<i32>} : memref<640xf32, #tpu.memory_space<vmem>>, vector<16xf32>,
    %swap3A_237 = vector.shape_cast %swap3A_236 : vector<16xf32> to vector<16xf32>
    %swap3A_238 = vector.shape_cast %broadcast_in_dim3A_234 : vector<16xf32> to vector<16xf32>
    tpu.vector_store %arg8[%swap3A_235], %swap3A_238 {strides = array<i32>} : memref<640xf32, #tpu.memory_space<vmem>>, vector<16xf32>,
    %broadcast_in_dim3A_239 = arith.constant 0.000000e+00 : f32
    %broadcast_in_dim3A_240 = vector.broadcast %broadcast_in_dim3A_239 : f32 to vector<16xf32>
    %swap3A_241 = arith.constant 560 : index
    %swap3A_242 = tpu.vector_load %arg8[%swap3A_241] {strides = array<i32>} : memref<640xf32, #tpu.memory_space<vmem>>, vector<16xf32>,
    %swap3A_243 = vector.shape_cast %swap3A_242 : vector<16xf32> to vector<16xf32>
    %swap3A_244 = vector.shape_cast %broadcast_in_dim3A_240 : vector<16xf32> to vector<16xf32>
    tpu.vector_store %arg8[%swap3A_241], %swap3A_244 {strides = array<i32>} : memref<640xf32, #tpu.memory_space<vmem>>, vector<16xf32>,
    %broadcast_in_dim3A_245 = arith.constant 0.000000e+00 : f32
    %broadcast_in_dim3A_246 = vector.broadcast %broadcast_in_dim3A_245 : f32 to vector<16xf32>
    %swap3A_247 = arith.constant 576 : index
    %swap3A_248 = tpu.vector_load %arg8[%swap3A_247] {strides = array<i32>} : memref<640xf32, #tpu.memory_space<vmem>>, vector<16xf32>,
    %swap3A_249 = vector.shape_cast %swap3A_248 : vector<16xf32> to vector<16xf32>
    %swap3A_250 = vector.shape_cast %broadcast_in_dim3A_246 : vector<16xf32> to vector<16xf32>
    tpu.vector_store %arg8[%swap3A_247], %swap3A_250 {strides = array<i32>} : memref<640xf32, #tpu.memory_space<vmem>>, vector<16xf32>,
    %broadcast_in_dim3A_251 = arith.constant 0.000000e+00 : f32
    %broadcast_in_dim3A_252 = vector.broadcast %broadcast_in_dim3A_251 : f32 to vector<16xf32>
    %swap3A_253 = arith.constant 592 : index
    %swap3A_254 = tpu.vector_load %arg8[%swap3A_253] {strides = array<i32>} : memref<640xf32, #tpu.memory_space<vmem>>, vector<16xf32>,
    %swap3A_255 = vector.shape_cast %swap3A_254 : vector<16xf32> to vector<16xf32>
    %swap3A_256 = vector.shape_cast %broadcast_in_dim3A_252 : vector<16xf32> to vector<16xf32>
    tpu.vector_store %arg8[%swap3A_253], %swap3A_256 {strides = array<i32>} : memref<640xf32, #tpu.memory_space<vmem>>, vector<16xf32>,
    %broadcast_in_dim3A_257 = arith.constant 0.000000e+00 : f32
    %broadcast_in_dim3A_258 = vector.broadcast %broadcast_in_dim3A_257 : f32 to vector<16xf32>
    %swap3A_259 = arith.constant 608 : index
    %swap3A_260 = tpu.vector_load %arg8[%swap3A_259] {strides = array<i32>} : memref<640xf32, #tpu.memory_space<vmem>>, vector<16xf32>,
    %swap3A_261 = vector.shape_cast %swap3A_260 : vector<16xf32> to vector<16xf32>
    %swap3A_262 = vector.shape_cast %broadcast_in_dim3A_258 : vector<16xf32> to vector<16xf32>
    tpu.vector_store %arg8[%swap3A_259], %swap3A_262 {strides = array<i32>} : memref<640xf32, #tpu.memory_space<vmem>>, vector<16xf32>,
    %broadcast_in_dim3A_263 = arith.constant 0.000000e+00 : f32
    %broadcast_in_dim3A_264 = vector.broadcast %broadcast_in_dim3A_263 : f32 to vector<16xf32>
    %swap3A_265 = arith.constant 624 : index
    %swap3A_266 = tpu.vector_load %arg8[%swap3A_265] {strides = array<i32>} : memref<640xf32, #tpu.memory_space<vmem>>, vector<16xf32>,
    %swap3A_267 = vector.shape_cast %swap3A_266 : vector<16xf32> to vector<16xf32>
    %swap3A_268 = vector.shape_cast %broadcast_in_dim3A_264 : vector<16xf32> to vector<16xf32>
    tpu.vector_store %arg8[%swap3A_265], %swap3A_268 {strides = array<i32>} : memref<640xf32, #tpu.memory_space<vmem>>, vector<16xf32>,
    "tpu.region"() ({
      %run_scoped3A = tpu.sem_alloc : memref<!tpu.dma_semaphore, #tpu.memory_space<semaphore_mem>>
      %dma_start3A = tpu.memref_slice %arg9[%mul3A_0] : memref<10240xf32, #tpu.memory_space<vmem_shared>> -> memref<640xf32, #tpu.memory_space<vmem_shared>>
      %dma_start3A_276 = tpu.memref_slice %arg9[%mul3A_0] : memref<10240xf32, #tpu.memory_space<vmem_shared>> -> memref<640xf32, #tpu.memory_space<vmem_shared>>
      tpu.enqueue_dma source(%arg8 : memref<640xf32, #tpu.memory_space<vmem>>) target(%dma_start3A_276 : memref<640xf32, #tpu.memory_space<vmem_shared>>) target_semaphore(%run_scoped3A : memref<!tpu.dma_semaphore, #tpu.memory_space<semaphore_mem>>)
      %dma_wait3A = tpu.memref_slice %arg9[%mul3A_0] : memref<10240xf32, #tpu.memory_space<vmem_shared>> -> memref<640xf32, #tpu.memory_space<vmem_shared>>
      %dma_wait3A_277 = tpu.memref_slice %arg9[%mul3A_0] : memref<10240xf32, #tpu.memory_space<vmem_shared>> -> memref<640xf32, #tpu.memory_space<vmem_shared>>
      tpu.wait_dma2 semaphore(%run_scoped3A : memref<!tpu.dma_semaphore, #tpu.memory_space<semaphore_mem>>) src(%arg8 : memref<640xf32, #tpu.memory_space<vmem>>) dst(%dma_wait3A_277 : memref<640xf32, #tpu.memory_space<vmem_shared>>)
      tpu.yield
    }) : () -> ()
    %barrier3A = arith.constant 0 : index
    tpu.barrier barrier_id(%barrier3A)
    %eq3A = arith.constant 0 : i32
    %eq3A_269 = arith.cmpi eq, %arg0, %eq3A : i32
    %convert_element_type3A = arith.extui %eq3A_269 : i1 to i32
    %cond3A = arith.constant 0 : i32
    %cond3A_270 = arith.cmpi ne, %convert_element_type3A, %cond3A : i32
    scf.if %cond3A_270 {
      "tpu.region"() ({
        %run_scoped3A = tpu.sem_alloc : memref<!tpu.dma_semaphore, #tpu.memory_space<semaphore_mem>>
        %dma_start3A = arith.constant 0 : i32
        %dma_start3A_282 = arith.constant 0 : i32
        %dma_start3A_283 = tpu.memref_slice %arg3[%arg1, %dma_start3A, %dma_start3A_282] : memref<16x256x80xi32, #tpu.memory_space<hbm>> -> memref<1x256x80xi32, #tpu.memory_space<hbm>>
        %dma_start3A_284 = tpu.memref_squeeze %dma_start3A_283 : memref<1x256x80xi32, #tpu.memory_space<hbm>> -> memref<256x80xi32, #tpu.memory_space<hbm>>
        %dma_start3A_285 = arith.constant 0 : i32
        %dma_start3A_286 = arith.constant 0 : i32
        %dma_start3A_287 = tpu.memref_slice %arg3[%arg1, %dma_start3A_285, %dma_start3A_286] : memref<16x256x80xi32, #tpu.memory_space<hbm>> -> memref<1x256x80xi32, #tpu.memory_space<hbm>>
        %dma_start3A_288 = tpu.memref_squeeze %dma_start3A_287 : memref<1x256x80xi32, #tpu.memory_space<hbm>> -> memref<256x80xi32, #tpu.memory_space<hbm>>
        tpu.enqueue_dma source(%dma_start3A_288 : memref<256x80xi32, #tpu.memory_space<hbm>>) target(%arg6 : memref<256x80xi32, #tpu.memory_space<vmem>>) target_semaphore(%run_scoped3A : memref<!tpu.dma_semaphore, #tpu.memory_space<semaphore_mem>>)
        %dma_wait3A = arith.constant 0 : i32
        %dma_wait3A_289 = arith.constant 0 : i32
        %dma_wait3A_290 = tpu.memref_slice %arg3[%arg1, %dma_wait3A, %dma_wait3A_289] : memref<16x256x80xi32, #tpu.memory_space<hbm>> -> memref<1x256x80xi32, #tpu.memory_space<hbm>>
        %dma_wait3A_291 = tpu.memref_squeeze %dma_wait3A_290 : memref<1x256x80xi32, #tpu.memory_space<hbm>> -> memref<256x80xi32, #tpu.memory_space<hbm>>
        %dma_wait3A_292 = arith.constant 0 : i32
        %dma_wait3A_293 = arith.constant 0 : i32
        %dma_wait3A_294 = tpu.memref_slice %arg3[%arg1, %dma_wait3A_292, %dma_wait3A_293] : memref<16x256x80xi32, #tpu.memory_space<hbm>> -> memref<1x256x80xi32, #tpu.memory_space<hbm>>
        %dma_wait3A_295 = tpu.memref_squeeze %dma_wait3A_294 : memref<1x256x80xi32, #tpu.memory_space<hbm>> -> memref<256x80xi32, #tpu.memory_space<hbm>>
        tpu.wait_dma2 semaphore(%run_scoped3A : memref<!tpu.dma_semaphore, #tpu.memory_space<semaphore_mem>>) src(%dma_wait3A_295 : memref<256x80xi32, #tpu.memory_space<hbm>>) dst(%arg6 : memref<256x80xi32, #tpu.memory_space<vmem>>)
        tpu.yield
      }) : () -> ()
      %scan3A = arith.constant 0 : i32
      %scan3A_276 = arith.constant 0 : i32
      %scan3A_277 = arith.constant 250 : i32
      %scan3A_278 = arith.addi %scan3A_276, %scan3A_277 : i32
      %scan3A_279 = arith.constant 1 : i32
      scf.for %scan3A_282 = %scan3A_276 to %scan3A_278 step %scan3A_279  : i32 {
        "tpu.region"() ({
          %run_scoped3A = tpu.sem_alloc : memref<!tpu.dma_semaphore, #tpu.memory_space<semaphore_mem>>
          %dma_start3A = arith.constant 0 : i32
          %dma_start3A_283 = tpu.memref_slice %arg6[%scan3A_282, %dma_start3A] : memref<256x80xi32, #tpu.memory_space<vmem>> -> memref<1x80xi32, #tpu.memory_space<vmem>>
          %dma_start3A_284 = tpu.memref_squeeze %dma_start3A_283 : memref<1x80xi32, #tpu.memory_space<vmem>> -> memref<80xi32, #tpu.memory_space<vmem>>
          %dma_start3A_285 = arith.constant 0 : i32
          %dma_start3A_286 = tpu.memref_slice %arg9[%dma_start3A_285] : memref<10240xf32, #tpu.memory_space<vmem_shared>> -> memref<10240xf32, #tpu.memory_space<vmem_shared>>
          tpu.enqueue_indirect_dma source(%arg7 : memref<80xf32, #tpu.memory_space<vmem>>) target(%dma_start3A_286 : memref<10240xf32, #tpu.memory_space<vmem_shared>>) offsets(%dma_start3A_284 : memref<80xi32, #tpu.memory_space<vmem>>) semaphore(%run_scoped3A : memref<!tpu.dma_semaphore, #tpu.memory_space<semaphore_mem>>) {add = true}
          %dma_wait3A = arith.constant 0 : i32
          %dma_wait3A_287 = tpu.memref_slice %arg6[%scan3A_282, %dma_wait3A] : memref<256x80xi32, #tpu.memory_space<vmem>> -> memref<1x80xi32, #tpu.memory_space<vmem>>
          %dma_wait3A_288 = tpu.memref_squeeze %dma_wait3A_287 : memref<1x80xi32, #tpu.memory_space<vmem>> -> memref<80xi32, #tpu.memory_space<vmem>>
          %dma_wait3A_289 = arith.constant 0 : i32
          %dma_wait3A_290 = tpu.memref_slice %arg9[%dma_wait3A_289] : memref<10240xf32, #tpu.memory_space<vmem_shared>> -> memref<10240xf32, #tpu.memory_space<vmem_shared>>
          tpu.wait_indirect_dma semaphore(%run_scoped3A : memref<!tpu.dma_semaphore, #tpu.memory_space<semaphore_mem>>) src(%arg7 : memref<80xf32, #tpu.memory_space<vmem>>) dst(%dma_wait3A_290 : memref<10240xf32, #tpu.memory_space<vmem_shared>>)
          tpu.yield
        }) : () -> ()
      }
      %scan3A_280 = arith.constant 250 : i32
      %barrier3A_281 = arith.constant 0 : index
      tpu.barrier barrier_id(%barrier3A_281)
      "tpu.region"() ({
        %run_scoped3A = tpu.sem_alloc : memref<!tpu.dma_semaphore, #tpu.memory_space<semaphore_mem>>
        %dma_start3A = tpu.memref_slice %arg4[%mul3A_0] : memref<10240xf32, #tpu.memory_space<hbm>> -> memref<640xf32, #tpu.memory_space<hbm>>
        %dma_start3A_282 = tpu.memref_slice %arg9[%mul3A_0] : memref<10240xf32, #tpu.memory_space<vmem_shared>> -> memref<640xf32, #tpu.memory_space<vmem_shared>>
        tpu.enqueue_dma source(%dma_start3A_282 : memref<640xf32, #tpu.memory_space<vmem_shared>>) target(%dma_start3A : memref<640xf32, #tpu.memory_space<hbm>>) target_semaphore(%run_scoped3A : memref<!tpu.dma_semaphore, #tpu.memory_space<semaphore_mem>>)
        %dma_wait3A = tpu.memref_slice %arg4[%mul3A_0] : memref<10240xf32, #tpu.memory_space<hbm>> -> memref<640xf32, #tpu.memory_space<hbm>>
        %dma_wait3A_283 = tpu.memref_slice %arg9[%mul3A_0] : memref<10240xf32, #tpu.memory_space<vmem_shared>> -> memref<640xf32, #tpu.memory_space<vmem_shared>>
        tpu.wait_dma2 semaphore(%run_scoped3A : memref<!tpu.dma_semaphore, #tpu.memory_space<semaphore_mem>>) src(%dma_wait3A_283 : memref<640xf32, #tpu.memory_space<vmem_shared>>) dst(%dma_wait3A : memref<640xf32, #tpu.memory_space<hbm>>)
        tpu.yield
      }) : () -> ()
    } else {
    }
    %eq3A_271 = arith.constant 1 : i32
    %eq3A_272 = arith.cmpi eq, %arg0, %eq3A_271 : i32
    %convert_element_type3A_273 = arith.extui %eq3A_272 : i1 to i32
    %cond3A_274 = arith.constant 0 : i32
    %cond3A_275 = arith.cmpi ne, %convert_element_type3A_273, %cond3A_274 : i32
    scf.if %cond3A_275 {
      "tpu.region"() ({
        %run_scoped3A = tpu.sem_alloc : memref<!tpu.dma_semaphore, #tpu.memory_space<semaphore_mem>>
        %dma_start3A = arith.constant 0 : i32
        %dma_start3A_282 = arith.constant 0 : i32
        %dma_start3A_283 = tpu.memref_slice %arg2[%arg1, %dma_start3A, %dma_start3A_282] : memref<16x256x80xi32, #tpu.memory_space<hbm>> -> memref<1x256x80xi32, #tpu.memory_space<hbm>>
        %dma_start3A_284 = tpu.memref_squeeze %dma_start3A_283 : memref<1x256x80xi32, #tpu.memory_space<hbm>> -> memref<256x80xi32, #tpu.memory_space<hbm>>
        %dma_start3A_285 = arith.constant 0 : i32
        %dma_start3A_286 = arith.constant 0 : i32
        %dma_start3A_287 = tpu.memref_slice %arg2[%arg1, %dma_start3A_285, %dma_start3A_286] : memref<16x256x80xi32, #tpu.memory_space<hbm>> -> memref<1x256x80xi32, #tpu.memory_space<hbm>>
        %dma_start3A_288 = tpu.memref_squeeze %dma_start3A_287 : memref<1x256x80xi32, #tpu.memory_space<hbm>> -> memref<256x80xi32, #tpu.memory_space<hbm>>
        tpu.enqueue_dma source(%dma_start3A_288 : memref<256x80xi32, #tpu.memory_space<hbm>>) target(%arg6 : memref<256x80xi32, #tpu.memory_space<vmem>>) target_semaphore(%run_scoped3A : memref<!tpu.dma_semaphore, #tpu.memory_space<semaphore_mem>>)
        %dma_wait3A = arith.constant 0 : i32
        %dma_wait3A_289 = arith.constant 0 : i32
        %dma_wait3A_290 = tpu.memref_slice %arg2[%arg1, %dma_wait3A, %dma_wait3A_289] : memref<16x256x80xi32, #tpu.memory_space<hbm>> -> memref<1x256x80xi32, #tpu.memory_space<hbm>>
        %dma_wait3A_291 = tpu.memref_squeeze %dma_wait3A_290 : memref<1x256x80xi32, #tpu.memory_space<hbm>> -> memref<256x80xi32, #tpu.memory_space<hbm>>
        %dma_wait3A_292 = arith.constant 0 : i32
        %dma_wait3A_293 = arith.constant 0 : i32
        %dma_wait3A_294 = tpu.memref_slice %arg2[%arg1, %dma_wait3A_292, %dma_wait3A_293] : memref<16x256x80xi32, #tpu.memory_space<hbm>> -> memref<1x256x80xi32, #tpu.memory_space<hbm>>
        %dma_wait3A_295 = tpu.memref_squeeze %dma_wait3A_294 : memref<1x256x80xi32, #tpu.memory_space<hbm>> -> memref<256x80xi32, #tpu.memory_space<hbm>>
        tpu.wait_dma2 semaphore(%run_scoped3A : memref<!tpu.dma_semaphore, #tpu.memory_space<semaphore_mem>>) src(%dma_wait3A_295 : memref<256x80xi32, #tpu.memory_space<hbm>>) dst(%arg6 : memref<256x80xi32, #tpu.memory_space<vmem>>)
        tpu.yield
      }) : () -> ()
      %scan3A = arith.constant 0 : i32
      %scan3A_276 = arith.constant 0 : i32
      %scan3A_277 = arith.constant 250 : i32
      %scan3A_278 = arith.addi %scan3A_276, %scan3A_277 : i32
      %scan3A_279 = arith.constant 1 : i32
      scf.for %scan3A_282 = %scan3A_276 to %scan3A_278 step %scan3A_279  : i32 {
        "tpu.region"() ({
          %run_scoped3A = tpu.sem_alloc : memref<!tpu.dma_semaphore, #tpu.memory_space<semaphore_mem>>
          %dma_start3A = arith.constant 0 : i32
          %dma_start3A_283 = tpu.memref_slice %arg6[%scan3A_282, %dma_start3A] : memref<256x80xi32, #tpu.memory_space<vmem>> -> memref<1x80xi32, #tpu.memory_space<vmem>>
          %dma_start3A_284 = tpu.memref_squeeze %dma_start3A_283 : memref<1x80xi32, #tpu.memory_space<vmem>> -> memref<80xi32, #tpu.memory_space<vmem>>
          %dma_start3A_285 = arith.constant 0 : i32
          %dma_start3A_286 = tpu.memref_slice %arg9[%dma_start3A_285] : memref<10240xf32, #tpu.memory_space<vmem_shared>> -> memref<10240xf32, #tpu.memory_space<vmem_shared>>
          tpu.enqueue_indirect_dma source(%arg7 : memref<80xf32, #tpu.memory_space<vmem>>) target(%dma_start3A_286 : memref<10240xf32, #tpu.memory_space<vmem_shared>>) offsets(%dma_start3A_284 : memref<80xi32, #tpu.memory_space<vmem>>) semaphore(%run_scoped3A : memref<!tpu.dma_semaphore, #tpu.memory_space<semaphore_mem>>) {add = true}
          %dma_wait3A = arith.constant 0 : i32
          %dma_wait3A_287 = tpu.memref_slice %arg6[%scan3A_282, %dma_wait3A] : memref<256x80xi32, #tpu.memory_space<vmem>> -> memref<1x80xi32, #tpu.memory_space<vmem>>
          %dma_wait3A_288 = tpu.memref_squeeze %dma_wait3A_287 : memref<1x80xi32, #tpu.memory_space<vmem>> -> memref<80xi32, #tpu.memory_space<vmem>>
          %dma_wait3A_289 = arith.constant 0 : i32
          %dma_wait3A_290 = tpu.memref_slice %arg9[%dma_wait3A_289] : memref<10240xf32, #tpu.memory_space<vmem_shared>> -> memref<10240xf32, #tpu.memory_space<vmem_shared>>
          tpu.wait_indirect_dma semaphore(%run_scoped3A : memref<!tpu.dma_semaphore, #tpu.memory_space<semaphore_mem>>) src(%arg7 : memref<80xf32, #tpu.memory_space<vmem>>) dst(%dma_wait3A_290 : memref<10240xf32, #tpu.memory_space<vmem_shared>>)
          tpu.yield
        }) : () -> ()
      }
      %scan3A_280 = arith.constant 250 : i32
      %barrier3A_281 = arith.constant 0 : index
      tpu.barrier barrier_id(%barrier3A_281)
      "tpu.region"() ({
        %run_scoped3A = tpu.sem_alloc : memref<!tpu.dma_semaphore, #tpu.memory_space<semaphore_mem>>
        %dma_start3A = tpu.memref_slice %arg5[%mul3A_0] : memref<10240xf32, #tpu.memory_space<hbm>> -> memref<640xf32, #tpu.memory_space<hbm>>
        %dma_start3A_282 = tpu.memref_slice %arg9[%mul3A_0] : memref<10240xf32, #tpu.memory_space<vmem_shared>> -> memref<640xf32, #tpu.memory_space<vmem_shared>>
        tpu.enqueue_dma source(%dma_start3A_282 : memref<640xf32, #tpu.memory_space<vmem_shared>>) target(%dma_start3A : memref<640xf32, #tpu.memory_space<hbm>>) target_semaphore(%run_scoped3A : memref<!tpu.dma_semaphore, #tpu.memory_space<semaphore_mem>>)
        %dma_wait3A = tpu.memref_slice %arg5[%mul3A_0] : memref<10240xf32, #tpu.memory_space<hbm>> -> memref<640xf32, #tpu.memory_space<hbm>>
        %dma_wait3A_283 = tpu.memref_slice %arg9[%mul3A_0] : memref<10240xf32, #tpu.memory_space<vmem_shared>> -> memref<640xf32, #tpu.memory_space<vmem_shared>>
        tpu.wait_dma2 semaphore(%run_scoped3A : memref<!tpu.dma_semaphore, #tpu.memory_space<semaphore_mem>>) src(%dma_wait3A_283 : memref<640xf32, #tpu.memory_space<vmem_shared>>) dst(%dma_wait3A : memref<640xf32, #tpu.memory_space<hbm>>)
        tpu.yield
      }) : () -> ()
    } else {
    }
    return
  }
}

#map = affine_map<(d0, d1) -> (0, 0)>
#map1 = affine_map<(d0, d1) -> (0, 0, 0)>
module attributes {stable_mosaic.version = 14 : i64} {
  func.func @_agg_body(%arg0: i32, %arg1: i32, %arg2: memref<10240x128xf32, #tpu.memory_space<hbm>>, %arg3: memref<10240x128xf32, #tpu.memory_space<hbm>>, %arg4: memref<16x256x80xi32, #tpu.memory_space<hbm>>, %arg5: memref<16x256x80xi32, #tpu.memory_space<hbm>>, %arg6: memref<10240x128xf32, #tpu.memory_space<hbm>>, %arg7: memref<10240x128xf32, #tpu.memory_space<hbm>>, %arg8: memref<16x80xi32, #tpu.memory_space<vmem>>, %arg9: memref<16x80xi32, #tpu.memory_space<vmem>>, %arg10: memref<80x128xf32, #tpu.memory_space<vmem>>, %arg11: memref<80x128xf32, #tpu.memory_space<vmem>>, %arg12: memref<10240x128xf32, #tpu.memory_space<vmem_shared>>, %arg13: memref<!tpu.dma_semaphore, #tpu.memory_space<semaphore_mem>>, %arg14: memref<!tpu.dma_semaphore, #tpu.memory_space<semaphore_mem>>) attributes {dimension_semantics = [#tpu.dimension_semantics<core_parallel>, #tpu.dimension_semantics<subcore_parallel>], iteration_bounds = array<i64: 2, 16>, scalar_prefetch = 0 : i64, scratch_operands = 7 : i64, tpu.core_type = #tpu.core_type<sc_vector_subcore>, window_params = [{transform_indices = #map}, {transform_indices = #map}, {transform_indices = #map1}, {transform_indices = #map1}, {transform_indices = #map}, {transform_indices = #map}]} {
    %mul3A = arith.constant 640 : i32
    %mul3A_0 = arith.muli %arg1, %mul3A : i32
    %eq3A = arith.constant 0 : i32
    %eq3A_1 = arith.cmpi eq, %arg0, %eq3A : i32
    %convert_element_type3A = arith.extui %eq3A_1 : i1 to i32
    %cond3A = arith.constant 0 : i32
    %cond3A_2 = arith.cmpi ne, %convert_element_type3A, %cond3A : i32
    scf.if %cond3A_2 {
      "tpu.region"() ({
        %run_scoped3A = tpu.sem_alloc : memref<!tpu.dma_semaphore, #tpu.memory_space<semaphore_mem>>
        %dma_start3A = arith.constant 0 : i32
        %dma_start3A_14 = tpu.memref_slice %arg12[%mul3A_0, %dma_start3A] : memref<10240x128xf32, #tpu.memory_space<vmem_shared>> -> memref<640x128xf32, #tpu.memory_space<vmem_shared>>
        %dma_start3A_15 = arith.constant 0 : i32
        %dma_start3A_16 = tpu.memref_slice %arg2[%mul3A_0, %dma_start3A_15] : memref<10240x128xf32, #tpu.memory_space<hbm>> -> memref<640x128xf32, #tpu.memory_space<hbm>>
        tpu.enqueue_dma source(%dma_start3A_16 : memref<640x128xf32, #tpu.memory_space<hbm>>) target(%dma_start3A_14 : memref<640x128xf32, #tpu.memory_space<vmem_shared>>) target_semaphore(%run_scoped3A : memref<!tpu.dma_semaphore, #tpu.memory_space<semaphore_mem>>)
        %dma_wait3A = arith.constant 0 : i32
        %dma_wait3A_17 = tpu.memref_slice %arg12[%mul3A_0, %dma_wait3A] : memref<10240x128xf32, #tpu.memory_space<vmem_shared>> -> memref<640x128xf32, #tpu.memory_space<vmem_shared>>
        %dma_wait3A_18 = arith.constant 0 : i32
        %dma_wait3A_19 = tpu.memref_slice %arg2[%mul3A_0, %dma_wait3A_18] : memref<10240x128xf32, #tpu.memory_space<hbm>> -> memref<640x128xf32, #tpu.memory_space<hbm>>
        tpu.wait_dma2 semaphore(%run_scoped3A : memref<!tpu.dma_semaphore, #tpu.memory_space<semaphore_mem>>) src(%dma_wait3A_19 : memref<640x128xf32, #tpu.memory_space<hbm>>) dst(%dma_wait3A_17 : memref<640x128xf32, #tpu.memory_space<vmem_shared>>)
        tpu.yield
      }) : () -> ()
      %barrier3A = arith.constant 0 : index
      tpu.barrier barrier_id(%barrier3A)
      %scan3A = arith.constant 0 : i32
      %scan3A_8 = arith.constant 0 : i32
      %scan3A_9 = arith.constant 16 : i32
      %scan3A_10 = arith.addi %scan3A_8, %scan3A_9 : i32
      %scan3A_11 = arith.constant 1 : i32
      scf.for %scan3A_14 = %scan3A_8 to %scan3A_10 step %scan3A_11  : i32 {
        %mul3A_15 = arith.constant 16 : i32
        %mul3A_16 = arith.muli %scan3A_14, %mul3A_15 : i32
        "tpu.region"() ({
          %run_scoped3A = tpu.sem_alloc : memref<!tpu.dma_semaphore, #tpu.memory_space<semaphore_mem>>
          %dma_start3A_55 = arith.constant 0 : i32
          %dma_start3A_56 = arith.constant 0 : i32
          %dma_start3A_57 = tpu.memref_slice %arg4[%arg1, %dma_start3A_55, %dma_start3A_56] : memref<16x256x80xi32, #tpu.memory_space<hbm>> -> memref<1x256x80xi32, #tpu.memory_space<hbm>>
          %dma_start3A_58 = tpu.memref_squeeze %dma_start3A_57 : memref<1x256x80xi32, #tpu.memory_space<hbm>> -> memref<256x80xi32, #tpu.memory_space<hbm>>
          %dma_start3A_59 = arith.constant 0 : i32
          %dma_start3A_60 = tpu.memref_slice %dma_start3A_58[%mul3A_16, %dma_start3A_59] : memref<256x80xi32, #tpu.memory_space<hbm>> -> memref<16x80xi32, #tpu.memory_space<hbm>>
          %dma_start3A_61 = arith.constant 0 : i32
          %dma_start3A_62 = arith.constant 0 : i32
          %dma_start3A_63 = tpu.memref_slice %arg4[%arg1, %dma_start3A_61, %dma_start3A_62] : memref<16x256x80xi32, #tpu.memory_space<hbm>> -> memref<1x256x80xi32, #tpu.memory_space<hbm>>
          %dma_start3A_64 = tpu.memref_squeeze %dma_start3A_63 : memref<1x256x80xi32, #tpu.memory_space<hbm>> -> memref<256x80xi32, #tpu.memory_space<hbm>>
          %dma_start3A_65 = arith.constant 0 : i32
          %dma_start3A_66 = tpu.memref_slice %dma_start3A_64[%mul3A_16, %dma_start3A_65] : memref<256x80xi32, #tpu.memory_space<hbm>> -> memref<16x80xi32, #tpu.memory_space<hbm>>
          tpu.enqueue_dma source(%dma_start3A_66 : memref<16x80xi32, #tpu.memory_space<hbm>>) target(%arg8 : memref<16x80xi32, #tpu.memory_space<vmem>>) target_semaphore(%run_scoped3A : memref<!tpu.dma_semaphore, #tpu.memory_space<semaphore_mem>>)
          %dma_wait3A = arith.constant 0 : i32
          %dma_wait3A_67 = arith.constant 0 : i32
          %dma_wait3A_68 = tpu.memref_slice %arg4[%arg1, %dma_wait3A, %dma_wait3A_67] : memref<16x256x80xi32, #tpu.memory_space<hbm>> -> memref<1x256x80xi32, #tpu.memory_space<hbm>>
          %dma_wait3A_69 = tpu.memref_squeeze %dma_wait3A_68 : memref<1x256x80xi32, #tpu.memory_space<hbm>> -> memref<256x80xi32, #tpu.memory_space<hbm>>
          %dma_wait3A_70 = arith.constant 0 : i32
          %dma_wait3A_71 = tpu.memref_slice %dma_wait3A_69[%mul3A_16, %dma_wait3A_70] : memref<256x80xi32, #tpu.memory_space<hbm>> -> memref<16x80xi32, #tpu.memory_space<hbm>>
          %dma_wait3A_72 = arith.constant 0 : i32
          %dma_wait3A_73 = arith.constant 0 : i32
          %dma_wait3A_74 = tpu.memref_slice %arg4[%arg1, %dma_wait3A_72, %dma_wait3A_73] : memref<16x256x80xi32, #tpu.memory_space<hbm>> -> memref<1x256x80xi32, #tpu.memory_space<hbm>>
          %dma_wait3A_75 = tpu.memref_squeeze %dma_wait3A_74 : memref<1x256x80xi32, #tpu.memory_space<hbm>> -> memref<256x80xi32, #tpu.memory_space<hbm>>
          %dma_wait3A_76 = arith.constant 0 : i32
          %dma_wait3A_77 = tpu.memref_slice %dma_wait3A_75[%mul3A_16, %dma_wait3A_76] : memref<256x80xi32, #tpu.memory_space<hbm>> -> memref<16x80xi32, #tpu.memory_space<hbm>>
          tpu.wait_dma2 semaphore(%run_scoped3A : memref<!tpu.dma_semaphore, #tpu.memory_space<semaphore_mem>>) src(%dma_wait3A_77 : memref<16x80xi32, #tpu.memory_space<hbm>>) dst(%arg8 : memref<16x80xi32, #tpu.memory_space<vmem>>)
          tpu.yield
        }) : () -> ()
        %mul3A_17 = arith.constant 16 : i32
        %mul3A_18 = arith.muli %scan3A_14, %mul3A_17 : i32
        "tpu.region"() ({
          %run_scoped3A = tpu.sem_alloc : memref<!tpu.dma_semaphore, #tpu.memory_space<semaphore_mem>>
          %dma_start3A_55 = arith.constant 0 : i32
          %dma_start3A_56 = arith.constant 0 : i32
          %dma_start3A_57 = tpu.memref_slice %arg5[%arg1, %dma_start3A_55, %dma_start3A_56] : memref<16x256x80xi32, #tpu.memory_space<hbm>> -> memref<1x256x80xi32, #tpu.memory_space<hbm>>
          %dma_start3A_58 = tpu.memref_squeeze %dma_start3A_57 : memref<1x256x80xi32, #tpu.memory_space<hbm>> -> memref<256x80xi32, #tpu.memory_space<hbm>>
          %dma_start3A_59 = arith.constant 0 : i32
          %dma_start3A_60 = tpu.memref_slice %dma_start3A_58[%mul3A_18, %dma_start3A_59] : memref<256x80xi32, #tpu.memory_space<hbm>> -> memref<16x80xi32, #tpu.memory_space<hbm>>
          %dma_start3A_61 = arith.constant 0 : i32
          %dma_start3A_62 = arith.constant 0 : i32
          %dma_start3A_63 = tpu.memref_slice %arg5[%arg1, %dma_start3A_61, %dma_start3A_62] : memref<16x256x80xi32, #tpu.memory_space<hbm>> -> memref<1x256x80xi32, #tpu.memory_space<hbm>>
          %dma_start3A_64 = tpu.memref_squeeze %dma_start3A_63 : memref<1x256x80xi32, #tpu.memory_space<hbm>> -> memref<256x80xi32, #tpu.memory_space<hbm>>
          %dma_start3A_65 = arith.constant 0 : i32
          %dma_start3A_66 = tpu.memref_slice %dma_start3A_64[%mul3A_18, %dma_start3A_65] : memref<256x80xi32, #tpu.memory_space<hbm>> -> memref<16x80xi32, #tpu.memory_space<hbm>>
          tpu.enqueue_dma source(%dma_start3A_66 : memref<16x80xi32, #tpu.memory_space<hbm>>) target(%arg9 : memref<16x80xi32, #tpu.memory_space<vmem>>) target_semaphore(%run_scoped3A : memref<!tpu.dma_semaphore, #tpu.memory_space<semaphore_mem>>)
          %dma_wait3A = arith.constant 0 : i32
          %dma_wait3A_67 = arith.constant 0 : i32
          %dma_wait3A_68 = tpu.memref_slice %arg5[%arg1, %dma_wait3A, %dma_wait3A_67] : memref<16x256x80xi32, #tpu.memory_space<hbm>> -> memref<1x256x80xi32, #tpu.memory_space<hbm>>
          %dma_wait3A_69 = tpu.memref_squeeze %dma_wait3A_68 : memref<1x256x80xi32, #tpu.memory_space<hbm>> -> memref<256x80xi32, #tpu.memory_space<hbm>>
          %dma_wait3A_70 = arith.constant 0 : i32
          %dma_wait3A_71 = tpu.memref_slice %dma_wait3A_69[%mul3A_18, %dma_wait3A_70] : memref<256x80xi32, #tpu.memory_space<hbm>> -> memref<16x80xi32, #tpu.memory_space<hbm>>
          %dma_wait3A_72 = arith.constant 0 : i32
          %dma_wait3A_73 = arith.constant 0 : i32
          %dma_wait3A_74 = tpu.memref_slice %arg5[%arg1, %dma_wait3A_72, %dma_wait3A_73] : memref<16x256x80xi32, #tpu.memory_space<hbm>> -> memref<1x256x80xi32, #tpu.memory_space<hbm>>
          %dma_wait3A_75 = tpu.memref_squeeze %dma_wait3A_74 : memref<1x256x80xi32, #tpu.memory_space<hbm>> -> memref<256x80xi32, #tpu.memory_space<hbm>>
          %dma_wait3A_76 = arith.constant 0 : i32
          %dma_wait3A_77 = tpu.memref_slice %dma_wait3A_75[%mul3A_18, %dma_wait3A_76] : memref<256x80xi32, #tpu.memory_space<hbm>> -> memref<16x80xi32, #tpu.memory_space<hbm>>
          tpu.wait_dma2 semaphore(%run_scoped3A : memref<!tpu.dma_semaphore, #tpu.memory_space<semaphore_mem>>) src(%dma_wait3A_77 : memref<16x80xi32, #tpu.memory_space<hbm>>) dst(%arg9 : memref<16x80xi32, #tpu.memory_space<vmem>>)
          tpu.yield
        }) : () -> ()
        %mul3A_19 = arith.constant 16 : i32
        %mul3A_20 = arith.muli %scan3A_14, %mul3A_19 : i32
        %sub3A = arith.constant 250 : i32
        %sub3A_21 = arith.subi %sub3A, %mul3A_20 : i32
        %min3A = arith.constant 16 : i32
        %min3A_22 = arith.minsi %min3A, %sub3A_21 : i32
        %dma_start3A = arith.constant 0 : i32
        %dma_start3A_23 = arith.constant 0 : i32
        %dma_start3A_24 = tpu.memref_slice %arg8[%dma_start3A, %dma_start3A_23] : memref<16x80xi32, #tpu.memory_space<vmem>> -> memref<1x80xi32, #tpu.memory_space<vmem>>
        %dma_start3A_25 = tpu.memref_squeeze %dma_start3A_24 : memref<1x80xi32, #tpu.memory_space<vmem>> -> memref<80xi32, #tpu.memory_space<vmem>>
        %dma_start3A_26 = arith.constant 0 : i32
        %dma_start3A_27 = arith.constant 0 : i32
        %dma_start3A_28 = tpu.memref_slice %arg2[%dma_start3A_26, %dma_start3A_27] : memref<10240x128xf32, #tpu.memory_space<hbm>> -> memref<10240x128xf32, #tpu.memory_space<hbm>>
        tpu.enqueue_indirect_dma source(%dma_start3A_28 : memref<10240x128xf32, #tpu.memory_space<hbm>>) target(%arg10 : memref<80x128xf32, #tpu.memory_space<vmem>>) offsets(%dma_start3A_25 : memref<80xi32, #tpu.memory_space<vmem>>) semaphore(%arg13 : memref<!tpu.dma_semaphore, #tpu.memory_space<semaphore_mem>>)
        %jit3A = arith.constant 2 : i32
        %div3A = arith.divsi %min3A_22, %jit3A : i32
        %sign3A = arith.constant 0 : i32
        %sign3A_29 = arith.cmpi sgt, %min3A_22, %sign3A : i32
        %sign3A_30 = arith.extui %sign3A_29 : i1 to i32
        %sign3A_31 = arith.constant 0 : i32
        %sign3A_32 = arith.cmpi slt, %min3A_22, %sign3A_31 : i32
        %sign3A_33 = arith.extui %sign3A_32 : i1 to i32
        %sign3A_34 = arith.subi %sign3A_30, %sign3A_33 : i32
        %sign3A_35 = arith.constant 0 : i32
        %sign3A_36 = arith.cmpi sgt, %jit3A, %sign3A_35 : i32
        %sign3A_37 = arith.extui %sign3A_36 : i1 to i32
        %sign3A_38 = arith.constant 0 : i32
        %sign3A_39 = arith.cmpi slt, %jit3A, %sign3A_38 : i32
        %sign3A_40 = arith.extui %sign3A_39 : i1 to i32
        %sign3A_41 = arith.subi %sign3A_37, %sign3A_40 : i32
        %ne3A = arith.cmpi ne, %sign3A_34, %sign3A_41 : i32
        %rem3A = arith.remsi %min3A_22, %jit3A : i32
        %ne3A_42 = arith.constant 0 : i32
        %ne3A_43 = arith.cmpi ne, %rem3A, %ne3A_42 : i32
        %and3A = arith.andi %ne3A, %ne3A_43 : i1
        %sub3A_44 = arith.constant 1 : i32
        %sub3A_45 = arith.subi %div3A, %sub3A_44 : i32
        %select_n3A = arith.select %and3A, %sub3A_45, %div3A : i32
        %while3A = arith.constant 0 : i32
        %while3A_46 = arith.constant 0 : i32
        %while3A_47 = arith.subi %select_n3A, %while3A_46 : i32
        %while3A_48 = arith.addi %while3A_46, %while3A_47 : i32
        %while3A_49 = arith.constant 1 : i32
        %while3A_50 = arith.divsi %while3A_47, %while3A_49 : i32
        %while3A_51 = arith.muli %while3A_50, %while3A_49 : i32
        %while3A_52 = arith.addi %while3A_46, %while3A_51 : i32
        %while3A_53 = arith.constant 1 : i32
        scf.for %while3A_55 = %while3A_46 to %while3A_52 step %while3A_53  : i32 {
          %mul3A_56 = arith.constant 2 : i32
          %mul3A_57 = arith.muli %mul3A_56, %while3A_55 : i32
          %add3A = arith.constant 1 : i32
          %add3A_58 = arith.addi %mul3A_57, %add3A : i32
          %dma_start3A_59 = arith.constant 0 : i32
          %dma_start3A_60 = tpu.memref_slice %arg8[%add3A_58, %dma_start3A_59] : memref<16x80xi32, #tpu.memory_space<vmem>> -> memref<1x80xi32, #tpu.memory_space<vmem>>
          %dma_start3A_61 = tpu.memref_squeeze %dma_start3A_60 : memref<1x80xi32, #tpu.memory_space<vmem>> -> memref<80xi32, #tpu.memory_space<vmem>>
          %dma_start3A_62 = arith.constant 0 : i32
          %dma_start3A_63 = arith.constant 0 : i32
          %dma_start3A_64 = tpu.memref_slice %arg2[%dma_start3A_62, %dma_start3A_63] : memref<10240x128xf32, #tpu.memory_space<hbm>> -> memref<10240x128xf32, #tpu.memory_space<hbm>>
          tpu.enqueue_indirect_dma source(%dma_start3A_64 : memref<10240x128xf32, #tpu.memory_space<hbm>>) target(%arg11 : memref<80x128xf32, #tpu.memory_space<vmem>>) offsets(%dma_start3A_61 : memref<80xi32, #tpu.memory_space<vmem>>) semaphore(%arg14 : memref<!tpu.dma_semaphore, #tpu.memory_space<semaphore_mem>>)
          %dma_wait3A = arith.constant 0 : i32
          %dma_wait3A_65 = tpu.memref_slice %arg8[%mul3A_57, %dma_wait3A] : memref<16x80xi32, #tpu.memory_space<vmem>> -> memref<1x80xi32, #tpu.memory_space<vmem>>
          %dma_wait3A_66 = tpu.memref_squeeze %dma_wait3A_65 : memref<1x80xi32, #tpu.memory_space<vmem>> -> memref<80xi32, #tpu.memory_space<vmem>>
          %dma_wait3A_67 = arith.constant 0 : i32
          %dma_wait3A_68 = arith.constant 0 : i32
          %dma_wait3A_69 = tpu.memref_slice %arg2[%dma_wait3A_67, %dma_wait3A_68] : memref<10240x128xf32, #tpu.memory_space<hbm>> -> memref<10240x128xf32, #tpu.memory_space<hbm>>
          tpu.wait_indirect_dma semaphore(%arg13 : memref<!tpu.dma_semaphore, #tpu.memory_space<semaphore_mem>>) src(%dma_wait3A_69 : memref<10240x128xf32, #tpu.memory_space<hbm>>) dst(%arg10 : memref<80x128xf32, #tpu.memory_space<vmem>>)
          "tpu.region"() ({
            %run_scoped3A = tpu.sem_alloc : memref<!tpu.dma_semaphore, #tpu.memory_space<semaphore_mem>>
            %dma_start3A_81 = arith.constant 0 : i32
            %dma_start3A_82 = tpu.memref_slice %arg9[%mul3A_57, %dma_start3A_81] : memref<16x80xi32, #tpu.memory_space<vmem>> -> memref<1x80xi32, #tpu.memory_space<vmem>>
            %dma_start3A_83 = tpu.memref_squeeze %dma_start3A_82 : memref<1x80xi32, #tpu.memory_space<vmem>> -> memref<80xi32, #tpu.memory_space<vmem>>
            %dma_start3A_84 = arith.constant 0 : i32
            %dma_start3A_85 = arith.constant 0 : i32
            %dma_start3A_86 = tpu.memref_slice %arg12[%dma_start3A_84, %dma_start3A_85] : memref<10240x128xf32, #tpu.memory_space<vmem_shared>> -> memref<10240x128xf32, #tpu.memory_space<vmem_shared>>
            tpu.enqueue_indirect_dma source(%arg10 : memref<80x128xf32, #tpu.memory_space<vmem>>) target(%dma_start3A_86 : memref<10240x128xf32, #tpu.memory_space<vmem_shared>>) offsets(%dma_start3A_83 : memref<80xi32, #tpu.memory_space<vmem>>) semaphore(%run_scoped3A : memref<!tpu.dma_semaphore, #tpu.memory_space<semaphore_mem>>) {add = true}
            %dma_wait3A_87 = arith.constant 0 : i32
            %dma_wait3A_88 = tpu.memref_slice %arg9[%mul3A_57, %dma_wait3A_87] : memref<16x80xi32, #tpu.memory_space<vmem>> -> memref<1x80xi32, #tpu.memory_space<vmem>>
            %dma_wait3A_89 = tpu.memref_squeeze %dma_wait3A_88 : memref<1x80xi32, #tpu.memory_space<vmem>> -> memref<80xi32, #tpu.memory_space<vmem>>
            %dma_wait3A_90 = arith.constant 0 : i32
            %dma_wait3A_91 = arith.constant 0 : i32
            %dma_wait3A_92 = tpu.memref_slice %arg12[%dma_wait3A_90, %dma_wait3A_91] : memref<10240x128xf32, #tpu.memory_space<vmem_shared>> -> memref<10240x128xf32, #tpu.memory_space<vmem_shared>>
            tpu.wait_indirect_dma semaphore(%run_scoped3A : memref<!tpu.dma_semaphore, #tpu.memory_space<semaphore_mem>>) src(%arg10 : memref<80x128xf32, #tpu.memory_space<vmem>>) dst(%dma_wait3A_92 : memref<10240x128xf32, #tpu.memory_space<vmem_shared>>)
            tpu.yield
          }) : () -> ()
          %add3A_70 = arith.constant 1 : i32
          %add3A_71 = arith.addi %add3A_58, %add3A_70 : i32
          %lt3A = arith.cmpi slt, %add3A_71, %min3A_22 : i32
          %convert_element_type3A_72 = arith.extui %lt3A : i1 to i32
          %cond3A_73 = arith.constant 0 : i32
          %cond3A_74 = arith.cmpi ne, %convert_element_type3A_72, %cond3A_73 : i32
          scf.if %cond3A_74 {
            %add3A_81 = arith.constant 1 : i32
            %add3A_82 = arith.addi %add3A_58, %add3A_81 : i32
            %dma_start3A_83 = arith.constant 0 : i32
            %dma_start3A_84 = tpu.memref_slice %arg8[%add3A_82, %dma_start3A_83] : memref<16x80xi32, #tpu.memory_space<vmem>> -> memref<1x80xi32, #tpu.memory_space<vmem>>
            %dma_start3A_85 = tpu.memref_squeeze %dma_start3A_84 : memref<1x80xi32, #tpu.memory_space<vmem>> -> memref<80xi32, #tpu.memory_space<vmem>>
            %dma_start3A_86 = arith.constant 0 : i32
            %dma_start3A_87 = arith.constant 0 : i32
            %dma_start3A_88 = tpu.memref_slice %arg2[%dma_start3A_86, %dma_start3A_87] : memref<10240x128xf32, #tpu.memory_space<hbm>> -> memref<10240x128xf32, #tpu.memory_space<hbm>>
            tpu.enqueue_indirect_dma source(%dma_start3A_88 : memref<10240x128xf32, #tpu.memory_space<hbm>>) target(%arg10 : memref<80x128xf32, #tpu.memory_space<vmem>>) offsets(%dma_start3A_85 : memref<80xi32, #tpu.memory_space<vmem>>) semaphore(%arg13 : memref<!tpu.dma_semaphore, #tpu.memory_space<semaphore_mem>>)
          } else {
          }
          %dma_wait3A_75 = arith.constant 0 : i32
          %dma_wait3A_76 = tpu.memref_slice %arg8[%add3A_58, %dma_wait3A_75] : memref<16x80xi32, #tpu.memory_space<vmem>> -> memref<1x80xi32, #tpu.memory_space<vmem>>
          %dma_wait3A_77 = tpu.memref_squeeze %dma_wait3A_76 : memref<1x80xi32, #tpu.memory_space<vmem>> -> memref<80xi32, #tpu.memory_space<vmem>>
          %dma_wait3A_78 = arith.constant 0 : i32
          %dma_wait3A_79 = arith.constant 0 : i32
          %dma_wait3A_80 = tpu.memref_slice %arg2[%dma_wait3A_78, %dma_wait3A_79] : memref<10240x128xf32, #tpu.memory_space<hbm>> -> memref<10240x128xf32, #tpu.memory_space<hbm>>
          tpu.wait_indirect_dma semaphore(%arg14 : memref<!tpu.dma_semaphore, #tpu.memory_space<semaphore_mem>>) src(%dma_wait3A_80 : memref<10240x128xf32, #tpu.memory_space<hbm>>) dst(%arg11 : memref<80x128xf32, #tpu.memory_space<vmem>>)
          "tpu.region"() ({
            %run_scoped3A = tpu.sem_alloc : memref<!tpu.dma_semaphore, #tpu.memory_space<semaphore_mem>>
            %dma_start3A_81 = arith.constant 0 : i32
            %dma_start3A_82 = tpu.memref_slice %arg9[%add3A_58, %dma_start3A_81] : memref<16x80xi32, #tpu.memory_space<vmem>> -> memref<1x80xi32, #tpu.memory_space<vmem>>
            %dma_start3A_83 = tpu.memref_squeeze %dma_start3A_82 : memref<1x80xi32, #tpu.memory_space<vmem>> -> memref<80xi32, #tpu.memory_space<vmem>>
            %dma_start3A_84 = arith.constant 0 : i32
            %dma_start3A_85 = arith.constant 0 : i32
            %dma_start3A_86 = tpu.memref_slice %arg12[%dma_start3A_84, %dma_start3A_85] : memref<10240x128xf32, #tpu.memory_space<vmem_shared>> -> memref<10240x128xf32, #tpu.memory_space<vmem_shared>>
            tpu.enqueue_indirect_dma source(%arg11 : memref<80x128xf32, #tpu.memory_space<vmem>>) target(%dma_start3A_86 : memref<10240x128xf32, #tpu.memory_space<vmem_shared>>) offsets(%dma_start3A_83 : memref<80xi32, #tpu.memory_space<vmem>>) semaphore(%run_scoped3A : memref<!tpu.dma_semaphore, #tpu.memory_space<semaphore_mem>>) {add = true}
            %dma_wait3A_87 = arith.constant 0 : i32
            %dma_wait3A_88 = tpu.memref_slice %arg9[%add3A_58, %dma_wait3A_87] : memref<16x80xi32, #tpu.memory_space<vmem>> -> memref<1x80xi32, #tpu.memory_space<vmem>>
            %dma_wait3A_89 = tpu.memref_squeeze %dma_wait3A_88 : memref<1x80xi32, #tpu.memory_space<vmem>> -> memref<80xi32, #tpu.memory_space<vmem>>
            %dma_wait3A_90 = arith.constant 0 : i32
            %dma_wait3A_91 = arith.constant 0 : i32
            %dma_wait3A_92 = tpu.memref_slice %arg12[%dma_wait3A_90, %dma_wait3A_91] : memref<10240x128xf32, #tpu.memory_space<vmem_shared>> -> memref<10240x128xf32, #tpu.memory_space<vmem_shared>>
            tpu.wait_indirect_dma semaphore(%run_scoped3A : memref<!tpu.dma_semaphore, #tpu.memory_space<semaphore_mem>>) src(%arg11 : memref<80x128xf32, #tpu.memory_space<vmem>>) dst(%dma_wait3A_92 : memref<10240x128xf32, #tpu.memory_space<vmem_shared>>)
            tpu.yield
          }) : () -> ()
        }
        %while3A_54 = arith.constant 1 : i32
        scf.for %while3A_55 = %while3A_52 to %while3A_48 step %while3A_54  : i32 {
          %mul3A_56 = arith.constant 2 : i32
          %mul3A_57 = arith.muli %mul3A_56, %while3A_55 : i32
          %add3A = arith.constant 1 : i32
          %add3A_58 = arith.addi %mul3A_57, %add3A : i32
          %dma_start3A_59 = arith.constant 0 : i32
          %dma_start3A_60 = tpu.memref_slice %arg8[%add3A_58, %dma_start3A_59] : memref<16x80xi32, #tpu.memory_space<vmem>> -> memref<1x80xi32, #tpu.memory_space<vmem>>
          %dma_start3A_61 = tpu.memref_squeeze %dma_start3A_60 : memref<1x80xi32, #tpu.memory_space<vmem>> -> memref<80xi32, #tpu.memory_space<vmem>>
          %dma_start3A_62 = arith.constant 0 : i32
          %dma_start3A_63 = arith.constant 0 : i32
          %dma_start3A_64 = tpu.memref_slice %arg2[%dma_start3A_62, %dma_start3A_63] : memref<10240x128xf32, #tpu.memory_space<hbm>> -> memref<10240x128xf32, #tpu.memory_space<hbm>>
          tpu.enqueue_indirect_dma source(%dma_start3A_64 : memref<10240x128xf32, #tpu.memory_space<hbm>>) target(%arg11 : memref<80x128xf32, #tpu.memory_space<vmem>>) offsets(%dma_start3A_61 : memref<80xi32, #tpu.memory_space<vmem>>) semaphore(%arg14 : memref<!tpu.dma_semaphore, #tpu.memory_space<semaphore_mem>>)
          %dma_wait3A = arith.constant 0 : i32
          %dma_wait3A_65 = tpu.memref_slice %arg8[%mul3A_57, %dma_wait3A] : memref<16x80xi32, #tpu.memory_space<vmem>> -> memref<1x80xi32, #tpu.memory_space<vmem>>
          %dma_wait3A_66 = tpu.memref_squeeze %dma_wait3A_65 : memref<1x80xi32, #tpu.memory_space<vmem>> -> memref<80xi32, #tpu.memory_space<vmem>>
          %dma_wait3A_67 = arith.constant 0 : i32
          %dma_wait3A_68 = arith.constant 0 : i32
          %dma_wait3A_69 = tpu.memref_slice %arg2[%dma_wait3A_67, %dma_wait3A_68] : memref<10240x128xf32, #tpu.memory_space<hbm>> -> memref<10240x128xf32, #tpu.memory_space<hbm>>
          tpu.wait_indirect_dma semaphore(%arg13 : memref<!tpu.dma_semaphore, #tpu.memory_space<semaphore_mem>>) src(%dma_wait3A_69 : memref<10240x128xf32, #tpu.memory_space<hbm>>) dst(%arg10 : memref<80x128xf32, #tpu.memory_space<vmem>>)
          "tpu.region"() ({
            %run_scoped3A = tpu.sem_alloc : memref<!tpu.dma_semaphore, #tpu.memory_space<semaphore_mem>>
            %dma_start3A_81 = arith.constant 0 : i32
            %dma_start3A_82 = tpu.memref_slice %arg9[%mul3A_57, %dma_start3A_81] : memref<16x80xi32, #tpu.memory_space<vmem>> -> memref<1x80xi32, #tpu.memory_space<vmem>>
            %dma_start3A_83 = tpu.memref_squeeze %dma_start3A_82 : memref<1x80xi32, #tpu.memory_space<vmem>> -> memref<80xi32, #tpu.memory_space<vmem>>
            %dma_start3A_84 = arith.constant 0 : i32
            %dma_start3A_85 = arith.constant 0 : i32
            %dma_start3A_86 = tpu.memref_slice %arg12[%dma_start3A_84, %dma_start3A_85] : memref<10240x128xf32, #tpu.memory_space<vmem_shared>> -> memref<10240x128xf32, #tpu.memory_space<vmem_shared>>
            tpu.enqueue_indirect_dma source(%arg10 : memref<80x128xf32, #tpu.memory_space<vmem>>) target(%dma_start3A_86 : memref<10240x128xf32, #tpu.memory_space<vmem_shared>>) offsets(%dma_start3A_83 : memref<80xi32, #tpu.memory_space<vmem>>) semaphore(%run_scoped3A : memref<!tpu.dma_semaphore, #tpu.memory_space<semaphore_mem>>) {add = true}
            %dma_wait3A_87 = arith.constant 0 : i32
            %dma_wait3A_88 = tpu.memref_slice %arg9[%mul3A_57, %dma_wait3A_87] : memref<16x80xi32, #tpu.memory_space<vmem>> -> memref<1x80xi32, #tpu.memory_space<vmem>>
            %dma_wait3A_89 = tpu.memref_squeeze %dma_wait3A_88 : memref<1x80xi32, #tpu.memory_space<vmem>> -> memref<80xi32, #tpu.memory_space<vmem>>
            %dma_wait3A_90 = arith.constant 0 : i32
            %dma_wait3A_91 = arith.constant 0 : i32
            %dma_wait3A_92 = tpu.memref_slice %arg12[%dma_wait3A_90, %dma_wait3A_91] : memref<10240x128xf32, #tpu.memory_space<vmem_shared>> -> memref<10240x128xf32, #tpu.memory_space<vmem_shared>>
            tpu.wait_indirect_dma semaphore(%run_scoped3A : memref<!tpu.dma_semaphore, #tpu.memory_space<semaphore_mem>>) src(%arg10 : memref<80x128xf32, #tpu.memory_space<vmem>>) dst(%dma_wait3A_92 : memref<10240x128xf32, #tpu.memory_space<vmem_shared>>)
            tpu.yield
          }) : () -> ()
          %add3A_70 = arith.constant 1 : i32
          %add3A_71 = arith.addi %add3A_58, %add3A_70 : i32
          %lt3A = arith.cmpi slt, %add3A_71, %min3A_22 : i32
          %convert_element_type3A_72 = arith.extui %lt3A : i1 to i32
          %cond3A_73 = arith.constant 0 : i32
          %cond3A_74 = arith.cmpi ne, %convert_element_type3A_72, %cond3A_73 : i32
          scf.if %cond3A_74 {
            %add3A_81 = arith.constant 1 : i32
            %add3A_82 = arith.addi %add3A_58, %add3A_81 : i32
            %dma_start3A_83 = arith.constant 0 : i32
            %dma_start3A_84 = tpu.memref_slice %arg8[%add3A_82, %dma_start3A_83] : memref<16x80xi32, #tpu.memory_space<vmem>> -> memref<1x80xi32, #tpu.memory_space<vmem>>
            %dma_start3A_85 = tpu.memref_squeeze %dma_start3A_84 : memref<1x80xi32, #tpu.memory_space<vmem>> -> memref<80xi32, #tpu.memory_space<vmem>>
            %dma_start3A_86 = arith.constant 0 : i32
            %dma_start3A_87 = arith.constant 0 : i32
            %dma_start3A_88 = tpu.memref_slice %arg2[%dma_start3A_86, %dma_start3A_87] : memref<10240x128xf32, #tpu.memory_space<hbm>> -> memref<10240x128xf32, #tpu.memory_space<hbm>>
            tpu.enqueue_indirect_dma source(%dma_start3A_88 : memref<10240x128xf32, #tpu.memory_space<hbm>>) target(%arg10 : memref<80x128xf32, #tpu.memory_space<vmem>>) offsets(%dma_start3A_85 : memref<80xi32, #tpu.memory_space<vmem>>) semaphore(%arg13 : memref<!tpu.dma_semaphore, #tpu.memory_space<semaphore_mem>>)
          } else {
          }
          %dma_wait3A_75 = arith.constant 0 : i32
          %dma_wait3A_76 = tpu.memref_slice %arg8[%add3A_58, %dma_wait3A_75] : memref<16x80xi32, #tpu.memory_space<vmem>> -> memref<1x80xi32, #tpu.memory_space<vmem>>
          %dma_wait3A_77 = tpu.memref_squeeze %dma_wait3A_76 : memref<1x80xi32, #tpu.memory_space<vmem>> -> memref<80xi32, #tpu.memory_space<vmem>>
          %dma_wait3A_78 = arith.constant 0 : i32
          %dma_wait3A_79 = arith.constant 0 : i32
          %dma_wait3A_80 = tpu.memref_slice %arg2[%dma_wait3A_78, %dma_wait3A_79] : memref<10240x128xf32, #tpu.memory_space<hbm>> -> memref<10240x128xf32, #tpu.memory_space<hbm>>
          tpu.wait_indirect_dma semaphore(%arg14 : memref<!tpu.dma_semaphore, #tpu.memory_space<semaphore_mem>>) src(%dma_wait3A_80 : memref<10240x128xf32, #tpu.memory_space<hbm>>) dst(%arg11 : memref<80x128xf32, #tpu.memory_space<vmem>>)
          "tpu.region"() ({
            %run_scoped3A = tpu.sem_alloc : memref<!tpu.dma_semaphore, #tpu.memory_space<semaphore_mem>>
            %dma_start3A_81 = arith.constant 0 : i32
            %dma_start3A_82 = tpu.memref_slice %arg9[%add3A_58, %dma_start3A_81] : memref<16x80xi32, #tpu.memory_space<vmem>> -> memref<1x80xi32, #tpu.memory_space<vmem>>
            %dma_start3A_83 = tpu.memref_squeeze %dma_start3A_82 : memref<1x80xi32, #tpu.memory_space<vmem>> -> memref<80xi32, #tpu.memory_space<vmem>>
            %dma_start3A_84 = arith.constant 0 : i32
            %dma_start3A_85 = arith.constant 0 : i32
            %dma_start3A_86 = tpu.memref_slice %arg12[%dma_start3A_84, %dma_start3A_85] : memref<10240x128xf32, #tpu.memory_space<vmem_shared>> -> memref<10240x128xf32, #tpu.memory_space<vmem_shared>>
            tpu.enqueue_indirect_dma source(%arg11 : memref<80x128xf32, #tpu.memory_space<vmem>>) target(%dma_start3A_86 : memref<10240x128xf32, #tpu.memory_space<vmem_shared>>) offsets(%dma_start3A_83 : memref<80xi32, #tpu.memory_space<vmem>>) semaphore(%run_scoped3A : memref<!tpu.dma_semaphore, #tpu.memory_space<semaphore_mem>>) {add = true}
            %dma_wait3A_87 = arith.constant 0 : i32
            %dma_wait3A_88 = tpu.memref_slice %arg9[%add3A_58, %dma_wait3A_87] : memref<16x80xi32, #tpu.memory_space<vmem>> -> memref<1x80xi32, #tpu.memory_space<vmem>>
            %dma_wait3A_89 = tpu.memref_squeeze %dma_wait3A_88 : memref<1x80xi32, #tpu.memory_space<vmem>> -> memref<80xi32, #tpu.memory_space<vmem>>
            %dma_wait3A_90 = arith.constant 0 : i32
            %dma_wait3A_91 = arith.constant 0 : i32
            %dma_wait3A_92 = tpu.memref_slice %arg12[%dma_wait3A_90, %dma_wait3A_91] : memref<10240x128xf32, #tpu.memory_space<vmem_shared>> -> memref<10240x128xf32, #tpu.memory_space<vmem_shared>>
            tpu.wait_indirect_dma semaphore(%run_scoped3A : memref<!tpu.dma_semaphore, #tpu.memory_space<semaphore_mem>>) src(%arg11 : memref<80x128xf32, #tpu.memory_space<vmem>>) dst(%dma_wait3A_92 : memref<10240x128xf32, #tpu.memory_space<vmem_shared>>)
            tpu.yield
          }) : () -> ()
        }
      }
      %scan3A_12 = arith.constant 16 : i32
      %barrier3A_13 = arith.constant 0 : index
      tpu.barrier barrier_id(%barrier3A_13)
      "tpu.region"() ({
        %run_scoped3A = tpu.sem_alloc : memref<!tpu.dma_semaphore, #tpu.memory_space<semaphore_mem>>
        %dma_start3A = arith.constant 0 : i32
        %dma_start3A_14 = tpu.memref_slice %arg6[%mul3A_0, %dma_start3A] : memref<10240x128xf32, #tpu.memory_space<hbm>> -> memref<640x128xf32, #tpu.memory_space<hbm>>
        %dma_start3A_15 = arith.constant 0 : i32
        %dma_start3A_16 = tpu.memref_slice %arg12[%mul3A_0, %dma_start3A_15] : memref<10240x128xf32, #tpu.memory_space<vmem_shared>> -> memref<640x128xf32, #tpu.memory_space<vmem_shared>>
        tpu.enqueue_dma source(%dma_start3A_16 : memref<640x128xf32, #tpu.memory_space<vmem_shared>>) target(%dma_start3A_14 : memref<640x128xf32, #tpu.memory_space<hbm>>) target_semaphore(%run_scoped3A : memref<!tpu.dma_semaphore, #tpu.memory_space<semaphore_mem>>)
        %dma_wait3A = arith.constant 0 : i32
        %dma_wait3A_17 = tpu.memref_slice %arg6[%mul3A_0, %dma_wait3A] : memref<10240x128xf32, #tpu.memory_space<hbm>> -> memref<640x128xf32, #tpu.memory_space<hbm>>
        %dma_wait3A_18 = arith.constant 0 : i32
        %dma_wait3A_19 = tpu.memref_slice %arg12[%mul3A_0, %dma_wait3A_18] : memref<10240x128xf32, #tpu.memory_space<vmem_shared>> -> memref<640x128xf32, #tpu.memory_space<vmem_shared>>
        tpu.wait_dma2 semaphore(%run_scoped3A : memref<!tpu.dma_semaphore, #tpu.memory_space<semaphore_mem>>) src(%dma_wait3A_19 : memref<640x128xf32, #tpu.memory_space<vmem_shared>>) dst(%dma_wait3A_17 : memref<640x128xf32, #tpu.memory_space<hbm>>)
        tpu.yield
      }) : () -> ()
    } else {
    }
    %eq3A_3 = arith.constant 1 : i32
    %eq3A_4 = arith.cmpi eq, %arg0, %eq3A_3 : i32
    %convert_element_type3A_5 = arith.extui %eq3A_4 : i1 to i32
    %cond3A_6 = arith.constant 0 : i32
    %cond3A_7 = arith.cmpi ne, %convert_element_type3A_5, %cond3A_6 : i32
    scf.if %cond3A_7 {
      "tpu.region"() ({
        %run_scoped3A = tpu.sem_alloc : memref<!tpu.dma_semaphore, #tpu.memory_space<semaphore_mem>>
        %dma_start3A = arith.constant 0 : i32
        %dma_start3A_14 = tpu.memref_slice %arg12[%mul3A_0, %dma_start3A] : memref<10240x128xf32, #tpu.memory_space<vmem_shared>> -> memref<640x128xf32, #tpu.memory_space<vmem_shared>>
        %dma_start3A_15 = arith.constant 0 : i32
        %dma_start3A_16 = tpu.memref_slice %arg3[%mul3A_0, %dma_start3A_15] : memref<10240x128xf32, #tpu.memory_space<hbm>> -> memref<640x128xf32, #tpu.memory_space<hbm>>
        tpu.enqueue_dma source(%dma_start3A_16 : memref<640x128xf32, #tpu.memory_space<hbm>>) target(%dma_start3A_14 : memref<640x128xf32, #tpu.memory_space<vmem_shared>>) target_semaphore(%run_scoped3A : memref<!tpu.dma_semaphore, #tpu.memory_space<semaphore_mem>>)
        %dma_wait3A = arith.constant 0 : i32
        %dma_wait3A_17 = tpu.memref_slice %arg12[%mul3A_0, %dma_wait3A] : memref<10240x128xf32, #tpu.memory_space<vmem_shared>> -> memref<640x128xf32, #tpu.memory_space<vmem_shared>>
        %dma_wait3A_18 = arith.constant 0 : i32
        %dma_wait3A_19 = tpu.memref_slice %arg3[%mul3A_0, %dma_wait3A_18] : memref<10240x128xf32, #tpu.memory_space<hbm>> -> memref<640x128xf32, #tpu.memory_space<hbm>>
        tpu.wait_dma2 semaphore(%run_scoped3A : memref<!tpu.dma_semaphore, #tpu.memory_space<semaphore_mem>>) src(%dma_wait3A_19 : memref<640x128xf32, #tpu.memory_space<hbm>>) dst(%dma_wait3A_17 : memref<640x128xf32, #tpu.memory_space<vmem_shared>>)
        tpu.yield
      }) : () -> ()
      %barrier3A = arith.constant 0 : index
      tpu.barrier barrier_id(%barrier3A)
      %scan3A = arith.constant 0 : i32
      %scan3A_8 = arith.constant 0 : i32
      %scan3A_9 = arith.constant 16 : i32
      %scan3A_10 = arith.addi %scan3A_8, %scan3A_9 : i32
      %scan3A_11 = arith.constant 1 : i32
      scf.for %scan3A_14 = %scan3A_8 to %scan3A_10 step %scan3A_11  : i32 {
        %mul3A_15 = arith.constant 16 : i32
        %mul3A_16 = arith.muli %scan3A_14, %mul3A_15 : i32
        "tpu.region"() ({
          %run_scoped3A = tpu.sem_alloc : memref<!tpu.dma_semaphore, #tpu.memory_space<semaphore_mem>>
          %dma_start3A_55 = arith.constant 0 : i32
          %dma_start3A_56 = arith.constant 0 : i32
          %dma_start3A_57 = tpu.memref_slice %arg5[%arg1, %dma_start3A_55, %dma_start3A_56] : memref<16x256x80xi32, #tpu.memory_space<hbm>> -> memref<1x256x80xi32, #tpu.memory_space<hbm>>
          %dma_start3A_58 = tpu.memref_squeeze %dma_start3A_57 : memref<1x256x80xi32, #tpu.memory_space<hbm>> -> memref<256x80xi32, #tpu.memory_space<hbm>>
          %dma_start3A_59 = arith.constant 0 : i32
          %dma_start3A_60 = tpu.memref_slice %dma_start3A_58[%mul3A_16, %dma_start3A_59] : memref<256x80xi32, #tpu.memory_space<hbm>> -> memref<16x80xi32, #tpu.memory_space<hbm>>
          %dma_start3A_61 = arith.constant 0 : i32
          %dma_start3A_62 = arith.constant 0 : i32
          %dma_start3A_63 = tpu.memref_slice %arg5[%arg1, %dma_start3A_61, %dma_start3A_62] : memref<16x256x80xi32, #tpu.memory_space<hbm>> -> memref<1x256x80xi32, #tpu.memory_space<hbm>>
          %dma_start3A_64 = tpu.memref_squeeze %dma_start3A_63 : memref<1x256x80xi32, #tpu.memory_space<hbm>> -> memref<256x80xi32, #tpu.memory_space<hbm>>
          %dma_start3A_65 = arith.constant 0 : i32
          %dma_start3A_66 = tpu.memref_slice %dma_start3A_64[%mul3A_16, %dma_start3A_65] : memref<256x80xi32, #tpu.memory_space<hbm>> -> memref<16x80xi32, #tpu.memory_space<hbm>>
          tpu.enqueue_dma source(%dma_start3A_66 : memref<16x80xi32, #tpu.memory_space<hbm>>) target(%arg8 : memref<16x80xi32, #tpu.memory_space<vmem>>) target_semaphore(%run_scoped3A : memref<!tpu.dma_semaphore, #tpu.memory_space<semaphore_mem>>)
          %dma_wait3A = arith.constant 0 : i32
          %dma_wait3A_67 = arith.constant 0 : i32
          %dma_wait3A_68 = tpu.memref_slice %arg5[%arg1, %dma_wait3A, %dma_wait3A_67] : memref<16x256x80xi32, #tpu.memory_space<hbm>> -> memref<1x256x80xi32, #tpu.memory_space<hbm>>
          %dma_wait3A_69 = tpu.memref_squeeze %dma_wait3A_68 : memref<1x256x80xi32, #tpu.memory_space<hbm>> -> memref<256x80xi32, #tpu.memory_space<hbm>>
          %dma_wait3A_70 = arith.constant 0 : i32
          %dma_wait3A_71 = tpu.memref_slice %dma_wait3A_69[%mul3A_16, %dma_wait3A_70] : memref<256x80xi32, #tpu.memory_space<hbm>> -> memref<16x80xi32, #tpu.memory_space<hbm>>
          %dma_wait3A_72 = arith.constant 0 : i32
          %dma_wait3A_73 = arith.constant 0 : i32
          %dma_wait3A_74 = tpu.memref_slice %arg5[%arg1, %dma_wait3A_72, %dma_wait3A_73] : memref<16x256x80xi32, #tpu.memory_space<hbm>> -> memref<1x256x80xi32, #tpu.memory_space<hbm>>
          %dma_wait3A_75 = tpu.memref_squeeze %dma_wait3A_74 : memref<1x256x80xi32, #tpu.memory_space<hbm>> -> memref<256x80xi32, #tpu.memory_space<hbm>>
          %dma_wait3A_76 = arith.constant 0 : i32
          %dma_wait3A_77 = tpu.memref_slice %dma_wait3A_75[%mul3A_16, %dma_wait3A_76] : memref<256x80xi32, #tpu.memory_space<hbm>> -> memref<16x80xi32, #tpu.memory_space<hbm>>
          tpu.wait_dma2 semaphore(%run_scoped3A : memref<!tpu.dma_semaphore, #tpu.memory_space<semaphore_mem>>) src(%dma_wait3A_77 : memref<16x80xi32, #tpu.memory_space<hbm>>) dst(%arg8 : memref<16x80xi32, #tpu.memory_space<vmem>>)
          tpu.yield
        }) : () -> ()
        %mul3A_17 = arith.constant 16 : i32
        %mul3A_18 = arith.muli %scan3A_14, %mul3A_17 : i32
        "tpu.region"() ({
          %run_scoped3A = tpu.sem_alloc : memref<!tpu.dma_semaphore, #tpu.memory_space<semaphore_mem>>
          %dma_start3A_55 = arith.constant 0 : i32
          %dma_start3A_56 = arith.constant 0 : i32
          %dma_start3A_57 = tpu.memref_slice %arg4[%arg1, %dma_start3A_55, %dma_start3A_56] : memref<16x256x80xi32, #tpu.memory_space<hbm>> -> memref<1x256x80xi32, #tpu.memory_space<hbm>>
          %dma_start3A_58 = tpu.memref_squeeze %dma_start3A_57 : memref<1x256x80xi32, #tpu.memory_space<hbm>> -> memref<256x80xi32, #tpu.memory_space<hbm>>
          %dma_start3A_59 = arith.constant 0 : i32
          %dma_start3A_60 = tpu.memref_slice %dma_start3A_58[%mul3A_18, %dma_start3A_59] : memref<256x80xi32, #tpu.memory_space<hbm>> -> memref<16x80xi32, #tpu.memory_space<hbm>>
          %dma_start3A_61 = arith.constant 0 : i32
          %dma_start3A_62 = arith.constant 0 : i32
          %dma_start3A_63 = tpu.memref_slice %arg4[%arg1, %dma_start3A_61, %dma_start3A_62] : memref<16x256x80xi32, #tpu.memory_space<hbm>> -> memref<1x256x80xi32, #tpu.memory_space<hbm>>
          %dma_start3A_64 = tpu.memref_squeeze %dma_start3A_63 : memref<1x256x80xi32, #tpu.memory_space<hbm>> -> memref<256x80xi32, #tpu.memory_space<hbm>>
          %dma_start3A_65 = arith.constant 0 : i32
          %dma_start3A_66 = tpu.memref_slice %dma_start3A_64[%mul3A_18, %dma_start3A_65] : memref<256x80xi32, #tpu.memory_space<hbm>> -> memref<16x80xi32, #tpu.memory_space<hbm>>
          tpu.enqueue_dma source(%dma_start3A_66 : memref<16x80xi32, #tpu.memory_space<hbm>>) target(%arg9 : memref<16x80xi32, #tpu.memory_space<vmem>>) target_semaphore(%run_scoped3A : memref<!tpu.dma_semaphore, #tpu.memory_space<semaphore_mem>>)
          %dma_wait3A = arith.constant 0 : i32
          %dma_wait3A_67 = arith.constant 0 : i32
          %dma_wait3A_68 = tpu.memref_slice %arg4[%arg1, %dma_wait3A, %dma_wait3A_67] : memref<16x256x80xi32, #tpu.memory_space<hbm>> -> memref<1x256x80xi32, #tpu.memory_space<hbm>>
          %dma_wait3A_69 = tpu.memref_squeeze %dma_wait3A_68 : memref<1x256x80xi32, #tpu.memory_space<hbm>> -> memref<256x80xi32, #tpu.memory_space<hbm>>
          %dma_wait3A_70 = arith.constant 0 : i32
          %dma_wait3A_71 = tpu.memref_slice %dma_wait3A_69[%mul3A_18, %dma_wait3A_70] : memref<256x80xi32, #tpu.memory_space<hbm>> -> memref<16x80xi32, #tpu.memory_space<hbm>>
          %dma_wait3A_72 = arith.constant 0 : i32
          %dma_wait3A_73 = arith.constant 0 : i32
          %dma_wait3A_74 = tpu.memref_slice %arg4[%arg1, %dma_wait3A_72, %dma_wait3A_73] : memref<16x256x80xi32, #tpu.memory_space<hbm>> -> memref<1x256x80xi32, #tpu.memory_space<hbm>>
          %dma_wait3A_75 = tpu.memref_squeeze %dma_wait3A_74 : memref<1x256x80xi32, #tpu.memory_space<hbm>> -> memref<256x80xi32, #tpu.memory_space<hbm>>
          %dma_wait3A_76 = arith.constant 0 : i32
          %dma_wait3A_77 = tpu.memref_slice %dma_wait3A_75[%mul3A_18, %dma_wait3A_76] : memref<256x80xi32, #tpu.memory_space<hbm>> -> memref<16x80xi32, #tpu.memory_space<hbm>>
          tpu.wait_dma2 semaphore(%run_scoped3A : memref<!tpu.dma_semaphore, #tpu.memory_space<semaphore_mem>>) src(%dma_wait3A_77 : memref<16x80xi32, #tpu.memory_space<hbm>>) dst(%arg9 : memref<16x80xi32, #tpu.memory_space<vmem>>)
          tpu.yield
        }) : () -> ()
        %mul3A_19 = arith.constant 16 : i32
        %mul3A_20 = arith.muli %scan3A_14, %mul3A_19 : i32
        %sub3A = arith.constant 250 : i32
        %sub3A_21 = arith.subi %sub3A, %mul3A_20 : i32
        %min3A = arith.constant 16 : i32
        %min3A_22 = arith.minsi %min3A, %sub3A_21 : i32
        %dma_start3A = arith.constant 0 : i32
        %dma_start3A_23 = arith.constant 0 : i32
        %dma_start3A_24 = tpu.memref_slice %arg8[%dma_start3A, %dma_start3A_23] : memref<16x80xi32, #tpu.memory_space<vmem>> -> memref<1x80xi32, #tpu.memory_space<vmem>>
        %dma_start3A_25 = tpu.memref_squeeze %dma_start3A_24 : memref<1x80xi32, #tpu.memory_space<vmem>> -> memref<80xi32, #tpu.memory_space<vmem>>
        %dma_start3A_26 = arith.constant 0 : i32
        %dma_start3A_27 = arith.constant 0 : i32
        %dma_start3A_28 = tpu.memref_slice %arg3[%dma_start3A_26, %dma_start3A_27] : memref<10240x128xf32, #tpu.memory_space<hbm>> -> memref<10240x128xf32, #tpu.memory_space<hbm>>
        tpu.enqueue_indirect_dma source(%dma_start3A_28 : memref<10240x128xf32, #tpu.memory_space<hbm>>) target(%arg10 : memref<80x128xf32, #tpu.memory_space<vmem>>) offsets(%dma_start3A_25 : memref<80xi32, #tpu.memory_space<vmem>>) semaphore(%arg13 : memref<!tpu.dma_semaphore, #tpu.memory_space<semaphore_mem>>)
        %jit3A = arith.constant 2 : i32
        %div3A = arith.divsi %min3A_22, %jit3A : i32
        %sign3A = arith.constant 0 : i32
        %sign3A_29 = arith.cmpi sgt, %min3A_22, %sign3A : i32
        %sign3A_30 = arith.extui %sign3A_29 : i1 to i32
        %sign3A_31 = arith.constant 0 : i32
        %sign3A_32 = arith.cmpi slt, %min3A_22, %sign3A_31 : i32
        %sign3A_33 = arith.extui %sign3A_32 : i1 to i32
        %sign3A_34 = arith.subi %sign3A_30, %sign3A_33 : i32
        %sign3A_35 = arith.constant 0 : i32
        %sign3A_36 = arith.cmpi sgt, %jit3A, %sign3A_35 : i32
        %sign3A_37 = arith.extui %sign3A_36 : i1 to i32
        %sign3A_38 = arith.constant 0 : i32
        %sign3A_39 = arith.cmpi slt, %jit3A, %sign3A_38 : i32
        %sign3A_40 = arith.extui %sign3A_39 : i1 to i32
        %sign3A_41 = arith.subi %sign3A_37, %sign3A_40 : i32
        %ne3A = arith.cmpi ne, %sign3A_34, %sign3A_41 : i32
        %rem3A = arith.remsi %min3A_22, %jit3A : i32
        %ne3A_42 = arith.constant 0 : i32
        %ne3A_43 = arith.cmpi ne, %rem3A, %ne3A_42 : i32
        %and3A = arith.andi %ne3A, %ne3A_43 : i1
        %sub3A_44 = arith.constant 1 : i32
        %sub3A_45 = arith.subi %div3A, %sub3A_44 : i32
        %select_n3A = arith.select %and3A, %sub3A_45, %div3A : i32
        %while3A = arith.constant 0 : i32
        %while3A_46 = arith.constant 0 : i32
        %while3A_47 = arith.subi %select_n3A, %while3A_46 : i32
        %while3A_48 = arith.addi %while3A_46, %while3A_47 : i32
        %while3A_49 = arith.constant 1 : i32
        %while3A_50 = arith.divsi %while3A_47, %while3A_49 : i32
        %while3A_51 = arith.muli %while3A_50, %while3A_49 : i32
        %while3A_52 = arith.addi %while3A_46, %while3A_51 : i32
        %while3A_53 = arith.constant 1 : i32
        scf.for %while3A_55 = %while3A_46 to %while3A_52 step %while3A_53  : i32 {
          %mul3A_56 = arith.constant 2 : i32
          %mul3A_57 = arith.muli %mul3A_56, %while3A_55 : i32
          %add3A = arith.constant 1 : i32
          %add3A_58 = arith.addi %mul3A_57, %add3A : i32
          %dma_start3A_59 = arith.constant 0 : i32
          %dma_start3A_60 = tpu.memref_slice %arg8[%add3A_58, %dma_start3A_59] : memref<16x80xi32, #tpu.memory_space<vmem>> -> memref<1x80xi32, #tpu.memory_space<vmem>>
          %dma_start3A_61 = tpu.memref_squeeze %dma_start3A_60 : memref<1x80xi32, #tpu.memory_space<vmem>> -> memref<80xi32, #tpu.memory_space<vmem>>
          %dma_start3A_62 = arith.constant 0 : i32
          %dma_start3A_63 = arith.constant 0 : i32
          %dma_start3A_64 = tpu.memref_slice %arg3[%dma_start3A_62, %dma_start3A_63] : memref<10240x128xf32, #tpu.memory_space<hbm>> -> memref<10240x128xf32, #tpu.memory_space<hbm>>
          tpu.enqueue_indirect_dma source(%dma_start3A_64 : memref<10240x128xf32, #tpu.memory_space<hbm>>) target(%arg11 : memref<80x128xf32, #tpu.memory_space<vmem>>) offsets(%dma_start3A_61 : memref<80xi32, #tpu.memory_space<vmem>>) semaphore(%arg14 : memref<!tpu.dma_semaphore, #tpu.memory_space<semaphore_mem>>)
          %dma_wait3A = arith.constant 0 : i32
          %dma_wait3A_65 = tpu.memref_slice %arg8[%mul3A_57, %dma_wait3A] : memref<16x80xi32, #tpu.memory_space<vmem>> -> memref<1x80xi32, #tpu.memory_space<vmem>>
          %dma_wait3A_66 = tpu.memref_squeeze %dma_wait3A_65 : memref<1x80xi32, #tpu.memory_space<vmem>> -> memref<80xi32, #tpu.memory_space<vmem>>
          %dma_wait3A_67 = arith.constant 0 : i32
          %dma_wait3A_68 = arith.constant 0 : i32
          %dma_wait3A_69 = tpu.memref_slice %arg3[%dma_wait3A_67, %dma_wait3A_68] : memref<10240x128xf32, #tpu.memory_space<hbm>> -> memref<10240x128xf32, #tpu.memory_space<hbm>>
          tpu.wait_indirect_dma semaphore(%arg13 : memref<!tpu.dma_semaphore, #tpu.memory_space<semaphore_mem>>) src(%dma_wait3A_69 : memref<10240x128xf32, #tpu.memory_space<hbm>>) dst(%arg10 : memref<80x128xf32, #tpu.memory_space<vmem>>)
          "tpu.region"() ({
            %run_scoped3A = tpu.sem_alloc : memref<!tpu.dma_semaphore, #tpu.memory_space<semaphore_mem>>
            %dma_start3A_81 = arith.constant 0 : i32
            %dma_start3A_82 = tpu.memref_slice %arg9[%mul3A_57, %dma_start3A_81] : memref<16x80xi32, #tpu.memory_space<vmem>> -> memref<1x80xi32, #tpu.memory_space<vmem>>
            %dma_start3A_83 = tpu.memref_squeeze %dma_start3A_82 : memref<1x80xi32, #tpu.memory_space<vmem>> -> memref<80xi32, #tpu.memory_space<vmem>>
            %dma_start3A_84 = arith.constant 0 : i32
            %dma_start3A_85 = arith.constant 0 : i32
            %dma_start3A_86 = tpu.memref_slice %arg12[%dma_start3A_84, %dma_start3A_85] : memref<10240x128xf32, #tpu.memory_space<vmem_shared>> -> memref<10240x128xf32, #tpu.memory_space<vmem_shared>>
            tpu.enqueue_indirect_dma source(%arg10 : memref<80x128xf32, #tpu.memory_space<vmem>>) target(%dma_start3A_86 : memref<10240x128xf32, #tpu.memory_space<vmem_shared>>) offsets(%dma_start3A_83 : memref<80xi32, #tpu.memory_space<vmem>>) semaphore(%run_scoped3A : memref<!tpu.dma_semaphore, #tpu.memory_space<semaphore_mem>>) {add = true}
            %dma_wait3A_87 = arith.constant 0 : i32
            %dma_wait3A_88 = tpu.memref_slice %arg9[%mul3A_57, %dma_wait3A_87] : memref<16x80xi32, #tpu.memory_space<vmem>> -> memref<1x80xi32, #tpu.memory_space<vmem>>
            %dma_wait3A_89 = tpu.memref_squeeze %dma_wait3A_88 : memref<1x80xi32, #tpu.memory_space<vmem>> -> memref<80xi32, #tpu.memory_space<vmem>>
            %dma_wait3A_90 = arith.constant 0 : i32
            %dma_wait3A_91 = arith.constant 0 : i32
            %dma_wait3A_92 = tpu.memref_slice %arg12[%dma_wait3A_90, %dma_wait3A_91] : memref<10240x128xf32, #tpu.memory_space<vmem_shared>> -> memref<10240x128xf32, #tpu.memory_space<vmem_shared>>
            tpu.wait_indirect_dma semaphore(%run_scoped3A : memref<!tpu.dma_semaphore, #tpu.memory_space<semaphore_mem>>) src(%arg10 : memref<80x128xf32, #tpu.memory_space<vmem>>) dst(%dma_wait3A_92 : memref<10240x128xf32, #tpu.memory_space<vmem_shared>>)
            tpu.yield
          }) : () -> ()
          %add3A_70 = arith.constant 1 : i32
          %add3A_71 = arith.addi %add3A_58, %add3A_70 : i32
          %lt3A = arith.cmpi slt, %add3A_71, %min3A_22 : i32
          %convert_element_type3A_72 = arith.extui %lt3A : i1 to i32
          %cond3A_73 = arith.constant 0 : i32
          %cond3A_74 = arith.cmpi ne, %convert_element_type3A_72, %cond3A_73 : i32
          scf.if %cond3A_74 {
            %add3A_81 = arith.constant 1 : i32
            %add3A_82 = arith.addi %add3A_58, %add3A_81 : i32
            %dma_start3A_83 = arith.constant 0 : i32
            %dma_start3A_84 = tpu.memref_slice %arg8[%add3A_82, %dma_start3A_83] : memref<16x80xi32, #tpu.memory_space<vmem>> -> memref<1x80xi32, #tpu.memory_space<vmem>>
            %dma_start3A_85 = tpu.memref_squeeze %dma_start3A_84 : memref<1x80xi32, #tpu.memory_space<vmem>> -> memref<80xi32, #tpu.memory_space<vmem>>
            %dma_start3A_86 = arith.constant 0 : i32
            %dma_start3A_87 = arith.constant 0 : i32
            %dma_start3A_88 = tpu.memref_slice %arg3[%dma_start3A_86, %dma_start3A_87] : memref<10240x128xf32, #tpu.memory_space<hbm>> -> memref<10240x128xf32, #tpu.memory_space<hbm>>
            tpu.enqueue_indirect_dma source(%dma_start3A_88 : memref<10240x128xf32, #tpu.memory_space<hbm>>) target(%arg10 : memref<80x128xf32, #tpu.memory_space<vmem>>) offsets(%dma_start3A_85 : memref<80xi32, #tpu.memory_space<vmem>>) semaphore(%arg13 : memref<!tpu.dma_semaphore, #tpu.memory_space<semaphore_mem>>)
          } else {
          }
          %dma_wait3A_75 = arith.constant 0 : i32
          %dma_wait3A_76 = tpu.memref_slice %arg8[%add3A_58, %dma_wait3A_75] : memref<16x80xi32, #tpu.memory_space<vmem>> -> memref<1x80xi32, #tpu.memory_space<vmem>>
          %dma_wait3A_77 = tpu.memref_squeeze %dma_wait3A_76 : memref<1x80xi32, #tpu.memory_space<vmem>> -> memref<80xi32, #tpu.memory_space<vmem>>
          %dma_wait3A_78 = arith.constant 0 : i32
          %dma_wait3A_79 = arith.constant 0 : i32
          %dma_wait3A_80 = tpu.memref_slice %arg3[%dma_wait3A_78, %dma_wait3A_79] : memref<10240x128xf32, #tpu.memory_space<hbm>> -> memref<10240x128xf32, #tpu.memory_space<hbm>>
          tpu.wait_indirect_dma semaphore(%arg14 : memref<!tpu.dma_semaphore, #tpu.memory_space<semaphore_mem>>) src(%dma_wait3A_80 : memref<10240x128xf32, #tpu.memory_space<hbm>>) dst(%arg11 : memref<80x128xf32, #tpu.memory_space<vmem>>)
          "tpu.region"() ({
            %run_scoped3A = tpu.sem_alloc : memref<!tpu.dma_semaphore, #tpu.memory_space<semaphore_mem>>
            %dma_start3A_81 = arith.constant 0 : i32
            %dma_start3A_82 = tpu.memref_slice %arg9[%add3A_58, %dma_start3A_81] : memref<16x80xi32, #tpu.memory_space<vmem>> -> memref<1x80xi32, #tpu.memory_space<vmem>>
            %dma_start3A_83 = tpu.memref_squeeze %dma_start3A_82 : memref<1x80xi32, #tpu.memory_space<vmem>> -> memref<80xi32, #tpu.memory_space<vmem>>
            %dma_start3A_84 = arith.constant 0 : i32
            %dma_start3A_85 = arith.constant 0 : i32
            %dma_start3A_86 = tpu.memref_slice %arg12[%dma_start3A_84, %dma_start3A_85] : memref<10240x128xf32, #tpu.memory_space<vmem_shared>> -> memref<10240x128xf32, #tpu.memory_space<vmem_shared>>
            tpu.enqueue_indirect_dma source(%arg11 : memref<80x128xf32, #tpu.memory_space<vmem>>) target(%dma_start3A_86 : memref<10240x128xf32, #tpu.memory_space<vmem_shared>>) offsets(%dma_start3A_83 : memref<80xi32, #tpu.memory_space<vmem>>) semaphore(%run_scoped3A : memref<!tpu.dma_semaphore, #tpu.memory_space<semaphore_mem>>) {add = true}
            %dma_wait3A_87 = arith.constant 0 : i32
            %dma_wait3A_88 = tpu.memref_slice %arg9[%add3A_58, %dma_wait3A_87] : memref<16x80xi32, #tpu.memory_space<vmem>> -> memref<1x80xi32, #tpu.memory_space<vmem>>
            %dma_wait3A_89 = tpu.memref_squeeze %dma_wait3A_88 : memref<1x80xi32, #tpu.memory_space<vmem>> -> memref<80xi32, #tpu.memory_space<vmem>>
            %dma_wait3A_90 = arith.constant 0 : i32
            %dma_wait3A_91 = arith.constant 0 : i32
            %dma_wait3A_92 = tpu.memref_slice %arg12[%dma_wait3A_90, %dma_wait3A_91] : memref<10240x128xf32, #tpu.memory_space<vmem_shared>> -> memref<10240x128xf32, #tpu.memory_space<vmem_shared>>
            tpu.wait_indirect_dma semaphore(%run_scoped3A : memref<!tpu.dma_semaphore, #tpu.memory_space<semaphore_mem>>) src(%arg11 : memref<80x128xf32, #tpu.memory_space<vmem>>) dst(%dma_wait3A_92 : memref<10240x128xf32, #tpu.memory_space<vmem_shared>>)
            tpu.yield
          }) : () -> ()
        }
        %while3A_54 = arith.constant 1 : i32
        scf.for %while3A_55 = %while3A_52 to %while3A_48 step %while3A_54  : i32 {
          %mul3A_56 = arith.constant 2 : i32
          %mul3A_57 = arith.muli %mul3A_56, %while3A_55 : i32
          %add3A = arith.constant 1 : i32
          %add3A_58 = arith.addi %mul3A_57, %add3A : i32
          %dma_start3A_59 = arith.constant 0 : i32
          %dma_start3A_60 = tpu.memref_slice %arg8[%add3A_58, %dma_start3A_59] : memref<16x80xi32, #tpu.memory_space<vmem>> -> memref<1x80xi32, #tpu.memory_space<vmem>>
          %dma_start3A_61 = tpu.memref_squeeze %dma_start3A_60 : memref<1x80xi32, #tpu.memory_space<vmem>> -> memref<80xi32, #tpu.memory_space<vmem>>
          %dma_start3A_62 = arith.constant 0 : i32
          %dma_start3A_63 = arith.constant 0 : i32
          %dma_start3A_64 = tpu.memref_slice %arg3[%dma_start3A_62, %dma_start3A_63] : memref<10240x128xf32, #tpu.memory_space<hbm>> -> memref<10240x128xf32, #tpu.memory_space<hbm>>
          tpu.enqueue_indirect_dma source(%dma_start3A_64 : memref<10240x128xf32, #tpu.memory_space<hbm>>) target(%arg11 : memref<80x128xf32, #tpu.memory_space<vmem>>) offsets(%dma_start3A_61 : memref<80xi32, #tpu.memory_space<vmem>>) semaphore(%arg14 : memref<!tpu.dma_semaphore, #tpu.memory_space<semaphore_mem>>)
          %dma_wait3A = arith.constant 0 : i32
          %dma_wait3A_65 = tpu.memref_slice %arg8[%mul3A_57, %dma_wait3A] : memref<16x80xi32, #tpu.memory_space<vmem>> -> memref<1x80xi32, #tpu.memory_space<vmem>>
          %dma_wait3A_66 = tpu.memref_squeeze %dma_wait3A_65 : memref<1x80xi32, #tpu.memory_space<vmem>> -> memref<80xi32, #tpu.memory_space<vmem>>
          %dma_wait3A_67 = arith.constant 0 : i32
          %dma_wait3A_68 = arith.constant 0 : i32
          %dma_wait3A_69 = tpu.memref_slice %arg3[%dma_wait3A_67, %dma_wait3A_68] : memref<10240x128xf32, #tpu.memory_space<hbm>> -> memref<10240x128xf32, #tpu.memory_space<hbm>>
          tpu.wait_indirect_dma semaphore(%arg13 : memref<!tpu.dma_semaphore, #tpu.memory_space<semaphore_mem>>) src(%dma_wait3A_69 : memref<10240x128xf32, #tpu.memory_space<hbm>>) dst(%arg10 : memref<80x128xf32, #tpu.memory_space<vmem>>)
          "tpu.region"() ({
            %run_scoped3A = tpu.sem_alloc : memref<!tpu.dma_semaphore, #tpu.memory_space<semaphore_mem>>
            %dma_start3A_81 = arith.constant 0 : i32
            %dma_start3A_82 = tpu.memref_slice %arg9[%mul3A_57, %dma_start3A_81] : memref<16x80xi32, #tpu.memory_space<vmem>> -> memref<1x80xi32, #tpu.memory_space<vmem>>
            %dma_start3A_83 = tpu.memref_squeeze %dma_start3A_82 : memref<1x80xi32, #tpu.memory_space<vmem>> -> memref<80xi32, #tpu.memory_space<vmem>>
            %dma_start3A_84 = arith.constant 0 : i32
            %dma_start3A_85 = arith.constant 0 : i32
            %dma_start3A_86 = tpu.memref_slice %arg12[%dma_start3A_84, %dma_start3A_85] : memref<10240x128xf32, #tpu.memory_space<vmem_shared>> -> memref<10240x128xf32, #tpu.memory_space<vmem_shared>>
            tpu.enqueue_indirect_dma source(%arg10 : memref<80x128xf32, #tpu.memory_space<vmem>>) target(%dma_start3A_86 : memref<10240x128xf32, #tpu.memory_space<vmem_shared>>) offsets(%dma_start3A_83 : memref<80xi32, #tpu.memory_space<vmem>>) semaphore(%run_scoped3A : memref<!tpu.dma_semaphore, #tpu.memory_space<semaphore_mem>>) {add = true}
            %dma_wait3A_87 = arith.constant 0 : i32
            %dma_wait3A_88 = tpu.memref_slice %arg9[%mul3A_57, %dma_wait3A_87] : memref<16x80xi32, #tpu.memory_space<vmem>> -> memref<1x80xi32, #tpu.memory_space<vmem>>
            %dma_wait3A_89 = tpu.memref_squeeze %dma_wait3A_88 : memref<1x80xi32, #tpu.memory_space<vmem>> -> memref<80xi32, #tpu.memory_space<vmem>>
            %dma_wait3A_90 = arith.constant 0 : i32
            %dma_wait3A_91 = arith.constant 0 : i32
            %dma_wait3A_92 = tpu.memref_slice %arg12[%dma_wait3A_90, %dma_wait3A_91] : memref<10240x128xf32, #tpu.memory_space<vmem_shared>> -> memref<10240x128xf32, #tpu.memory_space<vmem_shared>>
            tpu.wait_indirect_dma semaphore(%run_scoped3A : memref<!tpu.dma_semaphore, #tpu.memory_space<semaphore_mem>>) src(%arg10 : memref<80x128xf32, #tpu.memory_space<vmem>>) dst(%dma_wait3A_92 : memref<10240x128xf32, #tpu.memory_space<vmem_shared>>)
            tpu.yield
          }) : () -> ()
          %add3A_70 = arith.constant 1 : i32
          %add3A_71 = arith.addi %add3A_58, %add3A_70 : i32
          %lt3A = arith.cmpi slt, %add3A_71, %min3A_22 : i32
          %convert_element_type3A_72 = arith.extui %lt3A : i1 to i32
          %cond3A_73 = arith.constant 0 : i32
          %cond3A_74 = arith.cmpi ne, %convert_element_type3A_72, %cond3A_73 : i32
          scf.if %cond3A_74 {
            %add3A_81 = arith.constant 1 : i32
            %add3A_82 = arith.addi %add3A_58, %add3A_81 : i32
            %dma_start3A_83 = arith.constant 0 : i32
            %dma_start3A_84 = tpu.memref_slice %arg8[%add3A_82, %dma_start3A_83] : memref<16x80xi32, #tpu.memory_space<vmem>> -> memref<1x80xi32, #tpu.memory_space<vmem>>
            %dma_start3A_85 = tpu.memref_squeeze %dma_start3A_84 : memref<1x80xi32, #tpu.memory_space<vmem>> -> memref<80xi32, #tpu.memory_space<vmem>>
            %dma_start3A_86 = arith.constant 0 : i32
            %dma_start3A_87 = arith.constant 0 : i32
            %dma_start3A_88 = tpu.memref_slice %arg3[%dma_start3A_86, %dma_start3A_87] : memref<10240x128xf32, #tpu.memory_space<hbm>> -> memref<10240x128xf32, #tpu.memory_space<hbm>>
            tpu.enqueue_indirect_dma source(%dma_start3A_88 : memref<10240x128xf32, #tpu.memory_space<hbm>>) target(%arg10 : memref<80x128xf32, #tpu.memory_space<vmem>>) offsets(%dma_start3A_85 : memref<80xi32, #tpu.memory_space<vmem>>) semaphore(%arg13 : memref<!tpu.dma_semaphore, #tpu.memory_space<semaphore_mem>>)
          } else {
          }
          %dma_wait3A_75 = arith.constant 0 : i32
          %dma_wait3A_76 = tpu.memref_slice %arg8[%add3A_58, %dma_wait3A_75] : memref<16x80xi32, #tpu.memory_space<vmem>> -> memref<1x80xi32, #tpu.memory_space<vmem>>
          %dma_wait3A_77 = tpu.memref_squeeze %dma_wait3A_76 : memref<1x80xi32, #tpu.memory_space<vmem>> -> memref<80xi32, #tpu.memory_space<vmem>>
          %dma_wait3A_78 = arith.constant 0 : i32
          %dma_wait3A_79 = arith.constant 0 : i32
          %dma_wait3A_80 = tpu.memref_slice %arg3[%dma_wait3A_78, %dma_wait3A_79] : memref<10240x128xf32, #tpu.memory_space<hbm>> -> memref<10240x128xf32, #tpu.memory_space<hbm>>
          tpu.wait_indirect_dma semaphore(%arg14 : memref<!tpu.dma_semaphore, #tpu.memory_space<semaphore_mem>>) src(%dma_wait3A_80 : memref<10240x128xf32, #tpu.memory_space<hbm>>) dst(%arg11 : memref<80x128xf32, #tpu.memory_space<vmem>>)
          "tpu.region"() ({
            %run_scoped3A = tpu.sem_alloc : memref<!tpu.dma_semaphore, #tpu.memory_space<semaphore_mem>>
            %dma_start3A_81 = arith.constant 0 : i32
            %dma_start3A_82 = tpu.memref_slice %arg9[%add3A_58, %dma_start3A_81] : memref<16x80xi32, #tpu.memory_space<vmem>> -> memref<1x80xi32, #tpu.memory_space<vmem>>
            %dma_start3A_83 = tpu.memref_squeeze %dma_start3A_82 : memref<1x80xi32, #tpu.memory_space<vmem>> -> memref<80xi32, #tpu.memory_space<vmem>>
            %dma_start3A_84 = arith.constant 0 : i32
            %dma_start3A_85 = arith.constant 0 : i32
            %dma_start3A_86 = tpu.memref_slice %arg12[%dma_start3A_84, %dma_start3A_85] : memref<10240x128xf32, #tpu.memory_space<vmem_shared>> -> memref<10240x128xf32, #tpu.memory_space<vmem_shared>>
            tpu.enqueue_indirect_dma source(%arg11 : memref<80x128xf32, #tpu.memory_space<vmem>>) target(%dma_start3A_86 : memref<10240x128xf32, #tpu.memory_space<vmem_shared>>) offsets(%dma_start3A_83 : memref<80xi32, #tpu.memory_space<vmem>>) semaphore(%run_scoped3A : memref<!tpu.dma_semaphore, #tpu.memory_space<semaphore_mem>>) {add = true}
            %dma_wait3A_87 = arith.constant 0 : i32
            %dma_wait3A_88 = tpu.memref_slice %arg9[%add3A_58, %dma_wait3A_87] : memref<16x80xi32, #tpu.memory_space<vmem>> -> memref<1x80xi32, #tpu.memory_space<vmem>>
            %dma_wait3A_89 = tpu.memref_squeeze %dma_wait3A_88 : memref<1x80xi32, #tpu.memory_space<vmem>> -> memref<80xi32, #tpu.memory_space<vmem>>
            %dma_wait3A_90 = arith.constant 0 : i32
            %dma_wait3A_91 = arith.constant 0 : i32
            %dma_wait3A_92 = tpu.memref_slice %arg12[%dma_wait3A_90, %dma_wait3A_91] : memref<10240x128xf32, #tpu.memory_space<vmem_shared>> -> memref<10240x128xf32, #tpu.memory_space<vmem_shared>>
            tpu.wait_indirect_dma semaphore(%run_scoped3A : memref<!tpu.dma_semaphore, #tpu.memory_space<semaphore_mem>>) src(%arg11 : memref<80x128xf32, #tpu.memory_space<vmem>>) dst(%dma_wait3A_92 : memref<10240x128xf32, #tpu.memory_space<vmem_shared>>)
            tpu.yield
          }) : () -> ()
        }
      }
      %scan3A_12 = arith.constant 16 : i32
      %barrier3A_13 = arith.constant 0 : index
      tpu.barrier barrier_id(%barrier3A_13)
      "tpu.region"() ({
        %run_scoped3A = tpu.sem_alloc : memref<!tpu.dma_semaphore, #tpu.memory_space<semaphore_mem>>
        %dma_start3A = arith.constant 0 : i32
        %dma_start3A_14 = tpu.memref_slice %arg7[%mul3A_0, %dma_start3A] : memref<10240x128xf32, #tpu.memory_space<hbm>> -> memref<640x128xf32, #tpu.memory_space<hbm>>
        %dma_start3A_15 = arith.constant 0 : i32
        %dma_start3A_16 = tpu.memref_slice %arg12[%mul3A_0, %dma_start3A_15] : memref<10240x128xf32, #tpu.memory_space<vmem_shared>> -> memref<640x128xf32, #tpu.memory_space<vmem_shared>>
        tpu.enqueue_dma source(%dma_start3A_16 : memref<640x128xf32, #tpu.memory_space<vmem_shared>>) target(%dma_start3A_14 : memref<640x128xf32, #tpu.memory_space<hbm>>) target_semaphore(%run_scoped3A : memref<!tpu.dma_semaphore, #tpu.memory_space<semaphore_mem>>)
        %dma_wait3A = arith.constant 0 : i32
        %dma_wait3A_17 = tpu.memref_slice %arg7[%mul3A_0, %dma_wait3A] : memref<10240x128xf32, #tpu.memory_space<hbm>> -> memref<640x128xf32, #tpu.memory_space<hbm>>
        %dma_wait3A_18 = arith.constant 0 : i32
        %dma_wait3A_19 = tpu.memref_slice %arg12[%mul3A_0, %dma_wait3A_18] : memref<10240x128xf32, #tpu.memory_space<vmem_shared>> -> memref<640x128xf32, #tpu.memory_space<vmem_shared>>
        tpu.wait_dma2 semaphore(%run_scoped3A : memref<!tpu.dma_semaphore, #tpu.memory_space<semaphore_mem>>) src(%dma_wait3A_19 : memref<640x128xf32, #tpu.memory_space<vmem_shared>>) dst(%dma_wait3A_17 : memref<640x128xf32, #tpu.memory_space<hbm>>)
        tpu.yield
      }) : () -> ()
    } else {
    }
    return
  }
}

module attributes {stable_mosaic.version = 14 : i64} {
  func.func @_pre_body(%arg0: i32, %arg1: memref<2048x128xf32, #tpu.memory_space<vmem>>, %arg2: memref<2048x1xf32, #tpu.memory_space<vmem>>, %arg3: memref<2048x1xf32, #tpu.memory_space<vmem>>, %arg4: memref<128x128xf32, #tpu.memory_space<vmem>>, %arg5: memref<128x128xf32, #tpu.memory_space<vmem>>, %arg6: memref<2048x128xf32, #tpu.memory_space<vmem>>, %arg7: memref<2048x128xf32, #tpu.memory_space<vmem>>) attributes {dimension_semantics = [#tpu.dimension_semantics<arbitrary>], iteration_bounds = array<i64: 5>, scalar_prefetch = 0 : i64, scratch_operands = 0 : i64, tpu.core_type = #tpu.core_type<tc>, window_params = [{transform_indices = @transform_0, window_bounds = array<i64: 2048, 128>}, {transform_indices = @transform_1, window_bounds = array<i64: 2048, 1>}, {transform_indices = @transform_2, window_bounds = array<i64: 2048, 1>}, {pipeline_mode = #tpu.pipeline_mode<synchronous>, transform_indices = @transform_3, window_bounds = array<i64: 128, 128>}, {pipeline_mode = #tpu.pipeline_mode<synchronous>, transform_indices = @transform_4, window_bounds = array<i64: 128, 128>}, {transform_indices = @transform_5, window_bounds = array<i64: 2048, 128>}, {transform_indices = @transform_6, window_bounds = array<i64: 2048, 128>}]} {
    %get3A = arith.constant 0 : index
    %get3A_0 = arith.constant 0 : index
    %get3A_1 = vector.load %arg2[%get3A, %get3A_0] : memref<2048x1xf32, #tpu.memory_space<vmem>>, vector<2048x1xf32>
    %add3A = arith.constant 1.000000e+00 : f32
    %add3A_2 = vector.broadcast %add3A : f32 to vector<2048x1xf32>
    %add3A_3 = arith.addf %get3A_1, %add3A_2 : vector<2048x1xf32>
    %rsqrt3A = math.rsqrt %add3A_3 : vector<2048x1xf32>
    %get3A_4 = arith.constant 0 : index
    %get3A_5 = arith.constant 0 : index
    %get3A_6 = vector.load %arg3[%get3A_4, %get3A_5] : memref<2048x1xf32, #tpu.memory_space<vmem>>, vector<2048x1xf32>
    %add3A_7 = arith.constant 1.000000e+00 : f32
    %add3A_8 = vector.broadcast %add3A_7 : f32 to vector<2048x1xf32>
    %add3A_9 = arith.addf %get3A_6, %add3A_8 : vector<2048x1xf32>
    %rsqrt3A_10 = math.rsqrt %add3A_9 : vector<2048x1xf32>
    %get3A_11 = arith.constant 0 : index
    %get3A_12 = arith.constant 0 : index
    %get3A_13 = vector.load %arg1[%get3A_11, %get3A_12] : memref<2048x128xf32, #tpu.memory_space<vmem>>, vector<2048x128xf32>
    %get3A_14 = arith.constant 0 : index
    %get3A_15 = arith.constant 0 : index
    %get3A_16 = vector.load %arg4[%get3A_14, %get3A_15] : memref<128x128xf32, #tpu.memory_space<vmem>>, vector<128x128xf32>
    %dot_general3A = arith.constant dense<0.000000e+00> : vector<2048x128xf32>
    %dot_general3A_17 = tpu.matmul %get3A_13, %get3A_16, %dot_general3A {dimension_numbers = #tpu.dot_dimension_numbers<[1], [0], [0], [1], [0, 0, 1, 1], [], []>, transpose_lhs_hint = false} : vector<2048x128xf32>, vector<128x128xf32>, vector<2048x128xf32> -> vector<2048x128xf32>
    %mul3A = vector.broadcast %rsqrt3A : vector<2048x1xf32> to vector<2048x128xf32>
    %mul3A_18 = arith.mulf %mul3A, %dot_general3A_17 : vector<2048x128xf32>
    %swap3A = arith.constant 0 : index
    %swap3A_19 = arith.constant 0 : index
    %swap3A_20 = vector.load %arg6[%swap3A, %swap3A_19] : memref<2048x128xf32, #tpu.memory_space<vmem>>, vector<2048x128xf32>
    tpu.vector_store %arg6[%swap3A, %swap3A_19], %mul3A_18 {strides = array<i32>} : memref<2048x128xf32, #tpu.memory_space<vmem>>, vector<2048x128xf32>,
    %get3A_21 = arith.constant 0 : index
    %get3A_22 = arith.constant 0 : index
    %get3A_23 = vector.load %arg5[%get3A_21, %get3A_22] : memref<128x128xf32, #tpu.memory_space<vmem>>, vector<128x128xf32>
    %dot_general3A_24 = arith.constant dense<0.000000e+00> : vector<2048x128xf32>
    %dot_general3A_25 = tpu.matmul %get3A_13, %get3A_23, %dot_general3A_24 {dimension_numbers = #tpu.dot_dimension_numbers<[1], [0], [0], [1], [0, 0, 1, 1], [], []>, transpose_lhs_hint = false} : vector<2048x128xf32>, vector<128x128xf32>, vector<2048x128xf32> -> vector<2048x128xf32>
    %mul3A_26 = vector.broadcast %rsqrt3A_10 : vector<2048x1xf32> to vector<2048x128xf32>
    %mul3A_27 = arith.mulf %mul3A_26, %dot_general3A_25 : vector<2048x128xf32>
    %swap3A_28 = arith.constant 0 : index
    %swap3A_29 = arith.constant 0 : index
    %swap3A_30 = vector.load %arg7[%swap3A_28, %swap3A_29] : memref<2048x128xf32, #tpu.memory_space<vmem>>, vector<2048x128xf32>
    tpu.vector_store %arg7[%swap3A_28, %swap3A_29], %mul3A_27 {strides = array<i32>} : memref<2048x128xf32, #tpu.memory_space<vmem>>, vector<2048x128xf32>,
    return
  }
  func.func @transform_0(%arg0: i32) -> (i32, i32) {
    %c0_i32 = arith.constant 0 : i32
    %c0_i32_0 = arith.constant 0 : i32
    return %arg0, %c0_i32 : i32, i32
  }
  func.func @transform_1(%arg0: i32) -> (i32, i32) {
    %c0_i32 = arith.constant 0 : i32
    %c0_i32_0 = arith.constant 0 : i32
    return %arg0, %c0_i32 : i32, i32
  }
  func.func @transform_2(%arg0: i32) -> (i32, i32) {
    %c0_i32 = arith.constant 0 : i32
    %c0_i32_0 = arith.constant 0 : i32
    return %arg0, %c0_i32 : i32, i32
  }
  func.func @transform_3(%arg0: i32) -> (i32, i32) {
    %c0_i32 = arith.constant 0 : i32
    %c0_i32_0 = arith.constant 0 : i32
    %c0_i32_1 = arith.constant 0 : i32
    return %c0_i32, %c0_i32_0 : i32, i32
  }
  func.func @transform_4(%arg0: i32) -> (i32, i32) {
    %c0_i32 = arith.constant 0 : i32
    %c0_i32_0 = arith.constant 0 : i32
    %c0_i32_1 = arith.constant 0 : i32
    return %c0_i32, %c0_i32_0 : i32, i32
  }
  func.func @transform_5(%arg0: i32) -> (i32, i32) {
    %c0_i32 = arith.constant 0 : i32
    %c0_i32_0 = arith.constant 0 : i32
    return %arg0, %c0_i32 : i32, i32
  }
  func.func @transform_6(%arg0: i32) -> (i32, i32) {
    %c0_i32 = arith.constant 0 : i32
    %c0_i32_0 = arith.constant 0 : i32
    return %arg0, %c0_i32 : i32, i32
  }
}

module attributes {stable_mosaic.version = 14 : i64} {
  func.func @_mid_body(%arg0: i32, %arg1: memref<2048x128xf32, #tpu.memory_space<vmem>>, %arg2: memref<2048x128xf32, #tpu.memory_space<vmem>>, %arg3: memref<2048x1xf32, #tpu.memory_space<vmem>>, %arg4: memref<2048x1xf32, #tpu.memory_space<vmem>>, %arg5: memref<1x128xf32, #tpu.memory_space<vmem>>, %arg6: memref<1x128xf32, #tpu.memory_space<vmem>>, %arg7: memref<128x128xf32, #tpu.memory_space<vmem>>, %arg8: memref<128x128xf32, #tpu.memory_space<vmem>>, %arg9: memref<2048x128xf32, #tpu.memory_space<vmem>>, %arg10: memref<2048x128xf32, #tpu.memory_space<vmem>>) attributes {dimension_semantics = [#tpu.dimension_semantics<arbitrary>], iteration_bounds = array<i64: 5>, scalar_prefetch = 0 : i64, scratch_operands = 0 : i64, tpu.core_type = #tpu.core_type<tc>, window_params = [{transform_indices = @transform_0, window_bounds = array<i64: 2048, 128>}, {transform_indices = @transform_1, window_bounds = array<i64: 2048, 128>}, {transform_indices = @transform_2, window_bounds = array<i64: 2048, 1>}, {transform_indices = @transform_3, window_bounds = array<i64: 2048, 1>}, {pipeline_mode = #tpu.pipeline_mode<synchronous>, transform_indices = @transform_4, window_bounds = array<i64: 1, 128>}, {pipeline_mode = #tpu.pipeline_mode<synchronous>, transform_indices = @transform_5, window_bounds = array<i64: 1, 128>}, {pipeline_mode = #tpu.pipeline_mode<synchronous>, transform_indices = @transform_6, window_bounds = array<i64: 128, 128>}, {pipeline_mode = #tpu.pipeline_mode<synchronous>, transform_indices = @transform_7, window_bounds = array<i64: 128, 128>}, {transform_indices = @transform_8, window_bounds = array<i64: 2048, 128>}, {transform_indices = @transform_9, window_bounds = array<i64: 2048, 128>}]} {
    %get3A = arith.constant 0 : index
    %get3A_0 = arith.constant 0 : index
    %get3A_1 = vector.load %arg3[%get3A, %get3A_0] : memref<2048x1xf32, #tpu.memory_space<vmem>>, vector<2048x1xf32>
    %add3A = arith.constant 1.000000e+00 : f32
    %add3A_2 = vector.broadcast %add3A : f32 to vector<2048x1xf32>
    %add3A_3 = arith.addf %get3A_1, %add3A_2 : vector<2048x1xf32>
    %rsqrt3A = math.rsqrt %add3A_3 : vector<2048x1xf32>
    %get3A_4 = arith.constant 0 : index
    %get3A_5 = arith.constant 0 : index
    %get3A_6 = vector.load %arg4[%get3A_4, %get3A_5] : memref<2048x1xf32, #tpu.memory_space<vmem>>, vector<2048x1xf32>
    %add3A_7 = arith.constant 1.000000e+00 : f32
    %add3A_8 = vector.broadcast %add3A_7 : f32 to vector<2048x1xf32>
    %add3A_9 = arith.addf %get3A_6, %add3A_8 : vector<2048x1xf32>
    %rsqrt3A_10 = math.rsqrt %add3A_9 : vector<2048x1xf32>
    %get3A_11 = arith.constant 0 : index
    %get3A_12 = arith.constant 0 : index
    %get3A_13 = vector.load %arg5[%get3A_11, %get3A_12] : memref<1x128xf32, #tpu.memory_space<vmem>>, vector<1x128xf32>
    %get3A_14 = arith.constant 0 : index
    %get3A_15 = arith.constant 0 : index
    %get3A_16 = vector.load %arg6[%get3A_14, %get3A_15] : memref<1x128xf32, #tpu.memory_space<vmem>>, vector<1x128xf32>
    %add3A_17 = arith.addf %get3A_13, %get3A_16 : vector<1x128xf32>
    %mul3A = arith.constant 5.000000e-01 : f32
    %mul3A_18 = vector.broadcast %mul3A : f32 to vector<1x128xf32>
    %mul3A_19 = arith.mulf %mul3A_18, %add3A_17 : vector<1x128xf32>
    %get3A_20 = arith.constant 0 : index
    %get3A_21 = arith.constant 0 : index
    %get3A_22 = vector.load %arg1[%get3A_20, %get3A_21] : memref<2048x128xf32, #tpu.memory_space<vmem>>, vector<2048x128xf32>
    %mul3A_23 = vector.broadcast %rsqrt3A : vector<2048x1xf32> to vector<2048x128xf32>
    %mul3A_24 = arith.mulf %mul3A_23, %get3A_22 : vector<2048x128xf32>
    %get3A_25 = arith.constant 0 : index
    %get3A_26 = arith.constant 0 : index
    %get3A_27 = vector.load %arg2[%get3A_25, %get3A_26] : memref<2048x128xf32, #tpu.memory_space<vmem>>, vector<2048x128xf32>
    %mul3A_28 = vector.broadcast %rsqrt3A_10 : vector<2048x1xf32> to vector<2048x128xf32>
    %mul3A_29 = arith.mulf %mul3A_28, %get3A_27 : vector<2048x128xf32>
    %add3A_30 = arith.addf %mul3A_24, %mul3A_29 : vector<2048x128xf32>
    %mul3A_31 = arith.constant 5.000000e-01 : f32
    %mul3A_32 = vector.broadcast %mul3A_31 : f32 to vector<2048x128xf32>
    %mul3A_33 = arith.mulf %mul3A_32, %add3A_30 : vector<2048x128xf32>
    %add3A_34 = vector.broadcast %mul3A_19 : vector<1x128xf32> to vector<2048x128xf32>
    %add3A_35 = arith.addf %mul3A_33, %add3A_34 : vector<2048x128xf32>
    %max3A = arith.constant 0.000000e+00 : f32
    %max3A_36 = vector.broadcast %max3A : f32 to vector<2048x128xf32>
    %max3A_37 = arith.maximumf %add3A_35, %max3A_36 : vector<2048x128xf32>
    %get3A_38 = arith.constant 0 : index
    %get3A_39 = arith.constant 0 : index
    %get3A_40 = vector.load %arg7[%get3A_38, %get3A_39] : memref<128x128xf32, #tpu.memory_space<vmem>>, vector<128x128xf32>
    %dot_general3A = arith.constant dense<0.000000e+00> : vector<2048x128xf32>
    %dot_general3A_41 = tpu.matmul %max3A_37, %get3A_40, %dot_general3A {dimension_numbers = #tpu.dot_dimension_numbers<[1], [0], [0], [1], [0, 0, 1, 1], [], []>, transpose_lhs_hint = false} : vector<2048x128xf32>, vector<128x128xf32>, vector<2048x128xf32> -> vector<2048x128xf32>
    %mul3A_42 = vector.broadcast %rsqrt3A : vector<2048x1xf32> to vector<2048x128xf32>
    %mul3A_43 = arith.mulf %mul3A_42, %dot_general3A_41 : vector<2048x128xf32>
    %swap3A = arith.constant 0 : index
    %swap3A_44 = arith.constant 0 : index
    %swap3A_45 = vector.load %arg9[%swap3A, %swap3A_44] : memref<2048x128xf32, #tpu.memory_space<vmem>>, vector<2048x128xf32>
    tpu.vector_store %arg9[%swap3A, %swap3A_44], %mul3A_43 {strides = array<i32>} : memref<2048x128xf32, #tpu.memory_space<vmem>>, vector<2048x128xf32>,
    %get3A_46 = arith.constant 0 : index
    %get3A_47 = arith.constant 0 : index
    %get3A_48 = vector.load %arg8[%get3A_46, %get3A_47] : memref<128x128xf32, #tpu.memory_space<vmem>>, vector<128x128xf32>
    %dot_general3A_49 = arith.constant dense<0.000000e+00> : vector<2048x128xf32>
    %dot_general3A_50 = tpu.matmul %max3A_37, %get3A_48, %dot_general3A_49 {dimension_numbers = #tpu.dot_dimension_numbers<[1], [0], [0], [1], [0, 0, 1, 1], [], []>, transpose_lhs_hint = false} : vector<2048x128xf32>, vector<128x128xf32>, vector<2048x128xf32> -> vector<2048x128xf32>
    %mul3A_51 = vector.broadcast %rsqrt3A_10 : vector<2048x1xf32> to vector<2048x128xf32>
    %mul3A_52 = arith.mulf %mul3A_51, %dot_general3A_50 : vector<2048x128xf32>
    %swap3A_53 = arith.constant 0 : index
    %swap3A_54 = arith.constant 0 : index
    %swap3A_55 = vector.load %arg10[%swap3A_53, %swap3A_54] : memref<2048x128xf32, #tpu.memory_space<vmem>>, vector<2048x128xf32>
    tpu.vector_store %arg10[%swap3A_53, %swap3A_54], %mul3A_52 {strides = array<i32>} : memref<2048x128xf32, #tpu.memory_space<vmem>>, vector<2048x128xf32>,
    return
  }
  func.func @transform_0(%arg0: i32) -> (i32, i32) {
    %c0_i32 = arith.constant 0 : i32
    %c0_i32_0 = arith.constant 0 : i32
    return %arg0, %c0_i32 : i32, i32
  }
  func.func @transform_1(%arg0: i32) -> (i32, i32) {
    %c0_i32 = arith.constant 0 : i32
    %c0_i32_0 = arith.constant 0 : i32
    return %arg0, %c0_i32 : i32, i32
  }
  func.func @transform_2(%arg0: i32) -> (i32, i32) {
    %c0_i32 = arith.constant 0 : i32
    %c0_i32_0 = arith.constant 0 : i32
    return %arg0, %c0_i32 : i32, i32
  }
  func.func @transform_3(%arg0: i32) -> (i32, i32) {
    %c0_i32 = arith.constant 0 : i32
    %c0_i32_0 = arith.constant 0 : i32
    return %arg0, %c0_i32 : i32, i32
  }
  func.func @transform_4(%arg0: i32) -> (i32, i32) {
    %c0_i32 = arith.constant 0 : i32
    %c0_i32_0 = arith.constant 0 : i32
    %c0_i32_1 = arith.constant 0 : i32
    return %c0_i32, %c0_i32_0 : i32, i32
  }
  func.func @transform_5(%arg0: i32) -> (i32, i32) {
    %c0_i32 = arith.constant 0 : i32
    %c0_i32_0 = arith.constant 0 : i32
    %c0_i32_1 = arith.constant 0 : i32
    return %c0_i32, %c0_i32_0 : i32, i32
  }
  func.func @transform_6(%arg0: i32) -> (i32, i32) {
    %c0_i32 = arith.constant 0 : i32
    %c0_i32_0 = arith.constant 0 : i32
    %c0_i32_1 = arith.constant 0 : i32
    return %c0_i32, %c0_i32_0 : i32, i32
  }
  func.func @transform_7(%arg0: i32) -> (i32, i32) {
    %c0_i32 = arith.constant 0 : i32
    %c0_i32_0 = arith.constant 0 : i32
    %c0_i32_1 = arith.constant 0 : i32
    return %c0_i32, %c0_i32_0 : i32, i32
  }
  func.func @transform_8(%arg0: i32) -> (i32, i32) {
    %c0_i32 = arith.constant 0 : i32
    %c0_i32_0 = arith.constant 0 : i32
    return %arg0, %c0_i32 : i32, i32
  }
  func.func @transform_9(%arg0: i32) -> (i32, i32) {
    %c0_i32 = arith.constant 0 : i32
    %c0_i32_0 = arith.constant 0 : i32
    return %arg0, %c0_i32 : i32, i32
  }
}

module attributes {stable_mosaic.version = 14 : i64} {
  func.func @_fin_body(%arg0: i32, %arg1: memref<2048x128xf32, #tpu.memory_space<vmem>>, %arg2: memref<2048x128xf32, #tpu.memory_space<vmem>>, %arg3: memref<2048x1xf32, #tpu.memory_space<vmem>>, %arg4: memref<2048x1xf32, #tpu.memory_space<vmem>>, %arg5: memref<1x128xf32, #tpu.memory_space<vmem>>, %arg6: memref<1x128xf32, #tpu.memory_space<vmem>>, %arg7: memref<2048x1xi32, #tpu.memory_space<vmem>>, %arg8: memref<128x128xf32, #tpu.memory_space<vmem>>, %arg9: memref<1x128xf32, #tpu.memory_space<vmem>>, %arg10: memref<128x128xf32, #tpu.memory_space<vmem>>, %arg11: memref<1x128xf32, #tpu.memory_space<vmem>>, %arg12: memref<16x128xf32, #tpu.memory_space<vmem>>, %arg13: memref<16x128xf32, #tpu.memory_space<vmem>>, %arg14: memref<16x128xf32, #tpu.memory_space<vmem>>) attributes {dimension_semantics = [#tpu.dimension_semantics<arbitrary>], iteration_bounds = array<i64: 5>, scalar_prefetch = 0 : i64, scratch_operands = 2 : i64, tpu.core_type = #tpu.core_type<tc>, window_params = [{transform_indices = @transform_0, window_bounds = array<i64: 2048, 128>}, {transform_indices = @transform_1, window_bounds = array<i64: 2048, 128>}, {transform_indices = @transform_2, window_bounds = array<i64: 2048, 1>}, {transform_indices = @transform_3, window_bounds = array<i64: 2048, 1>}, {pipeline_mode = #tpu.pipeline_mode<synchronous>, transform_indices = @transform_4, window_bounds = array<i64: 1, 128>}, {pipeline_mode = #tpu.pipeline_mode<synchronous>, transform_indices = @transform_5, window_bounds = array<i64: 1, 128>}, {transform_indices = @transform_6, window_bounds = array<i64: 2048, 1>}, {pipeline_mode = #tpu.pipeline_mode<synchronous>, transform_indices = @transform_7, window_bounds = array<i64: 128, 128>}, {pipeline_mode = #tpu.pipeline_mode<synchronous>, transform_indices = @transform_8, window_bounds = array<i64: 1, 128>}, {pipeline_mode = #tpu.pipeline_mode<synchronous>, transform_indices = @transform_9, window_bounds = array<i64: 128, 128>}, {pipeline_mode = #tpu.pipeline_mode<synchronous>, transform_indices = @transform_10, window_bounds = array<i64: 1, 128>}, {pipeline_mode = #tpu.pipeline_mode<synchronous>, transform_indices = @transform_11, window_bounds = array<i64: 16, 128>}]} {
    %eq3A = arith.constant 0 : i32
    %eq3A_0 = arith.cmpi eq, %arg0, %eq3A : i32
    %convert_element_type3A = arith.extui %eq3A_0 : i1 to i32
    %cond3A = arith.constant 0 : i32
    %cond3A_1 = arith.cmpi ne, %convert_element_type3A, %cond3A : i32
    scf.if %cond3A_1 {
      %broadcast_in_dim3A_68 = arith.constant 0.000000e+00 : f32
      %broadcast_in_dim3A_69 = vector.broadcast %broadcast_in_dim3A_68 : f32 to vector<16x128xf32>
      %swap3A_70 = arith.constant 0 : index
      %swap3A_71 = arith.constant 0 : index
      %swap3A_72 = vector.load %arg13[%swap3A_70, %swap3A_71] : memref<16x128xf32, #tpu.memory_space<vmem>>, vector<16x128xf32>
      tpu.vector_store %arg13[%swap3A_70, %swap3A_71], %broadcast_in_dim3A_69 {strides = array<i32>} : memref<16x128xf32, #tpu.memory_space<vmem>>, vector<16x128xf32>,
      %broadcast_in_dim3A_73 = arith.constant 0.000000e+00 : f32
      %broadcast_in_dim3A_74 = vector.broadcast %broadcast_in_dim3A_73 : f32 to vector<16x128xf32>
      %swap3A_75 = arith.constant 0 : index
      %swap3A_76 = arith.constant 0 : index
      %swap3A_77 = vector.load %arg14[%swap3A_75, %swap3A_76] : memref<16x128xf32, #tpu.memory_space<vmem>>, vector<16x128xf32>
      tpu.vector_store %arg14[%swap3A_75, %swap3A_76], %broadcast_in_dim3A_74 {strides = array<i32>} : memref<16x128xf32, #tpu.memory_space<vmem>>, vector<16x128xf32>,
    } else {
    }
    %get3A = arith.constant 0 : index
    %get3A_2 = arith.constant 0 : index
    %get3A_3 = vector.load %arg3[%get3A, %get3A_2] : memref<2048x1xf32, #tpu.memory_space<vmem>>, vector<2048x1xf32>
    %add3A = arith.constant 1.000000e+00 : f32
    %add3A_4 = vector.broadcast %add3A : f32 to vector<2048x1xf32>
    %add3A_5 = arith.addf %get3A_3, %add3A_4 : vector<2048x1xf32>
    %rsqrt3A = math.rsqrt %add3A_5 : vector<2048x1xf32>
    %get3A_6 = arith.constant 0 : index
    %get3A_7 = arith.constant 0 : index
    %get3A_8 = vector.load %arg4[%get3A_6, %get3A_7] : memref<2048x1xf32, #tpu.memory_space<vmem>>, vector<2048x1xf32>
    %add3A_9 = arith.constant 1.000000e+00 : f32
    %add3A_10 = vector.broadcast %add3A_9 : f32 to vector<2048x1xf32>
    %add3A_11 = arith.addf %get3A_8, %add3A_10 : vector<2048x1xf32>
    %rsqrt3A_12 = math.rsqrt %add3A_11 : vector<2048x1xf32>
    %get3A_13 = arith.constant 0 : index
    %get3A_14 = arith.constant 0 : index
    %get3A_15 = vector.load %arg5[%get3A_13, %get3A_14] : memref<1x128xf32, #tpu.memory_space<vmem>>, vector<1x128xf32>
    %get3A_16 = arith.constant 0 : index
    %get3A_17 = arith.constant 0 : index
    %get3A_18 = vector.load %arg6[%get3A_16, %get3A_17] : memref<1x128xf32, #tpu.memory_space<vmem>>, vector<1x128xf32>
    %add3A_19 = arith.addf %get3A_15, %get3A_18 : vector<1x128xf32>
    %mul3A = arith.constant 5.000000e-01 : f32
    %mul3A_20 = vector.broadcast %mul3A : f32 to vector<1x128xf32>
    %mul3A_21 = arith.mulf %mul3A_20, %add3A_19 : vector<1x128xf32>
    %get3A_22 = arith.constant 0 : index
    %get3A_23 = arith.constant 0 : index
    %get3A_24 = vector.load %arg1[%get3A_22, %get3A_23] : memref<2048x128xf32, #tpu.memory_space<vmem>>, vector<2048x128xf32>
    %mul3A_25 = vector.broadcast %rsqrt3A : vector<2048x1xf32> to vector<2048x128xf32>
    %mul3A_26 = arith.mulf %mul3A_25, %get3A_24 : vector<2048x128xf32>
    %get3A_27 = arith.constant 0 : index
    %get3A_28 = arith.constant 0 : index
    %get3A_29 = vector.load %arg2[%get3A_27, %get3A_28] : memref<2048x128xf32, #tpu.memory_space<vmem>>, vector<2048x128xf32>
    %mul3A_30 = vector.broadcast %rsqrt3A_12 : vector<2048x1xf32> to vector<2048x128xf32>
    %mul3A_31 = arith.mulf %mul3A_30, %get3A_29 : vector<2048x128xf32>
    %add3A_32 = arith.addf %mul3A_26, %mul3A_31 : vector<2048x128xf32>
    %mul3A_33 = arith.constant 5.000000e-01 : f32
    %mul3A_34 = vector.broadcast %mul3A_33 : f32 to vector<2048x128xf32>
    %mul3A_35 = arith.mulf %mul3A_34, %add3A_32 : vector<2048x128xf32>
    %add3A_36 = vector.broadcast %mul3A_21 : vector<1x128xf32> to vector<2048x128xf32>
    %add3A_37 = arith.addf %mul3A_35, %add3A_36 : vector<2048x128xf32>
    %get3A_38 = arith.constant 0 : index
    %get3A_39 = arith.constant 0 : index
    %get3A_40 = vector.load %arg7[%get3A_38, %get3A_39] : memref<2048x1xi32, #tpu.memory_space<vmem>>, vector<2048x1xi32>
    %iota3A = tpu.iota {dimensions = array<i32: 1>} : vector<1x16xi32>
    %eq3A_41 = vector.broadcast %get3A_40 : vector<2048x1xi32> to vector<2048x16xi32>
    %eq3A_42 = vector.broadcast %iota3A : vector<1x16xi32> to vector<2048x16xi32>
    %eq3A_43 = arith.cmpi eq, %eq3A_41, %eq3A_42 : vector<2048x16xi32>
    %convert_element_type3A_44 = arith.extui %eq3A_43 : vector<2048x16xi1> to vector<2048x16xi32>
    %convert_element_type3A_45 = arith.sitofp %convert_element_type3A_44 : vector<2048x16xi32> to vector<2048x16xf32>
    %get3A_46 = arith.constant 0 : index
    %get3A_47 = arith.constant 0 : index
    %get3A_48 = vector.load %arg13[%get3A_46, %get3A_47] : memref<16x128xf32, #tpu.memory_space<vmem>>, vector<16x128xf32>
    %dot_general3A = arith.constant dense<0.000000e+00> : vector<16x128xf32>
    %dot_general3A_49 = tpu.matmul %convert_element_type3A_45, %add3A_37, %dot_general3A {dimension_numbers = #tpu.dot_dimension_numbers<[0], [0], [1], [1], [0, 1, 1, 1], [], []>, transpose_lhs_hint = false} : vector<2048x16xf32>, vector<2048x128xf32>, vector<16x128xf32> -> vector<16x128xf32>
    %add3A_50 = arith.addf %get3A_48, %dot_general3A_49 : vector<16x128xf32>
    %swap3A = arith.constant 0 : index
    %swap3A_51 = arith.constant 0 : index
    %swap3A_52 = vector.load %arg13[%swap3A, %swap3A_51] : memref<16x128xf32, #tpu.memory_space<vmem>>, vector<16x128xf32>
    tpu.vector_store %arg13[%swap3A, %swap3A_51], %add3A_50 {strides = array<i32>} : memref<16x128xf32, #tpu.memory_space<vmem>>, vector<16x128xf32>,
    %get3A_53 = arith.constant 0 : index
    %get3A_54 = arith.constant 0 : index
    %get3A_55 = vector.load %arg14[%get3A_53, %get3A_54] : memref<16x128xf32, #tpu.memory_space<vmem>>, vector<16x128xf32>
    %broadcast_in_dim3A = arith.constant 1.000000e+00 : f32
    %broadcast_in_dim3A_56 = vector.broadcast %broadcast_in_dim3A : f32 to vector<2048x128xf32>
    %dot_general3A_57 = arith.constant dense<0.000000e+00> : vector<16x128xf32>
    %dot_general3A_58 = tpu.matmul %convert_element_type3A_45, %broadcast_in_dim3A_56, %dot_general3A_57 {dimension_numbers = #tpu.dot_dimension_numbers<[0], [0], [1], [1], [0, 1, 1, 1], [], []>, transpose_lhs_hint = false} : vector<2048x16xf32>, vector<2048x128xf32>, vector<16x128xf32> -> vector<16x128xf32>
    %add3A_59 = arith.addf %get3A_55, %dot_general3A_58 : vector<16x128xf32>
    %swap3A_60 = arith.constant 0 : index
    %swap3A_61 = arith.constant 0 : index
    %swap3A_62 = vector.load %arg14[%swap3A_60, %swap3A_61] : memref<16x128xf32, #tpu.memory_space<vmem>>, vector<16x128xf32>
    tpu.vector_store %arg14[%swap3A_60, %swap3A_61], %add3A_59 {strides = array<i32>} : memref<16x128xf32, #tpu.memory_space<vmem>>, vector<16x128xf32>,
    %eq3A_63 = arith.constant 4 : i32
    %eq3A_64 = arith.cmpi eq, %arg0, %eq3A_63 : i32
    %convert_element_type3A_65 = arith.extui %eq3A_64 : i1 to i32
    %cond3A_66 = arith.constant 0 : i32
    %cond3A_67 = arith.cmpi ne, %convert_element_type3A_65, %cond3A_66 : i32
    scf.if %cond3A_67 {
      %get3A_68 = arith.constant 0 : index
      %get3A_69 = arith.constant 0 : index
      %get3A_70 = vector.load %arg13[%get3A_68, %get3A_69] : memref<16x128xf32, #tpu.memory_space<vmem>>, vector<16x128xf32>
      %get3A_71 = arith.constant 0 : index
      %get3A_72 = arith.constant 0 : index
      %get3A_73 = vector.load %arg14[%get3A_71, %get3A_72] : memref<16x128xf32, #tpu.memory_space<vmem>>, vector<16x128xf32>
      %max3A = arith.constant 1.000000e+00 : f32
      %max3A_74 = vector.broadcast %max3A : f32 to vector<16x128xf32>
      %max3A_75 = arith.maximumf %get3A_73, %max3A_74 : vector<16x128xf32>
      %div3A = arith.divf %get3A_70, %max3A_75 : vector<16x128xf32>
      %get3A_76 = arith.constant 0 : index
      %get3A_77 = arith.constant 0 : index
      %get3A_78 = vector.load %arg8[%get3A_76, %get3A_77] : memref<128x128xf32, #tpu.memory_space<vmem>>, vector<128x128xf32>
      %dot_general3A_79 = arith.constant dense<0.000000e+00> : vector<16x128xf32>
      %dot_general3A_80 = tpu.matmul %div3A, %get3A_78, %dot_general3A_79 {dimension_numbers = #tpu.dot_dimension_numbers<[1], [0], [0], [1], [0, 0, 1, 1], [], []>, transpose_lhs_hint = false} : vector<16x128xf32>, vector<128x128xf32>, vector<16x128xf32> -> vector<16x128xf32>
      %get3A_81 = arith.constant 0 : index
      %get3A_82 = arith.constant 0 : index
      %get3A_83 = vector.load %arg9[%get3A_81, %get3A_82] : memref<1x128xf32, #tpu.memory_space<vmem>>, vector<1x128xf32>
      %add3A_84 = vector.broadcast %get3A_83 : vector<1x128xf32> to vector<16x128xf32>
      %add3A_85 = arith.addf %dot_general3A_80, %add3A_84 : vector<16x128xf32>
      %max3A_86 = arith.constant 0.000000e+00 : f32
      %max3A_87 = vector.broadcast %max3A_86 : f32 to vector<16x128xf32>
      %max3A_88 = arith.maximumf %add3A_85, %max3A_87 : vector<16x128xf32>
      %get3A_89 = arith.constant 0 : index
      %get3A_90 = arith.constant 0 : index
      %get3A_91 = vector.load %arg10[%get3A_89, %get3A_90] : memref<128x128xf32, #tpu.memory_space<vmem>>, vector<128x128xf32>
      %dot_general3A_92 = arith.constant dense<0.000000e+00> : vector<16x128xf32>
      %dot_general3A_93 = tpu.matmul %max3A_88, %get3A_91, %dot_general3A_92 {dimension_numbers = #tpu.dot_dimension_numbers<[1], [0], [0], [1], [0, 0, 1, 1], [], []>, transpose_lhs_hint = false} : vector<16x128xf32>, vector<128x128xf32>, vector<16x128xf32> -> vector<16x128xf32>
      %get3A_94 = arith.constant 0 : index
      %get3A_95 = arith.constant 0 : index
      %get3A_96 = vector.load %arg11[%get3A_94, %get3A_95] : memref<1x128xf32, #tpu.memory_space<vmem>>, vector<1x128xf32>
      %add3A_97 = vector.broadcast %get3A_96 : vector<1x128xf32> to vector<16x128xf32>
      %add3A_98 = arith.addf %dot_general3A_93, %add3A_97 : vector<16x128xf32>
      %swap3A_99 = arith.constant 0 : index
      %swap3A_100 = arith.constant 0 : index
      %swap3A_101 = vector.load %arg12[%swap3A_99, %swap3A_100] : memref<16x128xf32, #tpu.memory_space<vmem>>, vector<16x128xf32>
      tpu.vector_store %arg12[%swap3A_99, %swap3A_100], %add3A_98 {strides = array<i32>} : memref<16x128xf32, #tpu.memory_space<vmem>>, vector<16x128xf32>,
    } else {
    }
    return
  }
  func.func @transform_0(%arg0: i32) -> (i32, i32) {
    %c0_i32 = arith.constant 0 : i32
    %c0_i32_0 = arith.constant 0 : i32
    return %arg0, %c0_i32 : i32, i32
  }
  func.func @transform_1(%arg0: i32) -> (i32, i32) {
    %c0_i32 = arith.constant 0 : i32
    %c0_i32_0 = arith.constant 0 : i32
    return %arg0, %c0_i32 : i32, i32
  }
  func.func @transform_2(%arg0: i32) -> (i32, i32) {
    %c0_i32 = arith.constant 0 : i32
    %c0_i32_0 = arith.constant 0 : i32
    return %arg0, %c0_i32 : i32, i32
  }
  func.func @transform_3(%arg0: i32) -> (i32, i32) {
    %c0_i32 = arith.constant 0 : i32
    %c0_i32_0 = arith.constant 0 : i32
    return %arg0, %c0_i32 : i32, i32
  }
  func.func @transform_4(%arg0: i32) -> (i32, i32) {
    %c0_i32 = arith.constant 0 : i32
    %c0_i32_0 = arith.constant 0 : i32
    %c0_i32_1 = arith.constant 0 : i32
    return %c0_i32, %c0_i32_0 : i32, i32
  }
  func.func @transform_5(%arg0: i32) -> (i32, i32) {
    %c0_i32 = arith.constant 0 : i32
    %c0_i32_0 = arith.constant 0 : i32
    %c0_i32_1 = arith.constant 0 : i32
    return %c0_i32, %c0_i32_0 : i32, i32
  }
  func.func @transform_6(%arg0: i32) -> (i32, i32) {
    %c0_i32 = arith.constant 0 : i32
    %c0_i32_0 = arith.constant 0 : i32
    return %arg0, %c0_i32 : i32, i32
  }
  func.func @transform_7(%arg0: i32) -> (i32, i32) {
    %c0_i32 = arith.constant 0 : i32
    %c0_i32_0 = arith.constant 0 : i32
    %c0_i32_1 = arith.constant 0 : i32
    return %c0_i32, %c0_i32_0 : i32, i32
  }
  func.func @transform_8(%arg0: i32) -> (i32, i32) {
    %c0_i32 = arith.constant 0 : i32
    %c0_i32_0 = arith.constant 0 : i32
    %c0_i32_1 = arith.constant 0 : i32
    return %c0_i32, %c0_i32_0 : i32, i32
  }
  func.func @transform_9(%arg0: i32) -> (i32, i32) {
    %c0_i32 = arith.constant 0 : i32
    %c0_i32_0 = arith.constant 0 : i32
    %c0_i32_1 = arith.constant 0 : i32
    return %c0_i32, %c0_i32_0 : i32, i32
  }
  func.func @transform_10(%arg0: i32) -> (i32, i32) {
    %c0_i32 = arith.constant 0 : i32
    %c0_i32_0 = arith.constant 0 : i32
    %c0_i32_1 = arith.constant 0 : i32
    return %c0_i32, %c0_i32_0 : i32, i32
  }
  func.func @transform_11(%arg0: i32) -> (i32, i32) {
    %c0_i32 = arith.constant 0 : i32
    %c0_i32_0 = arith.constant 0 : i32
    %c0_i32_1 = arith.constant 0 : i32
    return %c0_i32, %c0_i32_0 : i32, i32
  }
}

</mosaic_0001>

<sc_bundles>
// kernel: kernel.10.cloned.1.call-start
scs
__scs_entry_jumppad:
0x0: {  	(pc) =	sbr.rel $0x88, $3  }
0x1: {  	(tag) =	ssettag $0x0;
	lr =	simm.s32 $0x1  }
0x2: {  	[smem:$0x3F8E] =	sst lr;
	_ =	strace $0xD0000000  }
0x3: {  	_ = 	snop  }
0x4: {  	_ = 	snop  }
0x5: {  	_ = 	snop  }
0x6: {  	_ = 	snop  }
0x7: {  	_ = 	snop  }
__scs_overlays_trampoline_lowered:
0x8: {  	[smem:$0x3F9D] =	sst s0  }
0x9: {  	[smem:$0x3F9E] =	sst s1  }
0xa: {  	[smem:$0x3F9F] =	sst s2  }
0xb: {  	[smem:$0x3FA0] =	sst s3  }
0xc: {  	[smem:$0x3FA1] =	sst s4  }
0xd: {  	[smem:$0x3FA2] =	sst s5  }
0xe: {  	[smem:$0x3FA3] =	sst s6  }
0xf: {  	[smem:$0x3FA4] =	sst s7  }
0x10: {  	[smem:$0x3FA5] =	sst s8  }
0x11: {  	[smem:$0x3FA6] =	sst s9;
	s0 =	simm.s32 @!p0 $0x0  }
0x12: {  	s1 =	sld [smem:$0x3F8C];
	s0 =	simm.s32 @p0 $0x1  }
0x13: {  	[smem:$0x3FA7] =	sst s0;
	s0 =	simm.s32 @!p1 $0x0  }
0x14: {  	s2 =	sld [smem:$0x3F8B];
	s0 =	simm.s32 @p1 $0x1  }
0x15: {  	[smem:$0x3FA8] =	sst s0;
	s0 =	simm.s32 @!p2 $0x0  }
0x16: {  	s3 =	sld [smem:$0x3FDB];
	s0 =	simm.s32 @p2 $0x1  }
0x17: {  	s4 =	simm.s32 $0x1BF5;
	[smem:$0x3FAA] =	sst s0  }
0x18: {  	s0 =	sld [smem:$0x3F8D];
	_ =	swait.ge [sflag:s4], $0x0  }
0x19: {  	s7 =	sld [smem:$0x3F8E]  }
0x1a: {  	s8 =	sadd.s32 $0xFFFFE003, lr  }
0x1b: {  	s9 =	sadd.s32 $0xFFFFFEF7, lr;
	s5 =	simm.s32 $0xFFFFFFFF;
	p2 =	slt.u32 s8, $0xFFFFF086  }
0x1c: {  	p1 =	slt.u32 s9, $0xF7A;
	s5 =	simm.s32 @!p2 $0x0  }
0x1d: {  	s5 =	simm.s32 @p1 $0x1;
	p0 =	seq.s32 s7, s2  }
0x1e: {  	s7 =	smul.u32 @!p0 $0xF7A, s2;
	p2 =	seq.s32 @!p0 s5, $0x0  }
0x1f: {  	s9 =	smul.u32 $0xF7A, s1;
	s8 =	simm.s32 @!p0 $0x1BF5;
	p2 =	por !p2, p0  }
0x20: {  	[sflag:s8] =	ssyncset.s32 @!p0 $0xFFFFF086;
	s6 =	sadd.s32 @!p0 s3, s7;
	s7 =	simm.s32 @!p0 $0x108  }
0x21: {  	s3 =	sadd.s32 s3, s9;
	s6 =	sadd.s32 @!p0 $0x88, s6;
	s7 =	simm.s32 @p2 $0x1082  }
0x22: {  	[simem:s7], [sflag:s8] =	dma.local @!p0 [hbm:s6], $0xF7A  }
0x23: {  	s9 =	sor.u32 $0xD0000000, s2;
	s6 =	simm.s32 $0x108;
	_ =	swait.ge @!p0 [sflag:s8], $0x0  }
0x24: {  	s3 =	sadd.s32 $0x88, s3;
	s6 =	simm.s32 @!p1 $0x1082;
	[sflag:s4] =	ssyncset.s32 $0xFFFFF086  }
0x25: {  	[simem:s6], [sflag:s4] =	dma.local [hbm:s3], $0xF7A  }
0x26: {  	[smem:$0x3F8E] =	sst s1;
	(tag) =	ssettag s2;
	_ =	strace s9  }
0x27: {  	s1 =	sld [smem:$0x3F9E]  }
0x28: {  	s2 =	sld [smem:$0x3F9F]  }
0x29: {  	s4 =	sld [smem:$0x3FA1]  }
0x2a: {  	p0 =	seq.s32 s5, $0x0;
	s5 =	sld [smem:$0x3FA2]  }
0x2b: {  	s6 =	sld [smem:$0x3FA3]  }
0x2c: {  	s7 =	sld [smem:$0x3FA4]  }
0x2d: {  	s3 =	simm.s32 $0x108;
	s8 =	sld [smem:$0x3FA5]  }
0x2e: {  	s3 =	simm.s32 @!p0 $0x1082;
	s9 =	sld [smem:$0x3FA6]  }
0x2f: {  	lr =	sadd.s32 s0, s3;
	s0 =	sld [smem:$0x3F9D]  }
0x30: {  	s3 =	sld [smem:$0x3FA0]  }
0x31: {  	[smem:$0x3FA9] =	sst s10  }
0x32: {  	s10 =	sld [smem:$0x3FA7];
	_ =	sdelay $0x3  }
0x33: {  	p0 =	seq.s32 s10, $0x1;
	s10 =	sld [smem:$0x3FA9];
	_ =	sdelay $0x3  }
0x34: {  	[smem:$0x3FA9] =	sst s10  }
0x35: {  	s10 =	sld [smem:$0x3FA8];
	_ =	sdelay $0x3  }
0x36: {  	p1 =	seq.s32 s10, $0x1;
	s10 =	sld [smem:$0x3FA9];
	_ =	sdelay $0x3  }
0x37: {  	[smem:$0x3FA9] =	sst s10  }
0x38: {  	s10 =	sld [smem:$0x3FAA]  }
0x39: {  	_ = 	snop;
	(pc) =	sbr.ind lr, $3  }
0x3a: {  	_ = 	snop  }
0x3b: {  	_ = 	snop  }
0x3c: {  	p2 =	seq.s32 s10, $0x1;
	s10 =	sld [smem:$0x3FA9]  }
0x3d: {  	_ =	shalt  }
0x3e: {  	_ =	shalt  }
0x3f: {  	_ =	shalt  }
0x40: {  	_ =	shalt  }
0x41: {  	_ =	shalt  }
0x42: {  	_ =	shalt  }
0x43: {  	_ =	shalt  }
0x44: {  	_ =	shalt  }
0x45: {  	_ =	shalt  }
0x46: {  	_ =	shalt  }
0x47: {  	_ =	shalt  }
0x48: {  	_ =	shalt  }
0x49: {  	_ =	shalt  }
0x4a: {  	_ =	shalt  }
0x4b: {  	_ =	shalt  }
0x4c: {  	_ =	shalt  }
0x4d: {  	_ =	shalt  }
0x4e: {  	_ =	shalt  }
0x4f: {  	_ =	shalt  }
0x50: {  	_ =	shalt  }
0x51: {  	_ =	shalt  }
0x52: {  	_ =	shalt  }
0x53: {  	_ =	shalt  }
0x54: {  	_ =	shalt  }
0x55: {  	_ =	shalt  }
0x56: {  	_ =	shalt  }
0x57: {  	_ =	shalt  }
0x58: {  	_ =	shalt  }
0x59: {  	_ =	shalt  }
0x5a: {  	_ =	shalt  }
0x5b: {  	_ =	shalt  }
0x5c: {  	_ =	shalt  }
0x5d: {  	_ =	shalt  }
0x5e: {  	_ =	shalt  }
0x5f: {  	_ =	shalt  }
0x60: {  	_ =	shalt  }
0x61: {  	_ =	shalt  }
0x62: {  	_ =	shalt  }
0x63: {  	_ =	shalt  }
0x64: {  	_ =	shalt  }
0x65: {  	_ =	shalt  }
0x66: {  	_ =	shalt  }
0x67: {  	_ =	shalt  }
0x68: {  	_ =	shalt  }
0x69: {  	_ =	shalt  }
0x6a: {  	_ =	shalt  }
0x6b: {  	_ =	shalt  }
0x6c: {  	_ =	shalt  }
0x6d: {  	_ =	shalt  }
0x6e: {  	_ =	shalt  }
0x6f: {  	_ =	shalt  }
0x70: {  	_ =	shalt  }
0x71: {  	_ =	shalt  }
0x72: {  	_ =	shalt  }
0x73: {  	_ =	shalt  }
0x74: {  	_ =	shalt  }
0x75: {  	_ =	shalt  }
0x76: {  	_ =	shalt  }
0x77: {  	_ =	shalt  }
0x78: {  	_ =	shalt  }
0x79: {  	_ =	shalt  }
0x7a: {  	_ =	shalt  }
0x7b: {  	_ =	shalt  }
0x7c: {  	_ =	shalt  }
0x7d: {  	_ =	shalt  }
0x7e: {  	_ =	shalt  }
0x7f: {  	_ =	shalt  }
0x80: {  	_ =	shalt  }
0x81: {  	_ =	shalt  }
0x82: {  	_ =	shalt  }
0x83: {  	_ =	shalt  }
0x84: {  	_ =	shalt  }
0x85: {  	_ =	shalt  }
0x86: {  	_ =	shalt  }
0x87: {  	_ =	shalt  }
.Lfunc_end0:
.L_simem_size_0:
called_computation_lowered:
.L_overlay_start_0:
0x88: {  	s2 =	sld [smem:$0x3FD9]  }
0x89: {  	s3 =	sld [smem:$0x3FFE];
	_ =	sdelay $0x1  }
0x8a: {  	s1 =	srdreg.scid  }
0x8b: {  	s0 =	sand.u32 $0x1, s1  }
0x8c: {  	s16 =	sshll.u32 s0, $0xA;
	s2 =	sadd.s32 s3, s2  }
0x8d: {  	s2 =	sadd.s32 s2, s16  }
0x8e: {  	[smem:$0x3FB5] =	sst s2  }
0x8f: {  	_ = 	snop  }
0x90: {  	(tm) =	ssettm $0x1  }
0x91: {  	s17 =	sld [smem:$0x3FFB];
	_ =	sdelay $0x3  }
0x92: {  	_ =	strace s17  }
0x93: {  	s2 =	sld [smem:$0x3FFC];
	_ =	sdelay $0x3  }
0x94: {  	_ =	strace s2  }
0x95: {  	s2 =	sld [smem:$0x3FFD];
	_ =	sdelay $0x3  }
0x96: {  	_ =	strace s2  }
0x97: {  	_ =	strace $0x8FFFFFFF  }
0x98: {  	s18 =	sld [smem:$0x3FDB];
	_ =	sdelay $0x1  }
0x99: {  	s19 =	simm.s32 $_scs_section_size  }
0x9a: {  	s4 =	simm.s32 $_size__tile_overlayer_lowered;
	s5 =	simm.s32 $_tile_overlayer_lowered  }
0x9b: {  	s22 =	simm.s32 $0x1BFF;
	s21 =	sshll.u32 s5, $0x1;
	s2 =	sadd.s32 s19, s18  }
0x9c: {  	s6 =	simm.s32 $0x0;
	s20 =	sshll.u32 s4, $0x1;
	s4 =	sadd.s32 s21, s2  }
0x9d: {  	[timem:s6], [sflag:s22] =	dma.local [hbm:s4], s20  }
0x9e: {  	_ =	swait.ge [sflag:s22], s20  }
0x9f: {  	s3 =	ssub.s32 $0x0, s20;
	[sflag:s22] =	ssyncset.done $0x0  }
0xa0: {  	[sflag:s22] =	ssyncadd.s32 s3;
	_ =	sdelay $0x1  }
0xa1: {  	s23 =	simm.s32 $0x1B8B  }
0xa2: {  	_ =	swait.ge [sflag:s23], $0x1  }
0xa3: {  	[sflag:s23] =	ssyncset.done $0x0  }
0xa4: {  	s25 =	simm.s32 $0x1B8E;
	s24 =	sld [smem:$0x3FFE];
	[sflag:s23] =	ssyncadd.s32 $0xFFFFFFFF  }
0xa5: {  	s26 =	simm.s32 $execute0_lowered;
	[smem:$0x3FD2] =	sst s25  }
0xa6: {  	s4 =	sshll.u32 s26, $0x1;
	_ =	strace $0x80000046;
	[dreg:$0x1] =	wrdreg $0xFFFFFFFF  }
0xa7: {  	s28 =	simm.s32 $_size_execute0_lowered;
	s2 =	sadd.s32 s2, s4;
	[dreg:$0x0] =	wrdreg $0x0  }
0xa8: {  	s4 =	sshll.u32 s28, $0x1;
	[dreg:$0x2] =	wrdreg s2  }
0xa9: {  	[dreg:$0x3] =	wrdreg s4  }
0xaa: {  	[dreg:$0x4] =	wrdreg $0xC0  }
0xab: {  	_ =	task [dreg:s6], $0x5FFFF  }
0xac: {  	[dreg:$0x1] =	wrdreg $0xFFFFFFFF  }
0xad: {  	[dreg:$0x0] =	wrdreg $0x60  }
0xae: {  	[dreg:$0x2] =	wrdreg s24  }
0xaf: {  	[dreg:$0x3] =	wrdreg $0x83000  }
0xb0: {  	[dreg:$0x4] =	wrdreg $0x9  }
0xb1: {  	_ =	task.clear_ibuf [dreg:s6], $0x5FFFF;
	_ =	strace $0x90000046  }
0xb2: {  	s29 =	simm.s32 $0x9;
	_ =	strace $0x80000048  }
0xb3: {  	_ =	swait.ge [sflag:s29], $0x1  }
0xb4: {  	[sflag:s29] =	ssyncadd.s32 $0xFFFFFFFF  }
0xb5: {  	_ =	strace $0x90000048  }
0xb6: {  	_ =	sfence  }
0xb7: {  	s30 =	sld [smem:$0x0];
	_ =	sdelay $0x2  }
0xb8: {  	s31 =	sshll.u32 s1, $0xD;
	s1 =	sshrl.u32 s1, $0x2  }
0xb9: {  	s3 =	sand.u32 $0x4000, s31;
	s1 =	sadd.s32 s1, s30  }
0xba: {  	s0 =	sor.u32 s3, s0;
	s1 =	sshll.u32 s1, $0x11  }
0xbb: {  	s0 =	sor.u32 s1, s0  }
0xbc: {  	s0 =	sadd.s32 $0x8F2B, s0  }
0xbd: {  	[sflag:s0] =	ssyncadd.remote.s32 $0x1  }
0xbe: {  	_ =	sfence.sel $0xFFFF  }
0xbf: {  	[dreg:$0x0] =	wrdreg $0xFFFFFFFF;
	(pc) =	sbr.abs _section_cstart, $3  }
0xc0: {  	[dreg:$0x1] =	wrdreg $0xFFFFFFFF  }
0xc1: {  	_ =	task.clear_ibuf [dreg:s6], $0x2FFFF;
	_ =	strace $0x9FFFFFFF  }
0xc2: {  	(tm) =	ssettm $0x7FFFFFFF  }
0xc3: {  	_ =	shalt  }
tec
execute0_lowered:
.L_overlay_start_1:
0x0: {  	(tag) =	ssettag $0x1  }
0x1: {  	s5 =	rddreg [dreg:$0x0]  }
0x2: {  	s1 =	rddreg [dreg:$0x1]  }
0x3: {  	s0 =	rddreg [dreg:$0x2];
	s3 =	simm.s32 $0x0  }
0x4: {  	s4 =	srdreg.scid;
	s2 =	stileid.u32;
	s11 =	simm.s32 $0x8080  }
0x5: {  	s12 =	simm.s32 $0x1;
	s13 =	simm.s32 $0x50;
	s14 =	simm.s32 $0x8000  }
0x6: {  	[smem:$0x7FF] =	sst s3;
	s7 =	sand.u32 $0x1, s4;
	s31 =	sshll.u32 s2, $0xC  }
0x7: {  	s8 =	smul.u32 $0x280, s2;
	s4 =	sadd.s32 $0x27400, s5;
	s15 =	sshll.u32 s2, $0x6  }
.Ltmp0:
0x8: {  	_ =	strace $0x80000047;
	s6 =	ssub.s32 $0x2, s7;
	(pc) =	sbr.rel .LBB2_1-.Ltmp0, $4  }
0x9: {  	s9 =	sadd.s32 s31, s5;
	s5 =	sadd.s32 $0x27A00, s5;
	p0 =	seq.s32 s7, $0x1  }
0xa: {  	s15 =	sor.u32 $0x1C01, s15;
	s10 =	sshrl.u32 s6, $0x1;
	s7 =	sadd.s32 $0x17400, s9  }
0xb: {  	s9 =	sadd.s32 $0x7400, s9;
	s10 =	ssub.s32 s6, s10;
	s6 =	sadd.s32 s8, s1  }
0xc: {  	v0 =	vimm.f32 $1.000000000e+00;
	v1 =	vimm.f32 $0.0e+00;
	s8 =	sshrl.u32 s8, $0x3;
	s10 =	smax.u32 s10, $0x1;
	s16 =	sshrl.u32 s6, $0x3  }
.LBB2_7:
0xd: {  	[sflag:s12] =	ssyncadd.s32 $0xFFFFFFB0;
	s17 =	smov.u32 s5  }
.LBB2_8:
0xe: {  	s3 =	sadd.s32 $0x1, s3  }
0xf: {  	p1 =	sne.s32 s3, s10  }
.Ltmp1:
0x10: {  	s17 =	sadd.s32 s17, s8;
	[bflag:$0x0] =	sbarrier.arrive $0xFFFF;
	(pc) =	sbr.rel @!p1 .LBB2_9-.Ltmp1, $4  }
0x11: {  	[hbm:s17], [sflag:s15] =	dma.local [spmem:s16], $0x50  }
0x12: {  	_ =	swait.ge [sflag:s12], $0x50  }
0x13: {  	[sflag:s12] =	ssyncset.done $0x0  }
0x14: {  	[sflag:s12] =	ssyncadd.s32 $0xFFFFFFB0  }
.LBB2_1:
0x15: {  	[tilespmem:$0x8000] =	vst v0  }
0x16: {  	[tilespmem:$0x8010] =	vst v0  }
0x17: {  	[tilespmem:$0x8020] =	vst v0  }
0x18: {  	[tilespmem:$0x8030] =	vst v0  }
0x19: {  	[tilespmem:$0x8040] =	vst v0  }
0x1a: {  	[tilespmem:$0x8080] =	vst v1  }
0x1b: {  	[tilespmem:$0x8090] =	vst v1  }
0x1c: {  	[tilespmem:$0x80A0] =	vst v1  }
0x1d: {  	[tilespmem:$0x80B0] =	vst v1  }
0x1e: {  	[tilespmem:$0x80C0] =	vst v1  }
0x1f: {  	[tilespmem:$0x80D0] =	vst v1  }
0x20: {  	[tilespmem:$0x80E0] =	vst v1  }
0x21: {  	[tilespmem:$0x80F0] =	vst v1  }
0x22: {  	[tilespmem:$0x8100] =	vst v1  }
0x23: {  	[tilespmem:$0x8110] =	vst v1  }
0x24: {  	[tilespmem:$0x8120] =	vst v1  }
0x25: {  	[tilespmem:$0x8130] =	vst v1  }
0x26: {  	[tilespmem:$0x8140] =	vst v1  }
0x27: {  	[tilespmem:$0x8150] =	vst v1  }
0x28: {  	[tilespmem:$0x8160] =	vst v1  }
0x29: {  	[tilespmem:$0x8170] =	vst v1  }
0x2a: {  	[tilespmem:$0x8180] =	vst v1  }
0x2b: {  	[tilespmem:$0x8190] =	vst v1  }
0x2c: {  	[tilespmem:$0x81A0] =	vst v1  }
0x2d: {  	[tilespmem:$0x81B0] =	vst v1  }
0x2e: {  	[tilespmem:$0x81C0] =	vst v1  }
0x2f: {  	[tilespmem:$0x81D0] =	vst v1  }
0x30: {  	[tilespmem:$0x81E0] =	vst v1  }
0x31: {  	[tilespmem:$0x81F0] =	vst v1  }
0x32: {  	[tilespmem:$0x8200] =	vst v1  }
0x33: {  	[tilespmem:$0x8210] =	vst v1  }
0x34: {  	[tilespmem:$0x8220] =	vst v1  }
0x35: {  	[tilespmem:$0x8230] =	vst v1  }
0x36: {  	[tilespmem:$0x8240] =	vst v1  }
0x37: {  	[tilespmem:$0x8250] =	vst v1  }
0x38: {  	[tilespmem:$0x8260] =	vst v1  }
0x39: {  	[tilespmem:$0x8270] =	vst v1  }
0x3a: {  	[tilespmem:$0x8280] =	vst v1  }
0x3b: {  	[tilespmem:$0x8290] =	vst v1  }
0x3c: {  	[tilespmem:$0x82A0] =	vst v1  }
0x3d: {  	[tilespmem:$0x82B0] =	vst v1  }
0x3e: {  	[tilespmem:$0x82C0] =	vst v1  }
0x3f: {  	[tilespmem:$0x82D0] =	vst v1  }
0x40: {  	[tilespmem:$0x82E0] =	vst v1  }
0x41: {  	[tilespmem:$0x82F0] =	vst v1  }
0x42: {  	[spmem:s6] =	stream.linear.scatter [tilespmem:s11], [sflag:$0x1], $0x280, $0x38;
	[tilespmem:$0x8580] =	vst v63  }
.Ltmp2:
0x43: {  	_ =	swait.ge [sflag:s12], $0x280;
	(pc) =	sbr.rel @!p0 .LBB2_2-.Ltmp2, $4  }
0x44: {  	[sflag:s12] =	ssyncset.done $0x0  }
0x45: {  	[sflag:s12] =	ssyncadd.s32 $0xFFFFFD80  }
0x46: {  	[bflag:$0x0] =	sbarrier.arrive $0xFFFF  }
0x47: {  	s17 =	simm.s32 $0x0  }
0x48: {  	[tilespmem:s17], [sflag:$0x1] =	stream.linear.gather [hbm4b:s9+s17], $0x8000, $0x38;
	[tilespmem:$0x8580] =	vst v63  }
0x49: {  	_ =	swait.ge [sflag:s12], $0x8000  }
0x4a: {  	[sflag:s12] =	ssyncset.done $0x0  }
0x4b: {  	s31 =	simm.s32 $0x0;
	[sflag:s12] =	ssyncadd.s32 $0xFFFF8000  }
0x4c: {  	[spmem:s1] =	stream.indirect.scatter.add.f32 [tilespmem:s14], [sflag:$0x1], $0x1, s31, s13, $0xb8;
	[tilespmem:$0x8580] =	vst v63  }
0x4d: {  	_ =	swait.ge [sflag:s12], $0x50  }
0x4e: {  	s17 =	simm.s32 $0x200;
	[sflag:s12] =	ssyncset.done $0x0  }
.LBB2_6:
0x4f: {  	s18 =	sshra.s32 s17, $0x2;
	[sflag:s12] =	ssyncadd.s32 $0xFFFFFFB0;
	p1 =	sne.s32 s17, $0x1F200  }
0x50: {  	[spmem:s1] =	stream.indirect.scatter.add.f32 [tilespmem:s14], [sflag:$0x1], $0x1, s18, s13, $0xb8;
	[tilespmem:$0x8580] =	vst v63  }
.Ltmp3:
0x51: {  	_ = 	snop;
	(pc) =	sbr.rel @p1 .LBB2_6-.Ltmp3, $4  }
0x52: {  	_ = 	snop  }
0x53: {  	s17 =	sadd.s32 $0x200, s17  }
0x54: {  	_ =	swait.ge [sflag:s12], $0x50  }
0x55: {  	[sflag:s12] =	ssyncset.done $0x0  }
.Ltmp4:
0x56: {  	_ = 	snop;
	(pc) =	sbr.rel .LBB2_7-.Ltmp4, $1  }
0x57: {  	_ =	sdelay $0x3  }
.LBB2_2:
0x58: {  	[tilespmem:s17], [sflag:$0x1] =	stream.linear.gather [hbm4b:s7+s17], $0x8000, $0x38;
	[tilespmem:$0x8580] =	vst v63  }
0x59: {  	_ =	swait.ge [sflag:s12], $0x8000  }
0x5a: {  	[sflag:s12] =	ssyncset.done $0x0  }
0x5b: {  	s31 =	simm.s32 $0x0;
	[sflag:s12] =	ssyncadd.s32 $0xFFFF8000  }
0x5c: {  	[spmem:s1] =	stream.indirect.scatter.add.f32 [tilespmem:s14], [sflag:$0x1], $0x1, s31, s13, $0xb8;
	[tilespmem:$0x8580] =	vst v63  }
0x5d: {  	_ =	swait.ge [sflag:s12], $0x50  }
0x5e: {  	s17 =	simm.s32 $0x200;
	[sflag:s12] =	ssyncset.done $0x0  }
.LBB2_3:
0x5f: {  	s18 =	sshra.s32 s17, $0x2;
	[sflag:s12] =	ssyncadd.s32 $0xFFFFFFB0;
	p1 =	seq.s32 s17, $0x1F200  }
0x60: {  	[spmem:s1] =	stream.indirect.scatter.add.f32 [tilespmem:s14], [sflag:$0x1], $0x1, s18, s13, $0xb8;
	[tilespmem:$0x8580] =	vst v63  }
.Ltmp5:
0x61: {  	_ = 	snop;
	(pc) =	sbr.rel @!p1 .LBB2_3-.Ltmp5, $4  }
0x62: {  	_ = 	snop  }
0x63: {  	s17 =	sadd.s32 $0x200, s17  }
0x64: {  	_ =	swait.ge [sflag:s12], $0x50  }
0x65: {  	[sflag:s12] =	ssyncset.done $0x0  }
.Ltmp6:
0x66: {  	(pc) =	sbr.rel .LBB2_8-.Ltmp6, $2  }
0x67: {  	_ =	sdelay $0x2  }
0x68: {  	[sflag:s12] =	ssyncadd.s32 $0xFFFFFFB0;
	s17 =	smov.u32 s4  }
.LBB2_9:
0x69: {  	_ =	sfence.sel $0x180000  }
0x6a: {  	[bflag:$0x0] =	sbarrier.arrive $0xFFFF  }
0x6b: {  	p0 =	sne.s32 s2, $0x0;
	_ =	strace $0x90000047  }
0x6c: {  	s0 =	sadd.s32 @!p0 $0x100000, s0;
	[bflag:$0x2] =	sbarrier.arrive $0xFFFF  }
0x6d: {  	[sflag:s0] =	ssyncadd.tile.s32 @!p0 $0x1;
	_ =	shalt  }
.Lfunc_end2:
_tile_overlayer_lowered:
.L_overlay_start_2:
0x6e: {  	(tag) =	ssettag $0x2  }
0x6f: {  	s0 =	rddreg [dreg:$0x0];
	s2 =	stileid.u32  }
0x70: {  	s1 =	rddreg [dreg:$0x1];
	p0 =	sne.s32 s2, $0x0  }
0x71: {  	s3 =	rddreg [dreg:$0x2];
	[bflag:$0x3] =	sbarrier.arrive $0xFFFF;
	s2 =	simm.s32 @!p0 $0x1C01  }
0x72: {  	[timem:s3], [sflag:s2] =	dma.local @!p0 [hbm:s0], s1  }
0x73: {  	s0 =	simm.s32 @!p0 $0x1  }
0x74: {  	_ =	swait.ge @!p0 [sflag:s0], s1  }
0x75: {  	s1 =	ssub.s32 @!p0 $0x0, s1;
	[sflag:s0] =	ssyncset.done @!p0 $0x0  }
0x76: {  	[sflag:s0] =	ssyncadd.s32 @!p0 s1  }
0x77: {  	[bflag:$0x3] =	sbarrier.arrive $0xFFFF  }
0x78: {  	_ =	shalt  }

// kernel: kernel.13.cloned.1.call-start
scs
__scs_entry_jumppad:
0x0: {  	(pc) =	sbr.rel $0x88, $3  }
0x1: {  	(tag) =	ssettag $0x0;
	lr =	simm.s32 $0x1  }
0x2: {  	[smem:$0x3F8E] =	sst lr;
	_ =	strace $0xD0000000  }
0x3: {  	_ = 	snop  }
0x4: {  	_ = 	snop  }
0x5: {  	_ = 	snop  }
0x6: {  	_ = 	snop  }
0x7: {  	_ = 	snop  }
__scs_overlays_trampoline_lowered:
0x8: {  	[smem:$0x3F9D] =	sst s0  }
0x9: {  	[smem:$0x3F9E] =	sst s1  }
0xa: {  	[smem:$0x3F9F] =	sst s2  }
0xb: {  	[smem:$0x3FA0] =	sst s3  }
0xc: {  	[smem:$0x3FA1] =	sst s4  }
0xd: {  	[smem:$0x3FA2] =	sst s5  }
0xe: {  	[smem:$0x3FA3] =	sst s6  }
0xf: {  	[smem:$0x3FA4] =	sst s7  }
0x10: {  	[smem:$0x3FA5] =	sst s8  }
0x11: {  	[smem:$0x3FA6] =	sst s9;
	s0 =	simm.s32 @!p0 $0x0  }
0x12: {  	s1 =	sld [smem:$0x3F8C];
	s0 =	simm.s32 @p0 $0x1  }
0x13: {  	[smem:$0x3FA7] =	sst s0;
	s0 =	simm.s32 @!p1 $0x0  }
0x14: {  	s2 =	sld [smem:$0x3F8B];
	s0 =	simm.s32 @p1 $0x1  }
0x15: {  	[smem:$0x3FA8] =	sst s0;
	s0 =	simm.s32 @!p2 $0x0  }
0x16: {  	s3 =	sld [smem:$0x3FDB];
	s0 =	simm.s32 @p2 $0x1  }
0x17: {  	s4 =	simm.s32 $0x1BF5;
	[smem:$0x3FAA] =	sst s0  }
0x18: {  	s0 =	sld [smem:$0x3F8D];
	_ =	swait.ge [sflag:s4], $0x0  }
0x19: {  	s7 =	sld [smem:$0x3F8E]  }
0x1a: {  	s8 =	sadd.s32 $0xFFFFE003, lr  }
0x1b: {  	s9 =	sadd.s32 $0xFFFFFEF7, lr;
	s5 =	simm.s32 $0xFFFFFFFF;
	p2 =	slt.u32 s8, $0xFFFFF086  }
0x1c: {  	p1 =	slt.u32 s9, $0xF7A;
	s5 =	simm.s32 @!p2 $0x0  }
0x1d: {  	s5 =	simm.s32 @p1 $0x1;
	p0 =	seq.s32 s7, s2  }
0x1e: {  	s7 =	smul.u32 @!p0 $0xF7A, s2;
	p2 =	seq.s32 @!p0 s5, $0x0  }
0x1f: {  	s9 =	smul.u32 $0xF7A, s1;
	s8 =	simm.s32 @!p0 $0x1BF5;
	p2 =	por !p2, p0  }
0x20: {  	[sflag:s8] =	ssyncset.s32 @!p0 $0xFFFFF086;
	s6 =	sadd.s32 @!p0 s3, s7;
	s7 =	simm.s32 @!p0 $0x108  }
0x21: {  	s3 =	sadd.s32 s3, s9;
	s6 =	sadd.s32 @!p0 $0x88, s6;
	s7 =	simm.s32 @p2 $0x1082  }
0x22: {  	[simem:s7], [sflag:s8] =	dma.local @!p0 [hbm:s6], $0xF7A  }
0x23: {  	s9 =	sor.u32 $0xD0000000, s2;
	s6 =	simm.s32 $0x108;
	_ =	swait.ge @!p0 [sflag:s8], $0x0  }
0x24: {  	s3 =	sadd.s32 $0x88, s3;
	s6 =	simm.s32 @!p1 $0x1082;
	[sflag:s4] =	ssyncset.s32 $0xFFFFF086  }
0x25: {  	[simem:s6], [sflag:s4] =	dma.local [hbm:s3], $0xF7A  }
0x26: {  	[smem:$0x3F8E] =	sst s1;
	(tag) =	ssettag s2;
	_ =	strace s9  }
0x27: {  	s1 =	sld [smem:$0x3F9E]  }
0x28: {  	s2 =	sld [smem:$0x3F9F]  }
0x29: {  	s4 =	sld [smem:$0x3FA1]  }
0x2a: {  	p0 =	seq.s32 s5, $0x0;
	s5 =	sld [smem:$0x3FA2]  }
0x2b: {  	s6 =	sld [smem:$0x3FA3]  }
0x2c: {  	s7 =	sld [smem:$0x3FA4]  }
0x2d: {  	s3 =	simm.s32 $0x108;
	s8 =	sld [smem:$0x3FA5]  }
0x2e: {  	s3 =	simm.s32 @!p0 $0x1082;
	s9 =	sld [smem:$0x3FA6]  }
0x2f: {  	lr =	sadd.s32 s0, s3;
	s0 =	sld [smem:$0x3F9D]  }
0x30: {  	s3 =	sld [smem:$0x3FA0]  }
0x31: {  	[smem:$0x3FA9] =	sst s10  }
0x32: {  	s10 =	sld [smem:$0x3FA7];
	_ =	sdelay $0x3  }
0x33: {  	p0 =	seq.s32 s10, $0x1;
	s10 =	sld [smem:$0x3FA9];
	_ =	sdelay $0x3  }
0x34: {  	[smem:$0x3FA9] =	sst s10  }
0x35: {  	s10 =	sld [smem:$0x3FA8];
	_ =	sdelay $0x3  }
0x36: {  	p1 =	seq.s32 s10, $0x1;
	s10 =	sld [smem:$0x3FA9];
	_ =	sdelay $0x3  }
0x37: {  	[smem:$0x3FA9] =	sst s10  }
0x38: {  	s10 =	sld [smem:$0x3FAA]  }
0x39: {  	_ = 	snop;
	(pc) =	sbr.ind lr, $3  }
0x3a: {  	_ = 	snop  }
0x3b: {  	_ = 	snop  }
0x3c: {  	p2 =	seq.s32 s10, $0x1;
	s10 =	sld [smem:$0x3FA9]  }
0x3d: {  	_ =	shalt  }
0x3e: {  	_ =	shalt  }
0x3f: {  	_ =	shalt  }
0x40: {  	_ =	shalt  }
0x41: {  	_ =	shalt  }
0x42: {  	_ =	shalt  }
0x43: {  	_ =	shalt  }
0x44: {  	_ =	shalt  }
0x45: {  	_ =	shalt  }
0x46: {  	_ =	shalt  }
0x47: {  	_ =	shalt  }
0x48: {  	_ =	shalt  }
0x49: {  	_ =	shalt  }
0x4a: {  	_ =	shalt  }
0x4b: {  	_ =	shalt  }
0x4c: {  	_ =	shalt  }
0x4d: {  	_ =	shalt  }
0x4e: {  	_ =	shalt  }
0x4f: {  	_ =	shalt  }
0x50: {  	_ =	shalt  }
0x51: {  	_ =	shalt  }
0x52: {  	_ =	shalt  }
0x53: {  	_ =	shalt  }
0x54: {  	_ =	shalt  }
0x55: {  	_ =	shalt  }
0x56: {  	_ =	shalt  }
0x57: {  	_ =	shalt  }
0x58: {  	_ =	shalt  }
0x59: {  	_ =	shalt  }
0x5a: {  	_ =	shalt  }
0x5b: {  	_ =	shalt  }
0x5c: {  	_ =	shalt  }
0x5d: {  	_ =	shalt  }
0x5e: {  	_ =	shalt  }
0x5f: {  	_ =	shalt  }
0x60: {  	_ =	shalt  }
0x61: {  	_ =	shalt  }
0x62: {  	_ =	shalt  }
0x63: {  	_ =	shalt  }
0x64: {  	_ =	shalt  }
0x65: {  	_ =	shalt  }
0x66: {  	_ =	shalt  }
0x67: {  	_ =	shalt  }
0x68: {  	_ =	shalt  }
0x69: {  	_ =	shalt  }
0x6a: {  	_ =	shalt  }
0x6b: {  	_ =	shalt  }
0x6c: {  	_ =	shalt  }
0x6d: {  	_ =	shalt  }
0x6e: {  	_ =	shalt  }
0x6f: {  	_ =	shalt  }
0x70: {  	_ =	shalt  }
0x71: {  	_ =	shalt  }
0x72: {  	_ =	shalt  }
0x73: {  	_ =	shalt  }
0x74: {  	_ =	shalt  }
0x75: {  	_ =	shalt  }
0x76: {  	_ =	shalt  }
0x77: {  	_ =	shalt  }
0x78: {  	_ =	shalt  }
0x79: {  	_ =	shalt  }
0x7a: {  	_ =	shalt  }
0x7b: {  	_ =	shalt  }
0x7c: {  	_ =	shalt  }
0x7d: {  	_ =	shalt  }
0x7e: {  	_ =	shalt  }
0x7f: {  	_ =	shalt  }
0x80: {  	_ =	shalt  }
0x81: {  	_ =	shalt  }
0x82: {  	_ =	shalt  }
0x83: {  	_ =	shalt  }
0x84: {  	_ =	shalt  }
0x85: {  	_ =	shalt  }
0x86: {  	_ =	shalt  }
0x87: {  	_ =	shalt  }
.Lfunc_end0:
.L_simem_size_0:
called_computation.1_lowered:
.L_overlay_start_0:
0x88: {  	s2 =	sld [smem:$0x3FD9]  }
0x89: {  	s3 =	sld [smem:$0x3FFE];
	_ =	sdelay $0x1  }
0x8a: {  	s1 =	srdreg.scid  }
0x8b: {  	s0 =	sand.u32 $0x1, s1  }
0x8c: {  	s16 =	sshll.u32 s0, $0xA;
	s2 =	sadd.s32 s3, s2  }
0x8d: {  	s2 =	sadd.s32 s2, s16  }
0x8e: {  	[smem:$0x3FB5] =	sst s2  }
0x8f: {  	_ = 	snop  }
0x90: {  	(tm) =	ssettm $0x1  }
0x91: {  	s17 =	sld [smem:$0x3FFB];
	_ =	sdelay $0x3  }
0x92: {  	_ =	strace s17  }
0x93: {  	s2 =	sld [smem:$0x3FFC];
	_ =	sdelay $0x3  }
0x94: {  	_ =	strace s2  }
0x95: {  	s2 =	sld [smem:$0x3FFD];
	_ =	sdelay $0x3  }
0x96: {  	_ =	strace s2  }
0x97: {  	_ =	strace $0x8FFFFFFF  }
0x98: {  	s18 =	sld [smem:$0x3FDB];
	_ =	sdelay $0x1  }
0x99: {  	s19 =	simm.s32 $_scs_section_size  }
0x9a: {  	s4 =	simm.s32 $_size__tile_overlayer_lowered;
	s5 =	simm.s32 $_tile_overlayer_lowered  }
0x9b: {  	s22 =	simm.s32 $0x1BFF;
	s21 =	sshll.u32 s5, $0x1;
	s2 =	sadd.s32 s19, s18  }
0x9c: {  	s6 =	simm.s32 $0x0;
	s20 =	sshll.u32 s4, $0x1;
	s4 =	sadd.s32 s21, s2  }
0x9d: {  	[timem:s6], [sflag:s22] =	dma.local [hbm:s4], s20  }
0x9e: {  	_ =	swait.ge [sflag:s22], s20  }
0x9f: {  	s3 =	ssub.s32 $0x0, s20;
	[sflag:s22] =	ssyncset.done $0x0  }
0xa0: {  	[sflag:s22] =	ssyncadd.s32 s3;
	_ =	sdelay $0x1  }
0xa1: {  	s23 =	simm.s32 $0x1B8B  }
0xa2: {  	_ =	swait.ge [sflag:s23], $0x1  }
0xa3: {  	[sflag:s23] =	ssyncset.done $0x0  }
0xa4: {  	s25 =	simm.s32 $0x1B8E;
	s24 =	sld [smem:$0x3FFE];
	[sflag:s23] =	ssyncadd.s32 $0xFFFFFFFF  }
0xa5: {  	s26 =	simm.s32 $execute0_lowered;
	[smem:$0x3FD2] =	sst s25  }
0xa6: {  	s4 =	sshll.u32 s26, $0x1;
	_ =	strace $0x80000049;
	[dreg:$0x1] =	wrdreg $0xFFFFFFFF  }
0xa7: {  	s28 =	simm.s32 $_size_execute0_lowered;
	s2 =	sadd.s32 s2, s4;
	[dreg:$0x0] =	wrdreg $0x0  }
0xa8: {  	s4 =	sshll.u32 s28, $0x1;
	[dreg:$0x2] =	wrdreg s2  }
0xa9: {  	[dreg:$0x3] =	wrdreg s4  }
0xaa: {  	[dreg:$0x4] =	wrdreg $0xC0  }
0xab: {  	_ =	task [dreg:s6], $0x5FFFF  }
0xac: {  	[dreg:$0x1] =	wrdreg $0xFFFFFFFF  }
0xad: {  	[dreg:$0x0] =	wrdreg $0x60  }
0xae: {  	[dreg:$0x2] =	wrdreg s24  }
0xaf: {  	[dreg:$0x3] =	wrdreg $0x60000  }
0xb0: {  	[dreg:$0x4] =	wrdreg $0x9  }
0xb1: {  	_ =	task.clear_ibuf [dreg:s6], $0x5FFFF;
	_ =	strace $0x90000049  }
0xb2: {  	s29 =	simm.s32 $0x9;
	_ =	strace $0x8000004B  }
0xb3: {  	_ =	swait.ge [sflag:s29], $0x1  }
0xb4: {  	[sflag:s29] =	ssyncadd.s32 $0xFFFFFFFF  }
0xb5: {  	_ =	strace $0x9000004B  }
0xb6: {  	_ =	sfence  }
0xb7: {  	s30 =	sld [smem:$0x0];
	_ =	sdelay $0x2  }
0xb8: {  	s31 =	sshll.u32 s1, $0xD;
	s1 =	sshrl.u32 s1, $0x2  }
0xb9: {  	s3 =	sand.u32 $0x4000, s31;
	s1 =	sadd.s32 s1, s30  }
0xba: {  	s0 =	sor.u32 s3, s0;
	s1 =	sshll.u32 s1, $0x11  }
0xbb: {  	s0 =	sor.u32 s1, s0  }
0xbc: {  	s0 =	sadd.s32 $0x8F2B, s0  }
0xbd: {  	[sflag:s0] =	ssyncadd.remote.s32 $0x1  }
0xbe: {  	_ =	sfence.sel $0xFFFF  }
0xbf: {  	[dreg:$0x0] =	wrdreg $0xFFFFFFFF;
	(pc) =	sbr.abs _section_cstart, $3  }
0xc0: {  	[dreg:$0x1] =	wrdreg $0xFFFFFFFF  }
0xc1: {  	_ =	task.clear_ibuf [dreg:s6], $0x2FFFF;
	_ =	strace $0x9FFFFFFF  }
0xc2: {  	(tm) =	ssettm $0x7FFFFFFF  }
0xc3: {  	_ =	shalt  }
tec
execute0_lowered:
.L_overlay_start_1:
0x0: {  	(tag) =	ssettag $0x1  }
0x1: {  	s0 =	rddreg [dreg:$0x0]  }
0x2: {  	s1 =	rddreg [dreg:$0x1]  }
0x3: {  	s3 =	simm.s32 $0x0;
	s13 =	stileid.u32;
	s2 =	srdreg.scid  }
0x4: {  	s17 =	simm.s32 $0x3;
	s18 =	simm.s32 $0x800;
	s19 =	simm.s32 $0x50  }
0x5: {  	s20 =	simm.s32 $0x1000;
	s21 =	simm.s32 $0x3800;
	[smem:$0x7FF] =	sst s3  }
0x6: {  	s4 =	sadd.s32 $0x78000, s0;
	s5 =	sadd.s32 $0xA0000, s0;
	s7 =	sshll.u32 s13, $0xC  }
0x7: {  	s2 =	sand.u32 $0x1, s2;
	s11 =	smul.u32 $0x50000, s13;
	s22 =	sadd.s32 $0xC8000, s0  }
0x8: {  	s30 =	sshll.u32 s13, $0x6;
	_ =	strace $0x8000004A;
	s9 =	sadd.s32 s7, s0  }
0x9: {  	s10 =	ssub.s32 $0x2, s2;
	[dreg:$0x3] =	wrdreg s22;
	s7 =	smul.u32 $0x2800, s13  }
0xa: {  	s0 =	sadd.s32 $0xF0000, s0;
	p0 =	seq.s32 s2, $0x1;
	[dreg:$0x6] =	wrdreg s30  }
0xb: {  	s15 =	sor.u32 $0x1C03, s30;
	s22 =	simm.s32 $0x1;
	s12 =	sshrl.u32 s10, $0x1  }
.Ltmp0:
0xc: {  	[dreg:$0x4] =	wrdreg s0;
	s25 =	sshrl.u32 s11, $0x2;
	(pc) =	sbr.rel .LBB2_1-.Ltmp0, $4  }
0xd: {  	s11 =	sadd.s32 $0x17400, s9;
	s23 =	ssub.s32 s10, s12;
	s28 =	sadd.s32 s4, s7  }
0xe: {  	s26 =	sadd.s32 s25, s1;
	s31 =	sadd.s32 s5, s7;
	[dreg:$0x5] =	wrdreg s28  }
0xf: {  	s10 =	sadd.s32 $0x7400, s9;
	s25 =	simm.s32 $0x2;
	[dreg:$0x7] =	wrdreg s31  }
0x10: {  	s14 =	smax.u32 s23, $0x1;
	s16 =	sshrl.u32 s26, $0x3;
	s26 =	simm.s32 $0x0  }
.LBB2_16:
0x11: {  	s26 =	sadd.s32 $0x1, s26  }
0x12: {  	p1 =	sne.s32 s26, s14  }
.Ltmp1:
0x13: {  	s0 =	sadd.s32 s0, s7;
	[bflag:$0x0] =	sbarrier.arrive $0xFFFF;
	(pc) =	sbr.rel @!p1 .LBB2_17-.Ltmp1, $4  }
0x14: {  	[hbm:s0], [sflag:s30] =	dma.local [spmem:s16], $0x2800  }
0x15: {  	_ =	swait.ge [sflag:s17], $0x2800  }
0x16: {  	[sflag:s17] =	ssyncset.done $0x0  }
0x17: {  	[sflag:s17] =	ssyncadd.s32 $0xFFFFD800  }
.LBB2_1:
.Ltmp2:
0x18: {  	(pc) =	sbr.rel @!p0 .LBB2_2-.Ltmp2, $1  }
0x19: {  	_ =	sdelay $0x3  }
0x1a: {  	s0 =	rddreg [dreg:$0x7]  }
0x1b: {  	[spmem:s16], [sflag:s15] =	dma.local [hbm:s0], $0x2800  }
0x1c: {  	_ =	swait.ge [sflag:s17], $0x2800  }
0x1d: {  	[sflag:s17] =	ssyncset.done $0x0  }
0x1e: {  	[sflag:s17] =	ssyncadd.s32 $0xFFFFD800  }
0x1f: {  	s30 =	simm.s32 $0x0;
	s0 =	simm.s32 $0xFA;
	[bflag:$0x0] =	sbarrier.arrive $0xFFFF  }
.LBB2_10:
0x20: {  	s2 =	sshll.u32 s30, $0x8  }
0x21: {  	s9 =	sadd.s32 s2, s11  }
0x22: {  	[tilespmem:s3], [sflag:$0x3] =	stream.linear.gather [hbm4b:s9+s3], $0x800, $0x38;
	[tilespmem:$0x1A000] =	vst v63  }
0x23: {  	_ =	swait.ge [sflag:s17], $0x800  }
0x24: {  	[sflag:s17] =	ssyncset.done $0x0  }
0x25: {  	s23 =	smin.u32 s0, $0x10;
	s2 =	sadd.s32 s2, s10;
	[sflag:s17] =	ssyncadd.s32 $0xFFFFF800  }
0x26: {  	[tilespmem:s18], [sflag:$0x3] =	stream.linear.gather [hbm4b:s2+s3], $0x800, $0x38;
	[tilespmem:$0x1A000] =	vst v63  }
0x27: {  	s2 =	sshrl.u32 s23, $0x1  }
0x28: {  	s2 =	sadd.s32 $0xFFFFFFFF, s2  }
0x29: {  	s13 =	sadd.s32 $0xFFFFFFFF, s2  }
0x2a: {  	p2 =	sne.s32 s13, $0x0  }
.Ltmp3:
0x2b: {  	s31 =	sshll.u32 s30, $0x4;
	(pc) =	sbr.rel @!p2 .LBB2_14-.Ltmp3, $4  }
0x2c: {  	s28 =	simm.s32 $0x100;
	p1 =	por $0x0, $0x0;
	_ =	swait.ge [sflag:s17], $0x800  }
0x2d: {  	s9 =	ssub.s32 $0xFA, s31;
	s23 =	simm.s32 $0x880;
	[sflag:s17] =	ssyncset.done $0x0  }
0x2e: {  	s2 =	smin.u32 s9, $0x10;
	s9 =	simm.s32 $0x2;
	[sflag:s17] =	ssyncadd.s32 $0xFFFFF800  }
0x2f: {  	[tilespmem:s20], [sflag:$0x1] =	stream.indirect.gather [hbm4b:s5+s19], $0x80, s3, s19, $0xb8;
	[tilespmem:$0x1A000] =	vst v63  }
0x30: {  	s9 =	simm.s32 $0x80  }
0x31: {  	[tilespmem:s21], [sflag:$0x2] =	stream.indirect.gather [hbm4b:s5+s19], $0x80, s9, s19, $0xb8;
	[tilespmem:$0x1A000] =	vst v63  }
0x32: {  	_ =	swait.ge [sflag:s22], $0x2800  }
0x33: {  	[sflag:s22] =	ssyncset.done $0x0  }
0x34: {  	s31 =	simm.s32 $0x800;
	[sflag:s22] =	ssyncadd.s32 $0xFFFFD800  }
0x35: {  	[spmem:s1] =	stream.indirect.scatter.add.f32 [tilespmem:s20], [sflag:$0x3], $0x80, s31, s19, $0xb8;
	[tilespmem:$0x1A000] =	vst v63  }
0x36: {  	_ =	swait.ge [sflag:s17], $0x2800  }
0x37: {  	p1 =	sle.u32 s2, $0x2;
	s13 =	sadd.s32 $0xFFFFFFFF, s13;
	[sflag:s17] =	ssyncset.done $0x0  }
0x38: {  	s9 =	simm.s32 @!p1 $0x50;
	s12 =	simm.s32 @!p1 $0x1000;
	[sflag:s17] =	ssyncadd.s32 $0xFFFFD800  }
0x39: {  	[tilespmem:s12], [sflag:$0x1] =	stream.indirect.gather @!p1 [hbm4b:s5+s9], $0x80, s28, s9, $0xb8;
	[tilespmem:$0x1A000] =	vst v63  }
0x3a: {  	p2 =	sne.s32 s13, $0x0;
	_ =	swait.ge [sflag:s25], $0x2800  }
.Ltmp4:
0x3b: {  	[sflag:s25] =	ssyncset.done $0x0;
	(pc) =	sbr.rel @!p2 .LBB2_14-.Ltmp4, $4  }
0x3c: {  	[sflag:s25] =	ssyncadd.s32 $0xFFFFD800  }
0x3d: {  	[spmem:s1] =	stream.indirect.scatter.add.f32 [tilespmem:s21], [sflag:$0x3], $0x80, s23, s19, $0xb8;
	[tilespmem:$0x1A000] =	vst v63  }
0x3e: {  	s28 =	simm.s32 $0x200;
	s9 =	simm.s32 $0x4;
	_ =	swait.ge [sflag:s17], $0x2800  }
0x3f: {  	p1 =	por $0x1, $0x1;
	s23 =	simm.s32 $0x980;
	[sflag:s17] =	ssyncset.done $0x0  }
.LBB2_12:
0x40: {  	s13 =	sadd.s32 $0xFFFFFFFF, s13;
	s12 =	sadd.s32 $0xFFFFFF80, s28;
	[sflag:s17] =	ssyncadd.s32 $0xFFFFD800  }
0x41: {  	[tilespmem:s21], [sflag:$0x2] =	stream.indirect.gather [hbm4b:s5+s19], $0x80, s12, s19, $0xb8;
	[tilespmem:$0x1A000] =	vst v63  }
0x42: {  	p2 =	sne.s32 s13, $0x0;
	_ =	swait.ge [sflag:s22], $0x2800  }
0x43: {  	[sflag:s22] =	ssyncset.done $0x0  }
0x44: {  	s12 =	sadd.s32 $0xFFFFFF80, s23;
	[sflag:s22] =	ssyncadd.s32 $0xFFFFD800  }
0x45: {  	[spmem:s1] =	stream.indirect.scatter.add.f32 [tilespmem:s20], [sflag:$0x3], $0x80, s12, s19, $0xb8;
	[tilespmem:$0x1A000] =	vst v63  }
0x46: {  	_ =	swait.ge [sflag:s17], $0x2800  }
0x47: {  	p3 =	sge.u32 s9, s2;
	[sflag:s17] =	ssyncset.done $0x0  }
0x48: {  	s24 =	simm.s32 @!p3 $0x1000;
	s12 =	simm.s32 @!p3 $0x50;
	[sflag:s17] =	ssyncadd.s32 $0xFFFFD800  }
0x49: {  	[tilespmem:s24], [sflag:$0x1] =	stream.indirect.gather @!p3 [hbm4b:s5+s12], $0x80, s28, s12, $0xb8;
	[tilespmem:$0x1A000] =	vst v63  }
0x4a: {  	_ =	swait.ge [sflag:s25], $0x2800  }
.Ltmp5:
0x4b: {  	[sflag:s25] =	ssyncset.done $0x0;
	(pc) =	sbr.rel @p2 .LBB2_12-.Ltmp5, $4  }
0x4c: {  	s29 =	sadd.s32 $0x100, s28;
	[sflag:s25] =	ssyncadd.s32 $0xFFFFD800  }
0x4d: {  	[spmem:s1] =	stream.indirect.scatter.add.f32 [tilespmem:s21], [sflag:$0x3], $0x80, s23, s19, $0xb8;
	[tilespmem:$0x1A000] =	vst v63  }
0x4e: {  	s9 =	sadd.s32 $0x2, s9;
	s24 =	sadd.s32 $0x100, s23;
	_ =	swait.ge [sflag:s17], $0x2800  }
0x4f: {  	s28 =	smov.u32 s29;
	s23 =	smov.u32 s24;
	[sflag:s17] =	ssyncset.done $0x0  }
0x50: {  	s28 =	smov.u32 s29;
	s23 =	smov.u32 s24  }
.LBB2_14:
0x51: {  	s12 =	sadd.s32 $0xFFFFFF80, s28;
	[sflag:s17] =	ssyncadd.s32 @p1 $0xFFFFD800  }
0x52: {  	[tilespmem:s21], [sflag:$0x2] =	stream.indirect.gather [hbm4b:s5+s19], $0x80, s12, s19, $0xb8;
	[tilespmem:$0x1A000] =	vst v63  }
0x53: {  	_ =	swait.ge [sflag:s22], $0x2800  }
0x54: {  	[sflag:s22] =	ssyncset.done $0x0  }
0x55: {  	s31 =	sadd.s32 $0xFFFFFF80, s23;
	[sflag:s22] =	ssyncadd.s32 $0xFFFFD800  }
0x56: {  	[spmem:s1] =	stream.indirect.scatter.add.f32 [tilespmem:s20], [sflag:$0x3], $0x80, s31, s19, $0xb8;
	[tilespmem:$0x1A000] =	vst v63  }
0x57: {  	_ =	swait.ge [sflag:s17], $0x2800  }
0x58: {  	p1 =	sge.u32 s9, s2;
	[sflag:s17] =	ssyncset.done $0x0  }
0x59: {  	s12 =	simm.s32 @!p1 $0x50;
	s13 =	simm.s32 @!p1 $0x1000;
	[sflag:s17] =	ssyncadd.s32 $0xFFFFD800  }
0x5a: {  	[tilespmem:s13], [sflag:$0x1] =	stream.indirect.gather @!p1 [hbm4b:s5+s12], $0x80, s28, s12, $0xb8;
	[tilespmem:$0x1A000] =	vst v63  }
0x5b: {  	_ =	swait.ge [sflag:s25], $0x2800  }
0x5c: {  	[sflag:s25] =	ssyncset.done $0x0  }
0x5d: {  	[sflag:s25] =	ssyncadd.s32 $0xFFFFD800  }
0x5e: {  	[spmem:s1] =	stream.indirect.scatter.add.f32 [tilespmem:s21], [sflag:$0x3], $0x80, s23, s19, $0xb8;
	[tilespmem:$0x1A000] =	vst v63  }
0x5f: {  	_ =	swait.ge [sflag:s17], $0x2800  }
0x60: {  	[sflag:s17] =	ssyncset.done $0x0  }
0x61: {  	s13 =	sadd.s32 $0x80, s29;
	[sflag:s17] =	ssyncadd.s32 $0xFFFFD800  }
0x62: {  	[tilespmem:s21], [sflag:$0x2] =	stream.indirect.gather [hbm4b:s5+s19], $0x80, s13, s19, $0xb8;
	[tilespmem:$0x1A000] =	vst v63  }
0x63: {  	_ =	swait.ge [sflag:s22], $0x2800  }
0x64: {  	[sflag:s22] =	ssyncset.done $0x0  }
0x65: {  	s31 =	sadd.s32 $0x80, s24;
	[sflag:s22] =	ssyncadd.s32 $0xFFFFD800  }
0x66: {  	[spmem:s1] =	stream.indirect.scatter.add.f32 [tilespmem:s20], [sflag:$0x3], $0x80, s31, s19, $0xb8;
	[tilespmem:$0x1A000] =	vst v63  }
0x67: {  	s13 =	sadd.s32 $0x2, s9;
	_ =	swait.ge [sflag:s17], $0x2800  }
0x68: {  	s12 =	sadd.s32 $0x100, s28;
	p1 =	sge.u32 s13, s2;
	[sflag:s17] =	ssyncset.done $0x0  }
0x69: {  	s2 =	simm.s32 @!p1 $0x50;
	s9 =	simm.s32 @!p1 $0x1000;
	[sflag:s17] =	ssyncadd.s32 $0xFFFFD800  }
0x6a: {  	[tilespmem:s9], [sflag:$0x1] =	stream.indirect.gather @!p1 [hbm4b:s5+s2], $0x80, s12, s2, $0xb8;
	[tilespmem:$0x1A000] =	vst v63  }
0x6b: {  	s30 =	sadd.s32 $0x1, s30;
	_ =	swait.ge [sflag:s25], $0x2800  }
0x6c: {  	p1 =	sne.s32 s30, $0x10;
	[sflag:s25] =	ssyncset.done $0x0  }
.Ltmp6:
0x6d: {  	s31 =	sadd.s32 $0x100, s23;
	[sflag:s25] =	ssyncadd.s32 $0xFFFFD800;
	(pc) =	sbr.rel @p1 .LBB2_10-.Ltmp6, $4  }
0x6e: {  	[spmem:s1] =	stream.indirect.scatter.add.f32 [tilespmem:s21], [sflag:$0x3], $0x80, s31, s19, $0xb8;
	[tilespmem:$0x1A000] =	vst v63  }
0x6f: {  	_ =	swait.ge [sflag:s17], $0x2800  }
0x70: {  	[sflag:s17] =	ssyncset.done $0x0  }
0x71: {  	s0 =	sadd.s32 $0xFFFFFFF0, s0;
	[sflag:s17] =	ssyncadd.s32 $0xFFFFD800  }
.Ltmp7:
0x72: {  	(pc) =	sbr.rel .LBB2_16-.Ltmp7, $2  }
0x73: {  	_ =	sdelay $0x2  }
0x74: {  	s0 =	rddreg [dreg:$0x4];
	s30 =	smov.u32 s15  }
.LBB2_2:
0x75: {  	s0 =	rddreg [dreg:$0x6]  }
0x76: {  	s28 =	rddreg [dreg:$0x5];
	s30 =	sor.u32 $0x1C03, s0  }
0x77: {  	[spmem:s16], [sflag:s30] =	dma.local [hbm:s28], $0x2800  }
0x78: {  	_ =	swait.ge [sflag:s17], $0x2800  }
0x79: {  	[sflag:s17] =	ssyncset.done $0x0  }
0x7a: {  	[sflag:s17] =	ssyncadd.s32 $0xFFFFD800  }
0x7b: {  	s31 =	simm.s32 $0x0;
	s0 =	simm.s32 $0xFA;
	[bflag:$0x0] =	sbarrier.arrive $0xFFFF  }
.LBB2_3:
0x7c: {  	s2 =	sshll.u32 s31, $0x8  }
0x7d: {  	s9 =	sadd.s32 s2, s10  }
0x7e: {  	[tilespmem:s3], [sflag:$0x3] =	stream.linear.gather [hbm4b:s9+s3], $0x800, $0x38;
	[tilespmem:$0x1A000] =	vst v63  }
0x7f: {  	_ =	swait.ge [sflag:s17], $0x800  }
0x80: {  	[sflag:s17] =	ssyncset.done $0x0  }
0x81: {  	s13 =	smin.u32 s0, $0x10;
	s2 =	sadd.s32 s2, s11;
	[sflag:s17] =	ssyncadd.s32 $0xFFFFF800  }
0x82: {  	[tilespmem:s18], [sflag:$0x3] =	stream.linear.gather [hbm4b:s2+s3], $0x800, $0x38;
	[tilespmem:$0x1A000] =	vst v63  }
0x83: {  	s2 =	sshrl.u32 s13, $0x1  }
0x84: {  	s2 =	sadd.s32 $0xFFFFFFFF, s2  }
0x85: {  	s13 =	sadd.s32 $0xFFFFFFFF, s2  }
0x86: {  	p2 =	sne.s32 s13, $0x0  }
.Ltmp8:
0x87: {  	s23 =	sshll.u32 s31, $0x4;
	(pc) =	sbr.rel @!p2 .LBB2_7-.Ltmp8, $4  }
0x88: {  	s28 =	simm.s32 $0x100;
	p1 =	por $0x0, $0x0;
	_ =	swait.ge [sflag:s17], $0x800  }
0x89: {  	s9 =	ssub.s32 $0xFA, s23;
	s23 =	simm.s32 $0x880;
	[sflag:s17] =	ssyncset.done $0x0  }
0x8a: {  	s2 =	smin.u32 s9, $0x10;
	s9 =	simm.s32 $0x2;
	[sflag:s17] =	ssyncadd.s32 $0xFFFFF800  }
0x8b: {  	[tilespmem:s20], [sflag:$0x1] =	stream.indirect.gather [hbm4b:s4+s19], $0x80, s3, s19, $0xb8;
	[tilespmem:$0x1A000] =	vst v63  }
0x8c: {  	s9 =	simm.s32 $0x80  }
0x8d: {  	[tilespmem:s21], [sflag:$0x2] =	stream.indirect.gather [hbm4b:s4+s19], $0x80, s9, s19, $0xb8;
	[tilespmem:$0x1A000] =	vst v63  }
0x8e: {  	_ =	swait.ge [sflag:s22], $0x2800  }
0x8f: {  	[sflag:s22] =	ssyncset.done $0x0  }
0x90: {  	s12 =	simm.s32 $0x800;
	[sflag:s22] =	ssyncadd.s32 $0xFFFFD800  }
0x91: {  	[spmem:s1] =	stream.indirect.scatter.add.f32 [tilespmem:s20], [sflag:$0x3], $0x80, s12, s19, $0xb8;
	[tilespmem:$0x1A000] =	vst v63  }
0x92: {  	_ =	swait.ge [sflag:s17], $0x2800  }
0x93: {  	p1 =	sle.u32 s2, $0x2;
	s13 =	sadd.s32 $0xFFFFFFFF, s13;
	[sflag:s17] =	ssyncset.done $0x0  }
0x94: {  	s9 =	simm.s32 @!p1 $0x50;
	s12 =	simm.s32 @!p1 $0x1000;
	[sflag:s17] =	ssyncadd.s32 $0xFFFFD800  }
0x95: {  	[tilespmem:s12], [sflag:$0x1] =	stream.indirect.gather @!p1 [hbm4b:s4+s9], $0x80, s28, s9, $0xb8;
	[tilespmem:$0x1A000] =	vst v63  }
0x96: {  	p2 =	sne.s32 s13, $0x0;
	_ =	swait.ge [sflag:s25], $0x2800  }
.Ltmp9:
0x97: {  	[sflag:s25] =	ssyncset.done $0x0;
	(pc) =	sbr.rel @!p2 .LBB2_7-.Ltmp9, $4  }
0x98: {  	[sflag:s25] =	ssyncadd.s32 $0xFFFFD800  }
0x99: {  	[spmem:s1] =	stream.indirect.scatter.add.f32 [tilespmem:s21], [sflag:$0x3], $0x80, s23, s19, $0xb8;
	[tilespmem:$0x1A000] =	vst v63  }
0x9a: {  	s28 =	simm.s32 $0x200;
	s9 =	simm.s32 $0x4;
	_ =	swait.ge [sflag:s17], $0x2800  }
0x9b: {  	p1 =	por $0x1, $0x1;
	s23 =	simm.s32 $0x980;
	[sflag:s17] =	ssyncset.done $0x0  }
.LBB2_5:
0x9c: {  	s13 =	sadd.s32 $0xFFFFFFFF, s13;
	s6 =	sadd.s32 $0xFFFFFF80, s28;
	[sflag:s17] =	ssyncadd.s32 $0xFFFFD800  }
0x9d: {  	[tilespmem:s21], [sflag:$0x2] =	stream.indirect.gather [hbm4b:s4+s19], $0x80, s6, s19, $0xb8;
	[tilespmem:$0x1A000] =	vst v63  }
0x9e: {  	p2 =	sne.s32 s13, $0x0;
	_ =	swait.ge [sflag:s22], $0x2800  }
0x9f: {  	[sflag:s22] =	ssyncset.done $0x0  }
0xa0: {  	s6 =	sadd.s32 $0xFFFFFF80, s23;
	[sflag:s22] =	ssyncadd.s32 $0xFFFFD800  }
0xa1: {  	[spmem:s1] =	stream.indirect.scatter.add.f32 [tilespmem:s20], [sflag:$0x3], $0x80, s6, s19, $0xb8;
	[tilespmem:$0x1A000] =	vst v63  }
0xa2: {  	_ =	swait.ge [sflag:s17], $0x2800  }
0xa3: {  	p3 =	sge.u32 s9, s2;
	[sflag:s17] =	ssyncset.done $0x0  }
0xa4: {  	s8 =	simm.s32 @!p3 $0x1000;
	s6 =	simm.s32 @!p3 $0x50;
	[sflag:s17] =	ssyncadd.s32 $0xFFFFD800  }
0xa5: {  	[tilespmem:s8], [sflag:$0x1] =	stream.indirect.gather @!p3 [hbm4b:s4+s6], $0x80, s28, s6, $0xb8;
	[tilespmem:$0x1A000] =	vst v63  }
0xa6: {  	_ =	swait.ge [sflag:s25], $0x2800  }
.Ltmp10:
0xa7: {  	[sflag:s25] =	ssyncset.done $0x0;
	(pc) =	sbr.rel @p2 .LBB2_5-.Ltmp10, $4  }
0xa8: {  	s9 =	sadd.s32 $0x2, s9;
	[sflag:s25] =	ssyncadd.s32 $0xFFFFD800  }
0xa9: {  	[spmem:s1] =	stream.indirect.scatter.add.f32 [tilespmem:s21], [sflag:$0x3], $0x80, s23, s19, $0xb8;
	[tilespmem:$0x1A000] =	vst v63  }
0xaa: {  	s6 =	sadd.s32 $0x100, s23;
	s8 =	sadd.s32 $0x100, s28;
	_ =	swait.ge [sflag:s17], $0x2800  }
0xab: {  	s28 =	smov.u32 s8;
	s23 =	smov.u32 s6;
	[sflag:s17] =	ssyncset.done $0x0  }
0xac: {  	s28 =	smov.u32 s8;
	s23 =	smov.u32 s6  }
.LBB2_7:
0xad: {  	s12 =	sadd.s32 $0xFFFFFF80, s28;
	[sflag:s17] =	ssyncadd.s32 @p1 $0xFFFFD800  }
0xae: {  	[tilespmem:s21], [sflag:$0x2] =	stream.indirect.gather [hbm4b:s4+s19], $0x80, s12, s19, $0xb8;
	[tilespmem:$0x1A000] =	vst v63  }
0xaf: {  	_ =	swait.ge [sflag:s22], $0x2800  }
0xb0: {  	[sflag:s22] =	ssyncset.done $0x0  }
0xb1: {  	s13 =	sadd.s32 $0xFFFFFF80, s23;
	[sflag:s22] =	ssyncadd.s32 $0xFFFFD800  }
0xb2: {  	[spmem:s1] =	stream.indirect.scatter.add.f32 [tilespmem:s20], [sflag:$0x3], $0x80, s13, s19, $0xb8;
	[tilespmem:$0x1A000] =	vst v63  }
0xb3: {  	_ =	swait.ge [sflag:s17], $0x2800  }
0xb4: {  	p1 =	sge.u32 s9, s2;
	[sflag:s17] =	ssyncset.done $0x0  }
0xb5: {  	s12 =	simm.s32 @!p1 $0x50;
	s13 =	simm.s32 @!p1 $0x1000;
	[sflag:s17] =	ssyncadd.s32 $0xFFFFD800  }
0xb6: {  	[tilespmem:s13], [sflag:$0x1] =	stream.indirect.gather @!p1 [hbm4b:s4+s12], $0x80, s28, s12, $0xb8;
	[tilespmem:$0x1A000] =	vst v63  }
0xb7: {  	_ =	swait.ge [sflag:s25], $0x2800  }
0xb8: {  	[sflag:s25] =	ssyncset.done $0x0  }
0xb9: {  	[sflag:s25] =	ssyncadd.s32 $0xFFFFD800  }
0xba: {  	[spmem:s1] =	stream.indirect.scatter.add.f32 [tilespmem:s21], [sflag:$0x3], $0x80, s23, s19, $0xb8;
	[tilespmem:$0x1A000] =	vst v63  }
0xbb: {  	_ =	swait.ge [sflag:s17], $0x2800  }
0xbc: {  	[sflag:s17] =	ssyncset.done $0x0  }
0xbd: {  	s13 =	sadd.s32 $0x80, s8;
	[sflag:s17] =	ssyncadd.s32 $0xFFFFD800  }
0xbe: {  	[tilespmem:s21], [sflag:$0x2] =	stream.indirect.gather [hbm4b:s4+s19], $0x80, s13, s19, $0xb8;
	[tilespmem:$0x1A000] =	vst v63  }
0xbf: {  	_ =	swait.ge [sflag:s22], $0x2800  }
0xc0: {  	[sflag:s22] =	ssyncset.done $0x0  }
0xc1: {  	s13 =	sadd.s32 $0x80, s6;
	[sflag:s22] =	ssyncadd.s32 $0xFFFFD800  }
0xc2: {  	[spmem:s1] =	stream.indirect.scatter.add.f32 [tilespmem:s20], [sflag:$0x3], $0x80, s13, s19, $0xb8;
	[tilespmem:$0x1A000] =	vst v63  }
0xc3: {  	s13 =	sadd.s32 $0x2, s9;
	_ =	swait.ge [sflag:s17], $0x2800  }
0xc4: {  	s12 =	sadd.s32 $0x100, s28;
	p1 =	sge.u32 s13, s2;
	[sflag:s17] =	ssyncset.done $0x0  }
0xc5: {  	s2 =	simm.s32 @!p1 $0x50;
	s9 =	simm.s32 @!p1 $0x1000;
	[sflag:s17] =	ssyncadd.s32 $0xFFFFD800  }
0xc6: {  	[tilespmem:s9], [sflag:$0x1] =	stream.indirect.gather @!p1 [hbm4b:s4+s2], $0x80, s12, s2, $0xb8;
	[tilespmem:$0x1A000] =	vst v63  }
0xc7: {  	s31 =	sadd.s32 $0x1, s31;
	_ =	swait.ge [sflag:s25], $0x2800  }
0xc8: {  	p1 =	seq.s32 s31, $0x10;
	[sflag:s25] =	ssyncset.done $0x0  }
.Ltmp11:
0xc9: {  	s28 =	sadd.s32 $0x100, s23;
	[sflag:s25] =	ssyncadd.s32 $0xFFFFD800;
	(pc) =	sbr.rel @!p1 .LBB2_3-.Ltmp11, $4  }
0xca: {  	[spmem:s1] =	stream.indirect.scatter.add.f32 [tilespmem:s21], [sflag:$0x3], $0x80, s28, s19, $0xb8;
	[tilespmem:$0x1A000] =	vst v63  }
0xcb: {  	_ =	swait.ge [sflag:s17], $0x2800  }
0xcc: {  	[sflag:s17] =	ssyncset.done $0x0  }
0xcd: {  	s0 =	sadd.s32 $0xFFFFFFF0, s0;
	[sflag:s17] =	ssyncadd.s32 $0xFFFFD800  }
.Ltmp12:
0xce: {  	(pc) =	sbr.rel .LBB2_16-.Ltmp12, $2  }
0xcf: {  	_ =	sdelay $0x2  }
0xd0: {  	s0 =	rddreg [dreg:$0x3]  }
.LBB2_17:
0xd1: {  	_ =	sfence.sel $0x180000  }
0xd2: {  	[bflag:$0x0] =	sbarrier.arrive $0xFFFF  }
0xd3: {  	_ =	strace $0x9000004A  }
0xd4: {  	s0 =	stileid.u32;
	[bflag:$0x2] =	sbarrier.arrive $0xFFFF  }
0xd5: {  	p0 =	sne.s32 s0, $0x0;
	s0 =	rddreg [dreg:$0x2]  }
0xd6: {  	s0 =	sadd.s32 @!p0 $0x100000, s0  }
0xd7: {  	[sflag:s0] =	ssyncadd.tile.s32 @!p0 $0x1;
	_ =	shalt  }
.Lfunc_end2:
_tile_overlayer_lowered:
.L_overlay_start_2:
0xd8: {  	(tag) =	ssettag $0x2  }
0xd9: {  	s0 =	rddreg [dreg:$0x0];
	s2 =	stileid.u32  }
0xda: {  	s1 =	rddreg [dreg:$0x1];
	p0 =	sne.s32 s2, $0x0  }
0xdb: {  	s3 =	rddreg [dreg:$0x2];
	[bflag:$0x3] =	sbarrier.arrive $0xFFFF;
	s2 =	simm.s32 @!p0 $0x1C03  }
0xdc: {  	[timem:s3], [sflag:s2] =	dma.local @!p0 [hbm:s0], s1  }
0xdd: {  	s0 =	simm.s32 @!p0 $0x3  }
0xde: {  	_ =	swait.ge @!p0 [sflag:s0], s1  }
0xdf: {  	s1 =	ssub.s32 @!p0 $0x0, s1;
	[sflag:s0] =	ssyncset.done @!p0 $0x0  }
0xe0: {  	[sflag:s0] =	ssyncadd.s32 @!p0 s1  }
0xe1: {  	[bflag:$0x3] =	sbarrier.arrive $0xFFFF  }
0xe2: {  	_ =	shalt  }

// kernel: kernel.16.cloned.1.call-start
scs
__scs_entry_jumppad:
0x0: {  	(pc) =	sbr.rel $0x88, $3  }
0x1: {  	(tag) =	ssettag $0x0;
	lr =	simm.s32 $0x1  }
0x2: {  	[smem:$0x3F8E] =	sst lr;
	_ =	strace $0xD0000000  }
0x3: {  	_ = 	snop  }
0x4: {  	_ = 	snop  }
0x5: {  	_ = 	snop  }
0x6: {  	_ = 	snop  }
0x7: {  	_ = 	snop  }
__scs_overlays_trampoline_lowered:
0x8: {  	[smem:$0x3F9D] =	sst s0  }
0x9: {  	[smem:$0x3F9E] =	sst s1  }
0xa: {  	[smem:$0x3F9F] =	sst s2  }
0xb: {  	[smem:$0x3FA0] =	sst s3  }
0xc: {  	[smem:$0x3FA1] =	sst s4  }
0xd: {  	[smem:$0x3FA2] =	sst s5  }
0xe: {  	[smem:$0x3FA3] =	sst s6  }
0xf: {  	[smem:$0x3FA4] =	sst s7  }
0x10: {  	[smem:$0x3FA5] =	sst s8  }
0x11: {  	[smem:$0x3FA6] =	sst s9;
	s0 =	simm.s32 @!p0 $0x0  }
0x12: {  	s1 =	sld [smem:$0x3F8C];
	s0 =	simm.s32 @p0 $0x1  }
0x13: {  	[smem:$0x3FA7] =	sst s0;
	s0 =	simm.s32 @!p1 $0x0  }
0x14: {  	s2 =	sld [smem:$0x3F8B];
	s0 =	simm.s32 @p1 $0x1  }
0x15: {  	[smem:$0x3FA8] =	sst s0;
	s0 =	simm.s32 @!p2 $0x0  }
0x16: {  	s3 =	sld [smem:$0x3FDB];
	s0 =	simm.s32 @p2 $0x1  }
0x17: {  	s4 =	simm.s32 $0x1BF5;
	[smem:$0x3FAA] =	sst s0  }
0x18: {  	s0 =	sld [smem:$0x3F8D];
	_ =	swait.ge [sflag:s4], $0x0  }
0x19: {  	s7 =	sld [smem:$0x3F8E]  }
0x1a: {  	s8 =	sadd.s32 $0xFFFFE003, lr  }
0x1b: {  	s9 =	sadd.s32 $0xFFFFFEF7, lr;
	s5 =	simm.s32 $0xFFFFFFFF;
	p2 =	slt.u32 s8, $0xFFFFF086  }
0x1c: {  	p1 =	slt.u32 s9, $0xF7A;
	s5 =	simm.s32 @!p2 $0x0  }
0x1d: {  	s5 =	simm.s32 @p1 $0x1;
	p0 =	seq.s32 s7, s2  }
0x1e: {  	s7 =	smul.u32 @!p0 $0xF7A, s2;
	p2 =	seq.s32 @!p0 s5, $0x0  }
0x1f: {  	s9 =	smul.u32 $0xF7A, s1;
	s8 =	simm.s32 @!p0 $0x1BF5;
	p2 =	por !p2, p0  }
0x20: {  	[sflag:s8] =	ssyncset.s32 @!p0 $0xFFFFF086;
	s6 =	sadd.s32 @!p0 s3, s7;
	s7 =	simm.s32 @!p0 $0x108  }
0x21: {  	s3 =	sadd.s32 s3, s9;
	s6 =	sadd.s32 @!p0 $0x88, s6;
	s7 =	simm.s32 @p2 $0x1082  }
0x22: {  	[simem:s7], [sflag:s8] =	dma.local @!p0 [hbm:s6], $0xF7A  }
0x23: {  	s9 =	sor.u32 $0xD0000000, s2;
	s6 =	simm.s32 $0x108;
	_ =	swait.ge @!p0 [sflag:s8], $0x0  }
0x24: {  	s3 =	sadd.s32 $0x88, s3;
	s6 =	simm.s32 @!p1 $0x1082;
	[sflag:s4] =	ssyncset.s32 $0xFFFFF086  }
0x25: {  	[simem:s6], [sflag:s4] =	dma.local [hbm:s3], $0xF7A  }
0x26: {  	[smem:$0x3F8E] =	sst s1;
	(tag) =	ssettag s2;
	_ =	strace s9  }
0x27: {  	s1 =	sld [smem:$0x3F9E]  }
0x28: {  	s2 =	sld [smem:$0x3F9F]  }
0x29: {  	s4 =	sld [smem:$0x3FA1]  }
0x2a: {  	p0 =	seq.s32 s5, $0x0;
	s5 =	sld [smem:$0x3FA2]  }
0x2b: {  	s6 =	sld [smem:$0x3FA3]  }
0x2c: {  	s7 =	sld [smem:$0x3FA4]  }
0x2d: {  	s3 =	simm.s32 $0x108;
	s8 =	sld [smem:$0x3FA5]  }
0x2e: {  	s3 =	simm.s32 @!p0 $0x1082;
	s9 =	sld [smem:$0x3FA6]  }
0x2f: {  	lr =	sadd.s32 s0, s3;
	s0 =	sld [smem:$0x3F9D]  }
0x30: {  	s3 =	sld [smem:$0x3FA0]  }
0x31: {  	[smem:$0x3FA9] =	sst s10  }
0x32: {  	s10 =	sld [smem:$0x3FA7];
	_ =	sdelay $0x3  }
0x33: {  	p0 =	seq.s32 s10, $0x1;
	s10 =	sld [smem:$0x3FA9];
	_ =	sdelay $0x3  }
0x34: {  	[smem:$0x3FA9] =	sst s10  }
0x35: {  	s10 =	sld [smem:$0x3FA8];
	_ =	sdelay $0x3  }
0x36: {  	p1 =	seq.s32 s10, $0x1;
	s10 =	sld [smem:$0x3FA9];
	_ =	sdelay $0x3  }
0x37: {  	[smem:$0x3FA9] =	sst s10  }
0x38: {  	s10 =	sld [smem:$0x3FAA]  }
0x39: {  	_ = 	snop;
	(pc) =	sbr.ind lr, $3  }
0x3a: {  	_ = 	snop  }
0x3b: {  	_ = 	snop  }
0x3c: {  	p2 =	seq.s32 s10, $0x1;
	s10 =	sld [smem:$0x3FA9]  }
0x3d: {  	_ =	shalt  }
0x3e: {  	_ =	shalt  }
0x3f: {  	_ =	shalt  }
0x40: {  	_ =	shalt  }
0x41: {  	_ =	shalt  }
0x42: {  	_ =	shalt  }
0x43: {  	_ =	shalt  }
0x44: {  	_ =	shalt  }
0x45: {  	_ =	shalt  }
0x46: {  	_ =	shalt  }
0x47: {  	_ =	shalt  }
0x48: {  	_ =	shalt  }
0x49: {  	_ =	shalt  }
0x4a: {  	_ =	shalt  }
0x4b: {  	_ =	shalt  }
0x4c: {  	_ =	shalt  }
0x4d: {  	_ =	shalt  }
0x4e: {  	_ =	shalt  }
0x4f: {  	_ =	shalt  }
0x50: {  	_ =	shalt  }
0x51: {  	_ =	shalt  }
0x52: {  	_ =	shalt  }
0x53: {  	_ =	shalt  }
0x54: {  	_ =	shalt  }
0x55: {  	_ =	shalt  }
0x56: {  	_ =	shalt  }
0x57: {  	_ =	shalt  }
0x58: {  	_ =	shalt  }
0x59: {  	_ =	shalt  }
0x5a: {  	_ =	shalt  }
0x5b: {  	_ =	shalt  }
0x5c: {  	_ =	shalt  }
0x5d: {  	_ =	shalt  }
0x5e: {  	_ =	shalt  }
0x5f: {  	_ =	shalt  }
0x60: {  	_ =	shalt  }
0x61: {  	_ =	shalt  }
0x62: {  	_ =	shalt  }
0x63: {  	_ =	shalt  }
0x64: {  	_ =	shalt  }
0x65: {  	_ =	shalt  }
0x66: {  	_ =	shalt  }
0x67: {  	_ =	shalt  }
0x68: {  	_ =	shalt  }
0x69: {  	_ =	shalt  }
0x6a: {  	_ =	shalt  }
0x6b: {  	_ =	shalt  }
0x6c: {  	_ =	shalt  }
0x6d: {  	_ =	shalt  }
0x6e: {  	_ =	shalt  }
0x6f: {  	_ =	shalt  }
0x70: {  	_ =	shalt  }
0x71: {  	_ =	shalt  }
0x72: {  	_ =	shalt  }
0x73: {  	_ =	shalt  }
0x74: {  	_ =	shalt  }
0x75: {  	_ =	shalt  }
0x76: {  	_ =	shalt  }
0x77: {  	_ =	shalt  }
0x78: {  	_ =	shalt  }
0x79: {  	_ =	shalt  }
0x7a: {  	_ =	shalt  }
0x7b: {  	_ =	shalt  }
0x7c: {  	_ =	shalt  }
0x7d: {  	_ =	shalt  }
0x7e: {  	_ =	shalt  }
0x7f: {  	_ =	shalt  }
0x80: {  	_ =	shalt  }
0x81: {  	_ =	shalt  }
0x82: {  	_ =	shalt  }
0x83: {  	_ =	shalt  }
0x84: {  	_ =	shalt  }
0x85: {  	_ =	shalt  }
0x86: {  	_ =	shalt  }
0x87: {  	_ =	shalt  }
.Lfunc_end0:
.L_simem_size_0:
called_computation.2_lowered:
.L_overlay_start_0:
0x88: {  	s2 =	sld [smem:$0x3FD9]  }
0x89: {  	s3 =	sld [smem:$0x3FFE];
	_ =	sdelay $0x1  }
0x8a: {  	s1 =	srdreg.scid  }
0x8b: {  	s0 =	sand.u32 $0x1, s1  }
0x8c: {  	s16 =	sshll.u32 s0, $0xA;
	s2 =	sadd.s32 s3, s2  }
0x8d: {  	s2 =	sadd.s32 s2, s16  }
0x8e: {  	[smem:$0x3FB5] =	sst s2  }
0x8f: {  	_ = 	snop  }
0x90: {  	(tm) =	ssettm $0x1  }
0x91: {  	s17 =	sld [smem:$0x3FFB];
	_ =	sdelay $0x3  }
0x92: {  	_ =	strace s17  }
0x93: {  	s2 =	sld [smem:$0x3FFC];
	_ =	sdelay $0x3  }
0x94: {  	_ =	strace s2  }
0x95: {  	s2 =	sld [smem:$0x3FFD];
	_ =	sdelay $0x3  }
0x96: {  	_ =	strace s2  }
0x97: {  	_ =	strace $0x8FFFFFFF  }
0x98: {  	s18 =	sld [smem:$0x3FDB];
	_ =	sdelay $0x1  }
0x99: {  	s19 =	simm.s32 $_scs_section_size  }
0x9a: {  	s4 =	simm.s32 $_size__tile_overlayer_lowered;
	s5 =	simm.s32 $_tile_overlayer_lowered  }
0x9b: {  	s22 =	simm.s32 $0x1BFF;
	s21 =	sshll.u32 s5, $0x1;
	s2 =	sadd.s32 s19, s18  }
0x9c: {  	s6 =	simm.s32 $0x0;
	s20 =	sshll.u32 s4, $0x1;
	s4 =	sadd.s32 s21, s2  }
0x9d: {  	[timem:s6], [sflag:s22] =	dma.local [hbm:s4], s20  }
0x9e: {  	_ =	swait.ge [sflag:s22], s20  }
0x9f: {  	s3 =	ssub.s32 $0x0, s20;
	[sflag:s22] =	ssyncset.done $0x0  }
0xa0: {  	[sflag:s22] =	ssyncadd.s32 s3;
	_ =	sdelay $0x1  }
0xa1: {  	s23 =	simm.s32 $0x1B8B  }
0xa2: {  	_ =	swait.ge [sflag:s23], $0x1  }
0xa3: {  	[sflag:s23] =	ssyncset.done $0x0  }
0xa4: {  	s25 =	simm.s32 $0x1B8E;
	s24 =	sld [smem:$0x3FFE];
	[sflag:s23] =	ssyncadd.s32 $0xFFFFFFFF  }
0xa5: {  	s26 =	simm.s32 $execute0_lowered;
	[smem:$0x3FD2] =	sst s25  }
0xa6: {  	s4 =	sshll.u32 s26, $0x1;
	_ =	strace $0x8000004C;
	[dreg:$0x1] =	wrdreg $0xFFFFFFFF  }
0xa7: {  	s28 =	simm.s32 $_size_execute0_lowered;
	s2 =	sadd.s32 s2, s4;
	[dreg:$0x0] =	wrdreg $0x0  }
0xa8: {  	s4 =	sshll.u32 s28, $0x1;
	[dreg:$0x2] =	wrdreg s2  }
0xa9: {  	[dreg:$0x3] =	wrdreg s4  }
0xaa: {  	[dreg:$0x4] =	wrdreg $0xC0  }
0xab: {  	_ =	task [dreg:s6], $0x5FFFF  }
0xac: {  	[dreg:$0x1] =	wrdreg $0xFFFFFFFF  }
0xad: {  	[dreg:$0x0] =	wrdreg $0x60  }
0xae: {  	[dreg:$0x2] =	wrdreg s24  }
0xaf: {  	[dreg:$0x3] =	wrdreg $0x60000  }
0xb0: {  	[dreg:$0x4] =	wrdreg $0x9  }
0xb1: {  	_ =	task.clear_ibuf [dreg:s6], $0x5FFFF;
	_ =	strace $0x9000004C  }
0xb2: {  	s29 =	simm.s32 $0x9;
	_ =	strace $0x8000004E  }
0xb3: {  	_ =	swait.ge [sflag:s29], $0x1  }
0xb4: {  	[sflag:s29] =	ssyncadd.s32 $0xFFFFFFFF  }
0xb5: {  	_ =	strace $0x9000004E  }
0xb6: {  	_ =	sfence  }
0xb7: {  	s30 =	sld [smem:$0x0];
	_ =	sdelay $0x2  }
0xb8: {  	s31 =	sshll.u32 s1, $0xD;
	s1 =	sshrl.u32 s1, $0x2  }
0xb9: {  	s3 =	sand.u32 $0x4000, s31;
	s1 =	sadd.s32 s1, s30  }
0xba: {  	s0 =	sor.u32 s3, s0;
	s1 =	sshll.u32 s1, $0x11  }
0xbb: {  	s0 =	sor.u32 s1, s0  }
0xbc: {  	s0 =	sadd.s32 $0x8F2B, s0  }
0xbd: {  	[sflag:s0] =	ssyncadd.remote.s32 $0x1  }
0xbe: {  	_ =	sfence.sel $0xFFFF  }
0xbf: {  	[dreg:$0x0] =	wrdreg $0xFFFFFFFF;
	(pc) =	sbr.abs _section_cstart, $3  }
0xc0: {  	[dreg:$0x1] =	wrdreg $0xFFFFFFFF  }
0xc1: {  	_ =	task.clear_ibuf [dreg:s6], $0x2FFFF;
	_ =	strace $0x9FFFFFFF  }
0xc2: {  	(tm) =	ssettm $0x7FFFFFFF  }
0xc3: {  	_ =	shalt  }
tec
execute0_lowered:
.L_overlay_start_1:
0x0: {  	(tag) =	ssettag $0x1  }
0x1: {  	s0 =	rddreg [dreg:$0x0]  }
0x2: {  	s1 =	rddreg [dreg:$0x1]  }
0x3: {  	s3 =	simm.s32 $0x0;
	s13 =	stileid.u32;
	s2 =	srdreg.scid  }
0x4: {  	s17 =	simm.s32 $0x3;
	s18 =	simm.s32 $0x800;
	s19 =	simm.s32 $0x50  }
0x5: {  	s20 =	simm.s32 $0x1000;
	s21 =	simm.s32 $0x3800;
	[smem:$0x7FF] =	sst s3  }
0x6: {  	s4 =	sadd.s32 $0x78000, s0;
	s5 =	sadd.s32 $0xA0000, s0;
	s7 =	sshll.u32 s13, $0xC  }
0x7: {  	s2 =	sand.u32 $0x1, s2;
	s11 =	smul.u32 $0x50000, s13;
	s22 =	sadd.s32 $0xC8000, s0  }
0x8: {  	s30 =	sshll.u32 s13, $0x6;
	_ =	strace $0x8000004D;
	s9 =	sadd.s32 s7, s0  }
0x9: {  	s10 =	ssub.s32 $0x2, s2;
	[dreg:$0x3] =	wrdreg s22;
	s7 =	smul.u32 $0x2800, s13  }
0xa: {  	s0 =	sadd.s32 $0xF0000, s0;
	p0 =	seq.s32 s2, $0x1;
	[dreg:$0x6] =	wrdreg s30  }
0xb: {  	s15 =	sor.u32 $0x1C03, s30;
	s22 =	simm.s32 $0x1;
	s12 =	sshrl.u32 s10, $0x1  }
.Ltmp0:
0xc: {  	[dreg:$0x4] =	wrdreg s0;
	s25 =	sshrl.u32 s11, $0x2;
	(pc) =	sbr.rel .LBB2_1-.Ltmp0, $4  }
0xd: {  	s11 =	sadd.s32 $0x17400, s9;
	s23 =	ssub.s32 s10, s12;
	s28 =	sadd.s32 s4, s7  }
0xe: {  	s26 =	sadd.s32 s25, s1;
	s31 =	sadd.s32 s5, s7;
	[dreg:$0x5] =	wrdreg s28  }
0xf: {  	s10 =	sadd.s32 $0x7400, s9;
	s25 =	simm.s32 $0x2;
	[dreg:$0x7] =	wrdreg s31  }
0x10: {  	s14 =	smax.u32 s23, $0x1;
	s16 =	sshrl.u32 s26, $0x3;
	s26 =	simm.s32 $0x0  }
.LBB2_16:
0x11: {  	s26 =	sadd.s32 $0x1, s26  }
0x12: {  	p1 =	sne.s32 s26, s14  }
.Ltmp1:
0x13: {  	s0 =	sadd.s32 s0, s7;
	[bflag:$0x0] =	sbarrier.arrive $0xFFFF;
	(pc) =	sbr.rel @!p1 .LBB2_17-.Ltmp1, $4  }
0x14: {  	[hbm:s0], [sflag:s30] =	dma.local [spmem:s16], $0x2800  }
0x15: {  	_ =	swait.ge [sflag:s17], $0x2800  }
0x16: {  	[sflag:s17] =	ssyncset.done $0x0  }
0x17: {  	[sflag:s17] =	ssyncadd.s32 $0xFFFFD800  }
.LBB2_1:
.Ltmp2:
0x18: {  	(pc) =	sbr.rel @!p0 .LBB2_2-.Ltmp2, $1  }
0x19: {  	_ =	sdelay $0x3  }
0x1a: {  	s0 =	rddreg [dreg:$0x7]  }
0x1b: {  	[spmem:s16], [sflag:s15] =	dma.local [hbm:s0], $0x2800  }
0x1c: {  	_ =	swait.ge [sflag:s17], $0x2800  }
0x1d: {  	[sflag:s17] =	ssyncset.done $0x0  }
0x1e: {  	[sflag:s17] =	ssyncadd.s32 $0xFFFFD800  }
0x1f: {  	s30 =	simm.s32 $0x0;
	s0 =	simm.s32 $0xFA;
	[bflag:$0x0] =	sbarrier.arrive $0xFFFF  }
.LBB2_10:
0x20: {  	s2 =	sshll.u32 s30, $0x8  }
0x21: {  	s9 =	sadd.s32 s2, s11  }
0x22: {  	[tilespmem:s3], [sflag:$0x3] =	stream.linear.gather [hbm4b:s9+s3], $0x800, $0x38;
	[tilespmem:$0x1A000] =	vst v63  }
0x23: {  	_ =	swait.ge [sflag:s17], $0x800  }
0x24: {  	[sflag:s17] =	ssyncset.done $0x0  }
0x25: {  	s23 =	smin.u32 s0, $0x10;
	s2 =	sadd.s32 s2, s10;
	[sflag:s17] =	ssyncadd.s32 $0xFFFFF800  }
0x26: {  	[tilespmem:s18], [sflag:$0x3] =	stream.linear.gather [hbm4b:s2+s3], $0x800, $0x38;
	[tilespmem:$0x1A000] =	vst v63  }
0x27: {  	s2 =	sshrl.u32 s23, $0x1  }
0x28: {  	s2 =	sadd.s32 $0xFFFFFFFF, s2  }
0x29: {  	s13 =	sadd.s32 $0xFFFFFFFF, s2  }
0x2a: {  	p2 =	sne.s32 s13, $0x0  }
.Ltmp3:
0x2b: {  	s31 =	sshll.u32 s30, $0x4;
	(pc) =	sbr.rel @!p2 .LBB2_14-.Ltmp3, $4  }
0x2c: {  	s28 =	simm.s32 $0x100;
	p1 =	por $0x0, $0x0;
	_ =	swait.ge [sflag:s17], $0x800  }
0x2d: {  	s9 =	ssub.s32 $0xFA, s31;
	s23 =	simm.s32 $0x880;
	[sflag:s17] =	ssyncset.done $0x0  }
0x2e: {  	s2 =	smin.u32 s9, $0x10;
	s9 =	simm.s32 $0x2;
	[sflag:s17] =	ssyncadd.s32 $0xFFFFF800  }
0x2f: {  	[tilespmem:s20], [sflag:$0x1] =	stream.indirect.gather [hbm4b:s5+s19], $0x80, s3, s19, $0xb8;
	[tilespmem:$0x1A000] =	vst v63  }
0x30: {  	s9 =	simm.s32 $0x80  }
0x31: {  	[tilespmem:s21], [sflag:$0x2] =	stream.indirect.gather [hbm4b:s5+s19], $0x80, s9, s19, $0xb8;
	[tilespmem:$0x1A000] =	vst v63  }
0x32: {  	_ =	swait.ge [sflag:s22], $0x2800  }
0x33: {  	[sflag:s22] =	ssyncset.done $0x0  }
0x34: {  	s31 =	simm.s32 $0x800;
	[sflag:s22] =	ssyncadd.s32 $0xFFFFD800  }
0x35: {  	[spmem:s1] =	stream.indirect.scatter.add.f32 [tilespmem:s20], [sflag:$0x3], $0x80, s31, s19, $0xb8;
	[tilespmem:$0x1A000] =	vst v63  }
0x36: {  	_ =	swait.ge [sflag:s17], $0x2800  }
0x37: {  	p1 =	sle.u32 s2, $0x2;
	s13 =	sadd.s32 $0xFFFFFFFF, s13;
	[sflag:s17] =	ssyncset.done $0x0  }
0x38: {  	s9 =	simm.s32 @!p1 $0x50;
	s12 =	simm.s32 @!p1 $0x1000;
	[sflag:s17] =	ssyncadd.s32 $0xFFFFD800  }
0x39: {  	[tilespmem:s12], [sflag:$0x1] =	stream.indirect.gather @!p1 [hbm4b:s5+s9], $0x80, s28, s9, $0xb8;
	[tilespmem:$0x1A000] =	vst v63  }
0x3a: {  	p2 =	sne.s32 s13, $0x0;
	_ =	swait.ge [sflag:s25], $0x2800  }
.Ltmp4:
0x3b: {  	[sflag:s25] =	ssyncset.done $0x0;
	(pc) =	sbr.rel @!p2 .LBB2_14-.Ltmp4, $4  }
0x3c: {  	[sflag:s25] =	ssyncadd.s32 $0xFFFFD800  }
0x3d: {  	[spmem:s1] =	stream.indirect.scatter.add.f32 [tilespmem:s21], [sflag:$0x3], $0x80, s23, s19, $0xb8;
	[tilespmem:$0x1A000] =	vst v63  }
0x3e: {  	s28 =	simm.s32 $0x200;
	s9 =	simm.s32 $0x4;
	_ =	swait.ge [sflag:s17], $0x2800  }
0x3f: {  	p1 =	por $0x1, $0x1;
	s23 =	simm.s32 $0x980;
	[sflag:s17] =	ssyncset.done $0x0  }
.LBB2_12:
0x40: {  	s13 =	sadd.s32 $0xFFFFFFFF, s13;
	s12 =	sadd.s32 $0xFFFFFF80, s28;
	[sflag:s17] =	ssyncadd.s32 $0xFFFFD800  }
0x41: {  	[tilespmem:s21], [sflag:$0x2] =	stream.indirect.gather [hbm4b:s5+s19], $0x80, s12, s19, $0xb8;
	[tilespmem:$0x1A000] =	vst v63  }
0x42: {  	p2 =	sne.s32 s13, $0x0;
	_ =	swait.ge [sflag:s22], $0x2800  }
0x43: {  	[sflag:s22] =	ssyncset.done $0x0  }
0x44: {  	s12 =	sadd.s32 $0xFFFFFF80, s23;
	[sflag:s22] =	ssyncadd.s32 $0xFFFFD800  }
0x45: {  	[spmem:s1] =	stream.indirect.scatter.add.f32 [tilespmem:s20], [sflag:$0x3], $0x80, s12, s19, $0xb8;
	[tilespmem:$0x1A000] =	vst v63  }
0x46: {  	_ =	swait.ge [sflag:s17], $0x2800  }
0x47: {  	p3 =	sge.u32 s9, s2;
	[sflag:s17] =	ssyncset.done $0x0  }
0x48: {  	s24 =	simm.s32 @!p3 $0x1000;
	s12 =	simm.s32 @!p3 $0x50;
	[sflag:s17] =	ssyncadd.s32 $0xFFFFD800  }
0x49: {  	[tilespmem:s24], [sflag:$0x1] =	stream.indirect.gather @!p3 [hbm4b:s5+s12], $0x80, s28, s12, $0xb8;
	[tilespmem:$0x1A000] =	vst v63  }
0x4a: {  	_ =	swait.ge [sflag:s25], $0x2800  }
.Ltmp5:
0x4b: {  	[sflag:s25] =	ssyncset.done $0x0;
	(pc) =	sbr.rel @p2 .LBB2_12-.Ltmp5, $4  }
0x4c: {  	s29 =	sadd.s32 $0x100, s28;
	[sflag:s25] =	ssyncadd.s32 $0xFFFFD800  }
0x4d: {  	[spmem:s1] =	stream.indirect.scatter.add.f32 [tilespmem:s21], [sflag:$0x3], $0x80, s23, s19, $0xb8;
	[tilespmem:$0x1A000] =	vst v63  }
0x4e: {  	s9 =	sadd.s32 $0x2, s9;
	s24 =	sadd.s32 $0x100, s23;
	_ =	swait.ge [sflag:s17], $0x2800  }
0x4f: {  	s28 =	smov.u32 s29;
	s23 =	smov.u32 s24;
	[sflag:s17] =	ssyncset.done $0x0  }
0x50: {  	s28 =	smov.u32 s29;
	s23 =	smov.u32 s24  }
.LBB2_14:
0x51: {  	s12 =	sadd.s32 $0xFFFFFF80, s28;
	[sflag:s17] =	ssyncadd.s32 @p1 $0xFFFFD800  }
0x52: {  	[tilespmem:s21], [sflag:$0x2] =	stream.indirect.gather [hbm4b:s5+s19], $0x80, s12, s19, $0xb8;
	[tilespmem:$0x1A000] =	vst v63  }
0x53: {  	_ =	swait.ge [sflag:s22], $0x2800  }
0x54: {  	[sflag:s22] =	ssyncset.done $0x0  }
0x55: {  	s31 =	sadd.s32 $0xFFFFFF80, s23;
	[sflag:s22] =	ssyncadd.s32 $0xFFFFD800  }
0x56: {  	[spmem:s1] =	stream.indirect.scatter.add.f32 [tilespmem:s20], [sflag:$0x3], $0x80, s31, s19, $0xb8;
	[tilespmem:$0x1A000] =	vst v63  }
0x57: {  	_ =	swait.ge [sflag:s17], $0x2800  }
0x58: {  	p1 =	sge.u32 s9, s2;
	[sflag:s17] =	ssyncset.done $0x0  }
0x59: {  	s12 =	simm.s32 @!p1 $0x50;
	s13 =	simm.s32 @!p1 $0x1000;
	[sflag:s17] =	ssyncadd.s32 $0xFFFFD800  }
0x5a: {  	[tilespmem:s13], [sflag:$0x1] =	stream.indirect.gather @!p1 [hbm4b:s5+s12], $0x80, s28, s12, $0xb8;
	[tilespmem:$0x1A000] =	vst v63  }
0x5b: {  	_ =	swait.ge [sflag:s25], $0x2800  }
0x5c: {  	[sflag:s25] =	ssyncset.done $0x0  }
0x5d: {  	[sflag:s25] =	ssyncadd.s32 $0xFFFFD800  }
0x5e: {  	[spmem:s1] =	stream.indirect.scatter.add.f32 [tilespmem:s21], [sflag:$0x3], $0x80, s23, s19, $0xb8;
	[tilespmem:$0x1A000] =	vst v63  }
0x5f: {  	_ =	swait.ge [sflag:s17], $0x2800  }
0x60: {  	[sflag:s17] =	ssyncset.done $0x0  }
0x61: {  	s13 =	sadd.s32 $0x80, s29;
	[sflag:s17] =	ssyncadd.s32 $0xFFFFD800  }
0x62: {  	[tilespmem:s21], [sflag:$0x2] =	stream.indirect.gather [hbm4b:s5+s19], $0x80, s13, s19, $0xb8;
	[tilespmem:$0x1A000] =	vst v63  }
0x63: {  	_ =	swait.ge [sflag:s22], $0x2800  }
0x64: {  	[sflag:s22] =	ssyncset.done $0x0  }
0x65: {  	s31 =	sadd.s32 $0x80, s24;
	[sflag:s22] =	ssyncadd.s32 $0xFFFFD800  }
0x66: {  	[spmem:s1] =	stream.indirect.scatter.add.f32 [tilespmem:s20], [sflag:$0x3], $0x80, s31, s19, $0xb8;
	[tilespmem:$0x1A000] =	vst v63  }
0x67: {  	s13 =	sadd.s32 $0x2, s9;
	_ =	swait.ge [sflag:s17], $0x2800  }
0x68: {  	s12 =	sadd.s32 $0x100, s28;
	p1 =	sge.u32 s13, s2;
	[sflag:s17] =	ssyncset.done $0x0  }
0x69: {  	s2 =	simm.s32 @!p1 $0x50;
	s9 =	simm.s32 @!p1 $0x1000;
	[sflag:s17] =	ssyncadd.s32 $0xFFFFD800  }
0x6a: {  	[tilespmem:s9], [sflag:$0x1] =	stream.indirect.gather @!p1 [hbm4b:s5+s2], $0x80, s12, s2, $0xb8;
	[tilespmem:$0x1A000] =	vst v63  }
0x6b: {  	s30 =	sadd.s32 $0x1, s30;
	_ =	swait.ge [sflag:s25], $0x2800  }
0x6c: {  	p1 =	sne.s32 s30, $0x10;
	[sflag:s25] =	ssyncset.done $0x0  }
.Ltmp6:
0x6d: {  	s31 =	sadd.s32 $0x100, s23;
	[sflag:s25] =	ssyncadd.s32 $0xFFFFD800;
	(pc) =	sbr.rel @p1 .LBB2_10-.Ltmp6, $4  }
0x6e: {  	[spmem:s1] =	stream.indirect.scatter.add.f32 [tilespmem:s21], [sflag:$0x3], $0x80, s31, s19, $0xb8;
	[tilespmem:$0x1A000] =	vst v63  }
0x6f: {  	_ =	swait.ge [sflag:s17], $0x2800  }
0x70: {  	[sflag:s17] =	ssyncset.done $0x0  }
0x71: {  	s0 =	sadd.s32 $0xFFFFFFF0, s0;
	[sflag:s17] =	ssyncadd.s32 $0xFFFFD800  }
.Ltmp7:
0x72: {  	(pc) =	sbr.rel .LBB2_16-.Ltmp7, $2  }
0x73: {  	_ =	sdelay $0x2  }
0x74: {  	s0 =	rddreg [dreg:$0x4];
	s30 =	smov.u32 s15  }
.LBB2_2:
0x75: {  	s0 =	rddreg [dreg:$0x6]  }
0x76: {  	s28 =	rddreg [dreg:$0x5];
	s30 =	sor.u32 $0x1C03, s0  }
0x77: {  	[spmem:s16], [sflag:s30] =	dma.local [hbm:s28], $0x2800  }
0x78: {  	_ =	swait.ge [sflag:s17], $0x2800  }
0x79: {  	[sflag:s17] =	ssyncset.done $0x0  }
0x7a: {  	[sflag:s17] =	ssyncadd.s32 $0xFFFFD800  }
0x7b: {  	s31 =	simm.s32 $0x0;
	s0 =	simm.s32 $0xFA;
	[bflag:$0x0] =	sbarrier.arrive $0xFFFF  }
.LBB2_3:
0x7c: {  	s2 =	sshll.u32 s31, $0x8  }
0x7d: {  	s9 =	sadd.s32 s2, s10  }
0x7e: {  	[tilespmem:s3], [sflag:$0x3] =	stream.linear.gather [hbm4b:s9+s3], $0x800, $0x38;
	[tilespmem:$0x1A000] =	vst v63  }
0x7f: {  	_ =	swait.ge [sflag:s17], $0x800  }
0x80: {  	[sflag:s17] =	ssyncset.done $0x0  }
0x81: {  	s13 =	smin.u32 s0, $0x10;
	s2 =	sadd.s32 s2, s11;
	[sflag:s17] =	ssyncadd.s32 $0xFFFFF800  }
0x82: {  	[tilespmem:s18], [sflag:$0x3] =	stream.linear.gather [hbm4b:s2+s3], $0x800, $0x38;
	[tilespmem:$0x1A000] =	vst v63  }
0x83: {  	s2 =	sshrl.u32 s13, $0x1  }
0x84: {  	s2 =	sadd.s32 $0xFFFFFFFF, s2  }
0x85: {  	s13 =	sadd.s32 $0xFFFFFFFF, s2  }
0x86: {  	p2 =	sne.s32 s13, $0x0  }
.Ltmp8:
0x87: {  	s23 =	sshll.u32 s31, $0x4;
	(pc) =	sbr.rel @!p2 .LBB2_7-.Ltmp8, $4  }
0x88: {  	s28 =	simm.s32 $0x100;
	p1 =	por $0x0, $0x0;
	_ =	swait.ge [sflag:s17], $0x800  }
0x89: {  	s9 =	ssub.s32 $0xFA, s23;
	s23 =	simm.s32 $0x880;
	[sflag:s17] =	ssyncset.done $0x0  }
0x8a: {  	s2 =	smin.u32 s9, $0x10;
	s9 =	simm.s32 $0x2;
	[sflag:s17] =	ssyncadd.s32 $0xFFFFF800  }
0x8b: {  	[tilespmem:s20], [sflag:$0x1] =	stream.indirect.gather [hbm4b:s4+s19], $0x80, s3, s19, $0xb8;
	[tilespmem:$0x1A000] =	vst v63  }
0x8c: {  	s9 =	simm.s32 $0x80  }
0x8d: {  	[tilespmem:s21], [sflag:$0x2] =	stream.indirect.gather [hbm4b:s4+s19], $0x80, s9, s19, $0xb8;
	[tilespmem:$0x1A000] =	vst v63  }
0x8e: {  	_ =	swait.ge [sflag:s22], $0x2800  }
0x8f: {  	[sflag:s22] =	ssyncset.done $0x0  }
0x90: {  	s12 =	simm.s32 $0x800;
	[sflag:s22] =	ssyncadd.s32 $0xFFFFD800  }
0x91: {  	[spmem:s1] =	stream.indirect.scatter.add.f32 [tilespmem:s20], [sflag:$0x3], $0x80, s12, s19, $0xb8;
	[tilespmem:$0x1A000] =	vst v63  }
0x92: {  	_ =	swait.ge [sflag:s17], $0x2800  }
0x93: {  	p1 =	sle.u32 s2, $0x2;
	s13 =	sadd.s32 $0xFFFFFFFF, s13;
	[sflag:s17] =	ssyncset.done $0x0  }
0x94: {  	s9 =	simm.s32 @!p1 $0x50;
	s12 =	simm.s32 @!p1 $0x1000;
	[sflag:s17] =	ssyncadd.s32 $0xFFFFD800  }
0x95: {  	[tilespmem:s12], [sflag:$0x1] =	stream.indirect.gather @!p1 [hbm4b:s4+s9], $0x80, s28, s9, $0xb8;
	[tilespmem:$0x1A000] =	vst v63  }
0x96: {  	p2 =	sne.s32 s13, $0x0;
	_ =	swait.ge [sflag:s25], $0x2800  }
.Ltmp9:
0x97: {  	[sflag:s25] =	ssyncset.done $0x0;
	(pc) =	sbr.rel @!p2 .LBB2_7-.Ltmp9, $4  }
0x98: {  	[sflag:s25] =	ssyncadd.s32 $0xFFFFD800  }
0x99: {  	[spmem:s1] =	stream.indirect.scatter.add.f32 [tilespmem:s21], [sflag:$0x3], $0x80, s23, s19, $0xb8;
	[tilespmem:$0x1A000] =	vst v63  }
0x9a: {  	s28 =	simm.s32 $0x200;
	s9 =	simm.s32 $0x4;
	_ =	swait.ge [sflag:s17], $0x2800  }
0x9b: {  	p1 =	por $0x1, $0x1;
	s23 =	simm.s32 $0x980;
	[sflag:s17] =	ssyncset.done $0x0  }
.LBB2_5:
0x9c: {  	s13 =	sadd.s32 $0xFFFFFFFF, s13;
	s6 =	sadd.s32 $0xFFFFFF80, s28;
	[sflag:s17] =	ssyncadd.s32 $0xFFFFD800  }
0x9d: {  	[tilespmem:s21], [sflag:$0x2] =	stream.indirect.gather [hbm4b:s4+s19], $0x80, s6, s19, $0xb8;
	[tilespmem:$0x1A000] =	vst v63  }
0x9e: {  	p2 =	sne.s32 s13, $0x0;
	_ =	swait.ge [sflag:s22], $0x2800  }
0x9f: {  	[sflag:s22] =	ssyncset.done $0x0  }
0xa0: {  	s6 =	sadd.s32 $0xFFFFFF80, s23;
	[sflag:s22] =	ssyncadd.s32 $0xFFFFD800  }
0xa1: {  	[spmem:s1] =	stream.indirect.scatter.add.f32 [tilespmem:s20], [sflag:$0x3], $0x80, s6, s19, $0xb8;
	[tilespmem:$0x1A000] =	vst v63  }
0xa2: {  	_ =	swait.ge [sflag:s17], $0x2800  }
0xa3: {  	p3 =	sge.u32 s9, s2;
	[sflag:s17] =	ssyncset.done $0x0  }
0xa4: {  	s8 =	simm.s32 @!p3 $0x1000;
	s6 =	simm.s32 @!p3 $0x50;
	[sflag:s17] =	ssyncadd.s32 $0xFFFFD800  }
0xa5: {  	[tilespmem:s8], [sflag:$0x1] =	stream.indirect.gather @!p3 [hbm4b:s4+s6], $0x80, s28, s6, $0xb8;
	[tilespmem:$0x1A000] =	vst v63  }
0xa6: {  	_ =	swait.ge [sflag:s25], $0x2800  }
.Ltmp10:
0xa7: {  	[sflag:s25] =	ssyncset.done $0x0;
	(pc) =	sbr.rel @p2 .LBB2_5-.Ltmp10, $4  }
0xa8: {  	s9 =	sadd.s32 $0x2, s9;
	[sflag:s25] =	ssyncadd.s32 $0xFFFFD800  }
0xa9: {  	[spmem:s1] =	stream.indirect.scatter.add.f32 [tilespmem:s21], [sflag:$0x3], $0x80, s23, s19, $0xb8;
	[tilespmem:$0x1A000] =	vst v63  }
0xaa: {  	s6 =	sadd.s32 $0x100, s23;
	s8 =	sadd.s32 $0x100, s28;
	_ =	swait.ge [sflag:s17], $0x2800  }
0xab: {  	s28 =	smov.u32 s8;
	s23 =	smov.u32 s6;
	[sflag:s17] =	ssyncset.done $0x0  }
0xac: {  	s28 =	smov.u32 s8;
	s23 =	smov.u32 s6  }
.LBB2_7:
0xad: {  	s12 =	sadd.s32 $0xFFFFFF80, s28;
	[sflag:s17] =	ssyncadd.s32 @p1 $0xFFFFD800  }
0xae: {  	[tilespmem:s21], [sflag:$0x2] =	stream.indirect.gather [hbm4b:s4+s19], $0x80, s12, s19, $0xb8;
	[tilespmem:$0x1A000] =	vst v63  }
0xaf: {  	_ =	swait.ge [sflag:s22], $0x2800  }
0xb0: {  	[sflag:s22] =	ssyncset.done $0x0  }
0xb1: {  	s13 =	sadd.s32 $0xFFFFFF80, s23;
	[sflag:s22] =	ssyncadd.s32 $0xFFFFD800  }
0xb2: {  	[spmem:s1] =	stream.indirect.scatter.add.f32 [tilespmem:s20], [sflag:$0x3], $0x80, s13, s19, $0xb8;
	[tilespmem:$0x1A000] =	vst v63  }
0xb3: {  	_ =	swait.ge [sflag:s17], $0x2800  }
0xb4: {  	p1 =	sge.u32 s9, s2;
	[sflag:s17] =	ssyncset.done $0x0  }
0xb5: {  	s12 =	simm.s32 @!p1 $0x50;
	s13 =	simm.s32 @!p1 $0x1000;
	[sflag:s17] =	ssyncadd.s32 $0xFFFFD800  }
0xb6: {  	[tilespmem:s13], [sflag:$0x1] =	stream.indirect.gather @!p1 [hbm4b:s4+s12], $0x80, s28, s12, $0xb8;
	[tilespmem:$0x1A000] =	vst v63  }
0xb7: {  	_ =	swait.ge [sflag:s25], $0x2800  }
0xb8: {  	[sflag:s25] =	ssyncset.done $0x0  }
0xb9: {  	[sflag:s25] =	ssyncadd.s32 $0xFFFFD800  }
0xba: {  	[spmem:s1] =	stream.indirect.scatter.add.f32 [tilespmem:s21], [sflag:$0x3], $0x80, s23, s19, $0xb8;
	[tilespmem:$0x1A000] =	vst v63  }
0xbb: {  	_ =	swait.ge [sflag:s17], $0x2800  }
0xbc: {  	[sflag:s17] =	ssyncset.done $0x0  }
0xbd: {  	s13 =	sadd.s32 $0x80, s8;
	[sflag:s17] =	ssyncadd.s32 $0xFFFFD800  }
0xbe: {  	[tilespmem:s21], [sflag:$0x2] =	stream.indirect.gather [hbm4b:s4+s19], $0x80, s13, s19, $0xb8;
	[tilespmem:$0x1A000] =	vst v63  }
0xbf: {  	_ =	swait.ge [sflag:s22], $0x2800  }
0xc0: {  	[sflag:s22] =	ssyncset.done $0x0  }
0xc1: {  	s13 =	sadd.s32 $0x80, s6;
	[sflag:s22] =	ssyncadd.s32 $0xFFFFD800  }
0xc2: {  	[spmem:s1] =	stream.indirect.scatter.add.f32 [tilespmem:s20], [sflag:$0x3], $0x80, s13, s19, $0xb8;
	[tilespmem:$0x1A000] =	vst v63  }
0xc3: {  	s13 =	sadd.s32 $0x2, s9;
	_ =	swait.ge [sflag:s17], $0x2800  }
0xc4: {  	s12 =	sadd.s32 $0x100, s28;
	p1 =	sge.u32 s13, s2;
	[sflag:s17] =	ssyncset.done $0x0  }
0xc5: {  	s2 =	simm.s32 @!p1 $0x50;
	s9 =	simm.s32 @!p1 $0x1000;
	[sflag:s17] =	ssyncadd.s32 $0xFFFFD800  }
0xc6: {  	[tilespmem:s9], [sflag:$0x1] =	stream.indirect.gather @!p1 [hbm4b:s4+s2], $0x80, s12, s2, $0xb8;
	[tilespmem:$0x1A000] =	vst v63  }
0xc7: {  	s31 =	sadd.s32 $0x1, s31;
	_ =	swait.ge [sflag:s25], $0x2800  }
0xc8: {  	p1 =	seq.s32 s31, $0x10;
	[sflag:s25] =	ssyncset.done $0x0  }
.Ltmp11:
0xc9: {  	s28 =	sadd.s32 $0x100, s23;
	[sflag:s25] =	ssyncadd.s32 $0xFFFFD800;
	(pc) =	sbr.rel @!p1 .LBB2_3-.Ltmp11, $4  }
0xca: {  	[spmem:s1] =	stream.indirect.scatter.add.f32 [tilespmem:s21], [sflag:$0x3], $0x80, s28, s19, $0xb8;
	[tilespmem:$0x1A000] =	vst v63  }
0xcb: {  	_ =	swait.ge [sflag:s17], $0x2800  }
0xcc: {  	[sflag:s17] =	ssyncset.done $0x0  }
0xcd: {  	s0 =	sadd.s32 $0xFFFFFFF0, s0;
	[sflag:s17] =	ssyncadd.s32 $0xFFFFD800  }
.Ltmp12:
0xce: {  	(pc) =	sbr.rel .LBB2_16-.Ltmp12, $2  }
0xcf: {  	_ =	sdelay $0x2  }
0xd0: {  	s0 =	rddreg [dreg:$0x3]  }
.LBB2_17:
0xd1: {  	_ =	sfence.sel $0x180000  }
0xd2: {  	[bflag:$0x0] =	sbarrier.arrive $0xFFFF  }
0xd3: {  	_ =	strace $0x9000004D  }
0xd4: {  	s0 =	stileid.u32;
	[bflag:$0x2] =	sbarrier.arrive $0xFFFF  }
0xd5: {  	p0 =	sne.s32 s0, $0x0;
	s0 =	rddreg [dreg:$0x2]  }
0xd6: {  	s0 =	sadd.s32 @!p0 $0x100000, s0  }
0xd7: {  	[sflag:s0] =	ssyncadd.tile.s32 @!p0 $0x1;
	_ =	shalt  }
.Lfunc_end2:
_tile_overlayer_lowered:
.L_overlay_start_2:
0xd8: {  	(tag) =	ssettag $0x2  }
0xd9: {  	s0 =	rddreg [dreg:$0x0];
	s2 =	stileid.u32  }
0xda: {  	s1 =	rddreg [dreg:$0x1];
	p0 =	sne.s32 s2, $0x0  }
0xdb: {  	s3 =	rddreg [dreg:$0x2];
	[bflag:$0x3] =	sbarrier.arrive $0xFFFF;
	s2 =	simm.s32 @!p0 $0x1C03  }
0xdc: {  	[timem:s3], [sflag:s2] =	dma.local @!p0 [hbm:s0], s1  }
0xdd: {  	s0 =	simm.s32 @!p0 $0x3  }
0xde: {  	_ =	swait.ge @!p0 [sflag:s0], s1  }
0xdf: {  	s1 =	ssub.s32 @!p0 $0x0, s1;
	[sflag:s0] =	ssyncset.done @!p0 $0x0  }
0xe0: {  	[sflag:s0] =	ssyncadd.s32 @!p0 s1  }
0xe1: {  	[bflag:$0x3] =	sbarrier.arrive $0xFFFF  }
0xe2: {  	_ =	shalt  }

// kernel: kernel.19.cloned.1.call-start
scs
__scs_entry_jumppad:
0x0: {  	(pc) =	sbr.rel $0x88, $3  }
0x1: {  	(tag) =	ssettag $0x0;
	lr =	simm.s32 $0x1  }
0x2: {  	[smem:$0x3F8E] =	sst lr;
	_ =	strace $0xD0000000  }
0x3: {  	_ = 	snop  }
0x4: {  	_ = 	snop  }
0x5: {  	_ = 	snop  }
0x6: {  	_ = 	snop  }
0x7: {  	_ = 	snop  }
__scs_overlays_trampoline_lowered:
0x8: {  	[smem:$0x3F9D] =	sst s0  }
0x9: {  	[smem:$0x3F9E] =	sst s1  }
0xa: {  	[smem:$0x3F9F] =	sst s2  }
0xb: {  	[smem:$0x3FA0] =	sst s3  }
0xc: {  	[smem:$0x3FA1] =	sst s4  }
0xd: {  	[smem:$0x3FA2] =	sst s5  }
0xe: {  	[smem:$0x3FA3] =	sst s6  }
0xf: {  	[smem:$0x3FA4] =	sst s7  }
0x10: {  	[smem:$0x3FA5] =	sst s8  }
0x11: {  	[smem:$0x3FA6] =	sst s9;
	s0 =	simm.s32 @!p0 $0x0  }
0x12: {  	s1 =	sld [smem:$0x3F8C];
	s0 =	simm.s32 @p0 $0x1  }
0x13: {  	[smem:$0x3FA7] =	sst s0;
	s0 =	simm.s32 @!p1 $0x0  }
0x14: {  	s2 =	sld [smem:$0x3F8B];
	s0 =	simm.s32 @p1 $0x1  }
0x15: {  	[smem:$0x3FA8] =	sst s0;
	s0 =	simm.s32 @!p2 $0x0  }
0x16: {  	s3 =	sld [smem:$0x3FDB];
	s0 =	simm.s32 @p2 $0x1  }
0x17: {  	s4 =	simm.s32 $0x1BF5;
	[smem:$0x3FAA] =	sst s0  }
0x18: {  	s0 =	sld [smem:$0x3F8D];
	_ =	swait.ge [sflag:s4], $0x0  }
0x19: {  	s7 =	sld [smem:$0x3F8E]  }
0x1a: {  	s8 =	sadd.s32 $0xFFFFE003, lr  }
0x1b: {  	s9 =	sadd.s32 $0xFFFFFEF7, lr;
	s5 =	simm.s32 $0xFFFFFFFF;
	p2 =	slt.u32 s8, $0xFFFFF086  }
0x1c: {  	p1 =	slt.u32 s9, $0xF7A;
	s5 =	simm.s32 @!p2 $0x0  }
0x1d: {  	s5 =	simm.s32 @p1 $0x1;
	p0 =	seq.s32 s7, s2  }
0x1e: {  	s7 =	smul.u32 @!p0 $0xF7A, s2;
	p2 =	seq.s32 @!p0 s5, $0x0  }
0x1f: {  	s9 =	smul.u32 $0xF7A, s1;
	s8 =	simm.s32 @!p0 $0x1BF5;
	p2 =	por !p2, p0  }
0x20: {  	[sflag:s8] =	ssyncset.s32 @!p0 $0xFFFFF086;
	s6 =	sadd.s32 @!p0 s3, s7;
	s7 =	simm.s32 @!p0 $0x108  }
0x21: {  	s3 =	sadd.s32 s3, s9;
	s6 =	sadd.s32 @!p0 $0x88, s6;
	s7 =	simm.s32 @p2 $0x1082  }
0x22: {  	[simem:s7], [sflag:s8] =	dma.local @!p0 [hbm:s6], $0xF7A  }
0x23: {  	s9 =	sor.u32 $0xD0000000, s2;
	s6 =	simm.s32 $0x108;
	_ =	swait.ge @!p0 [sflag:s8], $0x0  }
0x24: {  	s3 =	sadd.s32 $0x88, s3;
	s6 =	simm.s32 @!p1 $0x1082;
	[sflag:s4] =	ssyncset.s32 $0xFFFFF086  }
0x25: {  	[simem:s6], [sflag:s4] =	dma.local [hbm:s3], $0xF7A  }
0x26: {  	[smem:$0x3F8E] =	sst s1;
	(tag) =	ssettag s2;
	_ =	strace s9  }
0x27: {  	s1 =	sld [smem:$0x3F9E]  }
0x28: {  	s2 =	sld [smem:$0x3F9F]  }
0x29: {  	s4 =	sld [smem:$0x3FA1]  }
0x2a: {  	p0 =	seq.s32 s5, $0x0;
	s5 =	sld [smem:$0x3FA2]  }
0x2b: {  	s6 =	sld [smem:$0x3FA3]  }
0x2c: {  	s7 =	sld [smem:$0x3FA4]  }
0x2d: {  	s3 =	simm.s32 $0x108;
	s8 =	sld [smem:$0x3FA5]  }
0x2e: {  	s3 =	simm.s32 @!p0 $0x1082;
	s9 =	sld [smem:$0x3FA6]  }
0x2f: {  	lr =	sadd.s32 s0, s3;
	s0 =	sld [smem:$0x3F9D]  }
0x30: {  	s3 =	sld [smem:$0x3FA0]  }
0x31: {  	[smem:$0x3FA9] =	sst s10  }
0x32: {  	s10 =	sld [smem:$0x3FA7];
	_ =	sdelay $0x3  }
0x33: {  	p0 =	seq.s32 s10, $0x1;
	s10 =	sld [smem:$0x3FA9];
	_ =	sdelay $0x3  }
0x34: {  	[smem:$0x3FA9] =	sst s10  }
0x35: {  	s10 =	sld [smem:$0x3FA8];
	_ =	sdelay $0x3  }
0x36: {  	p1 =	seq.s32 s10, $0x1;
	s10 =	sld [smem:$0x3FA9];
	_ =	sdelay $0x3  }
0x37: {  	[smem:$0x3FA9] =	sst s10  }
0x38: {  	s10 =	sld [smem:$0x3FAA]  }
0x39: {  	_ = 	snop;
	(pc) =	sbr.ind lr, $3  }
0x3a: {  	_ = 	snop  }
0x3b: {  	_ = 	snop  }
0x3c: {  	p2 =	seq.s32 s10, $0x1;
	s10 =	sld [smem:$0x3FA9]  }
0x3d: {  	_ =	shalt  }
0x3e: {  	_ =	shalt  }
0x3f: {  	_ =	shalt  }
0x40: {  	_ =	shalt  }
0x41: {  	_ =	shalt  }
0x42: {  	_ =	shalt  }
0x43: {  	_ =	shalt  }
0x44: {  	_ =	shalt  }
0x45: {  	_ =	shalt  }
0x46: {  	_ =	shalt  }
0x47: {  	_ =	shalt  }
0x48: {  	_ =	shalt  }
0x49: {  	_ =	shalt  }
0x4a: {  	_ =	shalt  }
0x4b: {  	_ =	shalt  }
0x4c: {  	_ =	shalt  }
0x4d: {  	_ =	shalt  }
0x4e: {  	_ =	shalt  }
0x4f: {  	_ =	shalt  }
0x50: {  	_ =	shalt  }
0x51: {  	_ =	shalt  }
0x52: {  	_ =	shalt  }
0x53: {  	_ =	shalt  }
0x54: {  	_ =	shalt  }
0x55: {  	_ =	shalt  }
0x56: {  	_ =	shalt  }
0x57: {  	_ =	shalt  }
0x58: {  	_ =	shalt  }
0x59: {  	_ =	shalt  }
0x5a: {  	_ =	shalt  }
0x5b: {  	_ =	shalt  }
0x5c: {  	_ =	shalt  }
0x5d: {  	_ =	shalt  }
0x5e: {  	_ =	shalt  }
0x5f: {  	_ =	shalt  }
0x60: {  	_ =	shalt  }
0x61: {  	_ =	shalt  }
0x62: {  	_ =	shalt  }
0x63: {  	_ =	shalt  }
0x64: {  	_ =	shalt  }
0x65: {  	_ =	shalt  }
0x66: {  	_ =	shalt  }
0x67: {  	_ =	shalt  }
0x68: {  	_ =	shalt  }
0x69: {  	_ =	shalt  }
0x6a: {  	_ =	shalt  }
0x6b: {  	_ =	shalt  }
0x6c: {  	_ =	shalt  }
0x6d: {  	_ =	shalt  }
0x6e: {  	_ =	shalt  }
0x6f: {  	_ =	shalt  }
0x70: {  	_ =	shalt  }
0x71: {  	_ =	shalt  }
0x72: {  	_ =	shalt  }
0x73: {  	_ =	shalt  }
0x74: {  	_ =	shalt  }
0x75: {  	_ =	shalt  }
0x76: {  	_ =	shalt  }
0x77: {  	_ =	shalt  }
0x78: {  	_ =	shalt  }
0x79: {  	_ =	shalt  }
0x7a: {  	_ =	shalt  }
0x7b: {  	_ =	shalt  }
0x7c: {  	_ =	shalt  }
0x7d: {  	_ =	shalt  }
0x7e: {  	_ =	shalt  }
0x7f: {  	_ =	shalt  }
0x80: {  	_ =	shalt  }
0x81: {  	_ =	shalt  }
0x82: {  	_ =	shalt  }
0x83: {  	_ =	shalt  }
0x84: {  	_ =	shalt  }
0x85: {  	_ =	shalt  }
0x86: {  	_ =	shalt  }
0x87: {  	_ =	shalt  }
.Lfunc_end0:
.L_simem_size_0:
called_computation.3_lowered:
.L_overlay_start_0:
0x88: {  	s2 =	sld [smem:$0x3FD9]  }
0x89: {  	s3 =	sld [smem:$0x3FFE];
	_ =	sdelay $0x1  }
0x8a: {  	s1 =	srdreg.scid  }
0x8b: {  	s0 =	sand.u32 $0x1, s1  }
0x8c: {  	s16 =	sshll.u32 s0, $0xA;
	s2 =	sadd.s32 s3, s2  }
0x8d: {  	s2 =	sadd.s32 s2, s16  }
0x8e: {  	[smem:$0x3FB5] =	sst s2  }
0x8f: {  	_ = 	snop  }
0x90: {  	(tm) =	ssettm $0x1  }
0x91: {  	s17 =	sld [smem:$0x3FFB];
	_ =	sdelay $0x3  }
0x92: {  	_ =	strace s17  }
0x93: {  	s2 =	sld [smem:$0x3FFC];
	_ =	sdelay $0x3  }
0x94: {  	_ =	strace s2  }
0x95: {  	s2 =	sld [smem:$0x3FFD];
	_ =	sdelay $0x3  }
0x96: {  	_ =	strace s2  }
0x97: {  	_ =	strace $0x8FFFFFFF  }
0x98: {  	s18 =	sld [smem:$0x3FDB];
	_ =	sdelay $0x1  }
0x99: {  	s19 =	simm.s32 $_scs_section_size  }
0x9a: {  	s4 =	simm.s32 $_size__tile_overlayer_lowered;
	s5 =	simm.s32 $_tile_overlayer_lowered  }
0x9b: {  	s22 =	simm.s32 $0x1BFF;
	s21 =	sshll.u32 s5, $0x1;
	s2 =	sadd.s32 s19, s18  }
0x9c: {  	s6 =	simm.s32 $0x0;
	s20 =	sshll.u32 s4, $0x1;
	s4 =	sadd.s32 s21, s2  }
0x9d: {  	[timem:s6], [sflag:s22] =	dma.local [hbm:s4], s20  }
0x9e: {  	_ =	swait.ge [sflag:s22], s20  }
0x9f: {  	s3 =	ssub.s32 $0x0, s20;
	[sflag:s22] =	ssyncset.done $0x0  }
0xa0: {  	[sflag:s22] =	ssyncadd.s32 s3;
	_ =	sdelay $0x1  }
0xa1: {  	s23 =	simm.s32 $0x1B8B  }
0xa2: {  	_ =	swait.ge [sflag:s23], $0x1  }
0xa3: {  	[sflag:s23] =	ssyncset.done $0x0  }
0xa4: {  	s25 =	simm.s32 $0x1B8E;
	s24 =	sld [smem:$0x3FFE];
	[sflag:s23] =	ssyncadd.s32 $0xFFFFFFFF  }
0xa5: {  	s26 =	simm.s32 $execute0_lowered;
	[smem:$0x3FD2] =	sst s25  }
0xa6: {  	s4 =	sshll.u32 s26, $0x1;
	_ =	strace $0x8000004F;
	[dreg:$0x1] =	wrdreg $0xFFFFFFFF  }
0xa7: {  	s28 =	simm.s32 $_size_execute0_lowered;
	s2 =	sadd.s32 s2, s4;
	[dreg:$0x0] =	wrdreg $0x0  }
0xa8: {  	s4 =	sshll.u32 s28, $0x1;
	[dreg:$0x2] =	wrdreg s2  }
0xa9: {  	[dreg:$0x3] =	wrdreg s4  }
0xaa: {  	[dreg:$0x4] =	wrdreg $0xC0  }
0xab: {  	_ =	task [dreg:s6], $0x5FFFF  }
0xac: {  	[dreg:$0x1] =	wrdreg $0xFFFFFFFF  }
0xad: {  	[dreg:$0x0] =	wrdreg $0x60  }
0xae: {  	[dreg:$0x2] =	wrdreg s24  }
0xaf: {  	[dreg:$0x3] =	wrdreg $0x60000  }
0xb0: {  	[dreg:$0x4] =	wrdreg $0x9  }
0xb1: {  	_ =	task.clear_ibuf [dreg:s6], $0x5FFFF;
	_ =	strace $0x9000004F  }
0xb2: {  	s29 =	simm.s32 $0x9;
	_ =	strace $0x80000051  }
0xb3: {  	_ =	swait.ge [sflag:s29], $0x1  }
0xb4: {  	[sflag:s29] =	ssyncadd.s32 $0xFFFFFFFF  }
0xb5: {  	_ =	strace $0x90000051  }
0xb6: {  	_ =	sfence  }
0xb7: {  	s30 =	sld [smem:$0x0];
	_ =	sdelay $0x2  }
0xb8: {  	s31 =	sshll.u32 s1, $0xD;
	s1 =	sshrl.u32 s1, $0x2  }
0xb9: {  	s3 =	sand.u32 $0x4000, s31;
	s1 =	sadd.s32 s1, s30  }
0xba: {  	s0 =	sor.u32 s3, s0;
	s1 =	sshll.u32 s1, $0x11  }
0xbb: {  	s0 =	sor.u32 s1, s0  }
0xbc: {  	s0 =	sadd.s32 $0x8F2B, s0  }
0xbd: {  	[sflag:s0] =	ssyncadd.remote.s32 $0x1  }
0xbe: {  	_ =	sfence.sel $0xFFFF  }
0xbf: {  	[dreg:$0x0] =	wrdreg $0xFFFFFFFF;
	(pc) =	sbr.abs _section_cstart, $3  }
0xc0: {  	[dreg:$0x1] =	wrdreg $0xFFFFFFFF  }
0xc1: {  	_ =	task.clear_ibuf [dreg:s6], $0x2FFFF;
	_ =	strace $0x9FFFFFFF  }
0xc2: {  	(tm) =	ssettm $0x7FFFFFFF  }
0xc3: {  	_ =	shalt  }
tec
execute0_lowered:
.L_overlay_start_1:
0x0: {  	(tag) =	ssettag $0x1  }
0x1: {  	s0 =	rddreg [dreg:$0x0]  }
0x2: {  	s1 =	rddreg [dreg:$0x1]  }
0x3: {  	s3 =	simm.s32 $0x0;
	s13 =	stileid.u32;
	s2 =	srdreg.scid  }
0x4: {  	s17 =	simm.s32 $0x3;
	s18 =	simm.s32 $0x800;
	s19 =	simm.s32 $0x50  }
0x5: {  	s20 =	simm.s32 $0x1000;
	s21 =	simm.s32 $0x3800;
	[smem:$0x7FF] =	sst s3  }
0x6: {  	s4 =	sadd.s32 $0x78000, s0;
	s5 =	sadd.s32 $0xA0000, s0;
	s7 =	sshll.u32 s13, $0xC  }
0x7: {  	s2 =	sand.u32 $0x1, s2;
	s11 =	smul.u32 $0x50000, s13;
	s22 =	sadd.s32 $0xC8000, s0  }
0x8: {  	s30 =	sshll.u32 s13, $0x6;
	_ =	strace $0x80000050;
	s9 =	sadd.s32 s7, s0  }
0x9: {  	s10 =	ssub.s32 $0x2, s2;
	[dreg:$0x3] =	wrdreg s22;
	s7 =	smul.u32 $0x2800, s13  }
0xa: {  	s0 =	sadd.s32 $0xF0000, s0;
	p0 =	seq.s32 s2, $0x1;
	[dreg:$0x6] =	wrdreg s30  }
0xb: {  	s15 =	sor.u32 $0x1C03, s30;
	s22 =	simm.s32 $0x1;
	s12 =	sshrl.u32 s10, $0x1  }
.Ltmp0:
0xc: {  	[dreg:$0x4] =	wrdreg s0;
	s25 =	sshrl.u32 s11, $0x2;
	(pc) =	sbr.rel .LBB2_1-.Ltmp0, $4  }
0xd: {  	s11 =	sadd.s32 $0x17400, s9;
	s23 =	ssub.s32 s10, s12;
	s28 =	sadd.s32 s4, s7  }
0xe: {  	s26 =	sadd.s32 s25, s1;
	s31 =	sadd.s32 s5, s7;
	[dreg:$0x5] =	wrdreg s28  }
0xf: {  	s10 =	sadd.s32 $0x7400, s9;
	s25 =	simm.s32 $0x2;
	[dreg:$0x7] =	wrdreg s31  }
0x10: {  	s14 =	smax.u32 s23, $0x1;
	s16 =	sshrl.u32 s26, $0x3;
	s26 =	simm.s32 $0x0  }
.LBB2_16:
0x11: {  	s26 =	sadd.s32 $0x1, s26  }
0x12: {  	p1 =	sne.s32 s26, s14  }
.Ltmp1:
0x13: {  	s0 =	sadd.s32 s0, s7;
	[bflag:$0x0] =	sbarrier.arrive $0xFFFF;
	(pc) =	sbr.rel @!p1 .LBB2_17-.Ltmp1, $4  }
0x14: {  	[hbm:s0], [sflag:s30] =	dma.local [spmem:s16], $0x2800  }
0x15: {  	_ =	swait.ge [sflag:s17], $0x2800  }
0x16: {  	[sflag:s17] =	ssyncset.done $0x0  }
0x17: {  	[sflag:s17] =	ssyncadd.s32 $0xFFFFD800  }
.LBB2_1:
.Ltmp2:
0x18: {  	(pc) =	sbr.rel @!p0 .LBB2_2-.Ltmp2, $1  }
0x19: {  	_ =	sdelay $0x3  }
0x1a: {  	s0 =	rddreg [dreg:$0x7]  }
0x1b: {  	[spmem:s16], [sflag:s15] =	dma.local [hbm:s0], $0x2800  }
0x1c: {  	_ =	swait.ge [sflag:s17], $0x2800  }
0x1d: {  	[sflag:s17] =	ssyncset.done $0x0  }
0x1e: {  	[sflag:s17] =	ssyncadd.s32 $0xFFFFD800  }
0x1f: {  	s30 =	simm.s32 $0x0;
	s0 =	simm.s32 $0xFA;
	[bflag:$0x0] =	sbarrier.arrive $0xFFFF  }
.LBB2_10:
0x20: {  	s2 =	sshll.u32 s30, $0x8  }
0x21: {  	s9 =	sadd.s32 s2, s11  }
0x22: {  	[tilespmem:s3], [sflag:$0x3] =	stream.linear.gather [hbm4b:s9+s3], $0x800, $0x38;
	[tilespmem:$0x1A000] =	vst v63  }
0x23: {  	_ =	swait.ge [sflag:s17], $0x800  }
0x24: {  	[sflag:s17] =	ssyncset.done $0x0  }
0x25: {  	s23 =	smin.u32 s0, $0x10;
	s2 =	sadd.s32 s2, s10;
	[sflag:s17] =	ssyncadd.s32 $0xFFFFF800  }
0x26: {  	[tilespmem:s18], [sflag:$0x3] =	stream.linear.gather [hbm4b:s2+s3], $0x800, $0x38;
	[tilespmem:$0x1A000] =	vst v63  }
0x27: {  	s2 =	sshrl.u32 s23, $0x1  }
0x28: {  	s2 =	sadd.s32 $0xFFFFFFFF, s2  }
0x29: {  	s13 =	sadd.s32 $0xFFFFFFFF, s2  }
0x2a: {  	p2 =	sne.s32 s13, $0x0  }
.Ltmp3:
0x2b: {  	s31 =	sshll.u32 s30, $0x4;
	(pc) =	sbr.rel @!p2 .LBB2_14-.Ltmp3, $4  }
0x2c: {  	s28 =	simm.s32 $0x100;
	p1 =	por $0x0, $0x0;
	_ =	swait.ge [sflag:s17], $0x800  }
0x2d: {  	s9 =	ssub.s32 $0xFA, s31;
	s23 =	simm.s32 $0x880;
	[sflag:s17] =	ssyncset.done $0x0  }
0x2e: {  	s2 =	smin.u32 s9, $0x10;
	s9 =	simm.s32 $0x2;
	[sflag:s17] =	ssyncadd.s32 $0xFFFFF800  }
0x2f: {  	[tilespmem:s20], [sflag:$0x1] =	stream.indirect.gather [hbm4b:s5+s19], $0x80, s3, s19, $0xb8;
	[tilespmem:$0x1A000] =	vst v63  }
0x30: {  	s9 =	simm.s32 $0x80  }
0x31: {  	[tilespmem:s21], [sflag:$0x2] =	stream.indirect.gather [hbm4b:s5+s19], $0x80, s9, s19, $0xb8;
	[tilespmem:$0x1A000] =	vst v63  }
0x32: {  	_ =	swait.ge [sflag:s22], $0x2800  }
0x33: {  	[sflag:s22] =	ssyncset.done $0x0  }
0x34: {  	s31 =	simm.s32 $0x800;
	[sflag:s22] =	ssyncadd.s32 $0xFFFFD800  }
0x35: {  	[spmem:s1] =	stream.indirect.scatter.add.f32 [tilespmem:s20], [sflag:$0x3], $0x80, s31, s19, $0xb8;
	[tilespmem:$0x1A000] =	vst v63  }
0x36: {  	_ =	swait.ge [sflag:s17], $0x2800  }
0x37: {  	p1 =	sle.u32 s2, $0x2;
	s13 =	sadd.s32 $0xFFFFFFFF, s13;
	[sflag:s17] =	ssyncset.done $0x0  }
0x38: {  	s9 =	simm.s32 @!p1 $0x50;
	s12 =	simm.s32 @!p1 $0x1000;
	[sflag:s17] =	ssyncadd.s32 $0xFFFFD800  }
0x39: {  	[tilespmem:s12], [sflag:$0x1] =	stream.indirect.gather @!p1 [hbm4b:s5+s9], $0x80, s28, s9, $0xb8;
	[tilespmem:$0x1A000] =	vst v63  }
0x3a: {  	p2 =	sne.s32 s13, $0x0;
	_ =	swait.ge [sflag:s25], $0x2800  }
.Ltmp4:
0x3b: {  	[sflag:s25] =	ssyncset.done $0x0;
	(pc) =	sbr.rel @!p2 .LBB2_14-.Ltmp4, $4  }
0x3c: {  	[sflag:s25] =	ssyncadd.s32 $0xFFFFD800  }
0x3d: {  	[spmem:s1] =	stream.indirect.scatter.add.f32 [tilespmem:s21], [sflag:$0x3], $0x80, s23, s19, $0xb8;
	[tilespmem:$0x1A000] =	vst v63  }
0x3e: {  	s28 =	simm.s32 $0x200;
	s9 =	simm.s32 $0x4;
	_ =	swait.ge [sflag:s17], $0x2800  }
0x3f: {  	p1 =	por $0x1, $0x1;
	s23 =	simm.s32 $0x980;
	[sflag:s17] =	ssyncset.done $0x0  }
.LBB2_12:
0x40: {  	s13 =	sadd.s32 $0xFFFFFFFF, s13;
	s12 =	sadd.s32 $0xFFFFFF80, s28;
	[sflag:s17] =	ssyncadd.s32 $0xFFFFD800  }
0x41: {  	[tilespmem:s21], [sflag:$0x2] =	stream.indirect.gather [hbm4b:s5+s19], $0x80, s12, s19, $0xb8;
	[tilespmem:$0x1A000] =	vst v63  }
0x42: {  	p2 =	sne.s32 s13, $0x0;
	_ =	swait.ge [sflag:s22], $0x2800  }
0x43: {  	[sflag:s22] =	ssyncset.done $0x0  }
0x44: {  	s12 =	sadd.s32 $0xFFFFFF80, s23;
	[sflag:s22] =	ssyncadd.s32 $0xFFFFD800  }
0x45: {  	[spmem:s1] =	stream.indirect.scatter.add.f32 [tilespmem:s20], [sflag:$0x3], $0x80, s12, s19, $0xb8;
	[tilespmem:$0x1A000] =	vst v63  }
0x46: {  	_ =	swait.ge [sflag:s17], $0x2800  }
0x47: {  	p3 =	sge.u32 s9, s2;
	[sflag:s17] =	ssyncset.done $0x0  }
0x48: {  	s24 =	simm.s32 @!p3 $0x1000;
	s12 =	simm.s32 @!p3 $0x50;
	[sflag:s17] =	ssyncadd.s32 $0xFFFFD800  }
0x49: {  	[tilespmem:s24], [sflag:$0x1] =	stream.indirect.gather @!p3 [hbm4b:s5+s12], $0x80, s28, s12, $0xb8;
	[tilespmem:$0x1A000] =	vst v63  }
0x4a: {  	_ =	swait.ge [sflag:s25], $0x2800  }
.Ltmp5:
0x4b: {  	[sflag:s25] =	ssyncset.done $0x0;
	(pc) =	sbr.rel @p2 .LBB2_12-.Ltmp5, $4  }
0x4c: {  	s29 =	sadd.s32 $0x100, s28;
	[sflag:s25] =	ssyncadd.s32 $0xFFFFD800  }
0x4d: {  	[spmem:s1] =	stream.indirect.scatter.add.f32 [tilespmem:s21], [sflag:$0x3], $0x80, s23, s19, $0xb8;
	[tilespmem:$0x1A000] =	vst v63  }
0x4e: {  	s9 =	sadd.s32 $0x2, s9;
	s24 =	sadd.s32 $0x100, s23;
	_ =	swait.ge [sflag:s17], $0x2800  }
0x4f: {  	s28 =	smov.u32 s29;
	s23 =	smov.u32 s24;
	[sflag:s17] =	ssyncset.done $0x0  }
0x50: {  	s28 =	smov.u32 s29;
	s23 =	smov.u32 s24  }
.LBB2_14:
0x51: {  	s12 =	sadd.s32 $0xFFFFFF80, s28;
	[sflag:s17] =	ssyncadd.s32 @p1 $0xFFFFD800  }
0x52: {  	[tilespmem:s21], [sflag:$0x2] =	stream.indirect.gather [hbm4b:s5+s19], $0x80, s12, s19, $0xb8;
	[tilespmem:$0x1A000] =	vst v63  }
0x53: {  	_ =	swait.ge [sflag:s22], $0x2800  }
0x54: {  	[sflag:s22] =	ssyncset.done $0x0  }
0x55: {  	s31 =	sadd.s32 $0xFFFFFF80, s23;
	[sflag:s22] =	ssyncadd.s32 $0xFFFFD800  }
0x56: {  	[spmem:s1] =	stream.indirect.scatter.add.f32 [tilespmem:s20], [sflag:$0x3], $0x80, s31, s19, $0xb8;
	[tilespmem:$0x1A000] =	vst v63  }
0x57: {  	_ =	swait.ge [sflag:s17], $0x2800  }
0x58: {  	p1 =	sge.u32 s9, s2;
	[sflag:s17] =	ssyncset.done $0x0  }
0x59: {  	s12 =	simm.s32 @!p1 $0x50;
	s13 =	simm.s32 @!p1 $0x1000;
	[sflag:s17] =	ssyncadd.s32 $0xFFFFD800  }
0x5a: {  	[tilespmem:s13], [sflag:$0x1] =	stream.indirect.gather @!p1 [hbm4b:s5+s12], $0x80, s28, s12, $0xb8;
	[tilespmem:$0x1A000] =	vst v63  }
0x5b: {  	_ =	swait.ge [sflag:s25], $0x2800  }
0x5c: {  	[sflag:s25] =	ssyncset.done $0x0  }
0x5d: {  	[sflag:s25] =	ssyncadd.s32 $0xFFFFD800  }
0x5e: {  	[spmem:s1] =	stream.indirect.scatter.add.f32 [tilespmem:s21], [sflag:$0x3], $0x80, s23, s19, $0xb8;
	[tilespmem:$0x1A000] =	vst v63  }
0x5f: {  	_ =	swait.ge [sflag:s17], $0x2800  }
0x60: {  	[sflag:s17] =	ssyncset.done $0x0  }
0x61: {  	s13 =	sadd.s32 $0x80, s29;
	[sflag:s17] =	ssyncadd.s32 $0xFFFFD800  }
0x62: {  	[tilespmem:s21], [sflag:$0x2] =	stream.indirect.gather [hbm4b:s5+s19], $0x80, s13, s19, $0xb8;
	[tilespmem:$0x1A000] =	vst v63  }
0x63: {  	_ =	swait.ge [sflag:s22], $0x2800  }
0x64: {  	[sflag:s22] =	ssyncset.done $0x0  }
0x65: {  	s31 =	sadd.s32 $0x80, s24;
	[sflag:s22] =	ssyncadd.s32 $0xFFFFD800  }
0x66: {  	[spmem:s1] =	stream.indirect.scatter.add.f32 [tilespmem:s20], [sflag:$0x3], $0x80, s31, s19, $0xb8;
	[tilespmem:$0x1A000] =	vst v63  }
0x67: {  	s13 =	sadd.s32 $0x2, s9;
	_ =	swait.ge [sflag:s17], $0x2800  }
0x68: {  	s12 =	sadd.s32 $0x100, s28;
	p1 =	sge.u32 s13, s2;
	[sflag:s17] =	ssyncset.done $0x0  }
0x69: {  	s2 =	simm.s32 @!p1 $0x50;
	s9 =	simm.s32 @!p1 $0x1000;
	[sflag:s17] =	ssyncadd.s32 $0xFFFFD800  }
0x6a: {  	[tilespmem:s9], [sflag:$0x1] =	stream.indirect.gather @!p1 [hbm4b:s5+s2], $0x80, s12, s2, $0xb8;
	[tilespmem:$0x1A000] =	vst v63  }
0x6b: {  	s30 =	sadd.s32 $0x1, s30;
	_ =	swait.ge [sflag:s25], $0x2800  }
0x6c: {  	p1 =	sne.s32 s30, $0x10;
	[sflag:s25] =	ssyncset.done $0x0  }
.Ltmp6:
0x6d: {  	s31 =	sadd.s32 $0x100, s23;
	[sflag:s25] =	ssyncadd.s32 $0xFFFFD800;
	(pc) =	sbr.rel @p1 .LBB2_10-.Ltmp6, $4  }
0x6e: {  	[spmem:s1] =	stream.indirect.scatter.add.f32 [tilespmem:s21], [sflag:$0x3], $0x80, s31, s19, $0xb8;
	[tilespmem:$0x1A000] =	vst v63  }
0x6f: {  	_ =	swait.ge [sflag:s17], $0x2800  }
0x70: {  	[sflag:s17] =	ssyncset.done $0x0  }
0x71: {  	s0 =	sadd.s32 $0xFFFFFFF0, s0;
	[sflag:s17] =	ssyncadd.s32 $0xFFFFD800  }
.Ltmp7:
0x72: {  	(pc) =	sbr.rel .LBB2_16-.Ltmp7, $2  }
0x73: {  	_ =	sdelay $0x2  }
0x74: {  	s0 =	rddreg [dreg:$0x4];
	s30 =	smov.u32 s15  }
.LBB2_2:
0x75: {  	s0 =	rddreg [dreg:$0x6]  }
0x76: {  	s28 =	rddreg [dreg:$0x5];
	s30 =	sor.u32 $0x1C03, s0  }
0x77: {  	[spmem:s16], [sflag:s30] =	dma.local [hbm:s28], $0x2800  }
0x78: {  	_ =	swait.ge [sflag:s17], $0x2800  }
0x79: {  	[sflag:s17] =	ssyncset.done $0x0  }
0x7a: {  	[sflag:s17] =	ssyncadd.s32 $0xFFFFD800  }
0x7b: {  	s31 =	simm.s32 $0x0;
	s0 =	simm.s32 $0xFA;
	[bflag:$0x0] =	sbarrier.arrive $0xFFFF  }
.LBB2_3:
0x7c: {  	s2 =	sshll.u32 s31, $0x8  }
0x7d: {  	s9 =	sadd.s32 s2, s10  }
0x7e: {  	[tilespmem:s3], [sflag:$0x3] =	stream.linear.gather [hbm4b:s9+s3], $0x800, $0x38;
	[tilespmem:$0x1A000] =	vst v63  }
0x7f: {  	_ =	swait.ge [sflag:s17], $0x800  }
0x80: {  	[sflag:s17] =	ssyncset.done $0x0  }
0x81: {  	s13 =	smin.u32 s0, $0x10;
	s2 =	sadd.s32 s2, s11;
	[sflag:s17] =	ssyncadd.s32 $0xFFFFF800  }
0x82: {  	[tilespmem:s18], [sflag:$0x3] =	stream.linear.gather [hbm4b:s2+s3], $0x800, $0x38;
	[tilespmem:$0x1A000] =	vst v63  }
0x83: {  	s2 =	sshrl.u32 s13, $0x1  }
0x84: {  	s2 =	sadd.s32 $0xFFFFFFFF, s2  }
0x85: {  	s13 =	sadd.s32 $0xFFFFFFFF, s2  }
0x86: {  	p2 =	sne.s32 s13, $0x0  }
.Ltmp8:
0x87: {  	s23 =	sshll.u32 s31, $0x4;
	(pc) =	sbr.rel @!p2 .LBB2_7-.Ltmp8, $4  }
0x88: {  	s28 =	simm.s32 $0x100;
	p1 =	por $0x0, $0x0;
	_ =	swait.ge [sflag:s17], $0x800  }
0x89: {  	s9 =	ssub.s32 $0xFA, s23;
	s23 =	simm.s32 $0x880;
	[sflag:s17] =	ssyncset.done $0x0  }
0x8a: {  	s2 =	smin.u32 s9, $0x10;
	s9 =	simm.s32 $0x2;
	[sflag:s17] =	ssyncadd.s32 $0xFFFFF800  }
0x8b: {  	[tilespmem:s20], [sflag:$0x1] =	stream.indirect.gather [hbm4b:s4+s19], $0x80, s3, s19, $0xb8;
	[tilespmem:$0x1A000] =	vst v63  }
0x8c: {  	s9 =	simm.s32 $0x80  }
0x8d: {  	[tilespmem:s21], [sflag:$0x2] =	stream.indirect.gather [hbm4b:s4+s19], $0x80, s9, s19, $0xb8;
	[tilespmem:$0x1A000] =	vst v63  }
0x8e: {  	_ =	swait.ge [sflag:s22], $0x2800  }
0x8f: {  	[sflag:s22] =	ssyncset.done $0x0  }
0x90: {  	s12 =	simm.s32 $0x800;
	[sflag:s22] =	ssyncadd.s32 $0xFFFFD800  }
0x91: {  	[spmem:s1] =	stream.indirect.scatter.add.f32 [tilespmem:s20], [sflag:$0x3], $0x80, s12, s19, $0xb8;
	[tilespmem:$0x1A000] =	vst v63  }
0x92: {  	_ =	swait.ge [sflag:s17], $0x2800  }
0x93: {  	p1 =	sle.u32 s2, $0x2;
	s13 =	sadd.s32 $0xFFFFFFFF, s13;
	[sflag:s17] =	ssyncset.done $0x0  }
0x94: {  	s9 =	simm.s32 @!p1 $0x50;
	s12 =	simm.s32 @!p1 $0x1000;
	[sflag:s17] =	ssyncadd.s32 $0xFFFFD800  }
0x95: {  	[tilespmem:s12], [sflag:$0x1] =	stream.indirect.gather @!p1 [hbm4b:s4+s9], $0x80, s28, s9, $0xb8;
	[tilespmem:$0x1A000] =	vst v63  }
0x96: {  	p2 =	sne.s32 s13, $0x0;
	_ =	swait.ge [sflag:s25], $0x2800  }
.Ltmp9:
0x97: {  	[sflag:s25] =	ssyncset.done $0x0;
	(pc) =	sbr.rel @!p2 .LBB2_7-.Ltmp9, $4  }
0x98: {  	[sflag:s25] =	ssyncadd.s32 $0xFFFFD800  }
0x99: {  	[spmem:s1] =	stream.indirect.scatter.add.f32 [tilespmem:s21], [sflag:$0x3], $0x80, s23, s19, $0xb8;
	[tilespmem:$0x1A000] =	vst v63  }
0x9a: {  	s28 =	simm.s32 $0x200;
	s9 =	simm.s32 $0x4;
	_ =	swait.ge [sflag:s17], $0x2800  }
0x9b: {  	p1 =	por $0x1, $0x1;
	s23 =	simm.s32 $0x980;
	[sflag:s17] =	ssyncset.done $0x0  }
.LBB2_5:
0x9c: {  	s13 =	sadd.s32 $0xFFFFFFFF, s13;
	s6 =	sadd.s32 $0xFFFFFF80, s28;
	[sflag:s17] =	ssyncadd.s32 $0xFFFFD800  }
0x9d: {  	[tilespmem:s21], [sflag:$0x2] =	stream.indirect.gather [hbm4b:s4+s19], $0x80, s6, s19, $0xb8;
	[tilespmem:$0x1A000] =	vst v63  }
0x9e: {  	p2 =	sne.s32 s13, $0x0;
	_ =	swait.ge [sflag:s22], $0x2800  }
0x9f: {  	[sflag:s22] =	ssyncset.done $0x0  }
0xa0: {  	s6 =	sadd.s32 $0xFFFFFF80, s23;
	[sflag:s22] =	ssyncadd.s32 $0xFFFFD800  }
0xa1: {  	[spmem:s1] =	stream.indirect.scatter.add.f32 [tilespmem:s20], [sflag:$0x3], $0x80, s6, s19, $0xb8;
	[tilespmem:$0x1A000] =	vst v63  }
0xa2: {  	_ =	swait.ge [sflag:s17], $0x2800  }
0xa3: {  	p3 =	sge.u32 s9, s2;
	[sflag:s17] =	ssyncset.done $0x0  }
0xa4: {  	s8 =	simm.s32 @!p3 $0x1000;
	s6 =	simm.s32 @!p3 $0x50;
	[sflag:s17] =	ssyncadd.s32 $0xFFFFD800  }
0xa5: {  	[tilespmem:s8], [sflag:$0x1] =	stream.indirect.gather @!p3 [hbm4b:s4+s6], $0x80, s28, s6, $0xb8;
	[tilespmem:$0x1A000] =	vst v63  }
0xa6: {  	_ =	swait.ge [sflag:s25], $0x2800  }
.Ltmp10:
0xa7: {  	[sflag:s25] =	ssyncset.done $0x0;
	(pc) =	sbr.rel @p2 .LBB2_5-.Ltmp10, $4  }
0xa8: {  	s9 =	sadd.s32 $0x2, s9;
	[sflag:s25] =	ssyncadd.s32 $0xFFFFD800  }
0xa9: {  	[spmem:s1] =	stream.indirect.scatter.add.f32 [tilespmem:s21], [sflag:$0x3], $0x80, s23, s19, $0xb8;
	[tilespmem:$0x1A000] =	vst v63  }
0xaa: {  	s6 =	sadd.s32 $0x100, s23;
	s8 =	sadd.s32 $0x100, s28;
	_ =	swait.ge [sflag:s17], $0x2800  }
0xab: {  	s28 =	smov.u32 s8;
	s23 =	smov.u32 s6;
	[sflag:s17] =	ssyncset.done $0x0  }
0xac: {  	s28 =	smov.u32 s8;
	s23 =	smov.u32 s6  }
.LBB2_7:
0xad: {  	s12 =	sadd.s32 $0xFFFFFF80, s28;
	[sflag:s17] =	ssyncadd.s32 @p1 $0xFFFFD800  }
0xae: {  	[tilespmem:s21], [sflag:$0x2] =	stream.indirect.gather [hbm4b:s4+s19], $0x80, s12, s19, $0xb8;
	[tilespmem:$0x1A000] =	vst v63  }
0xaf: {  	_ =	swait.ge [sflag:s22], $0x2800  }
0xb0: {  	[sflag:s22] =	ssyncset.done $0x0  }
0xb1: {  	s13 =	sadd.s32 $0xFFFFFF80, s23;
	[sflag:s22] =	ssyncadd.s32 $0xFFFFD800  }
0xb2: {  	[spmem:s1] =	stream.indirect.scatter.add.f32 [tilespmem:s20], [sflag:$0x3], $0x80, s13, s19, $0xb8;
	[tilespmem:$0x1A000] =	vst v63  }
0xb3: {  	_ =	swait.ge [sflag:s17], $0x2800  }
0xb4: {  	p1 =	sge.u32 s9, s2;
	[sflag:s17] =	ssyncset.done $0x0  }
0xb5: {  	s12 =	simm.s32 @!p1 $0x50;
	s13 =	simm.s32 @!p1 $0x1000;
	[sflag:s17] =	ssyncadd.s32 $0xFFFFD800  }
0xb6: {  	[tilespmem:s13], [sflag:$0x1] =	stream.indirect.gather @!p1 [hbm4b:s4+s12], $0x80, s28, s12, $0xb8;
	[tilespmem:$0x1A000] =	vst v63  }
0xb7: {  	_ =	swait.ge [sflag:s25], $0x2800  }
0xb8: {  	[sflag:s25] =	ssyncset.done $0x0  }
0xb9: {  	[sflag:s25] =	ssyncadd.s32 $0xFFFFD800  }
0xba: {  	[spmem:s1] =	stream.indirect.scatter.add.f32 [tilespmem:s21], [sflag:$0x3], $0x80, s23, s19, $0xb8;
	[tilespmem:$0x1A000] =	vst v63  }
0xbb: {  	_ =	swait.ge [sflag:s17], $0x2800  }
0xbc: {  	[sflag:s17] =	ssyncset.done $0x0  }
0xbd: {  	s13 =	sadd.s32 $0x80, s8;
	[sflag:s17] =	ssyncadd.s32 $0xFFFFD800  }
0xbe: {  	[tilespmem:s21], [sflag:$0x2] =	stream.indirect.gather [hbm4b:s4+s19], $0x80, s13, s19, $0xb8;
	[tilespmem:$0x1A000] =	vst v63  }
0xbf: {  	_ =	swait.ge [sflag:s22], $0x2800  }
0xc0: {  	[sflag:s22] =	ssyncset.done $0x0  }
0xc1: {  	s13 =	sadd.s32 $0x80, s6;
	[sflag:s22] =	ssyncadd.s32 $0xFFFFD800  }
0xc2: {  	[spmem:s1] =	stream.indirect.scatter.add.f32 [tilespmem:s20], [sflag:$0x3], $0x80, s13, s19, $0xb8;
	[tilespmem:$0x1A000] =	vst v63  }
0xc3: {  	s13 =	sadd.s32 $0x2, s9;
	_ =	swait.ge [sflag:s17], $0x2800  }
0xc4: {  	s12 =	sadd.s32 $0x100, s28;
	p1 =	sge.u32 s13, s2;
	[sflag:s17] =	ssyncset.done $0x0  }
0xc5: {  	s2 =	simm.s32 @!p1 $0x50;
	s9 =	simm.s32 @!p1 $0x1000;
	[sflag:s17] =	ssyncadd.s32 $0xFFFFD800  }
0xc6: {  	[tilespmem:s9], [sflag:$0x1] =	stream.indirect.gather @!p1 [hbm4b:s4+s2], $0x80, s12, s2, $0xb8;
	[tilespmem:$0x1A000] =	vst v63  }
0xc7: {  	s31 =	sadd.s32 $0x1, s31;
	_ =	swait.ge [sflag:s25], $0x2800  }
0xc8: {  	p1 =	seq.s32 s31, $0x10;
	[sflag:s25] =	ssyncset.done $0x0  }
.Ltmp11:
0xc9: {  	s28 =	sadd.s32 $0x100, s23;
	[sflag:s25] =	ssyncadd.s32 $0xFFFFD800;
	(pc) =	sbr.rel @!p1 .LBB2_3-.Ltmp11, $4  }
0xca: {  	[spmem:s1] =	stream.indirect.scatter.add.f32 [tilespmem:s21], [sflag:$0x3], $0x80, s28, s19, $0xb8;
	[tilespmem:$0x1A000] =	vst v63  }
0xcb: {  	_ =	swait.ge [sflag:s17], $0x2800  }
0xcc: {  	[sflag:s17] =	ssyncset.done $0x0  }
0xcd: {  	s0 =	sadd.s32 $0xFFFFFFF0, s0;
	[sflag:s17] =	ssyncadd.s32 $0xFFFFD800  }
.Ltmp12:
0xce: {  	(pc) =	sbr.rel .LBB2_16-.Ltmp12, $2  }
0xcf: {  	_ =	sdelay $0x2  }
0xd0: {  	s0 =	rddreg [dreg:$0x3]  }
.LBB2_17:
0xd1: {  	_ =	sfence.sel $0x180000  }
0xd2: {  	[bflag:$0x0] =	sbarrier.arrive $0xFFFF  }
0xd3: {  	_ =	strace $0x90000050  }
0xd4: {  	s0 =	stileid.u32;
	[bflag:$0x2] =	sbarrier.arrive $0xFFFF  }
0xd5: {  	p0 =	sne.s32 s0, $0x0;
	s0 =	rddreg [dreg:$0x2]  }
0xd6: {  	s0 =	sadd.s32 @!p0 $0x100000, s0  }
0xd7: {  	[sflag:s0] =	ssyncadd.tile.s32 @!p0 $0x1;
	_ =	shalt  }
.Lfunc_end2:
_tile_overlayer_lowered:
.L_overlay_start_2:
0xd8: {  	(tag) =	ssettag $0x2  }
0xd9: {  	s0 =	rddreg [dreg:$0x0];
	s2 =	stileid.u32  }
0xda: {  	s1 =	rddreg [dreg:$0x1];
	p0 =	sne.s32 s2, $0x0  }
0xdb: {  	s3 =	rddreg [dreg:$0x2];
	[bflag:$0x3] =	sbarrier.arrive $0xFFFF;
	s2 =	simm.s32 @!p0 $0x1C03  }
0xdc: {  	[timem:s3], [sflag:s2] =	dma.local @!p0 [hbm:s0], s1  }
0xdd: {  	s0 =	simm.s32 @!p0 $0x3  }
0xde: {  	_ =	swait.ge @!p0 [sflag:s0], s1  }
0xdf: {  	s1 =	ssub.s32 @!p0 $0x0, s1;
	[sflag:s0] =	ssyncset.done @!p0 $0x0  }
0xe0: {  	[sflag:s0] =	ssyncadd.s32 @!p0 s1  }
0xe1: {  	[bflag:$0x3] =	sbarrier.arrive $0xFFFF  }
0xe2: {  	_ =	shalt  }

</sc_bundles>
